<compile_context>
chip_gen: v7x
topology: tpu7x:2x2x1
jax: 0.10.2.dev20260603
libtpu: 0.0.44.dev20260713+nightly
codegen_flags: <defaults>
</compile_context>

<pallas_src>
import functools

import jax
import jax.numpy as jnp
from jax import lax
from jax.experimental import pallas as pl
from jax.experimental.pallas import tpu as pltpu
from jax.experimental.pallas import tpu_sc as plsc

N = 10000
E = 320000
F_IN = 128
D = 64
G = 16

NC = 2
NS = 16
NW = NC * NS
SUB = 632
NP = NS * SUB
CW = 128
KCH = 80
NBUF = 2
KTOT = KCH + NBUF
EPW = KCH * CW
EP = NW * EPW


def _sc_degrees_body(srcb, dstb, ones16, z16, out, idx_s, idx_d, ones_v,
                     dsrc_sh, ddst_sh):
    c = lax.axis_index("c")
    s = lax.axis_index("s")
    w = c * NS + s
    pltpu.sync_copy(z16, dsrc_sh.at[pl.ds(s * SUB, SUB)])
    pltpu.sync_copy(z16, ddst_sh.at[pl.ds(s * SUB, SUB)])
    pltpu.sync_copy(ones16, ones_v)
    pltpu.sync_copy(srcb.at[w], idx_s)
    pltpu.sync_copy(dstb.at[w], idx_d)
    plsc.subcore_barrier()

    def body(j, carry):
        pltpu.sync_copy(ones_v, dsrc_sh.at[idx_s.at[j]], add=True)
        pltpu.sync_copy(ones_v, ddst_sh.at[idx_d.at[j]], add=True)
        return carry

    lax.fori_loop(0, KTOT, body, 0)
    plsc.subcore_barrier()
    pltpu.sync_copy(dsrc_sh.at[pl.ds(s * SUB, SUB)], out.at[c, 0, pl.ds(s * SUB, SUB)])
    pltpu.sync_copy(ddst_sh.at[pl.ds(s * SUB, SUB)], out.at[c, 1, pl.ds(s * SUB, SUB)])


def _sc_scatter_body(tbl, srcb, dstb, z64, out, idx_s, idx_d, rows0, rows1,
                     agg_sh, sem0, sem1):
    c = lax.axis_index("c")
    s = lax.axis_index("s")
    w = c * NS + s
    pltpu.sync_copy(z64, agg_sh.at[pl.ds(s * SUB, SUB)])
    pltpu.sync_copy(srcb.at[w], idx_s)
    pltpu.sync_copy(dstb.at[w], idx_d)
    plsc.subcore_barrier()

    rows = (rows0, rows1)
    sems = (sem0, sem1)
    for b in range(NBUF):
        pltpu.async_copy(tbl.at[idx_s.at[b]], rows[b], sems[b])

    def body(g, carry):
        j0 = g * NBUF
        for b in range(NBUF):
            j = j0 + b
            pltpu.make_async_copy(tbl.at[pl.ds(0, CW)], rows[b], sems[b]).wait()
            pltpu.sync_copy(rows[b], agg_sh.at[idx_d.at[j]], add=True)
            pltpu.async_copy(tbl.at[idx_s.at[j + NBUF]], rows[b], sems[b])
        return carry

    lax.fori_loop(0, KCH // NBUF, body, 0)
    for b in range(NBUF):
        pltpu.make_async_copy(tbl.at[pl.ds(0, CW)], rows[b], sems[b]).wait()
    plsc.subcore_barrier()
    pltpu.sync_copy(agg_sh.at[pl.ds(s * SUB, SUB)], out.at[c, pl.ds(s * SUB, SUB)])


@functools.lru_cache(maxsize=None)
def _sc_kernels():
    mesh = plsc.VectorSubcoreMesh(
        core_axis_name="c", subcore_axis_name="s", num_cores=NC, num_subcores=NS
    )
    params = pltpu.CompilerParams(use_tc_tiling_on_sc=False)
    sc_degrees = pl.kernel(
        _sc_degrees_body,
        out_type=jax.ShapeDtypeStruct((NC, 2, NP, 16), jnp.float32),
        mesh=mesh,
        compiler_params=params,
        scratch_types=[
            pltpu.VMEM((KTOT, CW), jnp.int32),
            pltpu.VMEM((KTOT, CW), jnp.int32),
            pltpu.VMEM((CW, 16), jnp.float32),
            pltpu.VMEM_SHARED((NP, 16), jnp.float32),
            pltpu.VMEM_SHARED((NP, 16), jnp.float32),
        ],
    )
    sc_scatter = pl.kernel(
        _sc_scatter_body,
        out_type=jax.ShapeDtypeStruct((NC, NP, D), jnp.float32),
        mesh=mesh,
        compiler_params=params,
        scratch_types=[
            pltpu.VMEM((KTOT, CW), jnp.int32),
            pltpu.VMEM((KTOT, CW), jnp.int32),
            pltpu.VMEM((CW, D), jnp.float32),
            pltpu.VMEM((CW, D), jnp.float32),
            pltpu.VMEM_SHARED((NP, D), jnp.float32),
            pltpu.SemaphoreType.DMA,
            pltpu.SemaphoreType.DMA,
        ],
    )
    return sc_degrees, sc_scatter



def _expm1(x):
    u = jnp.exp(x)
    um1 = u - 1.0
    r = um1 * x / jnp.log(u)
    return jnp.where(u == 1.0, x, jnp.where(um1 == -1.0, -1.0, r))


def _elu(v):
    return jnp.where(v > 0.0, v, _expm1(jnp.minimum(v, 0.0)))


_PREC = lax.Precision.DEFAULT


def _dot(a, b):
    return jnp.dot(a, b, preferred_element_type=jnp.float32, precision=_PREC)


def _tc_pre_body(degp_ref, x_ref, w0_ref, tbl_ref, ds_ref, dd_ref):
    deg = degp_ref[0] + degp_ref[1]
    ds = 1.0 / jnp.sqrt(jnp.maximum(deg[0, :, 0], 1.0))
    dd = 1.0 / jnp.sqrt(jnp.maximum(deg[1, :, 0], 1.0))
    ds_ref[...] = ds[:, None]
    dd_ref[...] = dd[:, None]
    h = _dot(x_ref[...], w0_ref[...])
    tbl_ref[...] = h * ds[:, None]


_TPB = NP // 8

_tc_pre = pl.pallas_call(
    _tc_pre_body,
    grid=(8,),
    in_specs=[
        pl.BlockSpec((NC, 2, _TPB, 16), lambda i: (0, 0, i, 0)),
        pl.BlockSpec((_TPB, F_IN), lambda i: (i, 0)),
        pl.BlockSpec((F_IN, D), lambda i: (0, 0)),
    ],
    out_specs=(
        pl.BlockSpec((_TPB, D), lambda i: (i, 0)),
        pl.BlockSpec((_TPB, 1), lambda i: (i, 0)),
        pl.BlockSpec((_TPB, 1), lambda i: (i, 0)),
    ),
    out_shape=(
        jax.ShapeDtypeStruct((NP, D), jnp.float32),
        jax.ShapeDtypeStruct((NP, 1), jnp.float32),
        jax.ShapeDtypeStruct((NP, 1), jnp.float32),
    ),
)


def _tc_post_body(first, aggp_ref, dd_ref, b_ref, ds_ref, wn_ref, jk_in_ref,
                  jk_ref, tbl_ref):
    agg = aggp_ref[0] + aggp_ref[1]
    h = _elu(agg * dd_ref[...] + b_ref[...])
    if first:
        jk = h
    else:
        jk = jnp.maximum(jk_in_ref[...], h)
    jk_ref[...] = jk
    hw = _dot(h, wn_ref[...])
    tbl_ref[...] = hw * ds_ref[...]


_post_in_specs = [
    pl.BlockSpec((NC, _TPB, D), lambda i: (0, i, 0)),
    pl.BlockSpec((_TPB, 1), lambda i: (i, 0)),
    pl.BlockSpec((1, D), lambda i: (0, 0)),
    pl.BlockSpec((_TPB, 1), lambda i: (i, 0)),
    pl.BlockSpec((D, D), lambda i: (0, 0)),
]
_post_out_specs = (
    pl.BlockSpec((_TPB, D), lambda i: (i, 0)),
    pl.BlockSpec((_TPB, D), lambda i: (i, 0)),
)
_post_out_shape = (
    jax.ShapeDtypeStruct((NP, D), jnp.float32),
    jax.ShapeDtypeStruct((NP, D), jnp.float32),
)

_tc_post_first = pl.pallas_call(
    lambda aggp, dd, b, ds, wn, jk, tbl: _tc_post_body(
        True, aggp, dd, b, ds, wn, None, jk, tbl),
    grid=(8,),
    in_specs=_post_in_specs,
    out_specs=_post_out_specs,
    out_shape=_post_out_shape,
)

_tc_post_mid = pl.pallas_call(
    lambda aggp, dd, b, ds, wn, jk_in, jk, tbl: _tc_post_body(
        False, aggp, dd, b, ds, wn, jk_in, jk, tbl),
    grid=(8,),
    in_specs=_post_in_specs + [pl.BlockSpec((_TPB, D), lambda i: (i, 0))],
    out_specs=_post_out_specs,
    out_shape=_post_out_shape,
)


def _tc_gate_body(aggp_ref, dd_ref, b_ref, jk_in_ref, gw1_ref, gb1_ref,
                  gw2_ref, gb2_ref, jk_ref, gate_ref):
    agg = aggp_ref[0] + aggp_ref[1]
    h = _elu(agg * dd_ref[...] + b_ref[...])
    jk = jnp.maximum(jk_in_ref[...], h)
    jk_ref[...] = jk
    g1 = jnp.maximum(_dot(jk, gw1_ref[...]) + gb1_ref[...], 0.0)
    gate_ref[...] = _dot(g1, gw2_ref[...]) + gb2_ref[...]


_tc_gate = pl.pallas_call(
    _tc_gate_body,
    grid=(8,),
    in_specs=[
        pl.BlockSpec((NC, _TPB, D), lambda i: (0, i, 0)),
        pl.BlockSpec((_TPB, 1), lambda i: (i, 0)),
        pl.BlockSpec((1, D), lambda i: (0, 0)),
        pl.BlockSpec((_TPB, D), lambda i: (i, 0)),
        pl.BlockSpec((D, D), lambda i: (0, 0)),
        pl.BlockSpec((1, D), lambda i: (0, 0)),
        pl.BlockSpec((D, 1), lambda i: (0, 0)),
        pl.BlockSpec((1, 1), lambda i: (0, 0)),
    ],
    out_specs=(
        pl.BlockSpec((_TPB, D), lambda i: (i, 0)),
        pl.BlockSpec((_TPB, 1), lambda i: (i, 0)),
    ),
    out_shape=(
        jax.ShapeDtypeStruct((NP, D), jnp.float32),
        jax.ShapeDtypeStruct((NP, 1), jnp.float32),
    ),
)


def _tc_pool_body(jk_ref, gate_ref, batch_ref,
                  mw0_ref, mb0_ref, mw1_ref, mb1_ref,
                  mw2_ref, mb2_ref, mw3_ref, mb3_ref, out_ref):
    jk = jk_ref[...]
    gate = gate_ref[...]
    batch = batch_ref[...]
    gids = lax.broadcasted_iota(jnp.int32, (NP, G), 1)
    ohb = batch == gids
    oh = ohb.astype(jnp.float32)

    gmax = jnp.max(jnp.where(ohb, gate, -1e30), axis=0)
    gmaxb = jnp.dot(oh, gmax[:, None], preferred_element_type=jnp.float32)
    valid = (batch < G).astype(jnp.float32)
    ex = jnp.exp(gate - gmaxb) * valid
    gsum = lax.dot_general(oh, ex, (((0,), (0,)), ((), ())),
                           preferred_element_type=jnp.float32)
    gsumb = jnp.dot(oh, gsum, preferred_element_type=jnp.float32)
    att = ex / (gsumb + 1e-16)
    pooled = lax.dot_general(oh, jk * att, (((0,), (0,)), ((), ())),
                             preferred_element_type=jnp.float32)

    m = _elu(_dot(pooled, mw0_ref[...]) + mb0_ref[...])
    m = _elu(_dot(m, mw1_ref[...]) + mb1_ref[...])
    m = _elu(_dot(m, mw2_ref[...]) + mb2_ref[...])
    out_ref[...] = _dot(m, mw3_ref[...]) + mb3_ref[...]


_tc_pool = pl.pallas_call(
    _tc_pool_body,
    out_shape=jax.ShapeDtypeStruct((G, 1), jnp.float32),
)



def kernel(x, edge_index, batch, W0, b0, convW, convb, gW1, gb1, gW2, gb2,
           mW0, mb0, mW1, mb1, mW2, mb2, mW3, mb3):
    src = edge_index[0]
    dst = edge_index[1]
    pad_e = jnp.full((EP - E,), N, jnp.int32)
    pad_tail = jnp.full((NW, NBUF, CW), N, jnp.int32)
    src_b = jnp.concatenate(
        [jnp.concatenate([src, pad_e]).reshape(NW, KCH, CW), pad_tail], axis=1)
    dst_b = jnp.concatenate(
        [jnp.concatenate([dst, pad_e]).reshape(NW, KCH, CW), pad_tail], axis=1)
    x_p = jnp.zeros((NP, F_IN), jnp.float32).at[:N].set(x)
    batch_p = jnp.full((NP, 1), G, jnp.int32).at[:N, 0].set(batch)

    ones16 = jnp.ones((CW, 16), jnp.float32)
    z16 = jnp.zeros((SUB, 16), jnp.float32)
    z64 = jnp.zeros((SUB, D), jnp.float32)

    sc_degrees, sc_scatter = _sc_kernels()
    degp = sc_degrees(src_b, dst_b, ones16, z16)
    tbl, ds, dd = _tc_pre(degp, x_p, W0)

    jk = None
    out = None
    for i in range(6):
        aggp = sc_scatter(tbl, src_b, dst_b, z64)
        if i == 0:
            jk, tbl = _tc_post_first(aggp, dd, b0.reshape(1, D), ds, convW[0])
        elif i < 5:
            jk, tbl = _tc_post_mid(aggp, dd, convb[i - 1].reshape(1, D), ds,
                                   convW[i], jk)
        else:
            jk, gate = _tc_gate(aggp, dd, convb[4].reshape(1, D), jk,
                                gW1, gb1.reshape(1, D), gW2, gb2.reshape(1, 1))
            out = _tc_pool(jk, gate, batch_p,
                           mW0, mb0.reshape(1, 32), mW1, mb1.reshape(1, 16),
                           mW2, mb2.reshape(1, 8), mW3, mb3.reshape(1, 1))
    return out

# --- scband reference (transcript-rebuilt; emitter-appended) ---
"""Pipeline reference for scband-net-86182813762480 (READ-ONLY COPY).

The authoritative reference and input builder live on the scoring server;
editing this copy changes nothing except your own understanding.
"""

import jax, jax.numpy as jnp
import numpy as np

N = 10000
E = 320000
F_IN = 128
D = 64
G = 16
N_EXTRA_CONVS = 5


def setup_inputs(seed: int = 0) -> dict:
    key = jax.random.key(seed)
    ks = jax.random.split(key, 24)
    inp = {}
    inp["x"] = jax.random.normal(ks[0], (N, F_IN), dtype=jnp.float32)
    inp["edge_index"] = jax.random.randint(ks[1], (2, E), 0, N, dtype=jnp.int32)
    inp["batch"] = jnp.sort(jax.random.randint(ks[2], (N,), 0, G, dtype=jnp.int32))
    s0 = 1.0 / np.sqrt(F_IN)
    sD = 1.0 / np.sqrt(D)
    inp["W0"] = jax.random.uniform(ks[3], (F_IN, D), jnp.float32, -s0, s0)
    inp["b0"] = jnp.zeros((D,), jnp.float32)
    inp["convW"] = jax.random.uniform(ks[4], (N_EXTRA_CONVS, D, D), jnp.float32, -sD, sD)
    inp["convb"] = jnp.zeros((N_EXTRA_CONVS, D), jnp.float32)
    inp["gW1"] = jax.random.uniform(ks[5], (D, D), jnp.float32, -sD, sD)
    inp["gb1"] = jnp.zeros((D,), jnp.float32)
    inp["gW2"] = jax.random.uniform(ks[6], (D, 1), jnp.float32, -sD, sD)
    inp["gb2"] = jnp.zeros((1,), jnp.float32)
    inp["mW0"] = jax.random.uniform(ks[7], (D, 32), jnp.float32, -sD, sD)
    inp["mb0"] = jnp.zeros((32,), jnp.float32)
    inp["mW1"] = jax.random.uniform(ks[8], (32, 16), jnp.float32, -1/np.sqrt(32), 1/np.sqrt(32))
    inp["mb1"] = jnp.zeros((16,), jnp.float32)
    inp["mW2"] = jax.random.uniform(ks[9], (16, 8), jnp.float32, -1/np.sqrt(16), 1/np.sqrt(16))
    inp["mb2"] = jnp.zeros((8,), jnp.float32)
    inp["mW3"] = jax.random.uniform(ks[10], (8, 1), jnp.float32, -1/np.sqrt(8), 1/np.sqrt(8))
    inp["mb3"] = jnp.zeros((1,), jnp.float32)
    return inp


def _gcn(h, W, b, src, dst, norm):
    h = h @ W
    msg = h[src] * norm[:, None]
    agg = jax.ops.segment_sum(msg, dst, num_segments=N)
    return agg + b


def reference(x, edge_index, batch, W0, b0, convW, convb, gW1, gb1, gW2, gb2,
              mW0, mb0, mW1, mb1, mW2, mb2, mW3, mb3):
    src = edge_index[0]
    dst = edge_index[1]
    ones = jnp.ones((E,), jnp.float32)
    deg_dst = jnp.maximum(jax.ops.segment_sum(ones, dst, num_segments=N), 1.0)
    deg_src = jnp.maximum(jax.ops.segment_sum(ones, src, num_segments=N), 1.0)
    norm = 1.0 / jnp.sqrt(deg_src[src] * deg_dst[dst])
    outs = []
    h = jax.nn.elu(_gcn(x, W0, b0, src, dst, norm))
    outs.append(h)
    for i in range(N_EXTRA_CONVS):
        h = jax.nn.elu(_gcn(h, convW[i], convb[i], src, dst, norm))
        outs.append(h)
    # JumpingKnowledge 'max'
    jk = jnp.max(jnp.stack(outs, axis=0), axis=0)
    # MyGlobalAttention: gate_nn = Linear(D,D)->ReLU->Linear(D,1), segment softmax over each graph
    gate = (jax.nn.relu(jk @ gW1 + gb1) @ gW2 + gb2)[:, 0]
    gmax = jax.ops.segment_max(gate, batch, num_segments=G)
    e = jnp.exp(gate - gmax[batch])
    gsum = jax.ops.segment_sum(e, batch, num_segments=G)
    att = e / (gsum[batch] + 1e-16)
    pooled = jax.ops.segment_sum(jk * att[:, None], batch, num_segments=G)
    # regression MLP head (hidden [D//2, D//4, D//8])
    h = jax.nn.elu(pooled @ mW0 + mb0)
    h = jax.nn.elu(h @ mW1 + mb1)
    h = jax.nn.elu(h @ mW2 + mb2)
    out = h @ mW3 + mb3
    return out

if __name__ == "__main__":
    import jax
    _d = setup_inputs()
    print(jax.jit(kernel)(*tuple(_d.values())))

</pallas_src>

<mosaic_0001>
#map = affine_map<(d0, d1) -> (0, 0)>
#map1 = affine_map<(d0, d1) -> (0, 0, 0)>
module attributes {stable_mosaic.version = 14 : i64} {
  func.func @_sc_scatter_body(%arg0: i32, %arg1: i32, %arg2: memref<10112x64xf32, #tpu.memory_space<hbm>>, %arg3: memref<32x82x128xi32, #tpu.memory_space<hbm>>, %arg4: memref<32x82x128xi32, #tpu.memory_space<hbm>>, %arg5: memref<632x64xf32, #tpu.memory_space<hbm>>, %arg6: memref<2x10112x64xf32, #tpu.memory_space<hbm>>, %arg7: memref<82x128xi32, #tpu.memory_space<vmem>>, %arg8: memref<82x128xi32, #tpu.memory_space<vmem>>, %arg9: memref<128x64xf32, #tpu.memory_space<vmem>>, %arg10: memref<128x64xf32, #tpu.memory_space<vmem>>, %arg11: memref<10112x64xf32, #tpu.memory_space<vmem_shared>>, %arg12: memref<!tpu.dma_semaphore, #tpu.memory_space<semaphore_mem>>, %arg13: memref<!tpu.dma_semaphore, #tpu.memory_space<semaphore_mem>>) attributes {dimension_semantics = [#tpu.dimension_semantics<core_parallel>, #tpu.dimension_semantics<subcore_parallel>], iteration_bounds = array<i64: 2, 16>, scalar_prefetch = 0 : i64, scratch_operands = 7 : i64, tpu.core_type = #tpu.core_type<sc_vector_subcore>, window_params = [{transform_indices = #map}, {transform_indices = #map1}, {transform_indices = #map1}, {transform_indices = #map}, {transform_indices = #map1}]} {
    %mul3A = arith.constant 16 : i32
    %mul3A_0 = arith.muli %arg0, %mul3A : i32
    %add3A = arith.addi %mul3A_0, %arg1 : i32
    %mul3A_1 = arith.constant 632 : i32
    %mul3A_2 = arith.muli %arg1, %mul3A_1 : i32
    "tpu.region"() ({
      %run_scoped3A = tpu.sem_alloc : memref<!tpu.dma_semaphore, #tpu.memory_space<semaphore_mem>>
      %dma_start3A_37 = arith.constant 0 : i32
      %dma_start3A_38 = tpu.memref_slice %arg11[%mul3A_2, %dma_start3A_37] : memref<10112x64xf32, #tpu.memory_space<vmem_shared>> -> memref<632x64xf32, #tpu.memory_space<vmem_shared>>
      tpu.enqueue_dma source(%arg5 : memref<632x64xf32, #tpu.memory_space<hbm>>) target(%dma_start3A_38 : memref<632x64xf32, #tpu.memory_space<vmem_shared>>) target_semaphore(%run_scoped3A : memref<!tpu.dma_semaphore, #tpu.memory_space<semaphore_mem>>)
      %dma_wait3A_39 = arith.constant 0 : i32
      %dma_wait3A_40 = tpu.memref_slice %arg11[%mul3A_2, %dma_wait3A_39] : memref<10112x64xf32, #tpu.memory_space<vmem_shared>> -> memref<632x64xf32, #tpu.memory_space<vmem_shared>>
      tpu.wait_dma2 semaphore(%run_scoped3A : memref<!tpu.dma_semaphore, #tpu.memory_space<semaphore_mem>>) src(%arg5 : memref<632x64xf32, #tpu.memory_space<hbm>>) dst(%dma_wait3A_40 : memref<632x64xf32, #tpu.memory_space<vmem_shared>>)
      tpu.yield
    }) : () -> ()
    "tpu.region"() ({
      %run_scoped3A = tpu.sem_alloc : memref<!tpu.dma_semaphore, #tpu.memory_space<semaphore_mem>>
      %dma_start3A_37 = arith.constant 0 : i32
      %dma_start3A_38 = arith.constant 0 : i32
      %dma_start3A_39 = tpu.memref_slice %arg3[%add3A, %dma_start3A_37, %dma_start3A_38] : memref<32x82x128xi32, #tpu.memory_space<hbm>> -> memref<1x82x128xi32, #tpu.memory_space<hbm>>
      %dma_start3A_40 = tpu.memref_squeeze %dma_start3A_39 : memref<1x82x128xi32, #tpu.memory_space<hbm>> -> memref<82x128xi32, #tpu.memory_space<hbm>>
      %dma_start3A_41 = arith.constant 0 : i32
      %dma_start3A_42 = arith.constant 0 : i32
      %dma_start3A_43 = tpu.memref_slice %arg3[%add3A, %dma_start3A_41, %dma_start3A_42] : memref<32x82x128xi32, #tpu.memory_space<hbm>> -> memref<1x82x128xi32, #tpu.memory_space<hbm>>
      %dma_start3A_44 = tpu.memref_squeeze %dma_start3A_43 : memref<1x82x128xi32, #tpu.memory_space<hbm>> -> memref<82x128xi32, #tpu.memory_space<hbm>>
      tpu.enqueue_dma source(%dma_start3A_44 : memref<82x128xi32, #tpu.memory_space<hbm>>) target(%arg7 : memref<82x128xi32, #tpu.memory_space<vmem>>) target_semaphore(%run_scoped3A : memref<!tpu.dma_semaphore, #tpu.memory_space<semaphore_mem>>)
      %dma_wait3A_45 = arith.constant 0 : i32
      %dma_wait3A_46 = arith.constant 0 : i32
      %dma_wait3A_47 = tpu.memref_slice %arg3[%add3A, %dma_wait3A_45, %dma_wait3A_46] : memref<32x82x128xi32, #tpu.memory_space<hbm>> -> memref<1x82x128xi32, #tpu.memory_space<hbm>>
      %dma_wait3A_48 = tpu.memref_squeeze %dma_wait3A_47 : memref<1x82x128xi32, #tpu.memory_space<hbm>> -> memref<82x128xi32, #tpu.memory_space<hbm>>
      %dma_wait3A_49 = arith.constant 0 : i32
      %dma_wait3A_50 = arith.constant 0 : i32
      %dma_wait3A_51 = tpu.memref_slice %arg3[%add3A, %dma_wait3A_49, %dma_wait3A_50] : memref<32x82x128xi32, #tpu.memory_space<hbm>> -> memref<1x82x128xi32, #tpu.memory_space<hbm>>
      %dma_wait3A_52 = tpu.memref_squeeze %dma_wait3A_51 : memref<1x82x128xi32, #tpu.memory_space<hbm>> -> memref<82x128xi32, #tpu.memory_space<hbm>>
      tpu.wait_dma2 semaphore(%run_scoped3A : memref<!tpu.dma_semaphore, #tpu.memory_space<semaphore_mem>>) src(%dma_wait3A_52 : memref<82x128xi32, #tpu.memory_space<hbm>>) dst(%arg7 : memref<82x128xi32, #tpu.memory_space<vmem>>)
      tpu.yield
    }) : () -> ()
    "tpu.region"() ({
      %run_scoped3A = tpu.sem_alloc : memref<!tpu.dma_semaphore, #tpu.memory_space<semaphore_mem>>
      %dma_start3A_37 = arith.constant 0 : i32
      %dma_start3A_38 = arith.constant 0 : i32
      %dma_start3A_39 = tpu.memref_slice %arg4[%add3A, %dma_start3A_37, %dma_start3A_38] : memref<32x82x128xi32, #tpu.memory_space<hbm>> -> memref<1x82x128xi32, #tpu.memory_space<hbm>>
      %dma_start3A_40 = tpu.memref_squeeze %dma_start3A_39 : memref<1x82x128xi32, #tpu.memory_space<hbm>> -> memref<82x128xi32, #tpu.memory_space<hbm>>
      %dma_start3A_41 = arith.constant 0 : i32
      %dma_start3A_42 = arith.constant 0 : i32
      %dma_start3A_43 = tpu.memref_slice %arg4[%add3A, %dma_start3A_41, %dma_start3A_42] : memref<32x82x128xi32, #tpu.memory_space<hbm>> -> memref<1x82x128xi32, #tpu.memory_space<hbm>>
      %dma_start3A_44 = tpu.memref_squeeze %dma_start3A_43 : memref<1x82x128xi32, #tpu.memory_space<hbm>> -> memref<82x128xi32, #tpu.memory_space<hbm>>
      tpu.enqueue_dma source(%dma_start3A_44 : memref<82x128xi32, #tpu.memory_space<hbm>>) target(%arg8 : memref<82x128xi32, #tpu.memory_space<vmem>>) target_semaphore(%run_scoped3A : memref<!tpu.dma_semaphore, #tpu.memory_space<semaphore_mem>>)
      %dma_wait3A_45 = arith.constant 0 : i32
      %dma_wait3A_46 = arith.constant 0 : i32
      %dma_wait3A_47 = tpu.memref_slice %arg4[%add3A, %dma_wait3A_45, %dma_wait3A_46] : memref<32x82x128xi32, #tpu.memory_space<hbm>> -> memref<1x82x128xi32, #tpu.memory_space<hbm>>
      %dma_wait3A_48 = tpu.memref_squeeze %dma_wait3A_47 : memref<1x82x128xi32, #tpu.memory_space<hbm>> -> memref<82x128xi32, #tpu.memory_space<hbm>>
      %dma_wait3A_49 = arith.constant 0 : i32
      %dma_wait3A_50 = arith.constant 0 : i32
      %dma_wait3A_51 = tpu.memref_slice %arg4[%add3A, %dma_wait3A_49, %dma_wait3A_50] : memref<32x82x128xi32, #tpu.memory_space<hbm>> -> memref<1x82x128xi32, #tpu.memory_space<hbm>>
      %dma_wait3A_52 = tpu.memref_squeeze %dma_wait3A_51 : memref<1x82x128xi32, #tpu.memory_space<hbm>> -> memref<82x128xi32, #tpu.memory_space<hbm>>
      tpu.wait_dma2 semaphore(%run_scoped3A : memref<!tpu.dma_semaphore, #tpu.memory_space<semaphore_mem>>) src(%dma_wait3A_52 : memref<82x128xi32, #tpu.memory_space<hbm>>) dst(%arg8 : memref<82x128xi32, #tpu.memory_space<vmem>>)
      tpu.yield
    }) : () -> ()
    %barrier3A = arith.constant 0 : index
    tpu.barrier barrier_id(%barrier3A)
    %dma_start3A = arith.constant 0 : i32
    %dma_start3A_3 = arith.constant 0 : i32
    %dma_start3A_4 = tpu.memref_slice %arg7[%dma_start3A, %dma_start3A_3] : memref<82x128xi32, #tpu.memory_space<vmem>> -> memref<1x128xi32, #tpu.memory_space<vmem>>
    %dma_start3A_5 = tpu.memref_squeeze %dma_start3A_4 : memref<1x128xi32, #tpu.memory_space<vmem>> -> memref<128xi32, #tpu.memory_space<vmem>>
    %dma_start3A_6 = arith.constant 0 : i32
    %dma_start3A_7 = arith.constant 0 : i32
    %dma_start3A_8 = tpu.memref_slice %arg2[%dma_start3A_6, %dma_start3A_7] : memref<10112x64xf32, #tpu.memory_space<hbm>> -> memref<10112x64xf32, #tpu.memory_space<hbm>>
    tpu.enqueue_indirect_dma source(%dma_start3A_8 : memref<10112x64xf32, #tpu.memory_space<hbm>>) target(%arg9 : memref<128x64xf32, #tpu.memory_space<vmem>>) offsets(%dma_start3A_5 : memref<128xi32, #tpu.memory_space<vmem>>) semaphore(%arg12 : memref<!tpu.dma_semaphore, #tpu.memory_space<semaphore_mem>>)
    %dma_start3A_9 = arith.constant 1 : i32
    %dma_start3A_10 = arith.constant 0 : i32
    %dma_start3A_11 = tpu.memref_slice %arg7[%dma_start3A_9, %dma_start3A_10] : memref<82x128xi32, #tpu.memory_space<vmem>> -> memref<1x128xi32, #tpu.memory_space<vmem>>
    %dma_start3A_12 = tpu.memref_squeeze %dma_start3A_11 : memref<1x128xi32, #tpu.memory_space<vmem>> -> memref<128xi32, #tpu.memory_space<vmem>>
    %dma_start3A_13 = arith.constant 0 : i32
    %dma_start3A_14 = arith.constant 0 : i32
    %dma_start3A_15 = tpu.memref_slice %arg2[%dma_start3A_13, %dma_start3A_14] : memref<10112x64xf32, #tpu.memory_space<hbm>> -> memref<10112x64xf32, #tpu.memory_space<hbm>>
    tpu.enqueue_indirect_dma source(%dma_start3A_15 : memref<10112x64xf32, #tpu.memory_space<hbm>>) target(%arg10 : memref<128x64xf32, #tpu.memory_space<vmem>>) offsets(%dma_start3A_12 : memref<128xi32, #tpu.memory_space<vmem>>) semaphore(%arg13 : memref<!tpu.dma_semaphore, #tpu.memory_space<semaphore_mem>>)
    %scan3A = arith.constant 0 : i32
    %scan3A_16 = arith.constant 0 : i32
    %scan3A_17 = arith.constant 40 : i32
    %scan3A_18 = arith.addi %scan3A_16, %scan3A_17 : i32
    %scan3A_19 = arith.constant 1 : i32
    scf.for %scan3A_37 = %scan3A_16 to %scan3A_18 step %scan3A_19  : i32 {
      %mul3A_38 = arith.constant 2 : i32
      %mul3A_39 = arith.muli %scan3A_37, %mul3A_38 : i32
      %add3A_40 = arith.constant 0 : i32
      %add3A_41 = arith.addi %mul3A_39, %add3A_40 : i32
      %dma_wait3A_42 = arith.constant 0 : i32
      %dma_wait3A_43 = arith.constant 0 : i32
      %dma_wait3A_44 = tpu.memref_slice %arg2[%dma_wait3A_42, %dma_wait3A_43] : memref<10112x64xf32, #tpu.memory_space<hbm>> -> memref<128x64xf32, #tpu.memory_space<hbm>>
      %dma_wait3A_45 = arith.constant 0 : i32
      %dma_wait3A_46 = arith.constant 0 : i32
      %dma_wait3A_47 = tpu.memref_slice %arg2[%dma_wait3A_45, %dma_wait3A_46] : memref<10112x64xf32, #tpu.memory_space<hbm>> -> memref<128x64xf32, #tpu.memory_space<hbm>>
      tpu.wait_dma2 semaphore(%arg12 : memref<!tpu.dma_semaphore, #tpu.memory_space<semaphore_mem>>) src(%dma_wait3A_47 : memref<128x64xf32, #tpu.memory_space<hbm>>) dst(%arg9 : memref<128x64xf32, #tpu.memory_space<vmem>>)
      "tpu.region"() ({
        %run_scoped3A = tpu.sem_alloc : memref<!tpu.dma_semaphore, #tpu.memory_space<semaphore_mem>>
        %dma_start3A_72 = arith.constant 0 : i32
        %dma_start3A_73 = tpu.memref_slice %arg8[%add3A_41, %dma_start3A_72] : memref<82x128xi32, #tpu.memory_space<vmem>> -> memref<1x128xi32, #tpu.memory_space<vmem>>
        %dma_start3A_74 = tpu.memref_squeeze %dma_start3A_73 : memref<1x128xi32, #tpu.memory_space<vmem>> -> memref<128xi32, #tpu.memory_space<vmem>>
        %dma_start3A_75 = arith.constant 0 : i32
        %dma_start3A_76 = arith.constant 0 : i32
        %dma_start3A_77 = tpu.memref_slice %arg11[%dma_start3A_75, %dma_start3A_76] : memref<10112x64xf32, #tpu.memory_space<vmem_shared>> -> memref<10112x64xf32, #tpu.memory_space<vmem_shared>>
        tpu.enqueue_indirect_dma source(%arg9 : memref<128x64xf32, #tpu.memory_space<vmem>>) target(%dma_start3A_77 : memref<10112x64xf32, #tpu.memory_space<vmem_shared>>) offsets(%dma_start3A_74 : memref<128xi32, #tpu.memory_space<vmem>>) semaphore(%run_scoped3A : memref<!tpu.dma_semaphore, #tpu.memory_space<semaphore_mem>>) {add = true}
        %dma_wait3A_78 = arith.constant 0 : i32
        %dma_wait3A_79 = tpu.memref_slice %arg8[%add3A_41, %dma_wait3A_78] : memref<82x128xi32, #tpu.memory_space<vmem>> -> memref<1x128xi32, #tpu.memory_space<vmem>>
        %dma_wait3A_80 = tpu.memref_squeeze %dma_wait3A_79 : memref<1x128xi32, #tpu.memory_space<vmem>> -> memref<128xi32, #tpu.memory_space<vmem>>
        %dma_wait3A_81 = arith.constant 0 : i32
        %dma_wait3A_82 = arith.constant 0 : i32
        %dma_wait3A_83 = tpu.memref_slice %arg11[%dma_wait3A_81, %dma_wait3A_82] : memref<10112x64xf32, #tpu.memory_space<vmem_shared>> -> memref<10112x64xf32, #tpu.memory_space<vmem_shared>>
        tpu.wait_indirect_dma semaphore(%run_scoped3A : memref<!tpu.dma_semaphore, #tpu.memory_space<semaphore_mem>>) src(%arg9 : memref<128x64xf32, #tpu.memory_space<vmem>>) dst(%dma_wait3A_83 : memref<10112x64xf32, #tpu.memory_space<vmem_shared>>)
        tpu.yield
      }) : () -> ()
      %add3A_48 = arith.constant 2 : i32
      %add3A_49 = arith.addi %add3A_41, %add3A_48 : i32
      %dma_start3A_50 = arith.constant 0 : i32
      %dma_start3A_51 = tpu.memref_slice %arg7[%add3A_49, %dma_start3A_50] : memref<82x128xi32, #tpu.memory_space<vmem>> -> memref<1x128xi32, #tpu.memory_space<vmem>>
      %dma_start3A_52 = tpu.memref_squeeze %dma_start3A_51 : memref<1x128xi32, #tpu.memory_space<vmem>> -> memref<128xi32, #tpu.memory_space<vmem>>
      %dma_start3A_53 = arith.constant 0 : i32
      %dma_start3A_54 = arith.constant 0 : i32
      %dma_start3A_55 = tpu.memref_slice %arg2[%dma_start3A_53, %dma_start3A_54] : memref<10112x64xf32, #tpu.memory_space<hbm>> -> memref<10112x64xf32, #tpu.memory_space<hbm>>
      tpu.enqueue_indirect_dma source(%dma_start3A_55 : memref<10112x64xf32, #tpu.memory_space<hbm>>) target(%arg9 : memref<128x64xf32, #tpu.memory_space<vmem>>) offsets(%dma_start3A_52 : memref<128xi32, #tpu.memory_space<vmem>>) semaphore(%arg12 : memref<!tpu.dma_semaphore, #tpu.memory_space<semaphore_mem>>)
      %add3A_56 = arith.constant 1 : i32
      %add3A_57 = arith.addi %mul3A_39, %add3A_56 : i32
      %dma_wait3A_58 = arith.constant 0 : i32
      %dma_wait3A_59 = arith.constant 0 : i32
      %dma_wait3A_60 = tpu.memref_slice %arg2[%dma_wait3A_58, %dma_wait3A_59] : memref<10112x64xf32, #tpu.memory_space<hbm>> -> memref<128x64xf32, #tpu.memory_space<hbm>>
      %dma_wait3A_61 = arith.constant 0 : i32
      %dma_wait3A_62 = arith.constant 0 : i32
      %dma_wait3A_63 = tpu.memref_slice %arg2[%dma_wait3A_61, %dma_wait3A_62] : memref<10112x64xf32, #tpu.memory_space<hbm>> -> memref<128x64xf32, #tpu.memory_space<hbm>>
      tpu.wait_dma2 semaphore(%arg13 : memref<!tpu.dma_semaphore, #tpu.memory_space<semaphore_mem>>) src(%dma_wait3A_63 : memref<128x64xf32, #tpu.memory_space<hbm>>) dst(%arg10 : memref<128x64xf32, #tpu.memory_space<vmem>>)
      "tpu.region"() ({
        %run_scoped3A = tpu.sem_alloc : memref<!tpu.dma_semaphore, #tpu.memory_space<semaphore_mem>>
        %dma_start3A_72 = arith.constant 0 : i32
        %dma_start3A_73 = tpu.memref_slice %arg8[%add3A_57, %dma_start3A_72] : memref<82x128xi32, #tpu.memory_space<vmem>> -> memref<1x128xi32, #tpu.memory_space<vmem>>
        %dma_start3A_74 = tpu.memref_squeeze %dma_start3A_73 : memref<1x128xi32, #tpu.memory_space<vmem>> -> memref<128xi32, #tpu.memory_space<vmem>>
        %dma_start3A_75 = arith.constant 0 : i32
        %dma_start3A_76 = arith.constant 0 : i32
        %dma_start3A_77 = tpu.memref_slice %arg11[%dma_start3A_75, %dma_start3A_76] : memref<10112x64xf32, #tpu.memory_space<vmem_shared>> -> memref<10112x64xf32, #tpu.memory_space<vmem_shared>>
        tpu.enqueue_indirect_dma source(%arg10 : memref<128x64xf32, #tpu.memory_space<vmem>>) target(%dma_start3A_77 : memref<10112x64xf32, #tpu.memory_space<vmem_shared>>) offsets(%dma_start3A_74 : memref<128xi32, #tpu.memory_space<vmem>>) semaphore(%run_scoped3A : memref<!tpu.dma_semaphore, #tpu.memory_space<semaphore_mem>>) {add = true}
        %dma_wait3A_78 = arith.constant 0 : i32
        %dma_wait3A_79 = tpu.memref_slice %arg8[%add3A_57, %dma_wait3A_78] : memref<82x128xi32, #tpu.memory_space<vmem>> -> memref<1x128xi32, #tpu.memory_space<vmem>>
        %dma_wait3A_80 = tpu.memref_squeeze %dma_wait3A_79 : memref<1x128xi32, #tpu.memory_space<vmem>> -> memref<128xi32, #tpu.memory_space<vmem>>
        %dma_wait3A_81 = arith.constant 0 : i32
        %dma_wait3A_82 = arith.constant 0 : i32
        %dma_wait3A_83 = tpu.memref_slice %arg11[%dma_wait3A_81, %dma_wait3A_82] : memref<10112x64xf32, #tpu.memory_space<vmem_shared>> -> memref<10112x64xf32, #tpu.memory_space<vmem_shared>>
        tpu.wait_indirect_dma semaphore(%run_scoped3A : memref<!tpu.dma_semaphore, #tpu.memory_space<semaphore_mem>>) src(%arg10 : memref<128x64xf32, #tpu.memory_space<vmem>>) dst(%dma_wait3A_83 : memref<10112x64xf32, #tpu.memory_space<vmem_shared>>)
        tpu.yield
      }) : () -> ()
      %add3A_64 = arith.constant 2 : i32
      %add3A_65 = arith.addi %add3A_57, %add3A_64 : i32
      %dma_start3A_66 = arith.constant 0 : i32
      %dma_start3A_67 = tpu.memref_slice %arg7[%add3A_65, %dma_start3A_66] : memref<82x128xi32, #tpu.memory_space<vmem>> -> memref<1x128xi32, #tpu.memory_space<vmem>>
      %dma_start3A_68 = tpu.memref_squeeze %dma_start3A_67 : memref<1x128xi32, #tpu.memory_space<vmem>> -> memref<128xi32, #tpu.memory_space<vmem>>
      %dma_start3A_69 = arith.constant 0 : i32
      %dma_start3A_70 = arith.constant 0 : i32
      %dma_start3A_71 = tpu.memref_slice %arg2[%dma_start3A_69, %dma_start3A_70] : memref<10112x64xf32, #tpu.memory_space<hbm>> -> memref<10112x64xf32, #tpu.memory_space<hbm>>
      tpu.enqueue_indirect_dma source(%dma_start3A_71 : memref<10112x64xf32, #tpu.memory_space<hbm>>) target(%arg10 : memref<128x64xf32, #tpu.memory_space<vmem>>) offsets(%dma_start3A_68 : memref<128xi32, #tpu.memory_space<vmem>>) semaphore(%arg13 : memref<!tpu.dma_semaphore, #tpu.memory_space<semaphore_mem>>)
    }
    %scan3A_20 = arith.constant 40 : i32
    %dma_wait3A = arith.constant 0 : i32
    %dma_wait3A_21 = arith.constant 0 : i32
    %dma_wait3A_22 = tpu.memref_slice %arg2[%dma_wait3A, %dma_wait3A_21] : memref<10112x64xf32, #tpu.memory_space<hbm>> -> memref<128x64xf32, #tpu.memory_space<hbm>>
    %dma_wait3A_23 = arith.constant 0 : i32
    %dma_wait3A_24 = arith.constant 0 : i32
    %dma_wait3A_25 = tpu.memref_slice %arg2[%dma_wait3A_23, %dma_wait3A_24] : memref<10112x64xf32, #tpu.memory_space<hbm>> -> memref<128x64xf32, #tpu.memory_space<hbm>>
    tpu.wait_dma2 semaphore(%arg12 : memref<!tpu.dma_semaphore, #tpu.memory_space<semaphore_mem>>) src(%dma_wait3A_25 : memref<128x64xf32, #tpu.memory_space<hbm>>) dst(%arg9 : memref<128x64xf32, #tpu.memory_space<vmem>>)
    %dma_wait3A_26 = arith.constant 0 : i32
    %dma_wait3A_27 = arith.constant 0 : i32
    %dma_wait3A_28 = tpu.memref_slice %arg2[%dma_wait3A_26, %dma_wait3A_27] : memref<10112x64xf32, #tpu.memory_space<hbm>> -> memref<128x64xf32, #tpu.memory_space<hbm>>
    %dma_wait3A_29 = arith.constant 0 : i32
    %dma_wait3A_30 = arith.constant 0 : i32
    %dma_wait3A_31 = tpu.memref_slice %arg2[%dma_wait3A_29, %dma_wait3A_30] : memref<10112x64xf32, #tpu.memory_space<hbm>> -> memref<128x64xf32, #tpu.memory_space<hbm>>
    tpu.wait_dma2 semaphore(%arg13 : memref<!tpu.dma_semaphore, #tpu.memory_space<semaphore_mem>>) src(%dma_wait3A_31 : memref<128x64xf32, #tpu.memory_space<hbm>>) dst(%arg10 : memref<128x64xf32, #tpu.memory_space<vmem>>)
    %barrier3A_32 = arith.constant 0 : index
    tpu.barrier barrier_id(%barrier3A_32)
    %mul3A_33 = arith.constant 632 : i32
    %mul3A_34 = arith.muli %arg1, %mul3A_33 : i32
    %mul3A_35 = arith.constant 632 : i32
    %mul3A_36 = arith.muli %arg1, %mul3A_35 : i32
    "tpu.region"() ({
      %run_scoped3A = tpu.sem_alloc : memref<!tpu.dma_semaphore, #tpu.memory_space<semaphore_mem>>
      %dma_start3A_37 = arith.constant 0 : i32
      %dma_start3A_38 = tpu.memref_slice %arg6[%arg0, %mul3A_36, %dma_start3A_37] : memref<2x10112x64xf32, #tpu.memory_space<hbm>> -> memref<1x632x64xf32, #tpu.memory_space<hbm>>
      %dma_start3A_39 = tpu.memref_squeeze %dma_start3A_38 : memref<1x632x64xf32, #tpu.memory_space<hbm>> -> memref<632x64xf32, #tpu.memory_space<hbm>>
      %dma_start3A_40 = arith.constant 0 : i32
      %dma_start3A_41 = tpu.memref_slice %arg11[%mul3A_34, %dma_start3A_40] : memref<10112x64xf32, #tpu.memory_space<vmem_shared>> -> memref<632x64xf32, #tpu.memory_space<vmem_shared>>
      tpu.enqueue_dma source(%dma_start3A_41 : memref<632x64xf32, #tpu.memory_space<vmem_shared>>) target(%dma_start3A_39 : memref<632x64xf32, #tpu.memory_space<hbm>>) target_semaphore(%run_scoped3A : memref<!tpu.dma_semaphore, #tpu.memory_space<semaphore_mem>>)
      %dma_wait3A_42 = arith.constant 0 : i32
      %dma_wait3A_43 = tpu.memref_slice %arg6[%arg0, %mul3A_36, %dma_wait3A_42] : memref<2x10112x64xf32, #tpu.memory_space<hbm>> -> memref<1x632x64xf32, #tpu.memory_space<hbm>>
      %dma_wait3A_44 = tpu.memref_squeeze %dma_wait3A_43 : memref<1x632x64xf32, #tpu.memory_space<hbm>> -> memref<632x64xf32, #tpu.memory_space<hbm>>
      %dma_wait3A_45 = arith.constant 0 : i32
      %dma_wait3A_46 = tpu.memref_slice %arg11[%mul3A_34, %dma_wait3A_45] : memref<10112x64xf32, #tpu.memory_space<vmem_shared>> -> memref<632x64xf32, #tpu.memory_space<vmem_shared>>
      tpu.wait_dma2 semaphore(%run_scoped3A : memref<!tpu.dma_semaphore, #tpu.memory_space<semaphore_mem>>) src(%dma_wait3A_46 : memref<632x64xf32, #tpu.memory_space<vmem_shared>>) dst(%dma_wait3A_44 : memref<632x64xf32, #tpu.memory_space<hbm>>)
      tpu.yield
    }) : () -> ()
    return
  }
}

#map = affine_map<(d0, d1) -> (0, 0, 0)>
#map1 = affine_map<(d0, d1) -> (0, 0)>
#map2 = affine_map<(d0, d1) -> (0, 0, 0, 0)>
module attributes {stable_mosaic.version = 14 : i64} {
  func.func @_sc_degrees_body(%arg0: i32, %arg1: i32, %arg2: memref<32x82x128xi32, #tpu.memory_space<hbm>>, %arg3: memref<32x82x128xi32, #tpu.memory_space<hbm>>, %arg4: memref<128x16xf32, #tpu.memory_space<hbm>>, %arg5: memref<632x16xf32, #tpu.memory_space<hbm>>, %arg6: memref<2x2x10112x16xf32, #tpu.memory_space<hbm>>, %arg7: memref<82x128xi32, #tpu.memory_space<vmem>>, %arg8: memref<82x128xi32, #tpu.memory_space<vmem>>, %arg9: memref<128x16xf32, #tpu.memory_space<vmem>>, %arg10: memref<10112x16xf32, #tpu.memory_space<vmem_shared>>, %arg11: memref<10112x16xf32, #tpu.memory_space<vmem_shared>>) attributes {dimension_semantics = [#tpu.dimension_semantics<core_parallel>, #tpu.dimension_semantics<subcore_parallel>], iteration_bounds = array<i64: 2, 16>, scalar_prefetch = 0 : i64, scratch_operands = 5 : i64, tpu.core_type = #tpu.core_type<sc_vector_subcore>, window_params = [{transform_indices = #map}, {transform_indices = #map}, {transform_indices = #map1}, {transform_indices = #map1}, {transform_indices = #map2}]} {
    %mul3A = arith.constant 16 : i32
    %mul3A_0 = arith.muli %arg0, %mul3A : i32
    %add3A = arith.addi %mul3A_0, %arg1 : i32
    %mul3A_1 = arith.constant 632 : i32
    %mul3A_2 = arith.muli %arg1, %mul3A_1 : i32
    "tpu.region"() ({
      %run_scoped3A_20 = tpu.sem_alloc : memref<!tpu.dma_semaphore, #tpu.memory_space<semaphore_mem>>
      %dma_start3A = arith.constant 0 : i32
      %dma_start3A_21 = tpu.memref_slice %arg10[%mul3A_2, %dma_start3A] : memref<10112x16xf32, #tpu.memory_space<vmem_shared>> -> memref<632x16xf32, #tpu.memory_space<vmem_shared>>
      tpu.enqueue_dma source(%arg5 : memref<632x16xf32, #tpu.memory_space<hbm>>) target(%dma_start3A_21 : memref<632x16xf32, #tpu.memory_space<vmem_shared>>) target_semaphore(%run_scoped3A_20 : memref<!tpu.dma_semaphore, #tpu.memory_space<semaphore_mem>>)
      %dma_wait3A = arith.constant 0 : i32
      %dma_wait3A_22 = tpu.memref_slice %arg10[%mul3A_2, %dma_wait3A] : memref<10112x16xf32, #tpu.memory_space<vmem_shared>> -> memref<632x16xf32, #tpu.memory_space<vmem_shared>>
      tpu.wait_dma2 semaphore(%run_scoped3A_20 : memref<!tpu.dma_semaphore, #tpu.memory_space<semaphore_mem>>) src(%arg5 : memref<632x16xf32, #tpu.memory_space<hbm>>) dst(%dma_wait3A_22 : memref<632x16xf32, #tpu.memory_space<vmem_shared>>)
      tpu.yield
    }) : () -> ()
    %mul3A_3 = arith.constant 632 : i32
    %mul3A_4 = arith.muli %arg1, %mul3A_3 : i32
    "tpu.region"() ({
      %run_scoped3A_20 = tpu.sem_alloc : memref<!tpu.dma_semaphore, #tpu.memory_space<semaphore_mem>>
      %dma_start3A = arith.constant 0 : i32
      %dma_start3A_21 = tpu.memref_slice %arg11[%mul3A_4, %dma_start3A] : memref<10112x16xf32, #tpu.memory_space<vmem_shared>> -> memref<632x16xf32, #tpu.memory_space<vmem_shared>>
      tpu.enqueue_dma source(%arg5 : memref<632x16xf32, #tpu.memory_space<hbm>>) target(%dma_start3A_21 : memref<632x16xf32, #tpu.memory_space<vmem_shared>>) target_semaphore(%run_scoped3A_20 : memref<!tpu.dma_semaphore, #tpu.memory_space<semaphore_mem>>)
      %dma_wait3A = arith.constant 0 : i32
      %dma_wait3A_22 = tpu.memref_slice %arg11[%mul3A_4, %dma_wait3A] : memref<10112x16xf32, #tpu.memory_space<vmem_shared>> -> memref<632x16xf32, #tpu.memory_space<vmem_shared>>
      tpu.wait_dma2 semaphore(%run_scoped3A_20 : memref<!tpu.dma_semaphore, #tpu.memory_space<semaphore_mem>>) src(%arg5 : memref<632x16xf32, #tpu.memory_space<hbm>>) dst(%dma_wait3A_22 : memref<632x16xf32, #tpu.memory_space<vmem_shared>>)
      tpu.yield
    }) : () -> ()
    "tpu.region"() ({
      %run_scoped3A_20 = tpu.sem_alloc : memref<!tpu.dma_semaphore, #tpu.memory_space<semaphore_mem>>
      tpu.enqueue_dma source(%arg4 : memref<128x16xf32, #tpu.memory_space<hbm>>) target(%arg9 : memref<128x16xf32, #tpu.memory_space<vmem>>) target_semaphore(%run_scoped3A_20 : memref<!tpu.dma_semaphore, #tpu.memory_space<semaphore_mem>>)
      tpu.wait_dma2 semaphore(%run_scoped3A_20 : memref<!tpu.dma_semaphore, #tpu.memory_space<semaphore_mem>>) src(%arg4 : memref<128x16xf32, #tpu.memory_space<hbm>>) dst(%arg9 : memref<128x16xf32, #tpu.memory_space<vmem>>)
      tpu.yield
    }) : () -> ()
    "tpu.region"() ({
      %run_scoped3A_20 = tpu.sem_alloc : memref<!tpu.dma_semaphore, #tpu.memory_space<semaphore_mem>>
      %dma_start3A = arith.constant 0 : i32
      %dma_start3A_21 = arith.constant 0 : i32
      %dma_start3A_22 = tpu.memref_slice %arg2[%add3A, %dma_start3A, %dma_start3A_21] : memref<32x82x128xi32, #tpu.memory_space<hbm>> -> memref<1x82x128xi32, #tpu.memory_space<hbm>>
      %dma_start3A_23 = tpu.memref_squeeze %dma_start3A_22 : memref<1x82x128xi32, #tpu.memory_space<hbm>> -> memref<82x128xi32, #tpu.memory_space<hbm>>
      %dma_start3A_24 = arith.constant 0 : i32
      %dma_start3A_25 = arith.constant 0 : i32
      %dma_start3A_26 = tpu.memref_slice %arg2[%add3A, %dma_start3A_24, %dma_start3A_25] : memref<32x82x128xi32, #tpu.memory_space<hbm>> -> memref<1x82x128xi32, #tpu.memory_space<hbm>>
      %dma_start3A_27 = tpu.memref_squeeze %dma_start3A_26 : memref<1x82x128xi32, #tpu.memory_space<hbm>> -> memref<82x128xi32, #tpu.memory_space<hbm>>
      tpu.enqueue_dma source(%dma_start3A_27 : memref<82x128xi32, #tpu.memory_space<hbm>>) target(%arg7 : memref<82x128xi32, #tpu.memory_space<vmem>>) target_semaphore(%run_scoped3A_20 : memref<!tpu.dma_semaphore, #tpu.memory_space<semaphore_mem>>)
      %dma_wait3A = arith.constant 0 : i32
      %dma_wait3A_28 = arith.constant 0 : i32
      %dma_wait3A_29 = tpu.memref_slice %arg2[%add3A, %dma_wait3A, %dma_wait3A_28] : memref<32x82x128xi32, #tpu.memory_space<hbm>> -> memref<1x82x128xi32, #tpu.memory_space<hbm>>
      %dma_wait3A_30 = tpu.memref_squeeze %dma_wait3A_29 : memref<1x82x128xi32, #tpu.memory_space<hbm>> -> memref<82x128xi32, #tpu.memory_space<hbm>>
      %dma_wait3A_31 = arith.constant 0 : i32
      %dma_wait3A_32 = arith.constant 0 : i32
      %dma_wait3A_33 = tpu.memref_slice %arg2[%add3A, %dma_wait3A_31, %dma_wait3A_32] : memref<32x82x128xi32, #tpu.memory_space<hbm>> -> memref<1x82x128xi32, #tpu.memory_space<hbm>>
      %dma_wait3A_34 = tpu.memref_squeeze %dma_wait3A_33 : memref<1x82x128xi32, #tpu.memory_space<hbm>> -> memref<82x128xi32, #tpu.memory_space<hbm>>
      tpu.wait_dma2 semaphore(%run_scoped3A_20 : memref<!tpu.dma_semaphore, #tpu.memory_space<semaphore_mem>>) src(%dma_wait3A_34 : memref<82x128xi32, #tpu.memory_space<hbm>>) dst(%arg7 : memref<82x128xi32, #tpu.memory_space<vmem>>)
      tpu.yield
    }) : () -> ()
    "tpu.region"() ({
      %run_scoped3A_20 = tpu.sem_alloc : memref<!tpu.dma_semaphore, #tpu.memory_space<semaphore_mem>>
      %dma_start3A = arith.constant 0 : i32
      %dma_start3A_21 = arith.constant 0 : i32
      %dma_start3A_22 = tpu.memref_slice %arg3[%add3A, %dma_start3A, %dma_start3A_21] : memref<32x82x128xi32, #tpu.memory_space<hbm>> -> memref<1x82x128xi32, #tpu.memory_space<hbm>>
      %dma_start3A_23 = tpu.memref_squeeze %dma_start3A_22 : memref<1x82x128xi32, #tpu.memory_space<hbm>> -> memref<82x128xi32, #tpu.memory_space<hbm>>
      %dma_start3A_24 = arith.constant 0 : i32
      %dma_start3A_25 = arith.constant 0 : i32
      %dma_start3A_26 = tpu.memref_slice %arg3[%add3A, %dma_start3A_24, %dma_start3A_25] : memref<32x82x128xi32, #tpu.memory_space<hbm>> -> memref<1x82x128xi32, #tpu.memory_space<hbm>>
      %dma_start3A_27 = tpu.memref_squeeze %dma_start3A_26 : memref<1x82x128xi32, #tpu.memory_space<hbm>> -> memref<82x128xi32, #tpu.memory_space<hbm>>
      tpu.enqueue_dma source(%dma_start3A_27 : memref<82x128xi32, #tpu.memory_space<hbm>>) target(%arg8 : memref<82x128xi32, #tpu.memory_space<vmem>>) target_semaphore(%run_scoped3A_20 : memref<!tpu.dma_semaphore, #tpu.memory_space<semaphore_mem>>)
      %dma_wait3A = arith.constant 0 : i32
      %dma_wait3A_28 = arith.constant 0 : i32
      %dma_wait3A_29 = tpu.memref_slice %arg3[%add3A, %dma_wait3A, %dma_wait3A_28] : memref<32x82x128xi32, #tpu.memory_space<hbm>> -> memref<1x82x128xi32, #tpu.memory_space<hbm>>
      %dma_wait3A_30 = tpu.memref_squeeze %dma_wait3A_29 : memref<1x82x128xi32, #tpu.memory_space<hbm>> -> memref<82x128xi32, #tpu.memory_space<hbm>>
      %dma_wait3A_31 = arith.constant 0 : i32
      %dma_wait3A_32 = arith.constant 0 : i32
      %dma_wait3A_33 = tpu.memref_slice %arg3[%add3A, %dma_wait3A_31, %dma_wait3A_32] : memref<32x82x128xi32, #tpu.memory_space<hbm>> -> memref<1x82x128xi32, #tpu.memory_space<hbm>>
      %dma_wait3A_34 = tpu.memref_squeeze %dma_wait3A_33 : memref<1x82x128xi32, #tpu.memory_space<hbm>> -> memref<82x128xi32, #tpu.memory_space<hbm>>
      tpu.wait_dma2 semaphore(%run_scoped3A_20 : memref<!tpu.dma_semaphore, #tpu.memory_space<semaphore_mem>>) src(%dma_wait3A_34 : memref<82x128xi32, #tpu.memory_space<hbm>>) dst(%arg8 : memref<82x128xi32, #tpu.memory_space<vmem>>)
      tpu.yield
    }) : () -> ()
    %barrier3A = arith.constant 0 : index
    tpu.barrier barrier_id(%barrier3A)
    %scan3A = arith.constant 0 : i32
    %scan3A_5 = arith.constant 0 : i32
    %scan3A_6 = arith.constant 82 : i32
    %scan3A_7 = arith.addi %scan3A_5, %scan3A_6 : i32
    %scan3A_8 = arith.constant 1 : i32
    scf.for %scan3A_20 = %scan3A_5 to %scan3A_7 step %scan3A_8  : i32 {
      "tpu.region"() ({
        %run_scoped3A_21 = tpu.sem_alloc : memref<!tpu.dma_semaphore, #tpu.memory_space<semaphore_mem>>
        %dma_start3A = arith.constant 0 : i32
        %dma_start3A_22 = tpu.memref_slice %arg7[%scan3A_20, %dma_start3A] : memref<82x128xi32, #tpu.memory_space<vmem>> -> memref<1x128xi32, #tpu.memory_space<vmem>>
        %dma_start3A_23 = tpu.memref_squeeze %dma_start3A_22 : memref<1x128xi32, #tpu.memory_space<vmem>> -> memref<128xi32, #tpu.memory_space<vmem>>
        %dma_start3A_24 = arith.constant 0 : i32
        %dma_start3A_25 = arith.constant 0 : i32
        %dma_start3A_26 = tpu.memref_slice %arg10[%dma_start3A_24, %dma_start3A_25] : memref<10112x16xf32, #tpu.memory_space<vmem_shared>> -> memref<10112x16xf32, #tpu.memory_space<vmem_shared>>
        tpu.enqueue_indirect_dma source(%arg9 : memref<128x16xf32, #tpu.memory_space<vmem>>) target(%dma_start3A_26 : memref<10112x16xf32, #tpu.memory_space<vmem_shared>>) offsets(%dma_start3A_23 : memref<128xi32, #tpu.memory_space<vmem>>) semaphore(%run_scoped3A_21 : memref<!tpu.dma_semaphore, #tpu.memory_space<semaphore_mem>>) {add = true}
        %dma_wait3A = arith.constant 0 : i32
        %dma_wait3A_27 = tpu.memref_slice %arg7[%scan3A_20, %dma_wait3A] : memref<82x128xi32, #tpu.memory_space<vmem>> -> memref<1x128xi32, #tpu.memory_space<vmem>>
        %dma_wait3A_28 = tpu.memref_squeeze %dma_wait3A_27 : memref<1x128xi32, #tpu.memory_space<vmem>> -> memref<128xi32, #tpu.memory_space<vmem>>
        %dma_wait3A_29 = arith.constant 0 : i32
        %dma_wait3A_30 = arith.constant 0 : i32
        %dma_wait3A_31 = tpu.memref_slice %arg10[%dma_wait3A_29, %dma_wait3A_30] : memref<10112x16xf32, #tpu.memory_space<vmem_shared>> -> memref<10112x16xf32, #tpu.memory_space<vmem_shared>>
        tpu.wait_indirect_dma semaphore(%run_scoped3A_21 : memref<!tpu.dma_semaphore, #tpu.memory_space<semaphore_mem>>) src(%arg9 : memref<128x16xf32, #tpu.memory_space<vmem>>) dst(%dma_wait3A_31 : memref<10112x16xf32, #tpu.memory_space<vmem_shared>>)
        tpu.yield
      }) : () -> ()
      "tpu.region"() ({
        %run_scoped3A_21 = tpu.sem_alloc : memref<!tpu.dma_semaphore, #tpu.memory_space<semaphore_mem>>
        %dma_start3A = arith.constant 0 : i32
        %dma_start3A_22 = tpu.memref_slice %arg8[%scan3A_20, %dma_start3A] : memref<82x128xi32, #tpu.memory_space<vmem>> -> memref<1x128xi32, #tpu.memory_space<vmem>>
        %dma_start3A_23 = tpu.memref_squeeze %dma_start3A_22 : memref<1x128xi32, #tpu.memory_space<vmem>> -> memref<128xi32, #tpu.memory_space<vmem>>
        %dma_start3A_24 = arith.constant 0 : i32
        %dma_start3A_25 = arith.constant 0 : i32
        %dma_start3A_26 = tpu.memref_slice %arg11[%dma_start3A_24, %dma_start3A_25] : memref<10112x16xf32, #tpu.memory_space<vmem_shared>> -> memref<10112x16xf32, #tpu.memory_space<vmem_shared>>
        tpu.enqueue_indirect_dma source(%arg9 : memref<128x16xf32, #tpu.memory_space<vmem>>) target(%dma_start3A_26 : memref<10112x16xf32, #tpu.memory_space<vmem_shared>>) offsets(%dma_start3A_23 : memref<128xi32, #tpu.memory_space<vmem>>) semaphore(%run_scoped3A_21 : memref<!tpu.dma_semaphore, #tpu.memory_space<semaphore_mem>>) {add = true}
        %dma_wait3A = arith.constant 0 : i32
        %dma_wait3A_27 = tpu.memref_slice %arg8[%scan3A_20, %dma_wait3A] : memref<82x128xi32, #tpu.memory_space<vmem>> -> memref<1x128xi32, #tpu.memory_space<vmem>>
        %dma_wait3A_28 = tpu.memref_squeeze %dma_wait3A_27 : memref<1x128xi32, #tpu.memory_space<vmem>> -> memref<128xi32, #tpu.memory_space<vmem>>
        %dma_wait3A_29 = arith.constant 0 : i32
        %dma_wait3A_30 = arith.constant 0 : i32
        %dma_wait3A_31 = tpu.memref_slice %arg11[%dma_wait3A_29, %dma_wait3A_30] : memref<10112x16xf32, #tpu.memory_space<vmem_shared>> -> memref<10112x16xf32, #tpu.memory_space<vmem_shared>>
        tpu.wait_indirect_dma semaphore(%run_scoped3A_21 : memref<!tpu.dma_semaphore, #tpu.memory_space<semaphore_mem>>) src(%arg9 : memref<128x16xf32, #tpu.memory_space<vmem>>) dst(%dma_wait3A_31 : memref<10112x16xf32, #tpu.memory_space<vmem_shared>>)
        tpu.yield
      }) : () -> ()
    }
    %scan3A_9 = arith.constant 82 : i32
    %barrier3A_10 = arith.constant 0 : index
    tpu.barrier barrier_id(%barrier3A_10)
    %mul3A_11 = arith.constant 632 : i32
    %mul3A_12 = arith.muli %arg1, %mul3A_11 : i32
    %mul3A_13 = arith.constant 632 : i32
    %mul3A_14 = arith.muli %arg1, %mul3A_13 : i32
    %run_scoped3A = arith.constant 0 : i32
    "tpu.region"() ({
      %run_scoped3A_20 = tpu.sem_alloc : memref<!tpu.dma_semaphore, #tpu.memory_space<semaphore_mem>>
      %dma_start3A = arith.constant 0 : i32
      %dma_start3A_21 = tpu.memref_slice %arg6[%arg0, %run_scoped3A, %mul3A_14, %dma_start3A] : memref<2x2x10112x16xf32, #tpu.memory_space<hbm>> -> memref<1x1x632x16xf32, #tpu.memory_space<hbm>>
      %dma_start3A_22 = tpu.memref_squeeze %dma_start3A_21 : memref<1x1x632x16xf32, #tpu.memory_space<hbm>> -> memref<632x16xf32, #tpu.memory_space<hbm>>
      %dma_start3A_23 = arith.constant 0 : i32
      %dma_start3A_24 = tpu.memref_slice %arg10[%mul3A_12, %dma_start3A_23] : memref<10112x16xf32, #tpu.memory_space<vmem_shared>> -> memref<632x16xf32, #tpu.memory_space<vmem_shared>>
      tpu.enqueue_dma source(%dma_start3A_24 : memref<632x16xf32, #tpu.memory_space<vmem_shared>>) target(%dma_start3A_22 : memref<632x16xf32, #tpu.memory_space<hbm>>) target_semaphore(%run_scoped3A_20 : memref<!tpu.dma_semaphore, #tpu.memory_space<semaphore_mem>>)
      %dma_wait3A = arith.constant 0 : i32
      %dma_wait3A_25 = tpu.memref_slice %arg6[%arg0, %run_scoped3A, %mul3A_14, %dma_wait3A] : memref<2x2x10112x16xf32, #tpu.memory_space<hbm>> -> memref<1x1x632x16xf32, #tpu.memory_space<hbm>>
      %dma_wait3A_26 = tpu.memref_squeeze %dma_wait3A_25 : memref<1x1x632x16xf32, #tpu.memory_space<hbm>> -> memref<632x16xf32, #tpu.memory_space<hbm>>
      %dma_wait3A_27 = arith.constant 0 : i32
      %dma_wait3A_28 = tpu.memref_slice %arg10[%mul3A_12, %dma_wait3A_27] : memref<10112x16xf32, #tpu.memory_space<vmem_shared>> -> memref<632x16xf32, #tpu.memory_space<vmem_shared>>
      tpu.wait_dma2 semaphore(%run_scoped3A_20 : memref<!tpu.dma_semaphore, #tpu.memory_space<semaphore_mem>>) src(%dma_wait3A_28 : memref<632x16xf32, #tpu.memory_space<vmem_shared>>) dst(%dma_wait3A_26 : memref<632x16xf32, #tpu.memory_space<hbm>>)
      tpu.yield
    }) : () -> ()
    %mul3A_15 = arith.constant 632 : i32
    %mul3A_16 = arith.muli %arg1, %mul3A_15 : i32
    %mul3A_17 = arith.constant 632 : i32
    %mul3A_18 = arith.muli %arg1, %mul3A_17 : i32
    %run_scoped3A_19 = arith.constant 1 : i32
    "tpu.region"() ({
      %run_scoped3A_20 = tpu.sem_alloc : memref<!tpu.dma_semaphore, #tpu.memory_space<semaphore_mem>>
      %dma_start3A = arith.constant 0 : i32
      %dma_start3A_21 = tpu.memref_slice %arg6[%arg0, %run_scoped3A_19, %mul3A_18, %dma_start3A] : memref<2x2x10112x16xf32, #tpu.memory_space<hbm>> -> memref<1x1x632x16xf32, #tpu.memory_space<hbm>>
      %dma_start3A_22 = tpu.memref_squeeze %dma_start3A_21 : memref<1x1x632x16xf32, #tpu.memory_space<hbm>> -> memref<632x16xf32, #tpu.memory_space<hbm>>
      %dma_start3A_23 = arith.constant 0 : i32
      %dma_start3A_24 = tpu.memref_slice %arg11[%mul3A_16, %dma_start3A_23] : memref<10112x16xf32, #tpu.memory_space<vmem_shared>> -> memref<632x16xf32, #tpu.memory_space<vmem_shared>>
      tpu.enqueue_dma source(%dma_start3A_24 : memref<632x16xf32, #tpu.memory_space<vmem_shared>>) target(%dma_start3A_22 : memref<632x16xf32, #tpu.memory_space<hbm>>) target_semaphore(%run_scoped3A_20 : memref<!tpu.dma_semaphore, #tpu.memory_space<semaphore_mem>>)
      %dma_wait3A = arith.constant 0 : i32
      %dma_wait3A_25 = tpu.memref_slice %arg6[%arg0, %run_scoped3A_19, %mul3A_18, %dma_wait3A] : memref<2x2x10112x16xf32, #tpu.memory_space<hbm>> -> memref<1x1x632x16xf32, #tpu.memory_space<hbm>>
      %dma_wait3A_26 = tpu.memref_squeeze %dma_wait3A_25 : memref<1x1x632x16xf32, #tpu.memory_space<hbm>> -> memref<632x16xf32, #tpu.memory_space<hbm>>
      %dma_wait3A_27 = arith.constant 0 : i32
      %dma_wait3A_28 = tpu.memref_slice %arg11[%mul3A_16, %dma_wait3A_27] : memref<10112x16xf32, #tpu.memory_space<vmem_shared>> -> memref<632x16xf32, #tpu.memory_space<vmem_shared>>
      tpu.wait_dma2 semaphore(%run_scoped3A_20 : memref<!tpu.dma_semaphore, #tpu.memory_space<semaphore_mem>>) src(%dma_wait3A_28 : memref<632x16xf32, #tpu.memory_space<vmem_shared>>) dst(%dma_wait3A_26 : memref<632x16xf32, #tpu.memory_space<hbm>>)
      tpu.yield
    }) : () -> ()
    return
  }
}

#map = affine_map<(d0, d1) -> (0, 0)>
#map1 = affine_map<(d0, d1) -> (0, 0, 0)>
module attributes {stable_mosaic.version = 14 : i64} {
  func.func @_sc_scatter_body(%arg0: i32, %arg1: i32, %arg2: memref<10112x64xf32, #tpu.memory_space<hbm>>, %arg3: memref<32x82x128xi32, #tpu.memory_space<hbm>>, %arg4: memref<32x82x128xi32, #tpu.memory_space<hbm>>, %arg5: memref<632x64xf32, #tpu.memory_space<hbm>>, %arg6: memref<2x10112x64xf32, #tpu.memory_space<hbm>>, %arg7: memref<82x128xi32, #tpu.memory_space<vmem>>, %arg8: memref<82x128xi32, #tpu.memory_space<vmem>>, %arg9: memref<128x64xf32, #tpu.memory_space<vmem>>, %arg10: memref<128x64xf32, #tpu.memory_space<vmem>>, %arg11: memref<10112x64xf32, #tpu.memory_space<vmem_shared>>, %arg12: memref<!tpu.dma_semaphore, #tpu.memory_space<semaphore_mem>>, %arg13: memref<!tpu.dma_semaphore, #tpu.memory_space<semaphore_mem>>) attributes {dimension_semantics = [#tpu.dimension_semantics<core_parallel>, #tpu.dimension_semantics<subcore_parallel>], iteration_bounds = array<i64: 2, 16>, scalar_prefetch = 0 : i64, scratch_operands = 7 : i64, tpu.core_type = #tpu.core_type<sc_vector_subcore>, window_params = [{transform_indices = #map}, {transform_indices = #map1}, {transform_indices = #map1}, {transform_indices = #map}, {transform_indices = #map1}]} {
    %mul3A = arith.constant 16 : i32
    %mul3A_0 = arith.muli %arg0, %mul3A : i32
    %add3A = arith.addi %mul3A_0, %arg1 : i32
    %mul3A_1 = arith.constant 632 : i32
    %mul3A_2 = arith.muli %arg1, %mul3A_1 : i32
    "tpu.region"() ({
      %run_scoped3A = tpu.sem_alloc : memref<!tpu.dma_semaphore, #tpu.memory_space<semaphore_mem>>
      %dma_start3A_37 = arith.constant 0 : i32
      %dma_start3A_38 = tpu.memref_slice %arg11[%mul3A_2, %dma_start3A_37] : memref<10112x64xf32, #tpu.memory_space<vmem_shared>> -> memref<632x64xf32, #tpu.memory_space<vmem_shared>>
      tpu.enqueue_dma source(%arg5 : memref<632x64xf32, #tpu.memory_space<hbm>>) target(%dma_start3A_38 : memref<632x64xf32, #tpu.memory_space<vmem_shared>>) target_semaphore(%run_scoped3A : memref<!tpu.dma_semaphore, #tpu.memory_space<semaphore_mem>>)
      %dma_wait3A_39 = arith.constant 0 : i32
      %dma_wait3A_40 = tpu.memref_slice %arg11[%mul3A_2, %dma_wait3A_39] : memref<10112x64xf32, #tpu.memory_space<vmem_shared>> -> memref<632x64xf32, #tpu.memory_space<vmem_shared>>
      tpu.wait_dma2 semaphore(%run_scoped3A : memref<!tpu.dma_semaphore, #tpu.memory_space<semaphore_mem>>) src(%arg5 : memref<632x64xf32, #tpu.memory_space<hbm>>) dst(%dma_wait3A_40 : memref<632x64xf32, #tpu.memory_space<vmem_shared>>)
      tpu.yield
    }) : () -> ()
    "tpu.region"() ({
      %run_scoped3A = tpu.sem_alloc : memref<!tpu.dma_semaphore, #tpu.memory_space<semaphore_mem>>
      %dma_start3A_37 = arith.constant 0 : i32
      %dma_start3A_38 = arith.constant 0 : i32
      %dma_start3A_39 = tpu.memref_slice %arg3[%add3A, %dma_start3A_37, %dma_start3A_38] : memref<32x82x128xi32, #tpu.memory_space<hbm>> -> memref<1x82x128xi32, #tpu.memory_space<hbm>>
      %dma_start3A_40 = tpu.memref_squeeze %dma_start3A_39 : memref<1x82x128xi32, #tpu.memory_space<hbm>> -> memref<82x128xi32, #tpu.memory_space<hbm>>
      %dma_start3A_41 = arith.constant 0 : i32
      %dma_start3A_42 = arith.constant 0 : i32
      %dma_start3A_43 = tpu.memref_slice %arg3[%add3A, %dma_start3A_41, %dma_start3A_42] : memref<32x82x128xi32, #tpu.memory_space<hbm>> -> memref<1x82x128xi32, #tpu.memory_space<hbm>>
      %dma_start3A_44 = tpu.memref_squeeze %dma_start3A_43 : memref<1x82x128xi32, #tpu.memory_space<hbm>> -> memref<82x128xi32, #tpu.memory_space<hbm>>
      tpu.enqueue_dma source(%dma_start3A_44 : memref<82x128xi32, #tpu.memory_space<hbm>>) target(%arg7 : memref<82x128xi32, #tpu.memory_space<vmem>>) target_semaphore(%run_scoped3A : memref<!tpu.dma_semaphore, #tpu.memory_space<semaphore_mem>>)
      %dma_wait3A_45 = arith.constant 0 : i32
      %dma_wait3A_46 = arith.constant 0 : i32
      %dma_wait3A_47 = tpu.memref_slice %arg3[%add3A, %dma_wait3A_45, %dma_wait3A_46] : memref<32x82x128xi32, #tpu.memory_space<hbm>> -> memref<1x82x128xi32, #tpu.memory_space<hbm>>
      %dma_wait3A_48 = tpu.memref_squeeze %dma_wait3A_47 : memref<1x82x128xi32, #tpu.memory_space<hbm>> -> memref<82x128xi32, #tpu.memory_space<hbm>>
      %dma_wait3A_49 = arith.constant 0 : i32
      %dma_wait3A_50 = arith.constant 0 : i32
      %dma_wait3A_51 = tpu.memref_slice %arg3[%add3A, %dma_wait3A_49, %dma_wait3A_50] : memref<32x82x128xi32, #tpu.memory_space<hbm>> -> memref<1x82x128xi32, #tpu.memory_space<hbm>>
      %dma_wait3A_52 = tpu.memref_squeeze %dma_wait3A_51 : memref<1x82x128xi32, #tpu.memory_space<hbm>> -> memref<82x128xi32, #tpu.memory_space<hbm>>
      tpu.wait_dma2 semaphore(%run_scoped3A : memref<!tpu.dma_semaphore, #tpu.memory_space<semaphore_mem>>) src(%dma_wait3A_52 : memref<82x128xi32, #tpu.memory_space<hbm>>) dst(%arg7 : memref<82x128xi32, #tpu.memory_space<vmem>>)
      tpu.yield
    }) : () -> ()
    "tpu.region"() ({
      %run_scoped3A = tpu.sem_alloc : memref<!tpu.dma_semaphore, #tpu.memory_space<semaphore_mem>>
      %dma_start3A_37 = arith.constant 0 : i32
      %dma_start3A_38 = arith.constant 0 : i32
      %dma_start3A_39 = tpu.memref_slice %arg4[%add3A, %dma_start3A_37, %dma_start3A_38] : memref<32x82x128xi32, #tpu.memory_space<hbm>> -> memref<1x82x128xi32, #tpu.memory_space<hbm>>
      %dma_start3A_40 = tpu.memref_squeeze %dma_start3A_39 : memref<1x82x128xi32, #tpu.memory_space<hbm>> -> memref<82x128xi32, #tpu.memory_space<hbm>>
      %dma_start3A_41 = arith.constant 0 : i32
      %dma_start3A_42 = arith.constant 0 : i32
      %dma_start3A_43 = tpu.memref_slice %arg4[%add3A, %dma_start3A_41, %dma_start3A_42] : memref<32x82x128xi32, #tpu.memory_space<hbm>> -> memref<1x82x128xi32, #tpu.memory_space<hbm>>
      %dma_start3A_44 = tpu.memref_squeeze %dma_start3A_43 : memref<1x82x128xi32, #tpu.memory_space<hbm>> -> memref<82x128xi32, #tpu.memory_space<hbm>>
      tpu.enqueue_dma source(%dma_start3A_44 : memref<82x128xi32, #tpu.memory_space<hbm>>) target(%arg8 : memref<82x128xi32, #tpu.memory_space<vmem>>) target_semaphore(%run_scoped3A : memref<!tpu.dma_semaphore, #tpu.memory_space<semaphore_mem>>)
      %dma_wait3A_45 = arith.constant 0 : i32
      %dma_wait3A_46 = arith.constant 0 : i32
      %dma_wait3A_47 = tpu.memref_slice %arg4[%add3A, %dma_wait3A_45, %dma_wait3A_46] : memref<32x82x128xi32, #tpu.memory_space<hbm>> -> memref<1x82x128xi32, #tpu.memory_space<hbm>>
      %dma_wait3A_48 = tpu.memref_squeeze %dma_wait3A_47 : memref<1x82x128xi32, #tpu.memory_space<hbm>> -> memref<82x128xi32, #tpu.memory_space<hbm>>
      %dma_wait3A_49 = arith.constant 0 : i32
      %dma_wait3A_50 = arith.constant 0 : i32
      %dma_wait3A_51 = tpu.memref_slice %arg4[%add3A, %dma_wait3A_49, %dma_wait3A_50] : memref<32x82x128xi32, #tpu.memory_space<hbm>> -> memref<1x82x128xi32, #tpu.memory_space<hbm>>
      %dma_wait3A_52 = tpu.memref_squeeze %dma_wait3A_51 : memref<1x82x128xi32, #tpu.memory_space<hbm>> -> memref<82x128xi32, #tpu.memory_space<hbm>>
      tpu.wait_dma2 semaphore(%run_scoped3A : memref<!tpu.dma_semaphore, #tpu.memory_space<semaphore_mem>>) src(%dma_wait3A_52 : memref<82x128xi32, #tpu.memory_space<hbm>>) dst(%arg8 : memref<82x128xi32, #tpu.memory_space<vmem>>)
      tpu.yield
    }) : () -> ()
    %barrier3A = arith.constant 0 : index
    tpu.barrier barrier_id(%barrier3A)
    %dma_start3A = arith.constant 0 : i32
    %dma_start3A_3 = arith.constant 0 : i32
    %dma_start3A_4 = tpu.memref_slice %arg7[%dma_start3A, %dma_start3A_3] : memref<82x128xi32, #tpu.memory_space<vmem>> -> memref<1x128xi32, #tpu.memory_space<vmem>>
    %dma_start3A_5 = tpu.memref_squeeze %dma_start3A_4 : memref<1x128xi32, #tpu.memory_space<vmem>> -> memref<128xi32, #tpu.memory_space<vmem>>
    %dma_start3A_6 = arith.constant 0 : i32
    %dma_start3A_7 = arith.constant 0 : i32
    %dma_start3A_8 = tpu.memref_slice %arg2[%dma_start3A_6, %dma_start3A_7] : memref<10112x64xf32, #tpu.memory_space<hbm>> -> memref<10112x64xf32, #tpu.memory_space<hbm>>
    tpu.enqueue_indirect_dma source(%dma_start3A_8 : memref<10112x64xf32, #tpu.memory_space<hbm>>) target(%arg9 : memref<128x64xf32, #tpu.memory_space<vmem>>) offsets(%dma_start3A_5 : memref<128xi32, #tpu.memory_space<vmem>>) semaphore(%arg12 : memref<!tpu.dma_semaphore, #tpu.memory_space<semaphore_mem>>)
    %dma_start3A_9 = arith.constant 1 : i32
    %dma_start3A_10 = arith.constant 0 : i32
    %dma_start3A_11 = tpu.memref_slice %arg7[%dma_start3A_9, %dma_start3A_10] : memref<82x128xi32, #tpu.memory_space<vmem>> -> memref<1x128xi32, #tpu.memory_space<vmem>>
    %dma_start3A_12 = tpu.memref_squeeze %dma_start3A_11 : memref<1x128xi32, #tpu.memory_space<vmem>> -> memref<128xi32, #tpu.memory_space<vmem>>
    %dma_start3A_13 = arith.constant 0 : i32
    %dma_start3A_14 = arith.constant 0 : i32
    %dma_start3A_15 = tpu.memref_slice %arg2[%dma_start3A_13, %dma_start3A_14] : memref<10112x64xf32, #tpu.memory_space<hbm>> -> memref<10112x64xf32, #tpu.memory_space<hbm>>
    tpu.enqueue_indirect_dma source(%dma_start3A_15 : memref<10112x64xf32, #tpu.memory_space<hbm>>) target(%arg10 : memref<128x64xf32, #tpu.memory_space<vmem>>) offsets(%dma_start3A_12 : memref<128xi32, #tpu.memory_space<vmem>>) semaphore(%arg13 : memref<!tpu.dma_semaphore, #tpu.memory_space<semaphore_mem>>)
    %scan3A = arith.constant 0 : i32
    %scan3A_16 = arith.constant 0 : i32
    %scan3A_17 = arith.constant 40 : i32
    %scan3A_18 = arith.addi %scan3A_16, %scan3A_17 : i32
    %scan3A_19 = arith.constant 1 : i32
    scf.for %scan3A_37 = %scan3A_16 to %scan3A_18 step %scan3A_19  : i32 {
      %mul3A_38 = arith.constant 2 : i32
      %mul3A_39 = arith.muli %scan3A_37, %mul3A_38 : i32
      %add3A_40 = arith.constant 0 : i32
      %add3A_41 = arith.addi %mul3A_39, %add3A_40 : i32
      %dma_wait3A_42 = arith.constant 0 : i32
      %dma_wait3A_43 = arith.constant 0 : i32
      %dma_wait3A_44 = tpu.memref_slice %arg2[%dma_wait3A_42, %dma_wait3A_43] : memref<10112x64xf32, #tpu.memory_space<hbm>> -> memref<128x64xf32, #tpu.memory_space<hbm>>
      %dma_wait3A_45 = arith.constant 0 : i32
      %dma_wait3A_46 = arith.constant 0 : i32
      %dma_wait3A_47 = tpu.memref_slice %arg2[%dma_wait3A_45, %dma_wait3A_46] : memref<10112x64xf32, #tpu.memory_space<hbm>> -> memref<128x64xf32, #tpu.memory_space<hbm>>
      tpu.wait_dma2 semaphore(%arg12 : memref<!tpu.dma_semaphore, #tpu.memory_space<semaphore_mem>>) src(%dma_wait3A_47 : memref<128x64xf32, #tpu.memory_space<hbm>>) dst(%arg9 : memref<128x64xf32, #tpu.memory_space<vmem>>)
      "tpu.region"() ({
        %run_scoped3A = tpu.sem_alloc : memref<!tpu.dma_semaphore, #tpu.memory_space<semaphore_mem>>
        %dma_start3A_72 = arith.constant 0 : i32
        %dma_start3A_73 = tpu.memref_slice %arg8[%add3A_41, %dma_start3A_72] : memref<82x128xi32, #tpu.memory_space<vmem>> -> memref<1x128xi32, #tpu.memory_space<vmem>>
        %dma_start3A_74 = tpu.memref_squeeze %dma_start3A_73 : memref<1x128xi32, #tpu.memory_space<vmem>> -> memref<128xi32, #tpu.memory_space<vmem>>
        %dma_start3A_75 = arith.constant 0 : i32
        %dma_start3A_76 = arith.constant 0 : i32
        %dma_start3A_77 = tpu.memref_slice %arg11[%dma_start3A_75, %dma_start3A_76] : memref<10112x64xf32, #tpu.memory_space<vmem_shared>> -> memref<10112x64xf32, #tpu.memory_space<vmem_shared>>
        tpu.enqueue_indirect_dma source(%arg9 : memref<128x64xf32, #tpu.memory_space<vmem>>) target(%dma_start3A_77 : memref<10112x64xf32, #tpu.memory_space<vmem_shared>>) offsets(%dma_start3A_74 : memref<128xi32, #tpu.memory_space<vmem>>) semaphore(%run_scoped3A : memref<!tpu.dma_semaphore, #tpu.memory_space<semaphore_mem>>) {add = true}
        %dma_wait3A_78 = arith.constant 0 : i32
        %dma_wait3A_79 = tpu.memref_slice %arg8[%add3A_41, %dma_wait3A_78] : memref<82x128xi32, #tpu.memory_space<vmem>> -> memref<1x128xi32, #tpu.memory_space<vmem>>
        %dma_wait3A_80 = tpu.memref_squeeze %dma_wait3A_79 : memref<1x128xi32, #tpu.memory_space<vmem>> -> memref<128xi32, #tpu.memory_space<vmem>>
        %dma_wait3A_81 = arith.constant 0 : i32
        %dma_wait3A_82 = arith.constant 0 : i32
        %dma_wait3A_83 = tpu.memref_slice %arg11[%dma_wait3A_81, %dma_wait3A_82] : memref<10112x64xf32, #tpu.memory_space<vmem_shared>> -> memref<10112x64xf32, #tpu.memory_space<vmem_shared>>
        tpu.wait_indirect_dma semaphore(%run_scoped3A : memref<!tpu.dma_semaphore, #tpu.memory_space<semaphore_mem>>) src(%arg9 : memref<128x64xf32, #tpu.memory_space<vmem>>) dst(%dma_wait3A_83 : memref<10112x64xf32, #tpu.memory_space<vmem_shared>>)
        tpu.yield
      }) : () -> ()
      %add3A_48 = arith.constant 2 : i32
      %add3A_49 = arith.addi %add3A_41, %add3A_48 : i32
      %dma_start3A_50 = arith.constant 0 : i32
      %dma_start3A_51 = tpu.memref_slice %arg7[%add3A_49, %dma_start3A_50] : memref<82x128xi32, #tpu.memory_space<vmem>> -> memref<1x128xi32, #tpu.memory_space<vmem>>
      %dma_start3A_52 = tpu.memref_squeeze %dma_start3A_51 : memref<1x128xi32, #tpu.memory_space<vmem>> -> memref<128xi32, #tpu.memory_space<vmem>>
      %dma_start3A_53 = arith.constant 0 : i32
      %dma_start3A_54 = arith.constant 0 : i32
      %dma_start3A_55 = tpu.memref_slice %arg2[%dma_start3A_53, %dma_start3A_54] : memref<10112x64xf32, #tpu.memory_space<hbm>> -> memref<10112x64xf32, #tpu.memory_space<hbm>>
      tpu.enqueue_indirect_dma source(%dma_start3A_55 : memref<10112x64xf32, #tpu.memory_space<hbm>>) target(%arg9 : memref<128x64xf32, #tpu.memory_space<vmem>>) offsets(%dma_start3A_52 : memref<128xi32, #tpu.memory_space<vmem>>) semaphore(%arg12 : memref<!tpu.dma_semaphore, #tpu.memory_space<semaphore_mem>>)
      %add3A_56 = arith.constant 1 : i32
      %add3A_57 = arith.addi %mul3A_39, %add3A_56 : i32
      %dma_wait3A_58 = arith.constant 0 : i32
      %dma_wait3A_59 = arith.constant 0 : i32
      %dma_wait3A_60 = tpu.memref_slice %arg2[%dma_wait3A_58, %dma_wait3A_59] : memref<10112x64xf32, #tpu.memory_space<hbm>> -> memref<128x64xf32, #tpu.memory_space<hbm>>
      %dma_wait3A_61 = arith.constant 0 : i32
      %dma_wait3A_62 = arith.constant 0 : i32
      %dma_wait3A_63 = tpu.memref_slice %arg2[%dma_wait3A_61, %dma_wait3A_62] : memref<10112x64xf32, #tpu.memory_space<hbm>> -> memref<128x64xf32, #tpu.memory_space<hbm>>
      tpu.wait_dma2 semaphore(%arg13 : memref<!tpu.dma_semaphore, #tpu.memory_space<semaphore_mem>>) src(%dma_wait3A_63 : memref<128x64xf32, #tpu.memory_space<hbm>>) dst(%arg10 : memref<128x64xf32, #tpu.memory_space<vmem>>)
      "tpu.region"() ({
        %run_scoped3A = tpu.sem_alloc : memref<!tpu.dma_semaphore, #tpu.memory_space<semaphore_mem>>
        %dma_start3A_72 = arith.constant 0 : i32
        %dma_start3A_73 = tpu.memref_slice %arg8[%add3A_57, %dma_start3A_72] : memref<82x128xi32, #tpu.memory_space<vmem>> -> memref<1x128xi32, #tpu.memory_space<vmem>>
        %dma_start3A_74 = tpu.memref_squeeze %dma_start3A_73 : memref<1x128xi32, #tpu.memory_space<vmem>> -> memref<128xi32, #tpu.memory_space<vmem>>
        %dma_start3A_75 = arith.constant 0 : i32
        %dma_start3A_76 = arith.constant 0 : i32
        %dma_start3A_77 = tpu.memref_slice %arg11[%dma_start3A_75, %dma_start3A_76] : memref<10112x64xf32, #tpu.memory_space<vmem_shared>> -> memref<10112x64xf32, #tpu.memory_space<vmem_shared>>
        tpu.enqueue_indirect_dma source(%arg10 : memref<128x64xf32, #tpu.memory_space<vmem>>) target(%dma_start3A_77 : memref<10112x64xf32, #tpu.memory_space<vmem_shared>>) offsets(%dma_start3A_74 : memref<128xi32, #tpu.memory_space<vmem>>) semaphore(%run_scoped3A : memref<!tpu.dma_semaphore, #tpu.memory_space<semaphore_mem>>) {add = true}
        %dma_wait3A_78 = arith.constant 0 : i32
        %dma_wait3A_79 = tpu.memref_slice %arg8[%add3A_57, %dma_wait3A_78] : memref<82x128xi32, #tpu.memory_space<vmem>> -> memref<1x128xi32, #tpu.memory_space<vmem>>
        %dma_wait3A_80 = tpu.memref_squeeze %dma_wait3A_79 : memref<1x128xi32, #tpu.memory_space<vmem>> -> memref<128xi32, #tpu.memory_space<vmem>>
        %dma_wait3A_81 = arith.constant 0 : i32
        %dma_wait3A_82 = arith.constant 0 : i32
        %dma_wait3A_83 = tpu.memref_slice %arg11[%dma_wait3A_81, %dma_wait3A_82] : memref<10112x64xf32, #tpu.memory_space<vmem_shared>> -> memref<10112x64xf32, #tpu.memory_space<vmem_shared>>
        tpu.wait_indirect_dma semaphore(%run_scoped3A : memref<!tpu.dma_semaphore, #tpu.memory_space<semaphore_mem>>) src(%arg10 : memref<128x64xf32, #tpu.memory_space<vmem>>) dst(%dma_wait3A_83 : memref<10112x64xf32, #tpu.memory_space<vmem_shared>>)
        tpu.yield
      }) : () -> ()
      %add3A_64 = arith.constant 2 : i32
      %add3A_65 = arith.addi %add3A_57, %add3A_64 : i32
      %dma_start3A_66 = arith.constant 0 : i32
      %dma_start3A_67 = tpu.memref_slice %arg7[%add3A_65, %dma_start3A_66] : memref<82x128xi32, #tpu.memory_space<vmem>> -> memref<1x128xi32, #tpu.memory_space<vmem>>
      %dma_start3A_68 = tpu.memref_squeeze %dma_start3A_67 : memref<1x128xi32, #tpu.memory_space<vmem>> -> memref<128xi32, #tpu.memory_space<vmem>>
      %dma_start3A_69 = arith.constant 0 : i32
      %dma_start3A_70 = arith.constant 0 : i32
      %dma_start3A_71 = tpu.memref_slice %arg2[%dma_start3A_69, %dma_start3A_70] : memref<10112x64xf32, #tpu.memory_space<hbm>> -> memref<10112x64xf32, #tpu.memory_space<hbm>>
      tpu.enqueue_indirect_dma source(%dma_start3A_71 : memref<10112x64xf32, #tpu.memory_space<hbm>>) target(%arg10 : memref<128x64xf32, #tpu.memory_space<vmem>>) offsets(%dma_start3A_68 : memref<128xi32, #tpu.memory_space<vmem>>) semaphore(%arg13 : memref<!tpu.dma_semaphore, #tpu.memory_space<semaphore_mem>>)
    }
    %scan3A_20 = arith.constant 40 : i32
    %dma_wait3A = arith.constant 0 : i32
    %dma_wait3A_21 = arith.constant 0 : i32
    %dma_wait3A_22 = tpu.memref_slice %arg2[%dma_wait3A, %dma_wait3A_21] : memref<10112x64xf32, #tpu.memory_space<hbm>> -> memref<128x64xf32, #tpu.memory_space<hbm>>
    %dma_wait3A_23 = arith.constant 0 : i32
    %dma_wait3A_24 = arith.constant 0 : i32
    %dma_wait3A_25 = tpu.memref_slice %arg2[%dma_wait3A_23, %dma_wait3A_24] : memref<10112x64xf32, #tpu.memory_space<hbm>> -> memref<128x64xf32, #tpu.memory_space<hbm>>
    tpu.wait_dma2 semaphore(%arg12 : memref<!tpu.dma_semaphore, #tpu.memory_space<semaphore_mem>>) src(%dma_wait3A_25 : memref<128x64xf32, #tpu.memory_space<hbm>>) dst(%arg9 : memref<128x64xf32, #tpu.memory_space<vmem>>)
    %dma_wait3A_26 = arith.constant 0 : i32
    %dma_wait3A_27 = arith.constant 0 : i32
    %dma_wait3A_28 = tpu.memref_slice %arg2[%dma_wait3A_26, %dma_wait3A_27] : memref<10112x64xf32, #tpu.memory_space<hbm>> -> memref<128x64xf32, #tpu.memory_space<hbm>>
    %dma_wait3A_29 = arith.constant 0 : i32
    %dma_wait3A_30 = arith.constant 0 : i32
    %dma_wait3A_31 = tpu.memref_slice %arg2[%dma_wait3A_29, %dma_wait3A_30] : memref<10112x64xf32, #tpu.memory_space<hbm>> -> memref<128x64xf32, #tpu.memory_space<hbm>>
    tpu.wait_dma2 semaphore(%arg13 : memref<!tpu.dma_semaphore, #tpu.memory_space<semaphore_mem>>) src(%dma_wait3A_31 : memref<128x64xf32, #tpu.memory_space<hbm>>) dst(%arg10 : memref<128x64xf32, #tpu.memory_space<vmem>>)
    %barrier3A_32 = arith.constant 0 : index
    tpu.barrier barrier_id(%barrier3A_32)
    %mul3A_33 = arith.constant 632 : i32
    %mul3A_34 = arith.muli %arg1, %mul3A_33 : i32
    %mul3A_35 = arith.constant 632 : i32
    %mul3A_36 = arith.muli %arg1, %mul3A_35 : i32
    "tpu.region"() ({
      %run_scoped3A = tpu.sem_alloc : memref<!tpu.dma_semaphore, #tpu.memory_space<semaphore_mem>>
      %dma_start3A_37 = arith.constant 0 : i32
      %dma_start3A_38 = tpu.memref_slice %arg6[%arg0, %mul3A_36, %dma_start3A_37] : memref<2x10112x64xf32, #tpu.memory_space<hbm>> -> memref<1x632x64xf32, #tpu.memory_space<hbm>>
      %dma_start3A_39 = tpu.memref_squeeze %dma_start3A_38 : memref<1x632x64xf32, #tpu.memory_space<hbm>> -> memref<632x64xf32, #tpu.memory_space<hbm>>
      %dma_start3A_40 = arith.constant 0 : i32
      %dma_start3A_41 = tpu.memref_slice %arg11[%mul3A_34, %dma_start3A_40] : memref<10112x64xf32, #tpu.memory_space<vmem_shared>> -> memref<632x64xf32, #tpu.memory_space<vmem_shared>>
      tpu.enqueue_dma source(%dma_start3A_41 : memref<632x64xf32, #tpu.memory_space<vmem_shared>>) target(%dma_start3A_39 : memref<632x64xf32, #tpu.memory_space<hbm>>) target_semaphore(%run_scoped3A : memref<!tpu.dma_semaphore, #tpu.memory_space<semaphore_mem>>)
      %dma_wait3A_42 = arith.constant 0 : i32
      %dma_wait3A_43 = tpu.memref_slice %arg6[%arg0, %mul3A_36, %dma_wait3A_42] : memref<2x10112x64xf32, #tpu.memory_space<hbm>> -> memref<1x632x64xf32, #tpu.memory_space<hbm>>
      %dma_wait3A_44 = tpu.memref_squeeze %dma_wait3A_43 : memref<1x632x64xf32, #tpu.memory_space<hbm>> -> memref<632x64xf32, #tpu.memory_space<hbm>>
      %dma_wait3A_45 = arith.constant 0 : i32
      %dma_wait3A_46 = tpu.memref_slice %arg11[%mul3A_34, %dma_wait3A_45] : memref<10112x64xf32, #tpu.memory_space<vmem_shared>> -> memref<632x64xf32, #tpu.memory_space<vmem_shared>>
      tpu.wait_dma2 semaphore(%run_scoped3A : memref<!tpu.dma_semaphore, #tpu.memory_space<semaphore_mem>>) src(%dma_wait3A_46 : memref<632x64xf32, #tpu.memory_space<vmem_shared>>) dst(%dma_wait3A_44 : memref<632x64xf32, #tpu.memory_space<hbm>>)
      tpu.yield
    }) : () -> ()
    return
  }
}

#map = affine_map<(d0, d1) -> (0, 0)>
#map1 = affine_map<(d0, d1) -> (0, 0, 0)>
module attributes {stable_mosaic.version = 14 : i64} {
  func.func @_sc_scatter_body(%arg0: i32, %arg1: i32, %arg2: memref<10112x64xf32, #tpu.memory_space<hbm>>, %arg3: memref<32x82x128xi32, #tpu.memory_space<hbm>>, %arg4: memref<32x82x128xi32, #tpu.memory_space<hbm>>, %arg5: memref<632x64xf32, #tpu.memory_space<hbm>>, %arg6: memref<2x10112x64xf32, #tpu.memory_space<hbm>>, %arg7: memref<82x128xi32, #tpu.memory_space<vmem>>, %arg8: memref<82x128xi32, #tpu.memory_space<vmem>>, %arg9: memref<128x64xf32, #tpu.memory_space<vmem>>, %arg10: memref<128x64xf32, #tpu.memory_space<vmem>>, %arg11: memref<10112x64xf32, #tpu.memory_space<vmem_shared>>, %arg12: memref<!tpu.dma_semaphore, #tpu.memory_space<semaphore_mem>>, %arg13: memref<!tpu.dma_semaphore, #tpu.memory_space<semaphore_mem>>) attributes {dimension_semantics = [#tpu.dimension_semantics<core_parallel>, #tpu.dimension_semantics<subcore_parallel>], iteration_bounds = array<i64: 2, 16>, scalar_prefetch = 0 : i64, scratch_operands = 7 : i64, tpu.core_type = #tpu.core_type<sc_vector_subcore>, window_params = [{transform_indices = #map}, {transform_indices = #map1}, {transform_indices = #map1}, {transform_indices = #map}, {transform_indices = #map1}]} {
    %mul3A = arith.constant 16 : i32
    %mul3A_0 = arith.muli %arg0, %mul3A : i32
    %add3A = arith.addi %mul3A_0, %arg1 : i32
    %mul3A_1 = arith.constant 632 : i32
    %mul3A_2 = arith.muli %arg1, %mul3A_1 : i32
    "tpu.region"() ({
      %run_scoped3A = tpu.sem_alloc : memref<!tpu.dma_semaphore, #tpu.memory_space<semaphore_mem>>
      %dma_start3A_37 = arith.constant 0 : i32
      %dma_start3A_38 = tpu.memref_slice %arg11[%mul3A_2, %dma_start3A_37] : memref<10112x64xf32, #tpu.memory_space<vmem_shared>> -> memref<632x64xf32, #tpu.memory_space<vmem_shared>>
      tpu.enqueue_dma source(%arg5 : memref<632x64xf32, #tpu.memory_space<hbm>>) target(%dma_start3A_38 : memref<632x64xf32, #tpu.memory_space<vmem_shared>>) target_semaphore(%run_scoped3A : memref<!tpu.dma_semaphore, #tpu.memory_space<semaphore_mem>>)
      %dma_wait3A_39 = arith.constant 0 : i32
      %dma_wait3A_40 = tpu.memref_slice %arg11[%mul3A_2, %dma_wait3A_39] : memref<10112x64xf32, #tpu.memory_space<vmem_shared>> -> memref<632x64xf32, #tpu.memory_space<vmem_shared>>
      tpu.wait_dma2 semaphore(%run_scoped3A : memref<!tpu.dma_semaphore, #tpu.memory_space<semaphore_mem>>) src(%arg5 : memref<632x64xf32, #tpu.memory_space<hbm>>) dst(%dma_wait3A_40 : memref<632x64xf32, #tpu.memory_space<vmem_shared>>)
      tpu.yield
    }) : () -> ()
    "tpu.region"() ({
      %run_scoped3A = tpu.sem_alloc : memref<!tpu.dma_semaphore, #tpu.memory_space<semaphore_mem>>
      %dma_start3A_37 = arith.constant 0 : i32
      %dma_start3A_38 = arith.constant 0 : i32
      %dma_start3A_39 = tpu.memref_slice %arg3[%add3A, %dma_start3A_37, %dma_start3A_38] : memref<32x82x128xi32, #tpu.memory_space<hbm>> -> memref<1x82x128xi32, #tpu.memory_space<hbm>>
      %dma_start3A_40 = tpu.memref_squeeze %dma_start3A_39 : memref<1x82x128xi32, #tpu.memory_space<hbm>> -> memref<82x128xi32, #tpu.memory_space<hbm>>
      %dma_start3A_41 = arith.constant 0 : i32
      %dma_start3A_42 = arith.constant 0 : i32
      %dma_start3A_43 = tpu.memref_slice %arg3[%add3A, %dma_start3A_41, %dma_start3A_42] : memref<32x82x128xi32, #tpu.memory_space<hbm>> -> memref<1x82x128xi32, #tpu.memory_space<hbm>>
      %dma_start3A_44 = tpu.memref_squeeze %dma_start3A_43 : memref<1x82x128xi32, #tpu.memory_space<hbm>> -> memref<82x128xi32, #tpu.memory_space<hbm>>
      tpu.enqueue_dma source(%dma_start3A_44 : memref<82x128xi32, #tpu.memory_space<hbm>>) target(%arg7 : memref<82x128xi32, #tpu.memory_space<vmem>>) target_semaphore(%run_scoped3A : memref<!tpu.dma_semaphore, #tpu.memory_space<semaphore_mem>>)
      %dma_wait3A_45 = arith.constant 0 : i32
      %dma_wait3A_46 = arith.constant 0 : i32
      %dma_wait3A_47 = tpu.memref_slice %arg3[%add3A, %dma_wait3A_45, %dma_wait3A_46] : memref<32x82x128xi32, #tpu.memory_space<hbm>> -> memref<1x82x128xi32, #tpu.memory_space<hbm>>
      %dma_wait3A_48 = tpu.memref_squeeze %dma_wait3A_47 : memref<1x82x128xi32, #tpu.memory_space<hbm>> -> memref<82x128xi32, #tpu.memory_space<hbm>>
      %dma_wait3A_49 = arith.constant 0 : i32
      %dma_wait3A_50 = arith.constant 0 : i32
      %dma_wait3A_51 = tpu.memref_slice %arg3[%add3A, %dma_wait3A_49, %dma_wait3A_50] : memref<32x82x128xi32, #tpu.memory_space<hbm>> -> memref<1x82x128xi32, #tpu.memory_space<hbm>>
      %dma_wait3A_52 = tpu.memref_squeeze %dma_wait3A_51 : memref<1x82x128xi32, #tpu.memory_space<hbm>> -> memref<82x128xi32, #tpu.memory_space<hbm>>
      tpu.wait_dma2 semaphore(%run_scoped3A : memref<!tpu.dma_semaphore, #tpu.memory_space<semaphore_mem>>) src(%dma_wait3A_52 : memref<82x128xi32, #tpu.memory_space<hbm>>) dst(%arg7 : memref<82x128xi32, #tpu.memory_space<vmem>>)
      tpu.yield
    }) : () -> ()
    "tpu.region"() ({
      %run_scoped3A = tpu.sem_alloc : memref<!tpu.dma_semaphore, #tpu.memory_space<semaphore_mem>>
      %dma_start3A_37 = arith.constant 0 : i32
      %dma_start3A_38 = arith.constant 0 : i32
      %dma_start3A_39 = tpu.memref_slice %arg4[%add3A, %dma_start3A_37, %dma_start3A_38] : memref<32x82x128xi32, #tpu.memory_space<hbm>> -> memref<1x82x128xi32, #tpu.memory_space<hbm>>
      %dma_start3A_40 = tpu.memref_squeeze %dma_start3A_39 : memref<1x82x128xi32, #tpu.memory_space<hbm>> -> memref<82x128xi32, #tpu.memory_space<hbm>>
      %dma_start3A_41 = arith.constant 0 : i32
      %dma_start3A_42 = arith.constant 0 : i32
      %dma_start3A_43 = tpu.memref_slice %arg4[%add3A, %dma_start3A_41, %dma_start3A_42] : memref<32x82x128xi32, #tpu.memory_space<hbm>> -> memref<1x82x128xi32, #tpu.memory_space<hbm>>
      %dma_start3A_44 = tpu.memref_squeeze %dma_start3A_43 : memref<1x82x128xi32, #tpu.memory_space<hbm>> -> memref<82x128xi32, #tpu.memory_space<hbm>>
      tpu.enqueue_dma source(%dma_start3A_44 : memref<82x128xi32, #tpu.memory_space<hbm>>) target(%arg8 : memref<82x128xi32, #tpu.memory_space<vmem>>) target_semaphore(%run_scoped3A : memref<!tpu.dma_semaphore, #tpu.memory_space<semaphore_mem>>)
      %dma_wait3A_45 = arith.constant 0 : i32
      %dma_wait3A_46 = arith.constant 0 : i32
      %dma_wait3A_47 = tpu.memref_slice %arg4[%add3A, %dma_wait3A_45, %dma_wait3A_46] : memref<32x82x128xi32, #tpu.memory_space<hbm>> -> memref<1x82x128xi32, #tpu.memory_space<hbm>>
      %dma_wait3A_48 = tpu.memref_squeeze %dma_wait3A_47 : memref<1x82x128xi32, #tpu.memory_space<hbm>> -> memref<82x128xi32, #tpu.memory_space<hbm>>
      %dma_wait3A_49 = arith.constant 0 : i32
      %dma_wait3A_50 = arith.constant 0 : i32
      %dma_wait3A_51 = tpu.memref_slice %arg4[%add3A, %dma_wait3A_49, %dma_wait3A_50] : memref<32x82x128xi32, #tpu.memory_space<hbm>> -> memref<1x82x128xi32, #tpu.memory_space<hbm>>
      %dma_wait3A_52 = tpu.memref_squeeze %dma_wait3A_51 : memref<1x82x128xi32, #tpu.memory_space<hbm>> -> memref<82x128xi32, #tpu.memory_space<hbm>>
      tpu.wait_dma2 semaphore(%run_scoped3A : memref<!tpu.dma_semaphore, #tpu.memory_space<semaphore_mem>>) src(%dma_wait3A_52 : memref<82x128xi32, #tpu.memory_space<hbm>>) dst(%arg8 : memref<82x128xi32, #tpu.memory_space<vmem>>)
      tpu.yield
    }) : () -> ()
    %barrier3A = arith.constant 0 : index
    tpu.barrier barrier_id(%barrier3A)
    %dma_start3A = arith.constant 0 : i32
    %dma_start3A_3 = arith.constant 0 : i32
    %dma_start3A_4 = tpu.memref_slice %arg7[%dma_start3A, %dma_start3A_3] : memref<82x128xi32, #tpu.memory_space<vmem>> -> memref<1x128xi32, #tpu.memory_space<vmem>>
    %dma_start3A_5 = tpu.memref_squeeze %dma_start3A_4 : memref<1x128xi32, #tpu.memory_space<vmem>> -> memref<128xi32, #tpu.memory_space<vmem>>
    %dma_start3A_6 = arith.constant 0 : i32
    %dma_start3A_7 = arith.constant 0 : i32
    %dma_start3A_8 = tpu.memref_slice %arg2[%dma_start3A_6, %dma_start3A_7] : memref<10112x64xf32, #tpu.memory_space<hbm>> -> memref<10112x64xf32, #tpu.memory_space<hbm>>
    tpu.enqueue_indirect_dma source(%dma_start3A_8 : memref<10112x64xf32, #tpu.memory_space<hbm>>) target(%arg9 : memref<128x64xf32, #tpu.memory_space<vmem>>) offsets(%dma_start3A_5 : memref<128xi32, #tpu.memory_space<vmem>>) semaphore(%arg12 : memref<!tpu.dma_semaphore, #tpu.memory_space<semaphore_mem>>)
    %dma_start3A_9 = arith.constant 1 : i32
    %dma_start3A_10 = arith.constant 0 : i32
    %dma_start3A_11 = tpu.memref_slice %arg7[%dma_start3A_9, %dma_start3A_10] : memref<82x128xi32, #tpu.memory_space<vmem>> -> memref<1x128xi32, #tpu.memory_space<vmem>>
    %dma_start3A_12 = tpu.memref_squeeze %dma_start3A_11 : memref<1x128xi32, #tpu.memory_space<vmem>> -> memref<128xi32, #tpu.memory_space<vmem>>
    %dma_start3A_13 = arith.constant 0 : i32
    %dma_start3A_14 = arith.constant 0 : i32
    %dma_start3A_15 = tpu.memref_slice %arg2[%dma_start3A_13, %dma_start3A_14] : memref<10112x64xf32, #tpu.memory_space<hbm>> -> memref<10112x64xf32, #tpu.memory_space<hbm>>
    tpu.enqueue_indirect_dma source(%dma_start3A_15 : memref<10112x64xf32, #tpu.memory_space<hbm>>) target(%arg10 : memref<128x64xf32, #tpu.memory_space<vmem>>) offsets(%dma_start3A_12 : memref<128xi32, #tpu.memory_space<vmem>>) semaphore(%arg13 : memref<!tpu.dma_semaphore, #tpu.memory_space<semaphore_mem>>)
    %scan3A = arith.constant 0 : i32
    %scan3A_16 = arith.constant 0 : i32
    %scan3A_17 = arith.constant 40 : i32
    %scan3A_18 = arith.addi %scan3A_16, %scan3A_17 : i32
    %scan3A_19 = arith.constant 1 : i32
    scf.for %scan3A_37 = %scan3A_16 to %scan3A_18 step %scan3A_19  : i32 {
      %mul3A_38 = arith.constant 2 : i32
      %mul3A_39 = arith.muli %scan3A_37, %mul3A_38 : i32
      %add3A_40 = arith.constant 0 : i32
      %add3A_41 = arith.addi %mul3A_39, %add3A_40 : i32
      %dma_wait3A_42 = arith.constant 0 : i32
      %dma_wait3A_43 = arith.constant 0 : i32
      %dma_wait3A_44 = tpu.memref_slice %arg2[%dma_wait3A_42, %dma_wait3A_43] : memref<10112x64xf32, #tpu.memory_space<hbm>> -> memref<128x64xf32, #tpu.memory_space<hbm>>
      %dma_wait3A_45 = arith.constant 0 : i32
      %dma_wait3A_46 = arith.constant 0 : i32
      %dma_wait3A_47 = tpu.memref_slice %arg2[%dma_wait3A_45, %dma_wait3A_46] : memref<10112x64xf32, #tpu.memory_space<hbm>> -> memref<128x64xf32, #tpu.memory_space<hbm>>
      tpu.wait_dma2 semaphore(%arg12 : memref<!tpu.dma_semaphore, #tpu.memory_space<semaphore_mem>>) src(%dma_wait3A_47 : memref<128x64xf32, #tpu.memory_space<hbm>>) dst(%arg9 : memref<128x64xf32, #tpu.memory_space<vmem>>)
      "tpu.region"() ({
        %run_scoped3A = tpu.sem_alloc : memref<!tpu.dma_semaphore, #tpu.memory_space<semaphore_mem>>
        %dma_start3A_72 = arith.constant 0 : i32
        %dma_start3A_73 = tpu.memref_slice %arg8[%add3A_41, %dma_start3A_72] : memref<82x128xi32, #tpu.memory_space<vmem>> -> memref<1x128xi32, #tpu.memory_space<vmem>>
        %dma_start3A_74 = tpu.memref_squeeze %dma_start3A_73 : memref<1x128xi32, #tpu.memory_space<vmem>> -> memref<128xi32, #tpu.memory_space<vmem>>
        %dma_start3A_75 = arith.constant 0 : i32
        %dma_start3A_76 = arith.constant 0 : i32
        %dma_start3A_77 = tpu.memref_slice %arg11[%dma_start3A_75, %dma_start3A_76] : memref<10112x64xf32, #tpu.memory_space<vmem_shared>> -> memref<10112x64xf32, #tpu.memory_space<vmem_shared>>
        tpu.enqueue_indirect_dma source(%arg9 : memref<128x64xf32, #tpu.memory_space<vmem>>) target(%dma_start3A_77 : memref<10112x64xf32, #tpu.memory_space<vmem_shared>>) offsets(%dma_start3A_74 : memref<128xi32, #tpu.memory_space<vmem>>) semaphore(%run_scoped3A : memref<!tpu.dma_semaphore, #tpu.memory_space<semaphore_mem>>) {add = true}
        %dma_wait3A_78 = arith.constant 0 : i32
        %dma_wait3A_79 = tpu.memref_slice %arg8[%add3A_41, %dma_wait3A_78] : memref<82x128xi32, #tpu.memory_space<vmem>> -> memref<1x128xi32, #tpu.memory_space<vmem>>
        %dma_wait3A_80 = tpu.memref_squeeze %dma_wait3A_79 : memref<1x128xi32, #tpu.memory_space<vmem>> -> memref<128xi32, #tpu.memory_space<vmem>>
        %dma_wait3A_81 = arith.constant 0 : i32
        %dma_wait3A_82 = arith.constant 0 : i32
        %dma_wait3A_83 = tpu.memref_slice %arg11[%dma_wait3A_81, %dma_wait3A_82] : memref<10112x64xf32, #tpu.memory_space<vmem_shared>> -> memref<10112x64xf32, #tpu.memory_space<vmem_shared>>
        tpu.wait_indirect_dma semaphore(%run_scoped3A : memref<!tpu.dma_semaphore, #tpu.memory_space<semaphore_mem>>) src(%arg9 : memref<128x64xf32, #tpu.memory_space<vmem>>) dst(%dma_wait3A_83 : memref<10112x64xf32, #tpu.memory_space<vmem_shared>>)
        tpu.yield
      }) : () -> ()
      %add3A_48 = arith.constant 2 : i32
      %add3A_49 = arith.addi %add3A_41, %add3A_48 : i32
      %dma_start3A_50 = arith.constant 0 : i32
      %dma_start3A_51 = tpu.memref_slice %arg7[%add3A_49, %dma_start3A_50] : memref<82x128xi32, #tpu.memory_space<vmem>> -> memref<1x128xi32, #tpu.memory_space<vmem>>
      %dma_start3A_52 = tpu.memref_squeeze %dma_start3A_51 : memref<1x128xi32, #tpu.memory_space<vmem>> -> memref<128xi32, #tpu.memory_space<vmem>>
      %dma_start3A_53 = arith.constant 0 : i32
      %dma_start3A_54 = arith.constant 0 : i32
      %dma_start3A_55 = tpu.memref_slice %arg2[%dma_start3A_53, %dma_start3A_54] : memref<10112x64xf32, #tpu.memory_space<hbm>> -> memref<10112x64xf32, #tpu.memory_space<hbm>>
      tpu.enqueue_indirect_dma source(%dma_start3A_55 : memref<10112x64xf32, #tpu.memory_space<hbm>>) target(%arg9 : memref<128x64xf32, #tpu.memory_space<vmem>>) offsets(%dma_start3A_52 : memref<128xi32, #tpu.memory_space<vmem>>) semaphore(%arg12 : memref<!tpu.dma_semaphore, #tpu.memory_space<semaphore_mem>>)
      %add3A_56 = arith.constant 1 : i32
      %add3A_57 = arith.addi %mul3A_39, %add3A_56 : i32
      %dma_wait3A_58 = arith.constant 0 : i32
      %dma_wait3A_59 = arith.constant 0 : i32
      %dma_wait3A_60 = tpu.memref_slice %arg2[%dma_wait3A_58, %dma_wait3A_59] : memref<10112x64xf32, #tpu.memory_space<hbm>> -> memref<128x64xf32, #tpu.memory_space<hbm>>
      %dma_wait3A_61 = arith.constant 0 : i32
      %dma_wait3A_62 = arith.constant 0 : i32
      %dma_wait3A_63 = tpu.memref_slice %arg2[%dma_wait3A_61, %dma_wait3A_62] : memref<10112x64xf32, #tpu.memory_space<hbm>> -> memref<128x64xf32, #tpu.memory_space<hbm>>
      tpu.wait_dma2 semaphore(%arg13 : memref<!tpu.dma_semaphore, #tpu.memory_space<semaphore_mem>>) src(%dma_wait3A_63 : memref<128x64xf32, #tpu.memory_space<hbm>>) dst(%arg10 : memref<128x64xf32, #tpu.memory_space<vmem>>)
      "tpu.region"() ({
        %run_scoped3A = tpu.sem_alloc : memref<!tpu.dma_semaphore, #tpu.memory_space<semaphore_mem>>
        %dma_start3A_72 = arith.constant 0 : i32
        %dma_start3A_73 = tpu.memref_slice %arg8[%add3A_57, %dma_start3A_72] : memref<82x128xi32, #tpu.memory_space<vmem>> -> memref<1x128xi32, #tpu.memory_space<vmem>>
        %dma_start3A_74 = tpu.memref_squeeze %dma_start3A_73 : memref<1x128xi32, #tpu.memory_space<vmem>> -> memref<128xi32, #tpu.memory_space<vmem>>
        %dma_start3A_75 = arith.constant 0 : i32
        %dma_start3A_76 = arith.constant 0 : i32
        %dma_start3A_77 = tpu.memref_slice %arg11[%dma_start3A_75, %dma_start3A_76] : memref<10112x64xf32, #tpu.memory_space<vmem_shared>> -> memref<10112x64xf32, #tpu.memory_space<vmem_shared>>
        tpu.enqueue_indirect_dma source(%arg10 : memref<128x64xf32, #tpu.memory_space<vmem>>) target(%dma_start3A_77 : memref<10112x64xf32, #tpu.memory_space<vmem_shared>>) offsets(%dma_start3A_74 : memref<128xi32, #tpu.memory_space<vmem>>) semaphore(%run_scoped3A : memref<!tpu.dma_semaphore, #tpu.memory_space<semaphore_mem>>) {add = true}
        %dma_wait3A_78 = arith.constant 0 : i32
        %dma_wait3A_79 = tpu.memref_slice %arg8[%add3A_57, %dma_wait3A_78] : memref<82x128xi32, #tpu.memory_space<vmem>> -> memref<1x128xi32, #tpu.memory_space<vmem>>
        %dma_wait3A_80 = tpu.memref_squeeze %dma_wait3A_79 : memref<1x128xi32, #tpu.memory_space<vmem>> -> memref<128xi32, #tpu.memory_space<vmem>>
        %dma_wait3A_81 = arith.constant 0 : i32
        %dma_wait3A_82 = arith.constant 0 : i32
        %dma_wait3A_83 = tpu.memref_slice %arg11[%dma_wait3A_81, %dma_wait3A_82] : memref<10112x64xf32, #tpu.memory_space<vmem_shared>> -> memref<10112x64xf32, #tpu.memory_space<vmem_shared>>
        tpu.wait_indirect_dma semaphore(%run_scoped3A : memref<!tpu.dma_semaphore, #tpu.memory_space<semaphore_mem>>) src(%arg10 : memref<128x64xf32, #tpu.memory_space<vmem>>) dst(%dma_wait3A_83 : memref<10112x64xf32, #tpu.memory_space<vmem_shared>>)
        tpu.yield
      }) : () -> ()
      %add3A_64 = arith.constant 2 : i32
      %add3A_65 = arith.addi %add3A_57, %add3A_64 : i32
      %dma_start3A_66 = arith.constant 0 : i32
      %dma_start3A_67 = tpu.memref_slice %arg7[%add3A_65, %dma_start3A_66] : memref<82x128xi32, #tpu.memory_space<vmem>> -> memref<1x128xi32, #tpu.memory_space<vmem>>
      %dma_start3A_68 = tpu.memref_squeeze %dma_start3A_67 : memref<1x128xi32, #tpu.memory_space<vmem>> -> memref<128xi32, #tpu.memory_space<vmem>>
      %dma_start3A_69 = arith.constant 0 : i32
      %dma_start3A_70 = arith.constant 0 : i32
      %dma_start3A_71 = tpu.memref_slice %arg2[%dma_start3A_69, %dma_start3A_70] : memref<10112x64xf32, #tpu.memory_space<hbm>> -> memref<10112x64xf32, #tpu.memory_space<hbm>>
      tpu.enqueue_indirect_dma source(%dma_start3A_71 : memref<10112x64xf32, #tpu.memory_space<hbm>>) target(%arg10 : memref<128x64xf32, #tpu.memory_space<vmem>>) offsets(%dma_start3A_68 : memref<128xi32, #tpu.memory_space<vmem>>) semaphore(%arg13 : memref<!tpu.dma_semaphore, #tpu.memory_space<semaphore_mem>>)
    }
    %scan3A_20 = arith.constant 40 : i32
    %dma_wait3A = arith.constant 0 : i32
    %dma_wait3A_21 = arith.constant 0 : i32
    %dma_wait3A_22 = tpu.memref_slice %arg2[%dma_wait3A, %dma_wait3A_21] : memref<10112x64xf32, #tpu.memory_space<hbm>> -> memref<128x64xf32, #tpu.memory_space<hbm>>
    %dma_wait3A_23 = arith.constant 0 : i32
    %dma_wait3A_24 = arith.constant 0 : i32
    %dma_wait3A_25 = tpu.memref_slice %arg2[%dma_wait3A_23, %dma_wait3A_24] : memref<10112x64xf32, #tpu.memory_space<hbm>> -> memref<128x64xf32, #tpu.memory_space<hbm>>
    tpu.wait_dma2 semaphore(%arg12 : memref<!tpu.dma_semaphore, #tpu.memory_space<semaphore_mem>>) src(%dma_wait3A_25 : memref<128x64xf32, #tpu.memory_space<hbm>>) dst(%arg9 : memref<128x64xf32, #tpu.memory_space<vmem>>)
    %dma_wait3A_26 = arith.constant 0 : i32
    %dma_wait3A_27 = arith.constant 0 : i32
    %dma_wait3A_28 = tpu.memref_slice %arg2[%dma_wait3A_26, %dma_wait3A_27] : memref<10112x64xf32, #tpu.memory_space<hbm>> -> memref<128x64xf32, #tpu.memory_space<hbm>>
    %dma_wait3A_29 = arith.constant 0 : i32
    %dma_wait3A_30 = arith.constant 0 : i32
    %dma_wait3A_31 = tpu.memref_slice %arg2[%dma_wait3A_29, %dma_wait3A_30] : memref<10112x64xf32, #tpu.memory_space<hbm>> -> memref<128x64xf32, #tpu.memory_space<hbm>>
    tpu.wait_dma2 semaphore(%arg13 : memref<!tpu.dma_semaphore, #tpu.memory_space<semaphore_mem>>) src(%dma_wait3A_31 : memref<128x64xf32, #tpu.memory_space<hbm>>) dst(%arg10 : memref<128x64xf32, #tpu.memory_space<vmem>>)
    %barrier3A_32 = arith.constant 0 : index
    tpu.barrier barrier_id(%barrier3A_32)
    %mul3A_33 = arith.constant 632 : i32
    %mul3A_34 = arith.muli %arg1, %mul3A_33 : i32
    %mul3A_35 = arith.constant 632 : i32
    %mul3A_36 = arith.muli %arg1, %mul3A_35 : i32
    "tpu.region"() ({
      %run_scoped3A = tpu.sem_alloc : memref<!tpu.dma_semaphore, #tpu.memory_space<semaphore_mem>>
      %dma_start3A_37 = arith.constant 0 : i32
      %dma_start3A_38 = tpu.memref_slice %arg6[%arg0, %mul3A_36, %dma_start3A_37] : memref<2x10112x64xf32, #tpu.memory_space<hbm>> -> memref<1x632x64xf32, #tpu.memory_space<hbm>>
      %dma_start3A_39 = tpu.memref_squeeze %dma_start3A_38 : memref<1x632x64xf32, #tpu.memory_space<hbm>> -> memref<632x64xf32, #tpu.memory_space<hbm>>
      %dma_start3A_40 = arith.constant 0 : i32
      %dma_start3A_41 = tpu.memref_slice %arg11[%mul3A_34, %dma_start3A_40] : memref<10112x64xf32, #tpu.memory_space<vmem_shared>> -> memref<632x64xf32, #tpu.memory_space<vmem_shared>>
      tpu.enqueue_dma source(%dma_start3A_41 : memref<632x64xf32, #tpu.memory_space<vmem_shared>>) target(%dma_start3A_39 : memref<632x64xf32, #tpu.memory_space<hbm>>) target_semaphore(%run_scoped3A : memref<!tpu.dma_semaphore, #tpu.memory_space<semaphore_mem>>)
      %dma_wait3A_42 = arith.constant 0 : i32
      %dma_wait3A_43 = tpu.memref_slice %arg6[%arg0, %mul3A_36, %dma_wait3A_42] : memref<2x10112x64xf32, #tpu.memory_space<hbm>> -> memref<1x632x64xf32, #tpu.memory_space<hbm>>
      %dma_wait3A_44 = tpu.memref_squeeze %dma_wait3A_43 : memref<1x632x64xf32, #tpu.memory_space<hbm>> -> memref<632x64xf32, #tpu.memory_space<hbm>>
      %dma_wait3A_45 = arith.constant 0 : i32
      %dma_wait3A_46 = tpu.memref_slice %arg11[%mul3A_34, %dma_wait3A_45] : memref<10112x64xf32, #tpu.memory_space<vmem_shared>> -> memref<632x64xf32, #tpu.memory_space<vmem_shared>>
      tpu.wait_dma2 semaphore(%run_scoped3A : memref<!tpu.dma_semaphore, #tpu.memory_space<semaphore_mem>>) src(%dma_wait3A_46 : memref<632x64xf32, #tpu.memory_space<vmem_shared>>) dst(%dma_wait3A_44 : memref<632x64xf32, #tpu.memory_space<hbm>>)
      tpu.yield
    }) : () -> ()
    return
  }
}

#map = affine_map<(d0, d1) -> (0, 0)>
#map1 = affine_map<(d0, d1) -> (0, 0, 0)>
module attributes {stable_mosaic.version = 14 : i64} {
  func.func @_sc_scatter_body(%arg0: i32, %arg1: i32, %arg2: memref<10112x64xf32, #tpu.memory_space<hbm>>, %arg3: memref<32x82x128xi32, #tpu.memory_space<hbm>>, %arg4: memref<32x82x128xi32, #tpu.memory_space<hbm>>, %arg5: memref<632x64xf32, #tpu.memory_space<hbm>>, %arg6: memref<2x10112x64xf32, #tpu.memory_space<hbm>>, %arg7: memref<82x128xi32, #tpu.memory_space<vmem>>, %arg8: memref<82x128xi32, #tpu.memory_space<vmem>>, %arg9: memref<128x64xf32, #tpu.memory_space<vmem>>, %arg10: memref<128x64xf32, #tpu.memory_space<vmem>>, %arg11: memref<10112x64xf32, #tpu.memory_space<vmem_shared>>, %arg12: memref<!tpu.dma_semaphore, #tpu.memory_space<semaphore_mem>>, %arg13: memref<!tpu.dma_semaphore, #tpu.memory_space<semaphore_mem>>) attributes {dimension_semantics = [#tpu.dimension_semantics<core_parallel>, #tpu.dimension_semantics<subcore_parallel>], iteration_bounds = array<i64: 2, 16>, scalar_prefetch = 0 : i64, scratch_operands = 7 : i64, tpu.core_type = #tpu.core_type<sc_vector_subcore>, window_params = [{transform_indices = #map}, {transform_indices = #map1}, {transform_indices = #map1}, {transform_indices = #map}, {transform_indices = #map1}]} {
    %mul3A = arith.constant 16 : i32
    %mul3A_0 = arith.muli %arg0, %mul3A : i32
    %add3A = arith.addi %mul3A_0, %arg1 : i32
    %mul3A_1 = arith.constant 632 : i32
    %mul3A_2 = arith.muli %arg1, %mul3A_1 : i32
    "tpu.region"() ({
      %run_scoped3A = tpu.sem_alloc : memref<!tpu.dma_semaphore, #tpu.memory_space<semaphore_mem>>
      %dma_start3A_37 = arith.constant 0 : i32
      %dma_start3A_38 = tpu.memref_slice %arg11[%mul3A_2, %dma_start3A_37] : memref<10112x64xf32, #tpu.memory_space<vmem_shared>> -> memref<632x64xf32, #tpu.memory_space<vmem_shared>>
      tpu.enqueue_dma source(%arg5 : memref<632x64xf32, #tpu.memory_space<hbm>>) target(%dma_start3A_38 : memref<632x64xf32, #tpu.memory_space<vmem_shared>>) target_semaphore(%run_scoped3A : memref<!tpu.dma_semaphore, #tpu.memory_space<semaphore_mem>>)
      %dma_wait3A_39 = arith.constant 0 : i32
      %dma_wait3A_40 = tpu.memref_slice %arg11[%mul3A_2, %dma_wait3A_39] : memref<10112x64xf32, #tpu.memory_space<vmem_shared>> -> memref<632x64xf32, #tpu.memory_space<vmem_shared>>
      tpu.wait_dma2 semaphore(%run_scoped3A : memref<!tpu.dma_semaphore, #tpu.memory_space<semaphore_mem>>) src(%arg5 : memref<632x64xf32, #tpu.memory_space<hbm>>) dst(%dma_wait3A_40 : memref<632x64xf32, #tpu.memory_space<vmem_shared>>)
      tpu.yield
    }) : () -> ()
    "tpu.region"() ({
      %run_scoped3A = tpu.sem_alloc : memref<!tpu.dma_semaphore, #tpu.memory_space<semaphore_mem>>
      %dma_start3A_37 = arith.constant 0 : i32
      %dma_start3A_38 = arith.constant 0 : i32
      %dma_start3A_39 = tpu.memref_slice %arg3[%add3A, %dma_start3A_37, %dma_start3A_38] : memref<32x82x128xi32, #tpu.memory_space<hbm>> -> memref<1x82x128xi32, #tpu.memory_space<hbm>>
      %dma_start3A_40 = tpu.memref_squeeze %dma_start3A_39 : memref<1x82x128xi32, #tpu.memory_space<hbm>> -> memref<82x128xi32, #tpu.memory_space<hbm>>
      %dma_start3A_41 = arith.constant 0 : i32
      %dma_start3A_42 = arith.constant 0 : i32
      %dma_start3A_43 = tpu.memref_slice %arg3[%add3A, %dma_start3A_41, %dma_start3A_42] : memref<32x82x128xi32, #tpu.memory_space<hbm>> -> memref<1x82x128xi32, #tpu.memory_space<hbm>>
      %dma_start3A_44 = tpu.memref_squeeze %dma_start3A_43 : memref<1x82x128xi32, #tpu.memory_space<hbm>> -> memref<82x128xi32, #tpu.memory_space<hbm>>
      tpu.enqueue_dma source(%dma_start3A_44 : memref<82x128xi32, #tpu.memory_space<hbm>>) target(%arg7 : memref<82x128xi32, #tpu.memory_space<vmem>>) target_semaphore(%run_scoped3A : memref<!tpu.dma_semaphore, #tpu.memory_space<semaphore_mem>>)
      %dma_wait3A_45 = arith.constant 0 : i32
      %dma_wait3A_46 = arith.constant 0 : i32
      %dma_wait3A_47 = tpu.memref_slice %arg3[%add3A, %dma_wait3A_45, %dma_wait3A_46] : memref<32x82x128xi32, #tpu.memory_space<hbm>> -> memref<1x82x128xi32, #tpu.memory_space<hbm>>
      %dma_wait3A_48 = tpu.memref_squeeze %dma_wait3A_47 : memref<1x82x128xi32, #tpu.memory_space<hbm>> -> memref<82x128xi32, #tpu.memory_space<hbm>>
      %dma_wait3A_49 = arith.constant 0 : i32
      %dma_wait3A_50 = arith.constant 0 : i32
      %dma_wait3A_51 = tpu.memref_slice %arg3[%add3A, %dma_wait3A_49, %dma_wait3A_50] : memref<32x82x128xi32, #tpu.memory_space<hbm>> -> memref<1x82x128xi32, #tpu.memory_space<hbm>>
      %dma_wait3A_52 = tpu.memref_squeeze %dma_wait3A_51 : memref<1x82x128xi32, #tpu.memory_space<hbm>> -> memref<82x128xi32, #tpu.memory_space<hbm>>
      tpu.wait_dma2 semaphore(%run_scoped3A : memref<!tpu.dma_semaphore, #tpu.memory_space<semaphore_mem>>) src(%dma_wait3A_52 : memref<82x128xi32, #tpu.memory_space<hbm>>) dst(%arg7 : memref<82x128xi32, #tpu.memory_space<vmem>>)
      tpu.yield
    }) : () -> ()
    "tpu.region"() ({
      %run_scoped3A = tpu.sem_alloc : memref<!tpu.dma_semaphore, #tpu.memory_space<semaphore_mem>>
      %dma_start3A_37 = arith.constant 0 : i32
      %dma_start3A_38 = arith.constant 0 : i32
      %dma_start3A_39 = tpu.memref_slice %arg4[%add3A, %dma_start3A_37, %dma_start3A_38] : memref<32x82x128xi32, #tpu.memory_space<hbm>> -> memref<1x82x128xi32, #tpu.memory_space<hbm>>
      %dma_start3A_40 = tpu.memref_squeeze %dma_start3A_39 : memref<1x82x128xi32, #tpu.memory_space<hbm>> -> memref<82x128xi32, #tpu.memory_space<hbm>>
      %dma_start3A_41 = arith.constant 0 : i32
      %dma_start3A_42 = arith.constant 0 : i32
      %dma_start3A_43 = tpu.memref_slice %arg4[%add3A, %dma_start3A_41, %dma_start3A_42] : memref<32x82x128xi32, #tpu.memory_space<hbm>> -> memref<1x82x128xi32, #tpu.memory_space<hbm>>
      %dma_start3A_44 = tpu.memref_squeeze %dma_start3A_43 : memref<1x82x128xi32, #tpu.memory_space<hbm>> -> memref<82x128xi32, #tpu.memory_space<hbm>>
      tpu.enqueue_dma source(%dma_start3A_44 : memref<82x128xi32, #tpu.memory_space<hbm>>) target(%arg8 : memref<82x128xi32, #tpu.memory_space<vmem>>) target_semaphore(%run_scoped3A : memref<!tpu.dma_semaphore, #tpu.memory_space<semaphore_mem>>)
      %dma_wait3A_45 = arith.constant 0 : i32
      %dma_wait3A_46 = arith.constant 0 : i32
      %dma_wait3A_47 = tpu.memref_slice %arg4[%add3A, %dma_wait3A_45, %dma_wait3A_46] : memref<32x82x128xi32, #tpu.memory_space<hbm>> -> memref<1x82x128xi32, #tpu.memory_space<hbm>>
      %dma_wait3A_48 = tpu.memref_squeeze %dma_wait3A_47 : memref<1x82x128xi32, #tpu.memory_space<hbm>> -> memref<82x128xi32, #tpu.memory_space<hbm>>
      %dma_wait3A_49 = arith.constant 0 : i32
      %dma_wait3A_50 = arith.constant 0 : i32
      %dma_wait3A_51 = tpu.memref_slice %arg4[%add3A, %dma_wait3A_49, %dma_wait3A_50] : memref<32x82x128xi32, #tpu.memory_space<hbm>> -> memref<1x82x128xi32, #tpu.memory_space<hbm>>
      %dma_wait3A_52 = tpu.memref_squeeze %dma_wait3A_51 : memref<1x82x128xi32, #tpu.memory_space<hbm>> -> memref<82x128xi32, #tpu.memory_space<hbm>>
      tpu.wait_dma2 semaphore(%run_scoped3A : memref<!tpu.dma_semaphore, #tpu.memory_space<semaphore_mem>>) src(%dma_wait3A_52 : memref<82x128xi32, #tpu.memory_space<hbm>>) dst(%arg8 : memref<82x128xi32, #tpu.memory_space<vmem>>)
      tpu.yield
    }) : () -> ()
    %barrier3A = arith.constant 0 : index
    tpu.barrier barrier_id(%barrier3A)
    %dma_start3A = arith.constant 0 : i32
    %dma_start3A_3 = arith.constant 0 : i32
    %dma_start3A_4 = tpu.memref_slice %arg7[%dma_start3A, %dma_start3A_3] : memref<82x128xi32, #tpu.memory_space<vmem>> -> memref<1x128xi32, #tpu.memory_space<vmem>>
    %dma_start3A_5 = tpu.memref_squeeze %dma_start3A_4 : memref<1x128xi32, #tpu.memory_space<vmem>> -> memref<128xi32, #tpu.memory_space<vmem>>
    %dma_start3A_6 = arith.constant 0 : i32
    %dma_start3A_7 = arith.constant 0 : i32
    %dma_start3A_8 = tpu.memref_slice %arg2[%dma_start3A_6, %dma_start3A_7] : memref<10112x64xf32, #tpu.memory_space<hbm>> -> memref<10112x64xf32, #tpu.memory_space<hbm>>
    tpu.enqueue_indirect_dma source(%dma_start3A_8 : memref<10112x64xf32, #tpu.memory_space<hbm>>) target(%arg9 : memref<128x64xf32, #tpu.memory_space<vmem>>) offsets(%dma_start3A_5 : memref<128xi32, #tpu.memory_space<vmem>>) semaphore(%arg12 : memref<!tpu.dma_semaphore, #tpu.memory_space<semaphore_mem>>)
    %dma_start3A_9 = arith.constant 1 : i32
    %dma_start3A_10 = arith.constant 0 : i32
    %dma_start3A_11 = tpu.memref_slice %arg7[%dma_start3A_9, %dma_start3A_10] : memref<82x128xi32, #tpu.memory_space<vmem>> -> memref<1x128xi32, #tpu.memory_space<vmem>>
    %dma_start3A_12 = tpu.memref_squeeze %dma_start3A_11 : memref<1x128xi32, #tpu.memory_space<vmem>> -> memref<128xi32, #tpu.memory_space<vmem>>
    %dma_start3A_13 = arith.constant 0 : i32
    %dma_start3A_14 = arith.constant 0 : i32
    %dma_start3A_15 = tpu.memref_slice %arg2[%dma_start3A_13, %dma_start3A_14] : memref<10112x64xf32, #tpu.memory_space<hbm>> -> memref<10112x64xf32, #tpu.memory_space<hbm>>
    tpu.enqueue_indirect_dma source(%dma_start3A_15 : memref<10112x64xf32, #tpu.memory_space<hbm>>) target(%arg10 : memref<128x64xf32, #tpu.memory_space<vmem>>) offsets(%dma_start3A_12 : memref<128xi32, #tpu.memory_space<vmem>>) semaphore(%arg13 : memref<!tpu.dma_semaphore, #tpu.memory_space<semaphore_mem>>)
    %scan3A = arith.constant 0 : i32
    %scan3A_16 = arith.constant 0 : i32
    %scan3A_17 = arith.constant 40 : i32
    %scan3A_18 = arith.addi %scan3A_16, %scan3A_17 : i32
    %scan3A_19 = arith.constant 1 : i32
    scf.for %scan3A_37 = %scan3A_16 to %scan3A_18 step %scan3A_19  : i32 {
      %mul3A_38 = arith.constant 2 : i32
      %mul3A_39 = arith.muli %scan3A_37, %mul3A_38 : i32
      %add3A_40 = arith.constant 0 : i32
      %add3A_41 = arith.addi %mul3A_39, %add3A_40 : i32
      %dma_wait3A_42 = arith.constant 0 : i32
      %dma_wait3A_43 = arith.constant 0 : i32
      %dma_wait3A_44 = tpu.memref_slice %arg2[%dma_wait3A_42, %dma_wait3A_43] : memref<10112x64xf32, #tpu.memory_space<hbm>> -> memref<128x64xf32, #tpu.memory_space<hbm>>
      %dma_wait3A_45 = arith.constant 0 : i32
      %dma_wait3A_46 = arith.constant 0 : i32
      %dma_wait3A_47 = tpu.memref_slice %arg2[%dma_wait3A_45, %dma_wait3A_46] : memref<10112x64xf32, #tpu.memory_space<hbm>> -> memref<128x64xf32, #tpu.memory_space<hbm>>
      tpu.wait_dma2 semaphore(%arg12 : memref<!tpu.dma_semaphore, #tpu.memory_space<semaphore_mem>>) src(%dma_wait3A_47 : memref<128x64xf32, #tpu.memory_space<hbm>>) dst(%arg9 : memref<128x64xf32, #tpu.memory_space<vmem>>)
      "tpu.region"() ({
        %run_scoped3A = tpu.sem_alloc : memref<!tpu.dma_semaphore, #tpu.memory_space<semaphore_mem>>
        %dma_start3A_72 = arith.constant 0 : i32
        %dma_start3A_73 = tpu.memref_slice %arg8[%add3A_41, %dma_start3A_72] : memref<82x128xi32, #tpu.memory_space<vmem>> -> memref<1x128xi32, #tpu.memory_space<vmem>>
        %dma_start3A_74 = tpu.memref_squeeze %dma_start3A_73 : memref<1x128xi32, #tpu.memory_space<vmem>> -> memref<128xi32, #tpu.memory_space<vmem>>
        %dma_start3A_75 = arith.constant 0 : i32
        %dma_start3A_76 = arith.constant 0 : i32
        %dma_start3A_77 = tpu.memref_slice %arg11[%dma_start3A_75, %dma_start3A_76] : memref<10112x64xf32, #tpu.memory_space<vmem_shared>> -> memref<10112x64xf32, #tpu.memory_space<vmem_shared>>
        tpu.enqueue_indirect_dma source(%arg9 : memref<128x64xf32, #tpu.memory_space<vmem>>) target(%dma_start3A_77 : memref<10112x64xf32, #tpu.memory_space<vmem_shared>>) offsets(%dma_start3A_74 : memref<128xi32, #tpu.memory_space<vmem>>) semaphore(%run_scoped3A : memref<!tpu.dma_semaphore, #tpu.memory_space<semaphore_mem>>) {add = true}
        %dma_wait3A_78 = arith.constant 0 : i32
        %dma_wait3A_79 = tpu.memref_slice %arg8[%add3A_41, %dma_wait3A_78] : memref<82x128xi32, #tpu.memory_space<vmem>> -> memref<1x128xi32, #tpu.memory_space<vmem>>
        %dma_wait3A_80 = tpu.memref_squeeze %dma_wait3A_79 : memref<1x128xi32, #tpu.memory_space<vmem>> -> memref<128xi32, #tpu.memory_space<vmem>>
        %dma_wait3A_81 = arith.constant 0 : i32
        %dma_wait3A_82 = arith.constant 0 : i32
        %dma_wait3A_83 = tpu.memref_slice %arg11[%dma_wait3A_81, %dma_wait3A_82] : memref<10112x64xf32, #tpu.memory_space<vmem_shared>> -> memref<10112x64xf32, #tpu.memory_space<vmem_shared>>
        tpu.wait_indirect_dma semaphore(%run_scoped3A : memref<!tpu.dma_semaphore, #tpu.memory_space<semaphore_mem>>) src(%arg9 : memref<128x64xf32, #tpu.memory_space<vmem>>) dst(%dma_wait3A_83 : memref<10112x64xf32, #tpu.memory_space<vmem_shared>>)
        tpu.yield
      }) : () -> ()
      %add3A_48 = arith.constant 2 : i32
      %add3A_49 = arith.addi %add3A_41, %add3A_48 : i32
      %dma_start3A_50 = arith.constant 0 : i32
      %dma_start3A_51 = tpu.memref_slice %arg7[%add3A_49, %dma_start3A_50] : memref<82x128xi32, #tpu.memory_space<vmem>> -> memref<1x128xi32, #tpu.memory_space<vmem>>
      %dma_start3A_52 = tpu.memref_squeeze %dma_start3A_51 : memref<1x128xi32, #tpu.memory_space<vmem>> -> memref<128xi32, #tpu.memory_space<vmem>>
      %dma_start3A_53 = arith.constant 0 : i32
      %dma_start3A_54 = arith.constant 0 : i32
      %dma_start3A_55 = tpu.memref_slice %arg2[%dma_start3A_53, %dma_start3A_54] : memref<10112x64xf32, #tpu.memory_space<hbm>> -> memref<10112x64xf32, #tpu.memory_space<hbm>>
      tpu.enqueue_indirect_dma source(%dma_start3A_55 : memref<10112x64xf32, #tpu.memory_space<hbm>>) target(%arg9 : memref<128x64xf32, #tpu.memory_space<vmem>>) offsets(%dma_start3A_52 : memref<128xi32, #tpu.memory_space<vmem>>) semaphore(%arg12 : memref<!tpu.dma_semaphore, #tpu.memory_space<semaphore_mem>>)
      %add3A_56 = arith.constant 1 : i32
      %add3A_57 = arith.addi %mul3A_39, %add3A_56 : i32
      %dma_wait3A_58 = arith.constant 0 : i32
      %dma_wait3A_59 = arith.constant 0 : i32
      %dma_wait3A_60 = tpu.memref_slice %arg2[%dma_wait3A_58, %dma_wait3A_59] : memref<10112x64xf32, #tpu.memory_space<hbm>> -> memref<128x64xf32, #tpu.memory_space<hbm>>
      %dma_wait3A_61 = arith.constant 0 : i32
      %dma_wait3A_62 = arith.constant 0 : i32
      %dma_wait3A_63 = tpu.memref_slice %arg2[%dma_wait3A_61, %dma_wait3A_62] : memref<10112x64xf32, #tpu.memory_space<hbm>> -> memref<128x64xf32, #tpu.memory_space<hbm>>
      tpu.wait_dma2 semaphore(%arg13 : memref<!tpu.dma_semaphore, #tpu.memory_space<semaphore_mem>>) src(%dma_wait3A_63 : memref<128x64xf32, #tpu.memory_space<hbm>>) dst(%arg10 : memref<128x64xf32, #tpu.memory_space<vmem>>)
      "tpu.region"() ({
        %run_scoped3A = tpu.sem_alloc : memref<!tpu.dma_semaphore, #tpu.memory_space<semaphore_mem>>
        %dma_start3A_72 = arith.constant 0 : i32
        %dma_start3A_73 = tpu.memref_slice %arg8[%add3A_57, %dma_start3A_72] : memref<82x128xi32, #tpu.memory_space<vmem>> -> memref<1x128xi32, #tpu.memory_space<vmem>>
        %dma_start3A_74 = tpu.memref_squeeze %dma_start3A_73 : memref<1x128xi32, #tpu.memory_space<vmem>> -> memref<128xi32, #tpu.memory_space<vmem>>
        %dma_start3A_75 = arith.constant 0 : i32
        %dma_start3A_76 = arith.constant 0 : i32
        %dma_start3A_77 = tpu.memref_slice %arg11[%dma_start3A_75, %dma_start3A_76] : memref<10112x64xf32, #tpu.memory_space<vmem_shared>> -> memref<10112x64xf32, #tpu.memory_space<vmem_shared>>
        tpu.enqueue_indirect_dma source(%arg10 : memref<128x64xf32, #tpu.memory_space<vmem>>) target(%dma_start3A_77 : memref<10112x64xf32, #tpu.memory_space<vmem_shared>>) offsets(%dma_start3A_74 : memref<128xi32, #tpu.memory_space<vmem>>) semaphore(%run_scoped3A : memref<!tpu.dma_semaphore, #tpu.memory_space<semaphore_mem>>) {add = true}
        %dma_wait3A_78 = arith.constant 0 : i32
        %dma_wait3A_79 = tpu.memref_slice %arg8[%add3A_57, %dma_wait3A_78] : memref<82x128xi32, #tpu.memory_space<vmem>> -> memref<1x128xi32, #tpu.memory_space<vmem>>
        %dma_wait3A_80 = tpu.memref_squeeze %dma_wait3A_79 : memref<1x128xi32, #tpu.memory_space<vmem>> -> memref<128xi32, #tpu.memory_space<vmem>>
        %dma_wait3A_81 = arith.constant 0 : i32
        %dma_wait3A_82 = arith.constant 0 : i32
        %dma_wait3A_83 = tpu.memref_slice %arg11[%dma_wait3A_81, %dma_wait3A_82] : memref<10112x64xf32, #tpu.memory_space<vmem_shared>> -> memref<10112x64xf32, #tpu.memory_space<vmem_shared>>
        tpu.wait_indirect_dma semaphore(%run_scoped3A : memref<!tpu.dma_semaphore, #tpu.memory_space<semaphore_mem>>) src(%arg10 : memref<128x64xf32, #tpu.memory_space<vmem>>) dst(%dma_wait3A_83 : memref<10112x64xf32, #tpu.memory_space<vmem_shared>>)
        tpu.yield
      }) : () -> ()
      %add3A_64 = arith.constant 2 : i32
      %add3A_65 = arith.addi %add3A_57, %add3A_64 : i32
      %dma_start3A_66 = arith.constant 0 : i32
      %dma_start3A_67 = tpu.memref_slice %arg7[%add3A_65, %dma_start3A_66] : memref<82x128xi32, #tpu.memory_space<vmem>> -> memref<1x128xi32, #tpu.memory_space<vmem>>
      %dma_start3A_68 = tpu.memref_squeeze %dma_start3A_67 : memref<1x128xi32, #tpu.memory_space<vmem>> -> memref<128xi32, #tpu.memory_space<vmem>>
      %dma_start3A_69 = arith.constant 0 : i32
      %dma_start3A_70 = arith.constant 0 : i32
      %dma_start3A_71 = tpu.memref_slice %arg2[%dma_start3A_69, %dma_start3A_70] : memref<10112x64xf32, #tpu.memory_space<hbm>> -> memref<10112x64xf32, #tpu.memory_space<hbm>>
      tpu.enqueue_indirect_dma source(%dma_start3A_71 : memref<10112x64xf32, #tpu.memory_space<hbm>>) target(%arg10 : memref<128x64xf32, #tpu.memory_space<vmem>>) offsets(%dma_start3A_68 : memref<128xi32, #tpu.memory_space<vmem>>) semaphore(%arg13 : memref<!tpu.dma_semaphore, #tpu.memory_space<semaphore_mem>>)
    }
    %scan3A_20 = arith.constant 40 : i32
    %dma_wait3A = arith.constant 0 : i32
    %dma_wait3A_21 = arith.constant 0 : i32
    %dma_wait3A_22 = tpu.memref_slice %arg2[%dma_wait3A, %dma_wait3A_21] : memref<10112x64xf32, #tpu.memory_space<hbm>> -> memref<128x64xf32, #tpu.memory_space<hbm>>
    %dma_wait3A_23 = arith.constant 0 : i32
    %dma_wait3A_24 = arith.constant 0 : i32
    %dma_wait3A_25 = tpu.memref_slice %arg2[%dma_wait3A_23, %dma_wait3A_24] : memref<10112x64xf32, #tpu.memory_space<hbm>> -> memref<128x64xf32, #tpu.memory_space<hbm>>
    tpu.wait_dma2 semaphore(%arg12 : memref<!tpu.dma_semaphore, #tpu.memory_space<semaphore_mem>>) src(%dma_wait3A_25 : memref<128x64xf32, #tpu.memory_space<hbm>>) dst(%arg9 : memref<128x64xf32, #tpu.memory_space<vmem>>)
    %dma_wait3A_26 = arith.constant 0 : i32
    %dma_wait3A_27 = arith.constant 0 : i32
    %dma_wait3A_28 = tpu.memref_slice %arg2[%dma_wait3A_26, %dma_wait3A_27] : memref<10112x64xf32, #tpu.memory_space<hbm>> -> memref<128x64xf32, #tpu.memory_space<hbm>>
    %dma_wait3A_29 = arith.constant 0 : i32
    %dma_wait3A_30 = arith.constant 0 : i32
    %dma_wait3A_31 = tpu.memref_slice %arg2[%dma_wait3A_29, %dma_wait3A_30] : memref<10112x64xf32, #tpu.memory_space<hbm>> -> memref<128x64xf32, #tpu.memory_space<hbm>>
    tpu.wait_dma2 semaphore(%arg13 : memref<!tpu.dma_semaphore, #tpu.memory_space<semaphore_mem>>) src(%dma_wait3A_31 : memref<128x64xf32, #tpu.memory_space<hbm>>) dst(%arg10 : memref<128x64xf32, #tpu.memory_space<vmem>>)
    %barrier3A_32 = arith.constant 0 : index
    tpu.barrier barrier_id(%barrier3A_32)
    %mul3A_33 = arith.constant 632 : i32
    %mul3A_34 = arith.muli %arg1, %mul3A_33 : i32
    %mul3A_35 = arith.constant 632 : i32
    %mul3A_36 = arith.muli %arg1, %mul3A_35 : i32
    "tpu.region"() ({
      %run_scoped3A = tpu.sem_alloc : memref<!tpu.dma_semaphore, #tpu.memory_space<semaphore_mem>>
      %dma_start3A_37 = arith.constant 0 : i32
      %dma_start3A_38 = tpu.memref_slice %arg6[%arg0, %mul3A_36, %dma_start3A_37] : memref<2x10112x64xf32, #tpu.memory_space<hbm>> -> memref<1x632x64xf32, #tpu.memory_space<hbm>>
      %dma_start3A_39 = tpu.memref_squeeze %dma_start3A_38 : memref<1x632x64xf32, #tpu.memory_space<hbm>> -> memref<632x64xf32, #tpu.memory_space<hbm>>
      %dma_start3A_40 = arith.constant 0 : i32
      %dma_start3A_41 = tpu.memref_slice %arg11[%mul3A_34, %dma_start3A_40] : memref<10112x64xf32, #tpu.memory_space<vmem_shared>> -> memref<632x64xf32, #tpu.memory_space<vmem_shared>>
      tpu.enqueue_dma source(%dma_start3A_41 : memref<632x64xf32, #tpu.memory_space<vmem_shared>>) target(%dma_start3A_39 : memref<632x64xf32, #tpu.memory_space<hbm>>) target_semaphore(%run_scoped3A : memref<!tpu.dma_semaphore, #tpu.memory_space<semaphore_mem>>)
      %dma_wait3A_42 = arith.constant 0 : i32
      %dma_wait3A_43 = tpu.memref_slice %arg6[%arg0, %mul3A_36, %dma_wait3A_42] : memref<2x10112x64xf32, #tpu.memory_space<hbm>> -> memref<1x632x64xf32, #tpu.memory_space<hbm>>
      %dma_wait3A_44 = tpu.memref_squeeze %dma_wait3A_43 : memref<1x632x64xf32, #tpu.memory_space<hbm>> -> memref<632x64xf32, #tpu.memory_space<hbm>>
      %dma_wait3A_45 = arith.constant 0 : i32
      %dma_wait3A_46 = tpu.memref_slice %arg11[%mul3A_34, %dma_wait3A_45] : memref<10112x64xf32, #tpu.memory_space<vmem_shared>> -> memref<632x64xf32, #tpu.memory_space<vmem_shared>>
      tpu.wait_dma2 semaphore(%run_scoped3A : memref<!tpu.dma_semaphore, #tpu.memory_space<semaphore_mem>>) src(%dma_wait3A_46 : memref<632x64xf32, #tpu.memory_space<vmem_shared>>) dst(%dma_wait3A_44 : memref<632x64xf32, #tpu.memory_space<hbm>>)
      tpu.yield
    }) : () -> ()
    return
  }
}

#map = affine_map<(d0, d1) -> (0, 0)>
#map1 = affine_map<(d0, d1) -> (0, 0, 0)>
module attributes {stable_mosaic.version = 14 : i64} {
  func.func @_sc_scatter_body(%arg0: i32, %arg1: i32, %arg2: memref<10112x64xf32, #tpu.memory_space<hbm>>, %arg3: memref<32x82x128xi32, #tpu.memory_space<hbm>>, %arg4: memref<32x82x128xi32, #tpu.memory_space<hbm>>, %arg5: memref<632x64xf32, #tpu.memory_space<hbm>>, %arg6: memref<2x10112x64xf32, #tpu.memory_space<hbm>>, %arg7: memref<82x128xi32, #tpu.memory_space<vmem>>, %arg8: memref<82x128xi32, #tpu.memory_space<vmem>>, %arg9: memref<128x64xf32, #tpu.memory_space<vmem>>, %arg10: memref<128x64xf32, #tpu.memory_space<vmem>>, %arg11: memref<10112x64xf32, #tpu.memory_space<vmem_shared>>, %arg12: memref<!tpu.dma_semaphore, #tpu.memory_space<semaphore_mem>>, %arg13: memref<!tpu.dma_semaphore, #tpu.memory_space<semaphore_mem>>) attributes {dimension_semantics = [#tpu.dimension_semantics<core_parallel>, #tpu.dimension_semantics<subcore_parallel>], iteration_bounds = array<i64: 2, 16>, scalar_prefetch = 0 : i64, scratch_operands = 7 : i64, tpu.core_type = #tpu.core_type<sc_vector_subcore>, window_params = [{transform_indices = #map}, {transform_indices = #map1}, {transform_indices = #map1}, {transform_indices = #map}, {transform_indices = #map1}]} {
    %mul3A = arith.constant 16 : i32
    %mul3A_0 = arith.muli %arg0, %mul3A : i32
    %add3A = arith.addi %mul3A_0, %arg1 : i32
    %mul3A_1 = arith.constant 632 : i32
    %mul3A_2 = arith.muli %arg1, %mul3A_1 : i32
    "tpu.region"() ({
      %run_scoped3A = tpu.sem_alloc : memref<!tpu.dma_semaphore, #tpu.memory_space<semaphore_mem>>
      %dma_start3A_37 = arith.constant 0 : i32
      %dma_start3A_38 = tpu.memref_slice %arg11[%mul3A_2, %dma_start3A_37] : memref<10112x64xf32, #tpu.memory_space<vmem_shared>> -> memref<632x64xf32, #tpu.memory_space<vmem_shared>>
      tpu.enqueue_dma source(%arg5 : memref<632x64xf32, #tpu.memory_space<hbm>>) target(%dma_start3A_38 : memref<632x64xf32, #tpu.memory_space<vmem_shared>>) target_semaphore(%run_scoped3A : memref<!tpu.dma_semaphore, #tpu.memory_space<semaphore_mem>>)
      %dma_wait3A_39 = arith.constant 0 : i32
      %dma_wait3A_40 = tpu.memref_slice %arg11[%mul3A_2, %dma_wait3A_39] : memref<10112x64xf32, #tpu.memory_space<vmem_shared>> -> memref<632x64xf32, #tpu.memory_space<vmem_shared>>
      tpu.wait_dma2 semaphore(%run_scoped3A : memref<!tpu.dma_semaphore, #tpu.memory_space<semaphore_mem>>) src(%arg5 : memref<632x64xf32, #tpu.memory_space<hbm>>) dst(%dma_wait3A_40 : memref<632x64xf32, #tpu.memory_space<vmem_shared>>)
      tpu.yield
    }) : () -> ()
    "tpu.region"() ({
      %run_scoped3A = tpu.sem_alloc : memref<!tpu.dma_semaphore, #tpu.memory_space<semaphore_mem>>
      %dma_start3A_37 = arith.constant 0 : i32
      %dma_start3A_38 = arith.constant 0 : i32
      %dma_start3A_39 = tpu.memref_slice %arg3[%add3A, %dma_start3A_37, %dma_start3A_38] : memref<32x82x128xi32, #tpu.memory_space<hbm>> -> memref<1x82x128xi32, #tpu.memory_space<hbm>>
      %dma_start3A_40 = tpu.memref_squeeze %dma_start3A_39 : memref<1x82x128xi32, #tpu.memory_space<hbm>> -> memref<82x128xi32, #tpu.memory_space<hbm>>
      %dma_start3A_41 = arith.constant 0 : i32
      %dma_start3A_42 = arith.constant 0 : i32
      %dma_start3A_43 = tpu.memref_slice %arg3[%add3A, %dma_start3A_41, %dma_start3A_42] : memref<32x82x128xi32, #tpu.memory_space<hbm>> -> memref<1x82x128xi32, #tpu.memory_space<hbm>>
      %dma_start3A_44 = tpu.memref_squeeze %dma_start3A_43 : memref<1x82x128xi32, #tpu.memory_space<hbm>> -> memref<82x128xi32, #tpu.memory_space<hbm>>
      tpu.enqueue_dma source(%dma_start3A_44 : memref<82x128xi32, #tpu.memory_space<hbm>>) target(%arg7 : memref<82x128xi32, #tpu.memory_space<vmem>>) target_semaphore(%run_scoped3A : memref<!tpu.dma_semaphore, #tpu.memory_space<semaphore_mem>>)
      %dma_wait3A_45 = arith.constant 0 : i32
      %dma_wait3A_46 = arith.constant 0 : i32
      %dma_wait3A_47 = tpu.memref_slice %arg3[%add3A, %dma_wait3A_45, %dma_wait3A_46] : memref<32x82x128xi32, #tpu.memory_space<hbm>> -> memref<1x82x128xi32, #tpu.memory_space<hbm>>
      %dma_wait3A_48 = tpu.memref_squeeze %dma_wait3A_47 : memref<1x82x128xi32, #tpu.memory_space<hbm>> -> memref<82x128xi32, #tpu.memory_space<hbm>>
      %dma_wait3A_49 = arith.constant 0 : i32
      %dma_wait3A_50 = arith.constant 0 : i32
      %dma_wait3A_51 = tpu.memref_slice %arg3[%add3A, %dma_wait3A_49, %dma_wait3A_50] : memref<32x82x128xi32, #tpu.memory_space<hbm>> -> memref<1x82x128xi32, #tpu.memory_space<hbm>>
      %dma_wait3A_52 = tpu.memref_squeeze %dma_wait3A_51 : memref<1x82x128xi32, #tpu.memory_space<hbm>> -> memref<82x128xi32, #tpu.memory_space<hbm>>
      tpu.wait_dma2 semaphore(%run_scoped3A : memref<!tpu.dma_semaphore, #tpu.memory_space<semaphore_mem>>) src(%dma_wait3A_52 : memref<82x128xi32, #tpu.memory_space<hbm>>) dst(%arg7 : memref<82x128xi32, #tpu.memory_space<vmem>>)
      tpu.yield
    }) : () -> ()
    "tpu.region"() ({
      %run_scoped3A = tpu.sem_alloc : memref<!tpu.dma_semaphore, #tpu.memory_space<semaphore_mem>>
      %dma_start3A_37 = arith.constant 0 : i32
      %dma_start3A_38 = arith.constant 0 : i32
      %dma_start3A_39 = tpu.memref_slice %arg4[%add3A, %dma_start3A_37, %dma_start3A_38] : memref<32x82x128xi32, #tpu.memory_space<hbm>> -> memref<1x82x128xi32, #tpu.memory_space<hbm>>
      %dma_start3A_40 = tpu.memref_squeeze %dma_start3A_39 : memref<1x82x128xi32, #tpu.memory_space<hbm>> -> memref<82x128xi32, #tpu.memory_space<hbm>>
      %dma_start3A_41 = arith.constant 0 : i32
      %dma_start3A_42 = arith.constant 0 : i32
      %dma_start3A_43 = tpu.memref_slice %arg4[%add3A, %dma_start3A_41, %dma_start3A_42] : memref<32x82x128xi32, #tpu.memory_space<hbm>> -> memref<1x82x128xi32, #tpu.memory_space<hbm>>
      %dma_start3A_44 = tpu.memref_squeeze %dma_start3A_43 : memref<1x82x128xi32, #tpu.memory_space<hbm>> -> memref<82x128xi32, #tpu.memory_space<hbm>>
      tpu.enqueue_dma source(%dma_start3A_44 : memref<82x128xi32, #tpu.memory_space<hbm>>) target(%arg8 : memref<82x128xi32, #tpu.memory_space<vmem>>) target_semaphore(%run_scoped3A : memref<!tpu.dma_semaphore, #tpu.memory_space<semaphore_mem>>)
      %dma_wait3A_45 = arith.constant 0 : i32
      %dma_wait3A_46 = arith.constant 0 : i32
      %dma_wait3A_47 = tpu.memref_slice %arg4[%add3A, %dma_wait3A_45, %dma_wait3A_46] : memref<32x82x128xi32, #tpu.memory_space<hbm>> -> memref<1x82x128xi32, #tpu.memory_space<hbm>>
      %dma_wait3A_48 = tpu.memref_squeeze %dma_wait3A_47 : memref<1x82x128xi32, #tpu.memory_space<hbm>> -> memref<82x128xi32, #tpu.memory_space<hbm>>
      %dma_wait3A_49 = arith.constant 0 : i32
      %dma_wait3A_50 = arith.constant 0 : i32
      %dma_wait3A_51 = tpu.memref_slice %arg4[%add3A, %dma_wait3A_49, %dma_wait3A_50] : memref<32x82x128xi32, #tpu.memory_space<hbm>> -> memref<1x82x128xi32, #tpu.memory_space<hbm>>
      %dma_wait3A_52 = tpu.memref_squeeze %dma_wait3A_51 : memref<1x82x128xi32, #tpu.memory_space<hbm>> -> memref<82x128xi32, #tpu.memory_space<hbm>>
      tpu.wait_dma2 semaphore(%run_scoped3A : memref<!tpu.dma_semaphore, #tpu.memory_space<semaphore_mem>>) src(%dma_wait3A_52 : memref<82x128xi32, #tpu.memory_space<hbm>>) dst(%arg8 : memref<82x128xi32, #tpu.memory_space<vmem>>)
      tpu.yield
    }) : () -> ()
    %barrier3A = arith.constant 0 : index
    tpu.barrier barrier_id(%barrier3A)
    %dma_start3A = arith.constant 0 : i32
    %dma_start3A_3 = arith.constant 0 : i32
    %dma_start3A_4 = tpu.memref_slice %arg7[%dma_start3A, %dma_start3A_3] : memref<82x128xi32, #tpu.memory_space<vmem>> -> memref<1x128xi32, #tpu.memory_space<vmem>>
    %dma_start3A_5 = tpu.memref_squeeze %dma_start3A_4 : memref<1x128xi32, #tpu.memory_space<vmem>> -> memref<128xi32, #tpu.memory_space<vmem>>
    %dma_start3A_6 = arith.constant 0 : i32
    %dma_start3A_7 = arith.constant 0 : i32
    %dma_start3A_8 = tpu.memref_slice %arg2[%dma_start3A_6, %dma_start3A_7] : memref<10112x64xf32, #tpu.memory_space<hbm>> -> memref<10112x64xf32, #tpu.memory_space<hbm>>
    tpu.enqueue_indirect_dma source(%dma_start3A_8 : memref<10112x64xf32, #tpu.memory_space<hbm>>) target(%arg9 : memref<128x64xf32, #tpu.memory_space<vmem>>) offsets(%dma_start3A_5 : memref<128xi32, #tpu.memory_space<vmem>>) semaphore(%arg12 : memref<!tpu.dma_semaphore, #tpu.memory_space<semaphore_mem>>)
    %dma_start3A_9 = arith.constant 1 : i32
    %dma_start3A_10 = arith.constant 0 : i32
    %dma_start3A_11 = tpu.memref_slice %arg7[%dma_start3A_9, %dma_start3A_10] : memref<82x128xi32, #tpu.memory_space<vmem>> -> memref<1x128xi32, #tpu.memory_space<vmem>>
    %dma_start3A_12 = tpu.memref_squeeze %dma_start3A_11 : memref<1x128xi32, #tpu.memory_space<vmem>> -> memref<128xi32, #tpu.memory_space<vmem>>
    %dma_start3A_13 = arith.constant 0 : i32
    %dma_start3A_14 = arith.constant 0 : i32
    %dma_start3A_15 = tpu.memref_slice %arg2[%dma_start3A_13, %dma_start3A_14] : memref<10112x64xf32, #tpu.memory_space<hbm>> -> memref<10112x64xf32, #tpu.memory_space<hbm>>
    tpu.enqueue_indirect_dma source(%dma_start3A_15 : memref<10112x64xf32, #tpu.memory_space<hbm>>) target(%arg10 : memref<128x64xf32, #tpu.memory_space<vmem>>) offsets(%dma_start3A_12 : memref<128xi32, #tpu.memory_space<vmem>>) semaphore(%arg13 : memref<!tpu.dma_semaphore, #tpu.memory_space<semaphore_mem>>)
    %scan3A = arith.constant 0 : i32
    %scan3A_16 = arith.constant 0 : i32
    %scan3A_17 = arith.constant 40 : i32
    %scan3A_18 = arith.addi %scan3A_16, %scan3A_17 : i32
    %scan3A_19 = arith.constant 1 : i32
    scf.for %scan3A_37 = %scan3A_16 to %scan3A_18 step %scan3A_19  : i32 {
      %mul3A_38 = arith.constant 2 : i32
      %mul3A_39 = arith.muli %scan3A_37, %mul3A_38 : i32
      %add3A_40 = arith.constant 0 : i32
      %add3A_41 = arith.addi %mul3A_39, %add3A_40 : i32
      %dma_wait3A_42 = arith.constant 0 : i32
      %dma_wait3A_43 = arith.constant 0 : i32
      %dma_wait3A_44 = tpu.memref_slice %arg2[%dma_wait3A_42, %dma_wait3A_43] : memref<10112x64xf32, #tpu.memory_space<hbm>> -> memref<128x64xf32, #tpu.memory_space<hbm>>
      %dma_wait3A_45 = arith.constant 0 : i32
      %dma_wait3A_46 = arith.constant 0 : i32
      %dma_wait3A_47 = tpu.memref_slice %arg2[%dma_wait3A_45, %dma_wait3A_46] : memref<10112x64xf32, #tpu.memory_space<hbm>> -> memref<128x64xf32, #tpu.memory_space<hbm>>
      tpu.wait_dma2 semaphore(%arg12 : memref<!tpu.dma_semaphore, #tpu.memory_space<semaphore_mem>>) src(%dma_wait3A_47 : memref<128x64xf32, #tpu.memory_space<hbm>>) dst(%arg9 : memref<128x64xf32, #tpu.memory_space<vmem>>)
      "tpu.region"() ({
        %run_scoped3A = tpu.sem_alloc : memref<!tpu.dma_semaphore, #tpu.memory_space<semaphore_mem>>
        %dma_start3A_72 = arith.constant 0 : i32
        %dma_start3A_73 = tpu.memref_slice %arg8[%add3A_41, %dma_start3A_72] : memref<82x128xi32, #tpu.memory_space<vmem>> -> memref<1x128xi32, #tpu.memory_space<vmem>>
        %dma_start3A_74 = tpu.memref_squeeze %dma_start3A_73 : memref<1x128xi32, #tpu.memory_space<vmem>> -> memref<128xi32, #tpu.memory_space<vmem>>
        %dma_start3A_75 = arith.constant 0 : i32
        %dma_start3A_76 = arith.constant 0 : i32
        %dma_start3A_77 = tpu.memref_slice %arg11[%dma_start3A_75, %dma_start3A_76] : memref<10112x64xf32, #tpu.memory_space<vmem_shared>> -> memref<10112x64xf32, #tpu.memory_space<vmem_shared>>
        tpu.enqueue_indirect_dma source(%arg9 : memref<128x64xf32, #tpu.memory_space<vmem>>) target(%dma_start3A_77 : memref<10112x64xf32, #tpu.memory_space<vmem_shared>>) offsets(%dma_start3A_74 : memref<128xi32, #tpu.memory_space<vmem>>) semaphore(%run_scoped3A : memref<!tpu.dma_semaphore, #tpu.memory_space<semaphore_mem>>) {add = true}
        %dma_wait3A_78 = arith.constant 0 : i32
        %dma_wait3A_79 = tpu.memref_slice %arg8[%add3A_41, %dma_wait3A_78] : memref<82x128xi32, #tpu.memory_space<vmem>> -> memref<1x128xi32, #tpu.memory_space<vmem>>
        %dma_wait3A_80 = tpu.memref_squeeze %dma_wait3A_79 : memref<1x128xi32, #tpu.memory_space<vmem>> -> memref<128xi32, #tpu.memory_space<vmem>>
        %dma_wait3A_81 = arith.constant 0 : i32
        %dma_wait3A_82 = arith.constant 0 : i32
        %dma_wait3A_83 = tpu.memref_slice %arg11[%dma_wait3A_81, %dma_wait3A_82] : memref<10112x64xf32, #tpu.memory_space<vmem_shared>> -> memref<10112x64xf32, #tpu.memory_space<vmem_shared>>
        tpu.wait_indirect_dma semaphore(%run_scoped3A : memref<!tpu.dma_semaphore, #tpu.memory_space<semaphore_mem>>) src(%arg9 : memref<128x64xf32, #tpu.memory_space<vmem>>) dst(%dma_wait3A_83 : memref<10112x64xf32, #tpu.memory_space<vmem_shared>>)
        tpu.yield
      }) : () -> ()
      %add3A_48 = arith.constant 2 : i32
      %add3A_49 = arith.addi %add3A_41, %add3A_48 : i32
      %dma_start3A_50 = arith.constant 0 : i32
      %dma_start3A_51 = tpu.memref_slice %arg7[%add3A_49, %dma_start3A_50] : memref<82x128xi32, #tpu.memory_space<vmem>> -> memref<1x128xi32, #tpu.memory_space<vmem>>
      %dma_start3A_52 = tpu.memref_squeeze %dma_start3A_51 : memref<1x128xi32, #tpu.memory_space<vmem>> -> memref<128xi32, #tpu.memory_space<vmem>>
      %dma_start3A_53 = arith.constant 0 : i32
      %dma_start3A_54 = arith.constant 0 : i32
      %dma_start3A_55 = tpu.memref_slice %arg2[%dma_start3A_53, %dma_start3A_54] : memref<10112x64xf32, #tpu.memory_space<hbm>> -> memref<10112x64xf32, #tpu.memory_space<hbm>>
      tpu.enqueue_indirect_dma source(%dma_start3A_55 : memref<10112x64xf32, #tpu.memory_space<hbm>>) target(%arg9 : memref<128x64xf32, #tpu.memory_space<vmem>>) offsets(%dma_start3A_52 : memref<128xi32, #tpu.memory_space<vmem>>) semaphore(%arg12 : memref<!tpu.dma_semaphore, #tpu.memory_space<semaphore_mem>>)
      %add3A_56 = arith.constant 1 : i32
      %add3A_57 = arith.addi %mul3A_39, %add3A_56 : i32
      %dma_wait3A_58 = arith.constant 0 : i32
      %dma_wait3A_59 = arith.constant 0 : i32
      %dma_wait3A_60 = tpu.memref_slice %arg2[%dma_wait3A_58, %dma_wait3A_59] : memref<10112x64xf32, #tpu.memory_space<hbm>> -> memref<128x64xf32, #tpu.memory_space<hbm>>
      %dma_wait3A_61 = arith.constant 0 : i32
      %dma_wait3A_62 = arith.constant 0 : i32
      %dma_wait3A_63 = tpu.memref_slice %arg2[%dma_wait3A_61, %dma_wait3A_62] : memref<10112x64xf32, #tpu.memory_space<hbm>> -> memref<128x64xf32, #tpu.memory_space<hbm>>
      tpu.wait_dma2 semaphore(%arg13 : memref<!tpu.dma_semaphore, #tpu.memory_space<semaphore_mem>>) src(%dma_wait3A_63 : memref<128x64xf32, #tpu.memory_space<hbm>>) dst(%arg10 : memref<128x64xf32, #tpu.memory_space<vmem>>)
      "tpu.region"() ({
        %run_scoped3A = tpu.sem_alloc : memref<!tpu.dma_semaphore, #tpu.memory_space<semaphore_mem>>
        %dma_start3A_72 = arith.constant 0 : i32
        %dma_start3A_73 = tpu.memref_slice %arg8[%add3A_57, %dma_start3A_72] : memref<82x128xi32, #tpu.memory_space<vmem>> -> memref<1x128xi32, #tpu.memory_space<vmem>>
        %dma_start3A_74 = tpu.memref_squeeze %dma_start3A_73 : memref<1x128xi32, #tpu.memory_space<vmem>> -> memref<128xi32, #tpu.memory_space<vmem>>
        %dma_start3A_75 = arith.constant 0 : i32
        %dma_start3A_76 = arith.constant 0 : i32
        %dma_start3A_77 = tpu.memref_slice %arg11[%dma_start3A_75, %dma_start3A_76] : memref<10112x64xf32, #tpu.memory_space<vmem_shared>> -> memref<10112x64xf32, #tpu.memory_space<vmem_shared>>
        tpu.enqueue_indirect_dma source(%arg10 : memref<128x64xf32, #tpu.memory_space<vmem>>) target(%dma_start3A_77 : memref<10112x64xf32, #tpu.memory_space<vmem_shared>>) offsets(%dma_start3A_74 : memref<128xi32, #tpu.memory_space<vmem>>) semaphore(%run_scoped3A : memref<!tpu.dma_semaphore, #tpu.memory_space<semaphore_mem>>) {add = true}
        %dma_wait3A_78 = arith.constant 0 : i32
        %dma_wait3A_79 = tpu.memref_slice %arg8[%add3A_57, %dma_wait3A_78] : memref<82x128xi32, #tpu.memory_space<vmem>> -> memref<1x128xi32, #tpu.memory_space<vmem>>
        %dma_wait3A_80 = tpu.memref_squeeze %dma_wait3A_79 : memref<1x128xi32, #tpu.memory_space<vmem>> -> memref<128xi32, #tpu.memory_space<vmem>>
        %dma_wait3A_81 = arith.constant 0 : i32
        %dma_wait3A_82 = arith.constant 0 : i32
        %dma_wait3A_83 = tpu.memref_slice %arg11[%dma_wait3A_81, %dma_wait3A_82] : memref<10112x64xf32, #tpu.memory_space<vmem_shared>> -> memref<10112x64xf32, #tpu.memory_space<vmem_shared>>
        tpu.wait_indirect_dma semaphore(%run_scoped3A : memref<!tpu.dma_semaphore, #tpu.memory_space<semaphore_mem>>) src(%arg10 : memref<128x64xf32, #tpu.memory_space<vmem>>) dst(%dma_wait3A_83 : memref<10112x64xf32, #tpu.memory_space<vmem_shared>>)
        tpu.yield
      }) : () -> ()
      %add3A_64 = arith.constant 2 : i32
      %add3A_65 = arith.addi %add3A_57, %add3A_64 : i32
      %dma_start3A_66 = arith.constant 0 : i32
      %dma_start3A_67 = tpu.memref_slice %arg7[%add3A_65, %dma_start3A_66] : memref<82x128xi32, #tpu.memory_space<vmem>> -> memref<1x128xi32, #tpu.memory_space<vmem>>
      %dma_start3A_68 = tpu.memref_squeeze %dma_start3A_67 : memref<1x128xi32, #tpu.memory_space<vmem>> -> memref<128xi32, #tpu.memory_space<vmem>>
      %dma_start3A_69 = arith.constant 0 : i32
      %dma_start3A_70 = arith.constant 0 : i32
      %dma_start3A_71 = tpu.memref_slice %arg2[%dma_start3A_69, %dma_start3A_70] : memref<10112x64xf32, #tpu.memory_space<hbm>> -> memref<10112x64xf32, #tpu.memory_space<hbm>>
      tpu.enqueue_indirect_dma source(%dma_start3A_71 : memref<10112x64xf32, #tpu.memory_space<hbm>>) target(%arg10 : memref<128x64xf32, #tpu.memory_space<vmem>>) offsets(%dma_start3A_68 : memref<128xi32, #tpu.memory_space<vmem>>) semaphore(%arg13 : memref<!tpu.dma_semaphore, #tpu.memory_space<semaphore_mem>>)
    }
    %scan3A_20 = arith.constant 40 : i32
    %dma_wait3A = arith.constant 0 : i32
    %dma_wait3A_21 = arith.constant 0 : i32
    %dma_wait3A_22 = tpu.memref_slice %arg2[%dma_wait3A, %dma_wait3A_21] : memref<10112x64xf32, #tpu.memory_space<hbm>> -> memref<128x64xf32, #tpu.memory_space<hbm>>
    %dma_wait3A_23 = arith.constant 0 : i32
    %dma_wait3A_24 = arith.constant 0 : i32
    %dma_wait3A_25 = tpu.memref_slice %arg2[%dma_wait3A_23, %dma_wait3A_24] : memref<10112x64xf32, #tpu.memory_space<hbm>> -> memref<128x64xf32, #tpu.memory_space<hbm>>
    tpu.wait_dma2 semaphore(%arg12 : memref<!tpu.dma_semaphore, #tpu.memory_space<semaphore_mem>>) src(%dma_wait3A_25 : memref<128x64xf32, #tpu.memory_space<hbm>>) dst(%arg9 : memref<128x64xf32, #tpu.memory_space<vmem>>)
    %dma_wait3A_26 = arith.constant 0 : i32
    %dma_wait3A_27 = arith.constant 0 : i32
    %dma_wait3A_28 = tpu.memref_slice %arg2[%dma_wait3A_26, %dma_wait3A_27] : memref<10112x64xf32, #tpu.memory_space<hbm>> -> memref<128x64xf32, #tpu.memory_space<hbm>>
    %dma_wait3A_29 = arith.constant 0 : i32
    %dma_wait3A_30 = arith.constant 0 : i32
    %dma_wait3A_31 = tpu.memref_slice %arg2[%dma_wait3A_29, %dma_wait3A_30] : memref<10112x64xf32, #tpu.memory_space<hbm>> -> memref<128x64xf32, #tpu.memory_space<hbm>>
    tpu.wait_dma2 semaphore(%arg13 : memref<!tpu.dma_semaphore, #tpu.memory_space<semaphore_mem>>) src(%dma_wait3A_31 : memref<128x64xf32, #tpu.memory_space<hbm>>) dst(%arg10 : memref<128x64xf32, #tpu.memory_space<vmem>>)
    %barrier3A_32 = arith.constant 0 : index
    tpu.barrier barrier_id(%barrier3A_32)
    %mul3A_33 = arith.constant 632 : i32
    %mul3A_34 = arith.muli %arg1, %mul3A_33 : i32
    %mul3A_35 = arith.constant 632 : i32
    %mul3A_36 = arith.muli %arg1, %mul3A_35 : i32
    "tpu.region"() ({
      %run_scoped3A = tpu.sem_alloc : memref<!tpu.dma_semaphore, #tpu.memory_space<semaphore_mem>>
      %dma_start3A_37 = arith.constant 0 : i32
      %dma_start3A_38 = tpu.memref_slice %arg6[%arg0, %mul3A_36, %dma_start3A_37] : memref<2x10112x64xf32, #tpu.memory_space<hbm>> -> memref<1x632x64xf32, #tpu.memory_space<hbm>>
      %dma_start3A_39 = tpu.memref_squeeze %dma_start3A_38 : memref<1x632x64xf32, #tpu.memory_space<hbm>> -> memref<632x64xf32, #tpu.memory_space<hbm>>
      %dma_start3A_40 = arith.constant 0 : i32
      %dma_start3A_41 = tpu.memref_slice %arg11[%mul3A_34, %dma_start3A_40] : memref<10112x64xf32, #tpu.memory_space<vmem_shared>> -> memref<632x64xf32, #tpu.memory_space<vmem_shared>>
      tpu.enqueue_dma source(%dma_start3A_41 : memref<632x64xf32, #tpu.memory_space<vmem_shared>>) target(%dma_start3A_39 : memref<632x64xf32, #tpu.memory_space<hbm>>) target_semaphore(%run_scoped3A : memref<!tpu.dma_semaphore, #tpu.memory_space<semaphore_mem>>)
      %dma_wait3A_42 = arith.constant 0 : i32
      %dma_wait3A_43 = tpu.memref_slice %arg6[%arg0, %mul3A_36, %dma_wait3A_42] : memref<2x10112x64xf32, #tpu.memory_space<hbm>> -> memref<1x632x64xf32, #tpu.memory_space<hbm>>
      %dma_wait3A_44 = tpu.memref_squeeze %dma_wait3A_43 : memref<1x632x64xf32, #tpu.memory_space<hbm>> -> memref<632x64xf32, #tpu.memory_space<hbm>>
      %dma_wait3A_45 = arith.constant 0 : i32
      %dma_wait3A_46 = tpu.memref_slice %arg11[%mul3A_34, %dma_wait3A_45] : memref<10112x64xf32, #tpu.memory_space<vmem_shared>> -> memref<632x64xf32, #tpu.memory_space<vmem_shared>>
      tpu.wait_dma2 semaphore(%run_scoped3A : memref<!tpu.dma_semaphore, #tpu.memory_space<semaphore_mem>>) src(%dma_wait3A_46 : memref<632x64xf32, #tpu.memory_space<vmem_shared>>) dst(%dma_wait3A_44 : memref<632x64xf32, #tpu.memory_space<hbm>>)
      tpu.yield
    }) : () -> ()
    return
  }
}

#map = affine_map<(d0, d1) -> (0, 0)>
#map1 = affine_map<(d0, d1) -> (0, 0, 0)>
module attributes {stable_mosaic.version = 14 : i64} {
  func.func @_sc_scatter_body(%arg0: i32, %arg1: i32, %arg2: memref<10112x64xf32, #tpu.memory_space<hbm>>, %arg3: memref<32x82x128xi32, #tpu.memory_space<hbm>>, %arg4: memref<32x82x128xi32, #tpu.memory_space<hbm>>, %arg5: memref<632x64xf32, #tpu.memory_space<hbm>>, %arg6: memref<2x10112x64xf32, #tpu.memory_space<hbm>>, %arg7: memref<82x128xi32, #tpu.memory_space<vmem>>, %arg8: memref<82x128xi32, #tpu.memory_space<vmem>>, %arg9: memref<128x64xf32, #tpu.memory_space<vmem>>, %arg10: memref<128x64xf32, #tpu.memory_space<vmem>>, %arg11: memref<10112x64xf32, #tpu.memory_space<vmem_shared>>, %arg12: memref<!tpu.dma_semaphore, #tpu.memory_space<semaphore_mem>>, %arg13: memref<!tpu.dma_semaphore, #tpu.memory_space<semaphore_mem>>) attributes {dimension_semantics = [#tpu.dimension_semantics<core_parallel>, #tpu.dimension_semantics<subcore_parallel>], iteration_bounds = array<i64: 2, 16>, scalar_prefetch = 0 : i64, scratch_operands = 7 : i64, tpu.core_type = #tpu.core_type<sc_vector_subcore>, window_params = [{transform_indices = #map}, {transform_indices = #map1}, {transform_indices = #map1}, {transform_indices = #map}, {transform_indices = #map1}]} {
    %mul3A = arith.constant 16 : i32
    %mul3A_0 = arith.muli %arg0, %mul3A : i32
    %add3A = arith.addi %mul3A_0, %arg1 : i32
    %mul3A_1 = arith.constant 632 : i32
    %mul3A_2 = arith.muli %arg1, %mul3A_1 : i32
    "tpu.region"() ({
      %run_scoped3A = tpu.sem_alloc : memref<!tpu.dma_semaphore, #tpu.memory_space<semaphore_mem>>
      %dma_start3A_37 = arith.constant 0 : i32
      %dma_start3A_38 = tpu.memref_slice %arg11[%mul3A_2, %dma_start3A_37] : memref<10112x64xf32, #tpu.memory_space<vmem_shared>> -> memref<632x64xf32, #tpu.memory_space<vmem_shared>>
      tpu.enqueue_dma source(%arg5 : memref<632x64xf32, #tpu.memory_space<hbm>>) target(%dma_start3A_38 : memref<632x64xf32, #tpu.memory_space<vmem_shared>>) target_semaphore(%run_scoped3A : memref<!tpu.dma_semaphore, #tpu.memory_space<semaphore_mem>>)
      %dma_wait3A_39 = arith.constant 0 : i32
      %dma_wait3A_40 = tpu.memref_slice %arg11[%mul3A_2, %dma_wait3A_39] : memref<10112x64xf32, #tpu.memory_space<vmem_shared>> -> memref<632x64xf32, #tpu.memory_space<vmem_shared>>
      tpu.wait_dma2 semaphore(%run_scoped3A : memref<!tpu.dma_semaphore, #tpu.memory_space<semaphore_mem>>) src(%arg5 : memref<632x64xf32, #tpu.memory_space<hbm>>) dst(%dma_wait3A_40 : memref<632x64xf32, #tpu.memory_space<vmem_shared>>)
      tpu.yield
    }) : () -> ()
    "tpu.region"() ({
      %run_scoped3A = tpu.sem_alloc : memref<!tpu.dma_semaphore, #tpu.memory_space<semaphore_mem>>
      %dma_start3A_37 = arith.constant 0 : i32
      %dma_start3A_38 = arith.constant 0 : i32
      %dma_start3A_39 = tpu.memref_slice %arg3[%add3A, %dma_start3A_37, %dma_start3A_38] : memref<32x82x128xi32, #tpu.memory_space<hbm>> -> memref<1x82x128xi32, #tpu.memory_space<hbm>>
      %dma_start3A_40 = tpu.memref_squeeze %dma_start3A_39 : memref<1x82x128xi32, #tpu.memory_space<hbm>> -> memref<82x128xi32, #tpu.memory_space<hbm>>
      %dma_start3A_41 = arith.constant 0 : i32
      %dma_start3A_42 = arith.constant 0 : i32
      %dma_start3A_43 = tpu.memref_slice %arg3[%add3A, %dma_start3A_41, %dma_start3A_42] : memref<32x82x128xi32, #tpu.memory_space<hbm>> -> memref<1x82x128xi32, #tpu.memory_space<hbm>>
      %dma_start3A_44 = tpu.memref_squeeze %dma_start3A_43 : memref<1x82x128xi32, #tpu.memory_space<hbm>> -> memref<82x128xi32, #tpu.memory_space<hbm>>
      tpu.enqueue_dma source(%dma_start3A_44 : memref<82x128xi32, #tpu.memory_space<hbm>>) target(%arg7 : memref<82x128xi32, #tpu.memory_space<vmem>>) target_semaphore(%run_scoped3A : memref<!tpu.dma_semaphore, #tpu.memory_space<semaphore_mem>>)
      %dma_wait3A_45 = arith.constant 0 : i32
      %dma_wait3A_46 = arith.constant 0 : i32
      %dma_wait3A_47 = tpu.memref_slice %arg3[%add3A, %dma_wait3A_45, %dma_wait3A_46] : memref<32x82x128xi32, #tpu.memory_space<hbm>> -> memref<1x82x128xi32, #tpu.memory_space<hbm>>
      %dma_wait3A_48 = tpu.memref_squeeze %dma_wait3A_47 : memref<1x82x128xi32, #tpu.memory_space<hbm>> -> memref<82x128xi32, #tpu.memory_space<hbm>>
      %dma_wait3A_49 = arith.constant 0 : i32
      %dma_wait3A_50 = arith.constant 0 : i32
      %dma_wait3A_51 = tpu.memref_slice %arg3[%add3A, %dma_wait3A_49, %dma_wait3A_50] : memref<32x82x128xi32, #tpu.memory_space<hbm>> -> memref<1x82x128xi32, #tpu.memory_space<hbm>>
      %dma_wait3A_52 = tpu.memref_squeeze %dma_wait3A_51 : memref<1x82x128xi32, #tpu.memory_space<hbm>> -> memref<82x128xi32, #tpu.memory_space<hbm>>
      tpu.wait_dma2 semaphore(%run_scoped3A : memref<!tpu.dma_semaphore, #tpu.memory_space<semaphore_mem>>) src(%dma_wait3A_52 : memref<82x128xi32, #tpu.memory_space<hbm>>) dst(%arg7 : memref<82x128xi32, #tpu.memory_space<vmem>>)
      tpu.yield
    }) : () -> ()
    "tpu.region"() ({
      %run_scoped3A = tpu.sem_alloc : memref<!tpu.dma_semaphore, #tpu.memory_space<semaphore_mem>>
      %dma_start3A_37 = arith.constant 0 : i32
      %dma_start3A_38 = arith.constant 0 : i32
      %dma_start3A_39 = tpu.memref_slice %arg4[%add3A, %dma_start3A_37, %dma_start3A_38] : memref<32x82x128xi32, #tpu.memory_space<hbm>> -> memref<1x82x128xi32, #tpu.memory_space<hbm>>
      %dma_start3A_40 = tpu.memref_squeeze %dma_start3A_39 : memref<1x82x128xi32, #tpu.memory_space<hbm>> -> memref<82x128xi32, #tpu.memory_space<hbm>>
      %dma_start3A_41 = arith.constant 0 : i32
      %dma_start3A_42 = arith.constant 0 : i32
      %dma_start3A_43 = tpu.memref_slice %arg4[%add3A, %dma_start3A_41, %dma_start3A_42] : memref<32x82x128xi32, #tpu.memory_space<hbm>> -> memref<1x82x128xi32, #tpu.memory_space<hbm>>
      %dma_start3A_44 = tpu.memref_squeeze %dma_start3A_43 : memref<1x82x128xi32, #tpu.memory_space<hbm>> -> memref<82x128xi32, #tpu.memory_space<hbm>>
      tpu.enqueue_dma source(%dma_start3A_44 : memref<82x128xi32, #tpu.memory_space<hbm>>) target(%arg8 : memref<82x128xi32, #tpu.memory_space<vmem>>) target_semaphore(%run_scoped3A : memref<!tpu.dma_semaphore, #tpu.memory_space<semaphore_mem>>)
      %dma_wait3A_45 = arith.constant 0 : i32
      %dma_wait3A_46 = arith.constant 0 : i32
      %dma_wait3A_47 = tpu.memref_slice %arg4[%add3A, %dma_wait3A_45, %dma_wait3A_46] : memref<32x82x128xi32, #tpu.memory_space<hbm>> -> memref<1x82x128xi32, #tpu.memory_space<hbm>>
      %dma_wait3A_48 = tpu.memref_squeeze %dma_wait3A_47 : memref<1x82x128xi32, #tpu.memory_space<hbm>> -> memref<82x128xi32, #tpu.memory_space<hbm>>
      %dma_wait3A_49 = arith.constant 0 : i32
      %dma_wait3A_50 = arith.constant 0 : i32
      %dma_wait3A_51 = tpu.memref_slice %arg4[%add3A, %dma_wait3A_49, %dma_wait3A_50] : memref<32x82x128xi32, #tpu.memory_space<hbm>> -> memref<1x82x128xi32, #tpu.memory_space<hbm>>
      %dma_wait3A_52 = tpu.memref_squeeze %dma_wait3A_51 : memref<1x82x128xi32, #tpu.memory_space<hbm>> -> memref<82x128xi32, #tpu.memory_space<hbm>>
      tpu.wait_dma2 semaphore(%run_scoped3A : memref<!tpu.dma_semaphore, #tpu.memory_space<semaphore_mem>>) src(%dma_wait3A_52 : memref<82x128xi32, #tpu.memory_space<hbm>>) dst(%arg8 : memref<82x128xi32, #tpu.memory_space<vmem>>)
      tpu.yield
    }) : () -> ()
    %barrier3A = arith.constant 0 : index
    tpu.barrier barrier_id(%barrier3A)
    %dma_start3A = arith.constant 0 : i32
    %dma_start3A_3 = arith.constant 0 : i32
    %dma_start3A_4 = tpu.memref_slice %arg7[%dma_start3A, %dma_start3A_3] : memref<82x128xi32, #tpu.memory_space<vmem>> -> memref<1x128xi32, #tpu.memory_space<vmem>>
    %dma_start3A_5 = tpu.memref_squeeze %dma_start3A_4 : memref<1x128xi32, #tpu.memory_space<vmem>> -> memref<128xi32, #tpu.memory_space<vmem>>
    %dma_start3A_6 = arith.constant 0 : i32
    %dma_start3A_7 = arith.constant 0 : i32
    %dma_start3A_8 = tpu.memref_slice %arg2[%dma_start3A_6, %dma_start3A_7] : memref<10112x64xf32, #tpu.memory_space<hbm>> -> memref<10112x64xf32, #tpu.memory_space<hbm>>
    tpu.enqueue_indirect_dma source(%dma_start3A_8 : memref<10112x64xf32, #tpu.memory_space<hbm>>) target(%arg9 : memref<128x64xf32, #tpu.memory_space<vmem>>) offsets(%dma_start3A_5 : memref<128xi32, #tpu.memory_space<vmem>>) semaphore(%arg12 : memref<!tpu.dma_semaphore, #tpu.memory_space<semaphore_mem>>)
    %dma_start3A_9 = arith.constant 1 : i32
    %dma_start3A_10 = arith.constant 0 : i32
    %dma_start3A_11 = tpu.memref_slice %arg7[%dma_start3A_9, %dma_start3A_10] : memref<82x128xi32, #tpu.memory_space<vmem>> -> memref<1x128xi32, #tpu.memory_space<vmem>>
    %dma_start3A_12 = tpu.memref_squeeze %dma_start3A_11 : memref<1x128xi32, #tpu.memory_space<vmem>> -> memref<128xi32, #tpu.memory_space<vmem>>
    %dma_start3A_13 = arith.constant 0 : i32
    %dma_start3A_14 = arith.constant 0 : i32
    %dma_start3A_15 = tpu.memref_slice %arg2[%dma_start3A_13, %dma_start3A_14] : memref<10112x64xf32, #tpu.memory_space<hbm>> -> memref<10112x64xf32, #tpu.memory_space<hbm>>
    tpu.enqueue_indirect_dma source(%dma_start3A_15 : memref<10112x64xf32, #tpu.memory_space<hbm>>) target(%arg10 : memref<128x64xf32, #tpu.memory_space<vmem>>) offsets(%dma_start3A_12 : memref<128xi32, #tpu.memory_space<vmem>>) semaphore(%arg13 : memref<!tpu.dma_semaphore, #tpu.memory_space<semaphore_mem>>)
    %scan3A = arith.constant 0 : i32
    %scan3A_16 = arith.constant 0 : i32
    %scan3A_17 = arith.constant 40 : i32
    %scan3A_18 = arith.addi %scan3A_16, %scan3A_17 : i32
    %scan3A_19 = arith.constant 1 : i32
    scf.for %scan3A_37 = %scan3A_16 to %scan3A_18 step %scan3A_19  : i32 {
      %mul3A_38 = arith.constant 2 : i32
      %mul3A_39 = arith.muli %scan3A_37, %mul3A_38 : i32
      %add3A_40 = arith.constant 0 : i32
      %add3A_41 = arith.addi %mul3A_39, %add3A_40 : i32
      %dma_wait3A_42 = arith.constant 0 : i32
      %dma_wait3A_43 = arith.constant 0 : i32
      %dma_wait3A_44 = tpu.memref_slice %arg2[%dma_wait3A_42, %dma_wait3A_43] : memref<10112x64xf32, #tpu.memory_space<hbm>> -> memref<128x64xf32, #tpu.memory_space<hbm>>
      %dma_wait3A_45 = arith.constant 0 : i32
      %dma_wait3A_46 = arith.constant 0 : i32
      %dma_wait3A_47 = tpu.memref_slice %arg2[%dma_wait3A_45, %dma_wait3A_46] : memref<10112x64xf32, #tpu.memory_space<hbm>> -> memref<128x64xf32, #tpu.memory_space<hbm>>
      tpu.wait_dma2 semaphore(%arg12 : memref<!tpu.dma_semaphore, #tpu.memory_space<semaphore_mem>>) src(%dma_wait3A_47 : memref<128x64xf32, #tpu.memory_space<hbm>>) dst(%arg9 : memref<128x64xf32, #tpu.memory_space<vmem>>)
      "tpu.region"() ({
        %run_scoped3A = tpu.sem_alloc : memref<!tpu.dma_semaphore, #tpu.memory_space<semaphore_mem>>
        %dma_start3A_72 = arith.constant 0 : i32
        %dma_start3A_73 = tpu.memref_slice %arg8[%add3A_41, %dma_start3A_72] : memref<82x128xi32, #tpu.memory_space<vmem>> -> memref<1x128xi32, #tpu.memory_space<vmem>>
        %dma_start3A_74 = tpu.memref_squeeze %dma_start3A_73 : memref<1x128xi32, #tpu.memory_space<vmem>> -> memref<128xi32, #tpu.memory_space<vmem>>
        %dma_start3A_75 = arith.constant 0 : i32
        %dma_start3A_76 = arith.constant 0 : i32
        %dma_start3A_77 = tpu.memref_slice %arg11[%dma_start3A_75, %dma_start3A_76] : memref<10112x64xf32, #tpu.memory_space<vmem_shared>> -> memref<10112x64xf32, #tpu.memory_space<vmem_shared>>
        tpu.enqueue_indirect_dma source(%arg9 : memref<128x64xf32, #tpu.memory_space<vmem>>) target(%dma_start3A_77 : memref<10112x64xf32, #tpu.memory_space<vmem_shared>>) offsets(%dma_start3A_74 : memref<128xi32, #tpu.memory_space<vmem>>) semaphore(%run_scoped3A : memref<!tpu.dma_semaphore, #tpu.memory_space<semaphore_mem>>) {add = true}
        %dma_wait3A_78 = arith.constant 0 : i32
        %dma_wait3A_79 = tpu.memref_slice %arg8[%add3A_41, %dma_wait3A_78] : memref<82x128xi32, #tpu.memory_space<vmem>> -> memref<1x128xi32, #tpu.memory_space<vmem>>
        %dma_wait3A_80 = tpu.memref_squeeze %dma_wait3A_79 : memref<1x128xi32, #tpu.memory_space<vmem>> -> memref<128xi32, #tpu.memory_space<vmem>>
        %dma_wait3A_81 = arith.constant 0 : i32
        %dma_wait3A_82 = arith.constant 0 : i32
        %dma_wait3A_83 = tpu.memref_slice %arg11[%dma_wait3A_81, %dma_wait3A_82] : memref<10112x64xf32, #tpu.memory_space<vmem_shared>> -> memref<10112x64xf32, #tpu.memory_space<vmem_shared>>
        tpu.wait_indirect_dma semaphore(%run_scoped3A : memref<!tpu.dma_semaphore, #tpu.memory_space<semaphore_mem>>) src(%arg9 : memref<128x64xf32, #tpu.memory_space<vmem>>) dst(%dma_wait3A_83 : memref<10112x64xf32, #tpu.memory_space<vmem_shared>>)
        tpu.yield
      }) : () -> ()
      %add3A_48 = arith.constant 2 : i32
      %add3A_49 = arith.addi %add3A_41, %add3A_48 : i32
      %dma_start3A_50 = arith.constant 0 : i32
      %dma_start3A_51 = tpu.memref_slice %arg7[%add3A_49, %dma_start3A_50] : memref<82x128xi32, #tpu.memory_space<vmem>> -> memref<1x128xi32, #tpu.memory_space<vmem>>
      %dma_start3A_52 = tpu.memref_squeeze %dma_start3A_51 : memref<1x128xi32, #tpu.memory_space<vmem>> -> memref<128xi32, #tpu.memory_space<vmem>>
      %dma_start3A_53 = arith.constant 0 : i32
      %dma_start3A_54 = arith.constant 0 : i32
      %dma_start3A_55 = tpu.memref_slice %arg2[%dma_start3A_53, %dma_start3A_54] : memref<10112x64xf32, #tpu.memory_space<hbm>> -> memref<10112x64xf32, #tpu.memory_space<hbm>>
      tpu.enqueue_indirect_dma source(%dma_start3A_55 : memref<10112x64xf32, #tpu.memory_space<hbm>>) target(%arg9 : memref<128x64xf32, #tpu.memory_space<vmem>>) offsets(%dma_start3A_52 : memref<128xi32, #tpu.memory_space<vmem>>) semaphore(%arg12 : memref<!tpu.dma_semaphore, #tpu.memory_space<semaphore_mem>>)
      %add3A_56 = arith.constant 1 : i32
      %add3A_57 = arith.addi %mul3A_39, %add3A_56 : i32
      %dma_wait3A_58 = arith.constant 0 : i32
      %dma_wait3A_59 = arith.constant 0 : i32
      %dma_wait3A_60 = tpu.memref_slice %arg2[%dma_wait3A_58, %dma_wait3A_59] : memref<10112x64xf32, #tpu.memory_space<hbm>> -> memref<128x64xf32, #tpu.memory_space<hbm>>
      %dma_wait3A_61 = arith.constant 0 : i32
      %dma_wait3A_62 = arith.constant 0 : i32
      %dma_wait3A_63 = tpu.memref_slice %arg2[%dma_wait3A_61, %dma_wait3A_62] : memref<10112x64xf32, #tpu.memory_space<hbm>> -> memref<128x64xf32, #tpu.memory_space<hbm>>
      tpu.wait_dma2 semaphore(%arg13 : memref<!tpu.dma_semaphore, #tpu.memory_space<semaphore_mem>>) src(%dma_wait3A_63 : memref<128x64xf32, #tpu.memory_space<hbm>>) dst(%arg10 : memref<128x64xf32, #tpu.memory_space<vmem>>)
      "tpu.region"() ({
        %run_scoped3A = tpu.sem_alloc : memref<!tpu.dma_semaphore, #tpu.memory_space<semaphore_mem>>
        %dma_start3A_72 = arith.constant 0 : i32
        %dma_start3A_73 = tpu.memref_slice %arg8[%add3A_57, %dma_start3A_72] : memref<82x128xi32, #tpu.memory_space<vmem>> -> memref<1x128xi32, #tpu.memory_space<vmem>>
        %dma_start3A_74 = tpu.memref_squeeze %dma_start3A_73 : memref<1x128xi32, #tpu.memory_space<vmem>> -> memref<128xi32, #tpu.memory_space<vmem>>
        %dma_start3A_75 = arith.constant 0 : i32
        %dma_start3A_76 = arith.constant 0 : i32
        %dma_start3A_77 = tpu.memref_slice %arg11[%dma_start3A_75, %dma_start3A_76] : memref<10112x64xf32, #tpu.memory_space<vmem_shared>> -> memref<10112x64xf32, #tpu.memory_space<vmem_shared>>
        tpu.enqueue_indirect_dma source(%arg10 : memref<128x64xf32, #tpu.memory_space<vmem>>) target(%dma_start3A_77 : memref<10112x64xf32, #tpu.memory_space<vmem_shared>>) offsets(%dma_start3A_74 : memref<128xi32, #tpu.memory_space<vmem>>) semaphore(%run_scoped3A : memref<!tpu.dma_semaphore, #tpu.memory_space<semaphore_mem>>) {add = true}
        %dma_wait3A_78 = arith.constant 0 : i32
        %dma_wait3A_79 = tpu.memref_slice %arg8[%add3A_57, %dma_wait3A_78] : memref<82x128xi32, #tpu.memory_space<vmem>> -> memref<1x128xi32, #tpu.memory_space<vmem>>
        %dma_wait3A_80 = tpu.memref_squeeze %dma_wait3A_79 : memref<1x128xi32, #tpu.memory_space<vmem>> -> memref<128xi32, #tpu.memory_space<vmem>>
        %dma_wait3A_81 = arith.constant 0 : i32
        %dma_wait3A_82 = arith.constant 0 : i32
        %dma_wait3A_83 = tpu.memref_slice %arg11[%dma_wait3A_81, %dma_wait3A_82] : memref<10112x64xf32, #tpu.memory_space<vmem_shared>> -> memref<10112x64xf32, #tpu.memory_space<vmem_shared>>
        tpu.wait_indirect_dma semaphore(%run_scoped3A : memref<!tpu.dma_semaphore, #tpu.memory_space<semaphore_mem>>) src(%arg10 : memref<128x64xf32, #tpu.memory_space<vmem>>) dst(%dma_wait3A_83 : memref<10112x64xf32, #tpu.memory_space<vmem_shared>>)
        tpu.yield
      }) : () -> ()
      %add3A_64 = arith.constant 2 : i32
      %add3A_65 = arith.addi %add3A_57, %add3A_64 : i32
      %dma_start3A_66 = arith.constant 0 : i32
      %dma_start3A_67 = tpu.memref_slice %arg7[%add3A_65, %dma_start3A_66] : memref<82x128xi32, #tpu.memory_space<vmem>> -> memref<1x128xi32, #tpu.memory_space<vmem>>
      %dma_start3A_68 = tpu.memref_squeeze %dma_start3A_67 : memref<1x128xi32, #tpu.memory_space<vmem>> -> memref<128xi32, #tpu.memory_space<vmem>>
      %dma_start3A_69 = arith.constant 0 : i32
      %dma_start3A_70 = arith.constant 0 : i32
      %dma_start3A_71 = tpu.memref_slice %arg2[%dma_start3A_69, %dma_start3A_70] : memref<10112x64xf32, #tpu.memory_space<hbm>> -> memref<10112x64xf32, #tpu.memory_space<hbm>>
      tpu.enqueue_indirect_dma source(%dma_start3A_71 : memref<10112x64xf32, #tpu.memory_space<hbm>>) target(%arg10 : memref<128x64xf32, #tpu.memory_space<vmem>>) offsets(%dma_start3A_68 : memref<128xi32, #tpu.memory_space<vmem>>) semaphore(%arg13 : memref<!tpu.dma_semaphore, #tpu.memory_space<semaphore_mem>>)
    }
    %scan3A_20 = arith.constant 40 : i32
    %dma_wait3A = arith.constant 0 : i32
    %dma_wait3A_21 = arith.constant 0 : i32
    %dma_wait3A_22 = tpu.memref_slice %arg2[%dma_wait3A, %dma_wait3A_21] : memref<10112x64xf32, #tpu.memory_space<hbm>> -> memref<128x64xf32, #tpu.memory_space<hbm>>
    %dma_wait3A_23 = arith.constant 0 : i32
    %dma_wait3A_24 = arith.constant 0 : i32
    %dma_wait3A_25 = tpu.memref_slice %arg2[%dma_wait3A_23, %dma_wait3A_24] : memref<10112x64xf32, #tpu.memory_space<hbm>> -> memref<128x64xf32, #tpu.memory_space<hbm>>
    tpu.wait_dma2 semaphore(%arg12 : memref<!tpu.dma_semaphore, #tpu.memory_space<semaphore_mem>>) src(%dma_wait3A_25 : memref<128x64xf32, #tpu.memory_space<hbm>>) dst(%arg9 : memref<128x64xf32, #tpu.memory_space<vmem>>)
    %dma_wait3A_26 = arith.constant 0 : i32
    %dma_wait3A_27 = arith.constant 0 : i32
    %dma_wait3A_28 = tpu.memref_slice %arg2[%dma_wait3A_26, %dma_wait3A_27] : memref<10112x64xf32, #tpu.memory_space<hbm>> -> memref<128x64xf32, #tpu.memory_space<hbm>>
    %dma_wait3A_29 = arith.constant 0 : i32
    %dma_wait3A_30 = arith.constant 0 : i32
    %dma_wait3A_31 = tpu.memref_slice %arg2[%dma_wait3A_29, %dma_wait3A_30] : memref<10112x64xf32, #tpu.memory_space<hbm>> -> memref<128x64xf32, #tpu.memory_space<hbm>>
    tpu.wait_dma2 semaphore(%arg13 : memref<!tpu.dma_semaphore, #tpu.memory_space<semaphore_mem>>) src(%dma_wait3A_31 : memref<128x64xf32, #tpu.memory_space<hbm>>) dst(%arg10 : memref<128x64xf32, #tpu.memory_space<vmem>>)
    %barrier3A_32 = arith.constant 0 : index
    tpu.barrier barrier_id(%barrier3A_32)
    %mul3A_33 = arith.constant 632 : i32
    %mul3A_34 = arith.muli %arg1, %mul3A_33 : i32
    %mul3A_35 = arith.constant 632 : i32
    %mul3A_36 = arith.muli %arg1, %mul3A_35 : i32
    "tpu.region"() ({
      %run_scoped3A = tpu.sem_alloc : memref<!tpu.dma_semaphore, #tpu.memory_space<semaphore_mem>>
      %dma_start3A_37 = arith.constant 0 : i32
      %dma_start3A_38 = tpu.memref_slice %arg6[%arg0, %mul3A_36, %dma_start3A_37] : memref<2x10112x64xf32, #tpu.memory_space<hbm>> -> memref<1x632x64xf32, #tpu.memory_space<hbm>>
      %dma_start3A_39 = tpu.memref_squeeze %dma_start3A_38 : memref<1x632x64xf32, #tpu.memory_space<hbm>> -> memref<632x64xf32, #tpu.memory_space<hbm>>
      %dma_start3A_40 = arith.constant 0 : i32
      %dma_start3A_41 = tpu.memref_slice %arg11[%mul3A_34, %dma_start3A_40] : memref<10112x64xf32, #tpu.memory_space<vmem_shared>> -> memref<632x64xf32, #tpu.memory_space<vmem_shared>>
      tpu.enqueue_dma source(%dma_start3A_41 : memref<632x64xf32, #tpu.memory_space<vmem_shared>>) target(%dma_start3A_39 : memref<632x64xf32, #tpu.memory_space<hbm>>) target_semaphore(%run_scoped3A : memref<!tpu.dma_semaphore, #tpu.memory_space<semaphore_mem>>)
      %dma_wait3A_42 = arith.constant 0 : i32
      %dma_wait3A_43 = tpu.memref_slice %arg6[%arg0, %mul3A_36, %dma_wait3A_42] : memref<2x10112x64xf32, #tpu.memory_space<hbm>> -> memref<1x632x64xf32, #tpu.memory_space<hbm>>
      %dma_wait3A_44 = tpu.memref_squeeze %dma_wait3A_43 : memref<1x632x64xf32, #tpu.memory_space<hbm>> -> memref<632x64xf32, #tpu.memory_space<hbm>>
      %dma_wait3A_45 = arith.constant 0 : i32
      %dma_wait3A_46 = tpu.memref_slice %arg11[%mul3A_34, %dma_wait3A_45] : memref<10112x64xf32, #tpu.memory_space<vmem_shared>> -> memref<632x64xf32, #tpu.memory_space<vmem_shared>>
      tpu.wait_dma2 semaphore(%run_scoped3A : memref<!tpu.dma_semaphore, #tpu.memory_space<semaphore_mem>>) src(%dma_wait3A_46 : memref<632x64xf32, #tpu.memory_space<vmem_shared>>) dst(%dma_wait3A_44 : memref<632x64xf32, #tpu.memory_space<hbm>>)
      tpu.yield
    }) : () -> ()
    return
  }
}

module attributes {stable_mosaic.version = 14 : i64} {
  func.func @_tc_pre_body(%arg0: i32, %arg1: memref<2x2x1264x16xf32, #tpu.memory_space<vmem>>, %arg2: memref<1264x128xf32, #tpu.memory_space<vmem>>, %arg3: memref<128x64xf32, #tpu.memory_space<vmem>>, %arg4: memref<1264x64xf32, #tpu.memory_space<vmem>>, %arg5: memref<1264x1xf32, #tpu.memory_space<vmem>>, %arg6: memref<1264x1xf32, #tpu.memory_space<vmem>>) attributes {dimension_semantics = [#tpu.dimension_semantics<arbitrary>], iteration_bounds = array<i64: 8>, scalar_prefetch = 0 : i64, scratch_operands = 0 : i64, tpu.core_type = #tpu.core_type<tc>, window_params = [{transform_indices = @transform_0, window_bounds = array<i64: 2, 2, 1264, 16>}, {transform_indices = @transform_1, window_bounds = array<i64: 1264, 128>}, {pipeline_mode = #tpu.pipeline_mode<synchronous>, transform_indices = @transform_2, window_bounds = array<i64: 128, 64>}, {transform_indices = @transform_3, window_bounds = array<i64: 1264, 64>}, {transform_indices = @transform_4, window_bounds = array<i64: 1264, 1>}, {transform_indices = @transform_5, window_bounds = array<i64: 1264, 1>}]} {
    %get3A = arith.constant 0 : index
    %get3A_0 = arith.constant 0 : index
    %get3A_1 = arith.constant 0 : index
    %get3A_2 = arith.constant 0 : index
    %get3A_3 = vector.load %arg1[%get3A, %get3A_0, %get3A_1, %get3A_2] : memref<2x2x1264x16xf32, #tpu.memory_space<vmem>>, vector<1x2x1264x16xf32>
    %get3A_4 = vector.shape_cast %get3A_3 : vector<1x2x1264x16xf32> to vector<2x1264x16xf32>
    %get3A_5 = arith.constant 1 : index
    %get3A_6 = arith.constant 0 : index
    %get3A_7 = arith.constant 0 : index
    %get3A_8 = arith.constant 0 : index
    %get3A_9 = vector.load %arg1[%get3A_5, %get3A_6, %get3A_7, %get3A_8] : memref<2x2x1264x16xf32, #tpu.memory_space<vmem>>, vector<1x2x1264x16xf32>
    %get3A_10 = vector.shape_cast %get3A_9 : vector<1x2x1264x16xf32> to vector<2x1264x16xf32>
    %add3A = arith.addf %get3A_4, %get3A_10 : vector<2x1264x16xf32>
    %slice3A = vector.extract_strided_slice %add3A {offsets = [0, 0, 0], sizes = [1, 1264, 1], strides = [1, 1, 1]} : vector<2x1264x16xf32> to vector<1x1264x1xf32>
    %squeeze3A = vector.shape_cast %slice3A : vector<1x1264x1xf32> to vector<1264xf32>
    %max3A = arith.constant 1.000000e+00 : f32
    %max3A_11 = vector.broadcast %max3A : f32 to vector<1264xf32>
    %max3A_12 = arith.maximumf %squeeze3A, %max3A_11 : vector<1264xf32>
    %sqrt3A = math.sqrt %max3A_12 : vector<1264xf32>
    %div3A = arith.constant 1.000000e+00 : f32
    %div3A_13 = vector.broadcast %div3A : f32 to vector<1264xf32>
    %div3A_14 = arith.divf %div3A_13, %sqrt3A : vector<1264xf32>
    %slice3A_15 = vector.extract_strided_slice %add3A {offsets = [1, 0, 0], sizes = [1, 1264, 1], strides = [1, 1, 1]} : vector<2x1264x16xf32> to vector<1x1264x1xf32>
    %squeeze3A_16 = vector.shape_cast %slice3A_15 : vector<1x1264x1xf32> to vector<1264xf32>
    %max3A_17 = arith.constant 1.000000e+00 : f32
    %max3A_18 = vector.broadcast %max3A_17 : f32 to vector<1264xf32>
    %max3A_19 = arith.maximumf %squeeze3A_16, %max3A_18 : vector<1264xf32>
    %sqrt3A_20 = math.sqrt %max3A_19 : vector<1264xf32>
    %div3A_21 = arith.constant 1.000000e+00 : f32
    %div3A_22 = vector.broadcast %div3A_21 : f32 to vector<1264xf32>
    %div3A_23 = arith.divf %div3A_22, %sqrt3A_20 : vector<1264xf32>
    %broadcast_in_dim3A = vector.shape_cast %div3A_14 : vector<1264xf32> to vector<1264x1xf32>
    %swap3A = arith.constant 0 : index
    %swap3A_24 = arith.constant 0 : index
    %swap3A_25 = vector.load %arg5[%swap3A, %swap3A_24] : memref<1264x1xf32, #tpu.memory_space<vmem>>, vector<1264x1xf32>
    tpu.vector_store %arg5[%swap3A, %swap3A_24], %broadcast_in_dim3A {strides = array<i32>} : memref<1264x1xf32, #tpu.memory_space<vmem>>, vector<1264x1xf32>,
    %broadcast_in_dim3A_26 = vector.shape_cast %div3A_23 : vector<1264xf32> to vector<1264x1xf32>
    %swap3A_27 = arith.constant 0 : index
    %swap3A_28 = arith.constant 0 : index
    %swap3A_29 = vector.load %arg6[%swap3A_27, %swap3A_28] : memref<1264x1xf32, #tpu.memory_space<vmem>>, vector<1264x1xf32>
    tpu.vector_store %arg6[%swap3A_27, %swap3A_28], %broadcast_in_dim3A_26 {strides = array<i32>} : memref<1264x1xf32, #tpu.memory_space<vmem>>, vector<1264x1xf32>,
    %get3A_30 = arith.constant 0 : index
    %get3A_31 = arith.constant 0 : index
    %get3A_32 = vector.load %arg2[%get3A_30, %get3A_31] : memref<1264x128xf32, #tpu.memory_space<vmem>>, vector<1264x128xf32>
    %get3A_33 = arith.constant 0 : index
    %get3A_34 = arith.constant 0 : index
    %get3A_35 = vector.load %arg3[%get3A_33, %get3A_34] : memref<128x64xf32, #tpu.memory_space<vmem>>, vector<128x64xf32>
    %dot_general3A = arith.constant dense<0.000000e+00> : vector<1264x64xf32>
    %dot_general3A_36 = tpu.matmul %get3A_32, %get3A_35, %dot_general3A {dimension_numbers = #tpu.dot_dimension_numbers<[1], [0], [0], [1], [0, 0, 1, 1], [], []>, transpose_lhs_hint = false} : vector<1264x128xf32>, vector<128x64xf32>, vector<1264x64xf32> -> vector<1264x64xf32>
    %broadcast_in_dim3A_37 = vector.shape_cast %div3A_14 : vector<1264xf32> to vector<1264x1xf32>
    %mul3A = vector.broadcast %broadcast_in_dim3A_37 : vector<1264x1xf32> to vector<1264x64xf32>
    %mul3A_38 = arith.mulf %dot_general3A_36, %mul3A : vector<1264x64xf32>
    %swap3A_39 = arith.constant 0 : index
    %swap3A_40 = arith.constant 0 : index
    %swap3A_41 = vector.load %arg4[%swap3A_39, %swap3A_40] : memref<1264x64xf32, #tpu.memory_space<vmem>>, vector<1264x64xf32>
    tpu.vector_store %arg4[%swap3A_39, %swap3A_40], %mul3A_38 {strides = array<i32>} : memref<1264x64xf32, #tpu.memory_space<vmem>>, vector<1264x64xf32>,
    return
  }
  func.func @transform_0(%arg0: i32) -> (i32, i32, i32, i32) {
    %c0_i32 = arith.constant 0 : i32
    %c0_i32_0 = arith.constant 0 : i32
    %c0_i32_1 = arith.constant 0 : i32
    %c0_i32_2 = arith.constant 0 : i32
    return %c0_i32, %c0_i32_0, %arg0, %c0_i32_1 : i32, i32, i32, i32
  }
  func.func @transform_1(%arg0: i32) -> (i32, i32) {
    %c0_i32 = arith.constant 0 : i32
    %c0_i32_0 = arith.constant 0 : i32
    return %arg0, %c0_i32 : i32, i32
  }
  func.func @transform_2(%arg0: i32) -> (i32, i32) {
    %c0_i32 = arith.constant 0 : i32
    %c0_i32_0 = arith.constant 0 : i32
    %c0_i32_1 = arith.constant 0 : i32
    return %c0_i32, %c0_i32_0 : i32, i32
  }
  func.func @transform_3(%arg0: i32) -> (i32, i32) {
    %c0_i32 = arith.constant 0 : i32
    %c0_i32_0 = arith.constant 0 : i32
    return %arg0, %c0_i32 : i32, i32
  }
  func.func @transform_4(%arg0: i32) -> (i32, i32) {
    %c0_i32 = arith.constant 0 : i32
    %c0_i32_0 = arith.constant 0 : i32
    return %arg0, %c0_i32 : i32, i32
  }
  func.func @transform_5(%arg0: i32) -> (i32, i32) {
    %c0_i32 = arith.constant 0 : i32
    %c0_i32_0 = arith.constant 0 : i32
    return %arg0, %c0_i32 : i32, i32
  }
}

module attributes {stable_mosaic.version = 14 : i64} {
  func.func @_lambda_(%arg0: i32, %arg1: memref<2x1264x64xf32, #tpu.memory_space<vmem>>, %arg2: memref<1264x1xf32, #tpu.memory_space<vmem>>, %arg3: memref<1x64xf32, #tpu.memory_space<vmem>>, %arg4: memref<1264x1xf32, #tpu.memory_space<vmem>>, %arg5: memref<64x64xf32, #tpu.memory_space<vmem>>, %arg6: memref<1264x64xf32, #tpu.memory_space<vmem>>, %arg7: memref<1264x64xf32, #tpu.memory_space<vmem>>) attributes {dimension_semantics = [#tpu.dimension_semantics<arbitrary>], iteration_bounds = array<i64: 8>, scalar_prefetch = 0 : i64, scratch_operands = 0 : i64, tpu.core_type = #tpu.core_type<tc>, window_params = [{transform_indices = @transform_0, window_bounds = array<i64: 2, 1264, 64>}, {transform_indices = @transform_1, window_bounds = array<i64: 1264, 1>}, {pipeline_mode = #tpu.pipeline_mode<synchronous>, transform_indices = @transform_2, window_bounds = array<i64: 1, 64>}, {transform_indices = @transform_3, window_bounds = array<i64: 1264, 1>}, {pipeline_mode = #tpu.pipeline_mode<synchronous>, transform_indices = @transform_4, window_bounds = array<i64: 64, 64>}, {transform_indices = @transform_5, window_bounds = array<i64: 1264, 64>}, {transform_indices = @transform_6, window_bounds = array<i64: 1264, 64>}]} {
    %get3A = arith.constant 0 : index
    %get3A_0 = arith.constant 0 : index
    %get3A_1 = arith.constant 0 : index
    %get3A_2 = vector.load %arg1[%get3A, %get3A_0, %get3A_1] : memref<2x1264x64xf32, #tpu.memory_space<vmem>>, vector<1x1264x64xf32>
    %get3A_3 = vector.shape_cast %get3A_2 : vector<1x1264x64xf32> to vector<1264x64xf32>
    %get3A_4 = arith.constant 1 : index
    %get3A_5 = arith.constant 0 : index
    %get3A_6 = arith.constant 0 : index
    %get3A_7 = vector.load %arg1[%get3A_4, %get3A_5, %get3A_6] : memref<2x1264x64xf32, #tpu.memory_space<vmem>>, vector<1x1264x64xf32>
    %get3A_8 = vector.shape_cast %get3A_7 : vector<1x1264x64xf32> to vector<1264x64xf32>
    %add3A = arith.addf %get3A_3, %get3A_8 : vector<1264x64xf32>
    %get3A_9 = arith.constant 0 : index
    %get3A_10 = arith.constant 0 : index
    %get3A_11 = vector.load %arg2[%get3A_9, %get3A_10] : memref<1264x1xf32, #tpu.memory_space<vmem>>, vector<1264x1xf32>
    %mul3A = vector.broadcast %get3A_11 : vector<1264x1xf32> to vector<1264x64xf32>
    %mul3A_12 = arith.mulf %add3A, %mul3A : vector<1264x64xf32>
    %get3A_13 = arith.constant 0 : index
    %get3A_14 = arith.constant 0 : index
    %get3A_15 = vector.load %arg3[%get3A_13, %get3A_14] : memref<1x64xf32, #tpu.memory_space<vmem>>, vector<1x64xf32>
    %add3A_16 = vector.broadcast %get3A_15 : vector<1x64xf32> to vector<1264x64xf32>
    %add3A_17 = arith.addf %mul3A_12, %add3A_16 : vector<1264x64xf32>
    %gt3A = arith.constant 0.000000e+00 : f32
    %gt3A_18 = vector.broadcast %gt3A : f32 to vector<1264x64xf32>
    %gt3A_19 = arith.cmpf ogt, %add3A_17, %gt3A_18 : vector<1264x64xf32>
    %min3A = arith.constant 0.000000e+00 : f32
    %min3A_20 = vector.broadcast %min3A : f32 to vector<1264x64xf32>
    %min3A_21 = arith.minimumf %add3A_17, %min3A_20 : vector<1264x64xf32>
    %exp3A = math.exp %min3A_21 : vector<1264x64xf32>
    %sub3A = arith.constant 1.000000e+00 : f32
    %sub3A_22 = vector.broadcast %sub3A : f32 to vector<1264x64xf32>
    %sub3A_23 = arith.subf %exp3A, %sub3A_22 : vector<1264x64xf32>
    %mul3A_24 = arith.mulf %sub3A_23, %min3A_21 : vector<1264x64xf32>
    %log3A = math.log %exp3A : vector<1264x64xf32>
    %div3A = arith.divf %mul3A_24, %log3A : vector<1264x64xf32>
    %eq3A = arith.constant 1.000000e+00 : f32
    %eq3A_25 = vector.broadcast %eq3A : f32 to vector<1264x64xf32>
    %eq3A_26 = arith.cmpf oeq, %exp3A, %eq3A_25 : vector<1264x64xf32>
    %eq3A_27 = arith.constant -1.000000e+00 : f32
    %eq3A_28 = vector.broadcast %eq3A_27 : f32 to vector<1264x64xf32>
    %eq3A_29 = arith.cmpf oeq, %sub3A_23, %eq3A_28 : vector<1264x64xf32>
    %jit3A = arith.constant -1.000000e+00 : f32
    %broadcast_in_dim3A = vector.broadcast %jit3A : f32 to vector<1264x64xf32>
    %select_n3A = arith.select %eq3A_29, %broadcast_in_dim3A, %div3A : vector<1264x64xi1>, vector<1264x64xf32>
    %select_n3A_30 = arith.select %eq3A_26, %min3A_21, %select_n3A : vector<1264x64xi1>, vector<1264x64xf32>
    %select_n3A_31 = arith.select %gt3A_19, %add3A_17, %select_n3A_30 : vector<1264x64xi1>, vector<1264x64xf32>
    %swap3A = arith.constant 0 : index
    %swap3A_32 = arith.constant 0 : index
    %swap3A_33 = vector.load %arg6[%swap3A, %swap3A_32] : memref<1264x64xf32, #tpu.memory_space<vmem>>, vector<1264x64xf32>
    tpu.vector_store %arg6[%swap3A, %swap3A_32], %select_n3A_31 {strides = array<i32>} : memref<1264x64xf32, #tpu.memory_space<vmem>>, vector<1264x64xf32>,
    %get3A_34 = arith.constant 0 : index
    %get3A_35 = arith.constant 0 : index
    %get3A_36 = vector.load %arg5[%get3A_34, %get3A_35] : memref<64x64xf32, #tpu.memory_space<vmem>>, vector<64x64xf32>
    %dot_general3A = arith.constant dense<0.000000e+00> : vector<1264x64xf32>
    %dot_general3A_37 = tpu.matmul %select_n3A_31, %get3A_36, %dot_general3A {dimension_numbers = #tpu.dot_dimension_numbers<[1], [0], [0], [1], [0, 0, 1, 1], [], []>, transpose_lhs_hint = false} : vector<1264x64xf32>, vector<64x64xf32>, vector<1264x64xf32> -> vector<1264x64xf32>
    %get3A_38 = arith.constant 0 : index
    %get3A_39 = arith.constant 0 : index
    %get3A_40 = vector.load %arg4[%get3A_38, %get3A_39] : memref<1264x1xf32, #tpu.memory_space<vmem>>, vector<1264x1xf32>
    %mul3A_41 = vector.broadcast %get3A_40 : vector<1264x1xf32> to vector<1264x64xf32>
    %mul3A_42 = arith.mulf %dot_general3A_37, %mul3A_41 : vector<1264x64xf32>
    %swap3A_43 = arith.constant 0 : index
    %swap3A_44 = arith.constant 0 : index
    %swap3A_45 = vector.load %arg7[%swap3A_43, %swap3A_44] : memref<1264x64xf32, #tpu.memory_space<vmem>>, vector<1264x64xf32>
    tpu.vector_store %arg7[%swap3A_43, %swap3A_44], %mul3A_42 {strides = array<i32>} : memref<1264x64xf32, #tpu.memory_space<vmem>>, vector<1264x64xf32>,
    return
  }
  func.func @transform_0(%arg0: i32) -> (i32, i32, i32) {
    %c0_i32 = arith.constant 0 : i32
    %c0_i32_0 = arith.constant 0 : i32
    %c0_i32_1 = arith.constant 0 : i32
    return %c0_i32, %arg0, %c0_i32_0 : i32, i32, i32
  }
  func.func @transform_1(%arg0: i32) -> (i32, i32) {
    %c0_i32 = arith.constant 0 : i32
    %c0_i32_0 = arith.constant 0 : i32
    return %arg0, %c0_i32 : i32, i32
  }
  func.func @transform_2(%arg0: i32) -> (i32, i32) {
    %c0_i32 = arith.constant 0 : i32
    %c0_i32_0 = arith.constant 0 : i32
    %c0_i32_1 = arith.constant 0 : i32
    return %c0_i32, %c0_i32_0 : i32, i32
  }
  func.func @transform_3(%arg0: i32) -> (i32, i32) {
    %c0_i32 = arith.constant 0 : i32
    %c0_i32_0 = arith.constant 0 : i32
    return %arg0, %c0_i32 : i32, i32
  }
  func.func @transform_4(%arg0: i32) -> (i32, i32) {
    %c0_i32 = arith.constant 0 : i32
    %c0_i32_0 = arith.constant 0 : i32
    %c0_i32_1 = arith.constant 0 : i32
    return %c0_i32, %c0_i32_0 : i32, i32
  }
  func.func @transform_5(%arg0: i32) -> (i32, i32) {
    %c0_i32 = arith.constant 0 : i32
    %c0_i32_0 = arith.constant 0 : i32
    return %arg0, %c0_i32 : i32, i32
  }
  func.func @transform_6(%arg0: i32) -> (i32, i32) {
    %c0_i32 = arith.constant 0 : i32
    %c0_i32_0 = arith.constant 0 : i32
    return %arg0, %c0_i32 : i32, i32
  }
}

module attributes {stable_mosaic.version = 14 : i64} {
  func.func @_lambda_(%arg0: i32, %arg1: memref<2x1264x64xf32, #tpu.memory_space<vmem>>, %arg2: memref<1264x1xf32, #tpu.memory_space<vmem>>, %arg3: memref<1x64xf32, #tpu.memory_space<vmem>>, %arg4: memref<1264x1xf32, #tpu.memory_space<vmem>>, %arg5: memref<64x64xf32, #tpu.memory_space<vmem>>, %arg6: memref<1264x64xf32, #tpu.memory_space<vmem>>, %arg7: memref<1264x64xf32, #tpu.memory_space<vmem>>, %arg8: memref<1264x64xf32, #tpu.memory_space<vmem>>) attributes {dimension_semantics = [#tpu.dimension_semantics<arbitrary>], iteration_bounds = array<i64: 8>, scalar_prefetch = 0 : i64, scratch_operands = 0 : i64, tpu.core_type = #tpu.core_type<tc>, window_params = [{transform_indices = @transform_0, window_bounds = array<i64: 2, 1264, 64>}, {transform_indices = @transform_1, window_bounds = array<i64: 1264, 1>}, {pipeline_mode = #tpu.pipeline_mode<synchronous>, transform_indices = @transform_2, window_bounds = array<i64: 1, 64>}, {transform_indices = @transform_3, window_bounds = array<i64: 1264, 1>}, {pipeline_mode = #tpu.pipeline_mode<synchronous>, transform_indices = @transform_4, window_bounds = array<i64: 64, 64>}, {transform_indices = @transform_5, window_bounds = array<i64: 1264, 64>}, {transform_indices = @transform_6, window_bounds = array<i64: 1264, 64>}, {transform_indices = @transform_7, window_bounds = array<i64: 1264, 64>}]} {
    %get3A = arith.constant 0 : index
    %get3A_0 = arith.constant 0 : index
    %get3A_1 = arith.constant 0 : index
    %get3A_2 = vector.load %arg1[%get3A, %get3A_0, %get3A_1] : memref<2x1264x64xf32, #tpu.memory_space<vmem>>, vector<1x1264x64xf32>
    %get3A_3 = vector.shape_cast %get3A_2 : vector<1x1264x64xf32> to vector<1264x64xf32>
    %get3A_4 = arith.constant 1 : index
    %get3A_5 = arith.constant 0 : index
    %get3A_6 = arith.constant 0 : index
    %get3A_7 = vector.load %arg1[%get3A_4, %get3A_5, %get3A_6] : memref<2x1264x64xf32, #tpu.memory_space<vmem>>, vector<1x1264x64xf32>
    %get3A_8 = vector.shape_cast %get3A_7 : vector<1x1264x64xf32> to vector<1264x64xf32>
    %add3A = arith.addf %get3A_3, %get3A_8 : vector<1264x64xf32>
    %get3A_9 = arith.constant 0 : index
    %get3A_10 = arith.constant 0 : index
    %get3A_11 = vector.load %arg2[%get3A_9, %get3A_10] : memref<1264x1xf32, #tpu.memory_space<vmem>>, vector<1264x1xf32>
    %mul3A = vector.broadcast %get3A_11 : vector<1264x1xf32> to vector<1264x64xf32>
    %mul3A_12 = arith.mulf %add3A, %mul3A : vector<1264x64xf32>
    %get3A_13 = arith.constant 0 : index
    %get3A_14 = arith.constant 0 : index
    %get3A_15 = vector.load %arg3[%get3A_13, %get3A_14] : memref<1x64xf32, #tpu.memory_space<vmem>>, vector<1x64xf32>
    %add3A_16 = vector.broadcast %get3A_15 : vector<1x64xf32> to vector<1264x64xf32>
    %add3A_17 = arith.addf %mul3A_12, %add3A_16 : vector<1264x64xf32>
    %gt3A = arith.constant 0.000000e+00 : f32
    %gt3A_18 = vector.broadcast %gt3A : f32 to vector<1264x64xf32>
    %gt3A_19 = arith.cmpf ogt, %add3A_17, %gt3A_18 : vector<1264x64xf32>
    %min3A = arith.constant 0.000000e+00 : f32
    %min3A_20 = vector.broadcast %min3A : f32 to vector<1264x64xf32>
    %min3A_21 = arith.minimumf %add3A_17, %min3A_20 : vector<1264x64xf32>
    %exp3A = math.exp %min3A_21 : vector<1264x64xf32>
    %sub3A = arith.constant 1.000000e+00 : f32
    %sub3A_22 = vector.broadcast %sub3A : f32 to vector<1264x64xf32>
    %sub3A_23 = arith.subf %exp3A, %sub3A_22 : vector<1264x64xf32>
    %mul3A_24 = arith.mulf %sub3A_23, %min3A_21 : vector<1264x64xf32>
    %log3A = math.log %exp3A : vector<1264x64xf32>
    %div3A = arith.divf %mul3A_24, %log3A : vector<1264x64xf32>
    %eq3A = arith.constant 1.000000e+00 : f32
    %eq3A_25 = vector.broadcast %eq3A : f32 to vector<1264x64xf32>
    %eq3A_26 = arith.cmpf oeq, %exp3A, %eq3A_25 : vector<1264x64xf32>
    %eq3A_27 = arith.constant -1.000000e+00 : f32
    %eq3A_28 = vector.broadcast %eq3A_27 : f32 to vector<1264x64xf32>
    %eq3A_29 = arith.cmpf oeq, %sub3A_23, %eq3A_28 : vector<1264x64xf32>
    %jit3A = arith.constant -1.000000e+00 : f32
    %broadcast_in_dim3A = vector.broadcast %jit3A : f32 to vector<1264x64xf32>
    %select_n3A = arith.select %eq3A_29, %broadcast_in_dim3A, %div3A : vector<1264x64xi1>, vector<1264x64xf32>
    %select_n3A_30 = arith.select %eq3A_26, %min3A_21, %select_n3A : vector<1264x64xi1>, vector<1264x64xf32>
    %select_n3A_31 = arith.select %gt3A_19, %add3A_17, %select_n3A_30 : vector<1264x64xi1>, vector<1264x64xf32>
    %get3A_32 = arith.constant 0 : index
    %get3A_33 = arith.constant 0 : index
    %get3A_34 = vector.load %arg6[%get3A_32, %get3A_33] : memref<1264x64xf32, #tpu.memory_space<vmem>>, vector<1264x64xf32>
    %max3A = arith.maximumf %get3A_34, %select_n3A_31 : vector<1264x64xf32>
    %swap3A = arith.constant 0 : index
    %swap3A_35 = arith.constant 0 : index
    %swap3A_36 = vector.load %arg7[%swap3A, %swap3A_35] : memref<1264x64xf32, #tpu.memory_space<vmem>>, vector<1264x64xf32>
    tpu.vector_store %arg7[%swap3A, %swap3A_35], %max3A {strides = array<i32>} : memref<1264x64xf32, #tpu.memory_space<vmem>>, vector<1264x64xf32>,
    %get3A_37 = arith.constant 0 : index
    %get3A_38 = arith.constant 0 : index
    %get3A_39 = vector.load %arg5[%get3A_37, %get3A_38] : memref<64x64xf32, #tpu.memory_space<vmem>>, vector<64x64xf32>
    %dot_general3A = arith.constant dense<0.000000e+00> : vector<1264x64xf32>
    %dot_general3A_40 = tpu.matmul %select_n3A_31, %get3A_39, %dot_general3A {dimension_numbers = #tpu.dot_dimension_numbers<[1], [0], [0], [1], [0, 0, 1, 1], [], []>, transpose_lhs_hint = false} : vector<1264x64xf32>, vector<64x64xf32>, vector<1264x64xf32> -> vector<1264x64xf32>
    %get3A_41 = arith.constant 0 : index
    %get3A_42 = arith.constant 0 : index
    %get3A_43 = vector.load %arg4[%get3A_41, %get3A_42] : memref<1264x1xf32, #tpu.memory_space<vmem>>, vector<1264x1xf32>
    %mul3A_44 = vector.broadcast %get3A_43 : vector<1264x1xf32> to vector<1264x64xf32>
    %mul3A_45 = arith.mulf %dot_general3A_40, %mul3A_44 : vector<1264x64xf32>
    %swap3A_46 = arith.constant 0 : index
    %swap3A_47 = arith.constant 0 : index
    %swap3A_48 = vector.load %arg8[%swap3A_46, %swap3A_47] : memref<1264x64xf32, #tpu.memory_space<vmem>>, vector<1264x64xf32>
    tpu.vector_store %arg8[%swap3A_46, %swap3A_47], %mul3A_45 {strides = array<i32>} : memref<1264x64xf32, #tpu.memory_space<vmem>>, vector<1264x64xf32>,
    return
  }
  func.func @transform_0(%arg0: i32) -> (i32, i32, i32) {
    %c0_i32 = arith.constant 0 : i32
    %c0_i32_0 = arith.constant 0 : i32
    %c0_i32_1 = arith.constant 0 : i32
    return %c0_i32, %arg0, %c0_i32_0 : i32, i32, i32
  }
  func.func @transform_1(%arg0: i32) -> (i32, i32) {
    %c0_i32 = arith.constant 0 : i32
    %c0_i32_0 = arith.constant 0 : i32
    return %arg0, %c0_i32 : i32, i32
  }
  func.func @transform_2(%arg0: i32) -> (i32, i32) {
    %c0_i32 = arith.constant 0 : i32
    %c0_i32_0 = arith.constant 0 : i32
    %c0_i32_1 = arith.constant 0 : i32
    return %c0_i32, %c0_i32_0 : i32, i32
  }
  func.func @transform_3(%arg0: i32) -> (i32, i32) {
    %c0_i32 = arith.constant 0 : i32
    %c0_i32_0 = arith.constant 0 : i32
    return %arg0, %c0_i32 : i32, i32
  }
  func.func @transform_4(%arg0: i32) -> (i32, i32) {
    %c0_i32 = arith.constant 0 : i32
    %c0_i32_0 = arith.constant 0 : i32
    %c0_i32_1 = arith.constant 0 : i32
    return %c0_i32, %c0_i32_0 : i32, i32
  }
  func.func @transform_5(%arg0: i32) -> (i32, i32) {
    %c0_i32 = arith.constant 0 : i32
    %c0_i32_0 = arith.constant 0 : i32
    return %arg0, %c0_i32 : i32, i32
  }
  func.func @transform_6(%arg0: i32) -> (i32, i32) {
    %c0_i32 = arith.constant 0 : i32
    %c0_i32_0 = arith.constant 0 : i32
    return %arg0, %c0_i32 : i32, i32
  }
  func.func @transform_7(%arg0: i32) -> (i32, i32) {
    %c0_i32 = arith.constant 0 : i32
    %c0_i32_0 = arith.constant 0 : i32
    return %arg0, %c0_i32 : i32, i32
  }
}

module attributes {stable_mosaic.version = 14 : i64} {
  func.func @_tc_gate_body(%arg0: i32, %arg1: memref<2x1264x64xf32, #tpu.memory_space<vmem>>, %arg2: memref<1264x1xf32, #tpu.memory_space<vmem>>, %arg3: memref<1x64xf32, #tpu.memory_space<vmem>>, %arg4: memref<1264x64xf32, #tpu.memory_space<vmem>>, %arg5: memref<64x64xf32, #tpu.memory_space<vmem>>, %arg6: memref<1x64xf32, #tpu.memory_space<vmem>>, %arg7: memref<64x1xf32, #tpu.memory_space<vmem>>, %arg8: memref<1x1xf32, #tpu.memory_space<vmem>>, %arg9: memref<1264x64xf32, #tpu.memory_space<vmem>>, %arg10: memref<1264x1xf32, #tpu.memory_space<vmem>>) attributes {dimension_semantics = [#tpu.dimension_semantics<arbitrary>], iteration_bounds = array<i64: 8>, scalar_prefetch = 0 : i64, scratch_operands = 0 : i64, tpu.core_type = #tpu.core_type<tc>, window_params = [{transform_indices = @transform_0, window_bounds = array<i64: 2, 1264, 64>}, {transform_indices = @transform_1, window_bounds = array<i64: 1264, 1>}, {pipeline_mode = #tpu.pipeline_mode<synchronous>, transform_indices = @transform_2, window_bounds = array<i64: 1, 64>}, {transform_indices = @transform_3, window_bounds = array<i64: 1264, 64>}, {pipeline_mode = #tpu.pipeline_mode<synchronous>, transform_indices = @transform_4, window_bounds = array<i64: 64, 64>}, {pipeline_mode = #tpu.pipeline_mode<synchronous>, transform_indices = @transform_5, window_bounds = array<i64: 1, 64>}, {pipeline_mode = #tpu.pipeline_mode<synchronous>, transform_indices = @transform_6, window_bounds = array<i64: 64, 1>}, {pipeline_mode = #tpu.pipeline_mode<synchronous>, transform_indices = @transform_7, window_bounds = array<i64: 1, 1>}, {transform_indices = @transform_8, window_bounds = array<i64: 1264, 64>}, {transform_indices = @transform_9, window_bounds = array<i64: 1264, 1>}]} {
    %get3A = arith.constant 0 : index
    %get3A_0 = arith.constant 0 : index
    %get3A_1 = arith.constant 0 : index
    %get3A_2 = vector.load %arg1[%get3A, %get3A_0, %get3A_1] : memref<2x1264x64xf32, #tpu.memory_space<vmem>>, vector<1x1264x64xf32>
    %get3A_3 = vector.shape_cast %get3A_2 : vector<1x1264x64xf32> to vector<1264x64xf32>
    %get3A_4 = arith.constant 1 : index
    %get3A_5 = arith.constant 0 : index
    %get3A_6 = arith.constant 0 : index
    %get3A_7 = vector.load %arg1[%get3A_4, %get3A_5, %get3A_6] : memref<2x1264x64xf32, #tpu.memory_space<vmem>>, vector<1x1264x64xf32>
    %get3A_8 = vector.shape_cast %get3A_7 : vector<1x1264x64xf32> to vector<1264x64xf32>
    %add3A = arith.addf %get3A_3, %get3A_8 : vector<1264x64xf32>
    %get3A_9 = arith.constant 0 : index
    %get3A_10 = arith.constant 0 : index
    %get3A_11 = vector.load %arg2[%get3A_9, %get3A_10] : memref<1264x1xf32, #tpu.memory_space<vmem>>, vector<1264x1xf32>
    %mul3A = vector.broadcast %get3A_11 : vector<1264x1xf32> to vector<1264x64xf32>
    %mul3A_12 = arith.mulf %add3A, %mul3A : vector<1264x64xf32>
    %get3A_13 = arith.constant 0 : index
    %get3A_14 = arith.constant 0 : index
    %get3A_15 = vector.load %arg3[%get3A_13, %get3A_14] : memref<1x64xf32, #tpu.memory_space<vmem>>, vector<1x64xf32>
    %add3A_16 = vector.broadcast %get3A_15 : vector<1x64xf32> to vector<1264x64xf32>
    %add3A_17 = arith.addf %mul3A_12, %add3A_16 : vector<1264x64xf32>
    %gt3A = arith.constant 0.000000e+00 : f32
    %gt3A_18 = vector.broadcast %gt3A : f32 to vector<1264x64xf32>
    %gt3A_19 = arith.cmpf ogt, %add3A_17, %gt3A_18 : vector<1264x64xf32>
    %min3A = arith.constant 0.000000e+00 : f32
    %min3A_20 = vector.broadcast %min3A : f32 to vector<1264x64xf32>
    %min3A_21 = arith.minimumf %add3A_17, %min3A_20 : vector<1264x64xf32>
    %exp3A = math.exp %min3A_21 : vector<1264x64xf32>
    %sub3A = arith.constant 1.000000e+00 : f32
    %sub3A_22 = vector.broadcast %sub3A : f32 to vector<1264x64xf32>
    %sub3A_23 = arith.subf %exp3A, %sub3A_22 : vector<1264x64xf32>
    %mul3A_24 = arith.mulf %sub3A_23, %min3A_21 : vector<1264x64xf32>
    %log3A = math.log %exp3A : vector<1264x64xf32>
    %div3A = arith.divf %mul3A_24, %log3A : vector<1264x64xf32>
    %eq3A = arith.constant 1.000000e+00 : f32
    %eq3A_25 = vector.broadcast %eq3A : f32 to vector<1264x64xf32>
    %eq3A_26 = arith.cmpf oeq, %exp3A, %eq3A_25 : vector<1264x64xf32>
    %eq3A_27 = arith.constant -1.000000e+00 : f32
    %eq3A_28 = vector.broadcast %eq3A_27 : f32 to vector<1264x64xf32>
    %eq3A_29 = arith.cmpf oeq, %sub3A_23, %eq3A_28 : vector<1264x64xf32>
    %jit3A = arith.constant -1.000000e+00 : f32
    %broadcast_in_dim3A = vector.broadcast %jit3A : f32 to vector<1264x64xf32>
    %select_n3A = arith.select %eq3A_29, %broadcast_in_dim3A, %div3A : vector<1264x64xi1>, vector<1264x64xf32>
    %select_n3A_30 = arith.select %eq3A_26, %min3A_21, %select_n3A : vector<1264x64xi1>, vector<1264x64xf32>
    %select_n3A_31 = arith.select %gt3A_19, %add3A_17, %select_n3A_30 : vector<1264x64xi1>, vector<1264x64xf32>
    %get3A_32 = arith.constant 0 : index
    %get3A_33 = arith.constant 0 : index
    %get3A_34 = vector.load %arg4[%get3A_32, %get3A_33] : memref<1264x64xf32, #tpu.memory_space<vmem>>, vector<1264x64xf32>
    %max3A = arith.maximumf %get3A_34, %select_n3A_31 : vector<1264x64xf32>
    %swap3A = arith.constant 0 : index
    %swap3A_35 = arith.constant 0 : index
    %swap3A_36 = vector.load %arg9[%swap3A, %swap3A_35] : memref<1264x64xf32, #tpu.memory_space<vmem>>, vector<1264x64xf32>
    tpu.vector_store %arg9[%swap3A, %swap3A_35], %max3A {strides = array<i32>} : memref<1264x64xf32, #tpu.memory_space<vmem>>, vector<1264x64xf32>,
    %get3A_37 = arith.constant 0 : index
    %get3A_38 = arith.constant 0 : index
    %get3A_39 = vector.load %arg5[%get3A_37, %get3A_38] : memref<64x64xf32, #tpu.memory_space<vmem>>, vector<64x64xf32>
    %dot_general3A = arith.constant dense<0.000000e+00> : vector<1264x64xf32>
    %dot_general3A_40 = tpu.matmul %max3A, %get3A_39, %dot_general3A {dimension_numbers = #tpu.dot_dimension_numbers<[1], [0], [0], [1], [0, 0, 1, 1], [], []>, transpose_lhs_hint = false} : vector<1264x64xf32>, vector<64x64xf32>, vector<1264x64xf32> -> vector<1264x64xf32>
    %get3A_41 = arith.constant 0 : index
    %get3A_42 = arith.constant 0 : index
    %get3A_43 = vector.load %arg6[%get3A_41, %get3A_42] : memref<1x64xf32, #tpu.memory_space<vmem>>, vector<1x64xf32>
    %add3A_44 = vector.broadcast %get3A_43 : vector<1x64xf32> to vector<1264x64xf32>
    %add3A_45 = arith.addf %dot_general3A_40, %add3A_44 : vector<1264x64xf32>
    %max3A_46 = arith.constant 0.000000e+00 : f32
    %max3A_47 = vector.broadcast %max3A_46 : f32 to vector<1264x64xf32>
    %max3A_48 = arith.maximumf %add3A_45, %max3A_47 : vector<1264x64xf32>
    %get3A_49 = arith.constant 0 : index
    %get3A_50 = arith.constant 0 : index
    %get3A_51 = vector.load %arg7[%get3A_49, %get3A_50] : memref<64x1xf32, #tpu.memory_space<vmem>>, vector<64x1xf32>
    %dot_general3A_52 = arith.constant dense<0.000000e+00> : vector<1264x1xf32>
    %dot_general3A_53 = tpu.matmul %max3A_48, %get3A_51, %dot_general3A_52 {dimension_numbers = #tpu.dot_dimension_numbers<[1], [0], [0], [1], [0, 0, 1, 1], [], []>, transpose_lhs_hint = false} : vector<1264x64xf32>, vector<64x1xf32>, vector<1264x1xf32> -> vector<1264x1xf32>
    %get3A_54 = arith.constant 0 : index
    %get3A_55 = arith.constant 0 : index
    %get3A_56 = vector.load %arg8[%get3A_54, %get3A_55] : memref<1x1xf32, #tpu.memory_space<vmem>>, vector<1x1xf32>
    %add3A_57 = vector.broadcast %get3A_56 : vector<1x1xf32> to vector<1264x1xf32>
    %add3A_58 = arith.addf %dot_general3A_53, %add3A_57 : vector<1264x1xf32>
    %swap3A_59 = arith.constant 0 : index
    %swap3A_60 = arith.constant 0 : index
    %swap3A_61 = vector.load %arg10[%swap3A_59, %swap3A_60] : memref<1264x1xf32, #tpu.memory_space<vmem>>, vector<1264x1xf32>
    tpu.vector_store %arg10[%swap3A_59, %swap3A_60], %add3A_58 {strides = array<i32>} : memref<1264x1xf32, #tpu.memory_space<vmem>>, vector<1264x1xf32>,
    return
  }
  func.func @transform_0(%arg0: i32) -> (i32, i32, i32) {
    %c0_i32 = arith.constant 0 : i32
    %c0_i32_0 = arith.constant 0 : i32
    %c0_i32_1 = arith.constant 0 : i32
    return %c0_i32, %arg0, %c0_i32_0 : i32, i32, i32
  }
  func.func @transform_1(%arg0: i32) -> (i32, i32) {
    %c0_i32 = arith.constant 0 : i32
    %c0_i32_0 = arith.constant 0 : i32
    return %arg0, %c0_i32 : i32, i32
  }
  func.func @transform_2(%arg0: i32) -> (i32, i32) {
    %c0_i32 = arith.constant 0 : i32
    %c0_i32_0 = arith.constant 0 : i32
    %c0_i32_1 = arith.constant 0 : i32
    return %c0_i32, %c0_i32_0 : i32, i32
  }
  func.func @transform_3(%arg0: i32) -> (i32, i32) {
    %c0_i32 = arith.constant 0 : i32
    %c0_i32_0 = arith.constant 0 : i32
    return %arg0, %c0_i32 : i32, i32
  }
  func.func @transform_4(%arg0: i32) -> (i32, i32) {
    %c0_i32 = arith.constant 0 : i32
    %c0_i32_0 = arith.constant 0 : i32
    %c0_i32_1 = arith.constant 0 : i32
    return %c0_i32, %c0_i32_0 : i32, i32
  }
  func.func @transform_5(%arg0: i32) -> (i32, i32) {
    %c0_i32 = arith.constant 0 : i32
    %c0_i32_0 = arith.constant 0 : i32
    %c0_i32_1 = arith.constant 0 : i32
    return %c0_i32, %c0_i32_0 : i32, i32
  }
  func.func @transform_6(%arg0: i32) -> (i32, i32) {
    %c0_i32 = arith.constant 0 : i32
    %c0_i32_0 = arith.constant 0 : i32
    %c0_i32_1 = arith.constant 0 : i32
    return %c0_i32, %c0_i32_0 : i32, i32
  }
  func.func @transform_7(%arg0: i32) -> (i32, i32) {
    %c0_i32 = arith.constant 0 : i32
    %c0_i32_0 = arith.constant 0 : i32
    %c0_i32_1 = arith.constant 0 : i32
    return %c0_i32, %c0_i32_0 : i32, i32
  }
  func.func @transform_8(%arg0: i32) -> (i32, i32) {
    %c0_i32 = arith.constant 0 : i32
    %c0_i32_0 = arith.constant 0 : i32
    return %arg0, %c0_i32 : i32, i32
  }
  func.func @transform_9(%arg0: i32) -> (i32, i32) {
    %c0_i32 = arith.constant 0 : i32
    %c0_i32_0 = arith.constant 0 : i32
    return %arg0, %c0_i32 : i32, i32
  }
}

module attributes {stable_mosaic.version = 14 : i64} {
  func.func @_tc_pool_body(%arg0: memref<10112x64xf32, #tpu.memory_space<vmem>>, %arg1: memref<10112x1xf32, #tpu.memory_space<vmem>>, %arg2: memref<10112x1xi32, #tpu.memory_space<vmem>>, %arg3: memref<64x32xf32, #tpu.memory_space<vmem>>, %arg4: memref<1x32xf32, #tpu.memory_space<vmem>>, %arg5: memref<32x16xf32, #tpu.memory_space<vmem>>, %arg6: memref<1x16xf32, #tpu.memory_space<vmem>>, %arg7: memref<16x8xf32, #tpu.memory_space<vmem>>, %arg8: memref<1x8xf32, #tpu.memory_space<vmem>>, %arg9: memref<8x1xf32, #tpu.memory_space<vmem>>, %arg10: memref<1x1xf32, #tpu.memory_space<vmem>>, %arg11: memref<16x1xf32, #tpu.memory_space<vmem>>) attributes {dimension_semantics = [], scalar_prefetch = 0 : i64, scratch_operands = 0 : i64, tpu.core_type = #tpu.core_type<tc>} {
    %get3A = arith.constant 0 : index
    %get3A_0 = arith.constant 0 : index
    %get3A_1 = vector.load %arg0[%get3A, %get3A_0] : memref<10112x64xf32, #tpu.memory_space<vmem>>, vector<10112x64xf32>
    %get3A_2 = arith.constant 0 : index
    %get3A_3 = arith.constant 0 : index
    %get3A_4 = vector.load %arg1[%get3A_2, %get3A_3] : memref<10112x1xf32, #tpu.memory_space<vmem>>, vector<10112x1xf32>
    %get3A_5 = arith.constant 0 : index
    %get3A_6 = arith.constant 0 : index
    %get3A_7 = vector.load %arg2[%get3A_5, %get3A_6] : memref<10112x1xi32, #tpu.memory_space<vmem>>, vector<10112x1xi32>
    %iota3A = tpu.iota {dimensions = array<i32: 1>} : vector<10112x16xi32>
    %eq3A = vector.broadcast %get3A_7 : vector<10112x1xi32> to vector<10112x16xi32>
    %eq3A_8 = arith.cmpi eq, %eq3A, %iota3A : vector<10112x16xi32>
    %convert_element_type3A = arith.extui %eq3A_8 : vector<10112x16xi1> to vector<10112x16xi32>
    %convert_element_type3A_9 = arith.sitofp %convert_element_type3A : vector<10112x16xi32> to vector<10112x16xf32>
    %jit3A = arith.constant -1.000000e+30 : f32
    %broadcast_in_dim3A = vector.shape_cast %get3A_4 : vector<10112x1xf32> to vector<10112x1xf32>
    %broadcast_in_dim3A_10 = vector.broadcast %broadcast_in_dim3A : vector<10112x1xf32> to vector<10112x16xf32>
    %broadcast_in_dim3A_11 = vector.broadcast %jit3A : f32 to vector<10112x16xf32>
    %select_n3A = arith.select %eq3A_8, %broadcast_in_dim3A_10, %broadcast_in_dim3A_11 : vector<10112x16xi1>, vector<10112x16xf32>
    %reduce_max3A = arith.constant dense<0xFF800000> : vector<16xf32>
    %reduce_max3A_12 = vector.multi_reduction <maximumf>, %select_n3A, %reduce_max3A [0] : vector<10112x16xf32> to vector<16xf32>
    %broadcast_in_dim3A_13 = vector.shape_cast %reduce_max3A_12 : vector<16xf32> to vector<16x1xf32>
    %dot_general3A = arith.constant dense<0.000000e+00> : vector<10112x1xf32>
    %dot_general3A_14 = tpu.matmul %convert_element_type3A_9, %broadcast_in_dim3A_13, %dot_general3A {dimension_numbers = #tpu.dot_dimension_numbers<[1], [0], [0], [1], [0, 0, 1, 1], [], []>, transpose_lhs_hint = false} : vector<10112x16xf32>, vector<16x1xf32>, vector<10112x1xf32> -> vector<10112x1xf32>
    %lt3A = arith.constant 16 : i32
    %lt3A_15 = vector.broadcast %lt3A : i32 to vector<10112x1xi32>
    %lt3A_16 = arith.cmpi slt, %get3A_7, %lt3A_15 : vector<10112x1xi32>
    %convert_element_type3A_17 = arith.extui %lt3A_16 : vector<10112x1xi1> to vector<10112x1xi32>
    %convert_element_type3A_18 = arith.sitofp %convert_element_type3A_17 : vector<10112x1xi32> to vector<10112x1xf32>
    %sub3A = arith.subf %get3A_4, %dot_general3A_14 : vector<10112x1xf32>
    %exp3A = math.exp %sub3A : vector<10112x1xf32>
    %mul3A = arith.mulf %exp3A, %convert_element_type3A_18 : vector<10112x1xf32>
    %dot_general3A_19 = arith.constant dense<0.000000e+00> : vector<16x1xf32>
    %dot_general3A_20 = tpu.matmul %convert_element_type3A_9, %mul3A, %dot_general3A_19 {dimension_numbers = #tpu.dot_dimension_numbers<[0], [0], [1], [1], [0, 1, 1, 1], [], []>, transpose_lhs_hint = false} : vector<10112x16xf32>, vector<10112x1xf32>, vector<16x1xf32> -> vector<16x1xf32>
    %dot_general3A_21 = arith.constant dense<0.000000e+00> : vector<10112x1xf32>
    %dot_general3A_22 = tpu.matmul %convert_element_type3A_9, %dot_general3A_20, %dot_general3A_21 {dimension_numbers = #tpu.dot_dimension_numbers<[1], [0], [0], [1], [0, 0, 1, 1], [], []>, transpose_lhs_hint = false} : vector<10112x16xf32>, vector<16x1xf32>, vector<10112x1xf32> -> vector<10112x1xf32>
    %add3A = arith.constant 1.000000e-16 : f32
    %add3A_23 = vector.broadcast %add3A : f32 to vector<10112x1xf32>
    %add3A_24 = arith.addf %dot_general3A_22, %add3A_23 : vector<10112x1xf32>
    %div3A = arith.divf %mul3A, %add3A_24 : vector<10112x1xf32>
    %mul3A_25 = vector.broadcast %div3A : vector<10112x1xf32> to vector<10112x64xf32>
    %mul3A_26 = arith.mulf %get3A_1, %mul3A_25 : vector<10112x64xf32>
    %dot_general3A_27 = arith.constant dense<0.000000e+00> : vector<16x64xf32>
    %dot_general3A_28 = tpu.matmul %convert_element_type3A_9, %mul3A_26, %dot_general3A_27 {dimension_numbers = #tpu.dot_dimension_numbers<[0], [0], [1], [1], [0, 1, 1, 1], [], []>, transpose_lhs_hint = false} : vector<10112x16xf32>, vector<10112x64xf32>, vector<16x64xf32> -> vector<16x64xf32>
    %get3A_29 = arith.constant 0 : index
    %get3A_30 = arith.constant 0 : index
    %get3A_31 = vector.load %arg3[%get3A_29, %get3A_30] : memref<64x32xf32, #tpu.memory_space<vmem>>, vector<64x32xf32>
    %dot_general3A_32 = arith.constant dense<0.000000e+00> : vector<16x32xf32>
    %dot_general3A_33 = tpu.matmul %dot_general3A_28, %get3A_31, %dot_general3A_32 {dimension_numbers = #tpu.dot_dimension_numbers<[1], [0], [0], [1], [0, 0, 1, 1], [], []>, transpose_lhs_hint = false} : vector<16x64xf32>, vector<64x32xf32>, vector<16x32xf32> -> vector<16x32xf32>
    %get3A_34 = arith.constant 0 : index
    %get3A_35 = arith.constant 0 : index
    %get3A_36 = vector.load %arg4[%get3A_34, %get3A_35] : memref<1x32xf32, #tpu.memory_space<vmem>>, vector<1x32xf32>
    %add3A_37 = vector.broadcast %get3A_36 : vector<1x32xf32> to vector<16x32xf32>
    %add3A_38 = arith.addf %dot_general3A_33, %add3A_37 : vector<16x32xf32>
    %gt3A = arith.constant 0.000000e+00 : f32
    %gt3A_39 = vector.broadcast %gt3A : f32 to vector<16x32xf32>
    %gt3A_40 = arith.cmpf ogt, %add3A_38, %gt3A_39 : vector<16x32xf32>
    %min3A = arith.constant 0.000000e+00 : f32
    %min3A_41 = vector.broadcast %min3A : f32 to vector<16x32xf32>
    %min3A_42 = arith.minimumf %add3A_38, %min3A_41 : vector<16x32xf32>
    %exp3A_43 = math.exp %min3A_42 : vector<16x32xf32>
    %sub3A_44 = arith.constant 1.000000e+00 : f32
    %sub3A_45 = vector.broadcast %sub3A_44 : f32 to vector<16x32xf32>
    %sub3A_46 = arith.subf %exp3A_43, %sub3A_45 : vector<16x32xf32>
    %mul3A_47 = arith.mulf %sub3A_46, %min3A_42 : vector<16x32xf32>
    %log3A = math.log %exp3A_43 : vector<16x32xf32>
    %div3A_48 = arith.divf %mul3A_47, %log3A : vector<16x32xf32>
    %eq3A_49 = arith.constant 1.000000e+00 : f32
    %eq3A_50 = vector.broadcast %eq3A_49 : f32 to vector<16x32xf32>
    %eq3A_51 = arith.cmpf oeq, %exp3A_43, %eq3A_50 : vector<16x32xf32>
    %eq3A_52 = arith.constant -1.000000e+00 : f32
    %eq3A_53 = vector.broadcast %eq3A_52 : f32 to vector<16x32xf32>
    %eq3A_54 = arith.cmpf oeq, %sub3A_46, %eq3A_53 : vector<16x32xf32>
    %jit3A_55 = arith.constant -1.000000e+00 : f32
    %broadcast_in_dim3A_56 = vector.broadcast %jit3A_55 : f32 to vector<16x32xf32>
    %select_n3A_57 = arith.select %eq3A_54, %broadcast_in_dim3A_56, %div3A_48 : vector<16x32xi1>, vector<16x32xf32>
    %select_n3A_58 = arith.select %eq3A_51, %min3A_42, %select_n3A_57 : vector<16x32xi1>, vector<16x32xf32>
    %select_n3A_59 = arith.select %gt3A_40, %add3A_38, %select_n3A_58 : vector<16x32xi1>, vector<16x32xf32>
    %get3A_60 = arith.constant 0 : index
    %get3A_61 = arith.constant 0 : index
    %get3A_62 = vector.load %arg5[%get3A_60, %get3A_61] : memref<32x16xf32, #tpu.memory_space<vmem>>, vector<32x16xf32>
    %dot_general3A_63 = arith.constant dense<0.000000e+00> : vector<16x16xf32>
    %dot_general3A_64 = tpu.matmul %select_n3A_59, %get3A_62, %dot_general3A_63 {dimension_numbers = #tpu.dot_dimension_numbers<[1], [0], [0], [1], [0, 0, 1, 1], [], []>, transpose_lhs_hint = false} : vector<16x32xf32>, vector<32x16xf32>, vector<16x16xf32> -> vector<16x16xf32>
    %get3A_65 = arith.constant 0 : index
    %get3A_66 = arith.constant 0 : index
    %get3A_67 = vector.load %arg6[%get3A_65, %get3A_66] : memref<1x16xf32, #tpu.memory_space<vmem>>, vector<1x16xf32>
    %add3A_68 = vector.broadcast %get3A_67 : vector<1x16xf32> to vector<16x16xf32>
    %add3A_69 = arith.addf %dot_general3A_64, %add3A_68 : vector<16x16xf32>
    %gt3A_70 = arith.constant 0.000000e+00 : f32
    %gt3A_71 = vector.broadcast %gt3A_70 : f32 to vector<16x16xf32>
    %gt3A_72 = arith.cmpf ogt, %add3A_69, %gt3A_71 : vector<16x16xf32>
    %min3A_73 = arith.constant 0.000000e+00 : f32
    %min3A_74 = vector.broadcast %min3A_73 : f32 to vector<16x16xf32>
    %min3A_75 = arith.minimumf %add3A_69, %min3A_74 : vector<16x16xf32>
    %exp3A_76 = math.exp %min3A_75 : vector<16x16xf32>
    %sub3A_77 = arith.constant 1.000000e+00 : f32
    %sub3A_78 = vector.broadcast %sub3A_77 : f32 to vector<16x16xf32>
    %sub3A_79 = arith.subf %exp3A_76, %sub3A_78 : vector<16x16xf32>
    %mul3A_80 = arith.mulf %sub3A_79, %min3A_75 : vector<16x16xf32>
    %log3A_81 = math.log %exp3A_76 : vector<16x16xf32>
    %div3A_82 = arith.divf %mul3A_80, %log3A_81 : vector<16x16xf32>
    %eq3A_83 = arith.constant 1.000000e+00 : f32
    %eq3A_84 = vector.broadcast %eq3A_83 : f32 to vector<16x16xf32>
    %eq3A_85 = arith.cmpf oeq, %exp3A_76, %eq3A_84 : vector<16x16xf32>
    %eq3A_86 = arith.constant -1.000000e+00 : f32
    %eq3A_87 = vector.broadcast %eq3A_86 : f32 to vector<16x16xf32>
    %eq3A_88 = arith.cmpf oeq, %sub3A_79, %eq3A_87 : vector<16x16xf32>
    %jit3A_89 = arith.constant -1.000000e+00 : f32
    %broadcast_in_dim3A_90 = vector.broadcast %jit3A_89 : f32 to vector<16x16xf32>
    %select_n3A_91 = arith.select %eq3A_88, %broadcast_in_dim3A_90, %div3A_82 : vector<16x16xi1>, vector<16x16xf32>
    %select_n3A_92 = arith.select %eq3A_85, %min3A_75, %select_n3A_91 : vector<16x16xi1>, vector<16x16xf32>
    %select_n3A_93 = arith.select %gt3A_72, %add3A_69, %select_n3A_92 : vector<16x16xi1>, vector<16x16xf32>
    %get3A_94 = arith.constant 0 : index
    %get3A_95 = arith.constant 0 : index
    %get3A_96 = vector.load %arg7[%get3A_94, %get3A_95] : memref<16x8xf32, #tpu.memory_space<vmem>>, vector<16x8xf32>
    %dot_general3A_97 = arith.constant dense<0.000000e+00> : vector<16x8xf32>
    %dot_general3A_98 = tpu.matmul %select_n3A_93, %get3A_96, %dot_general3A_97 {dimension_numbers = #tpu.dot_dimension_numbers<[1], [0], [0], [1], [0, 0, 1, 1], [], []>, transpose_lhs_hint = false} : vector<16x16xf32>, vector<16x8xf32>, vector<16x8xf32> -> vector<16x8xf32>
    %get3A_99 = arith.constant 0 : index
    %get3A_100 = arith.constant 0 : index
    %get3A_101 = vector.load %arg8[%get3A_99, %get3A_100] : memref<1x8xf32, #tpu.memory_space<vmem>>, vector<1x8xf32>
    %add3A_102 = vector.broadcast %get3A_101 : vector<1x8xf32> to vector<16x8xf32>
    %add3A_103 = arith.addf %dot_general3A_98, %add3A_102 : vector<16x8xf32>
    %gt3A_104 = arith.constant 0.000000e+00 : f32
    %gt3A_105 = vector.broadcast %gt3A_104 : f32 to vector<16x8xf32>
    %gt3A_106 = arith.cmpf ogt, %add3A_103, %gt3A_105 : vector<16x8xf32>
    %min3A_107 = arith.constant 0.000000e+00 : f32
    %min3A_108 = vector.broadcast %min3A_107 : f32 to vector<16x8xf32>
    %min3A_109 = arith.minimumf %add3A_103, %min3A_108 : vector<16x8xf32>
    %exp3A_110 = math.exp %min3A_109 : vector<16x8xf32>
    %sub3A_111 = arith.constant 1.000000e+00 : f32
    %sub3A_112 = vector.broadcast %sub3A_111 : f32 to vector<16x8xf32>
    %sub3A_113 = arith.subf %exp3A_110, %sub3A_112 : vector<16x8xf32>
    %mul3A_114 = arith.mulf %sub3A_113, %min3A_109 : vector<16x8xf32>
    %log3A_115 = math.log %exp3A_110 : vector<16x8xf32>
    %div3A_116 = arith.divf %mul3A_114, %log3A_115 : vector<16x8xf32>
    %eq3A_117 = arith.constant 1.000000e+00 : f32
    %eq3A_118 = vector.broadcast %eq3A_117 : f32 to vector<16x8xf32>
    %eq3A_119 = arith.cmpf oeq, %exp3A_110, %eq3A_118 : vector<16x8xf32>
    %eq3A_120 = arith.constant -1.000000e+00 : f32
    %eq3A_121 = vector.broadcast %eq3A_120 : f32 to vector<16x8xf32>
    %eq3A_122 = arith.cmpf oeq, %sub3A_113, %eq3A_121 : vector<16x8xf32>
    %jit3A_123 = arith.constant -1.000000e+00 : f32
    %broadcast_in_dim3A_124 = vector.broadcast %jit3A_123 : f32 to vector<16x8xf32>
    %select_n3A_125 = arith.select %eq3A_122, %broadcast_in_dim3A_124, %div3A_116 : vector<16x8xi1>, vector<16x8xf32>
    %select_n3A_126 = arith.select %eq3A_119, %min3A_109, %select_n3A_125 : vector<16x8xi1>, vector<16x8xf32>
    %select_n3A_127 = arith.select %gt3A_106, %add3A_103, %select_n3A_126 : vector<16x8xi1>, vector<16x8xf32>
    %get3A_128 = arith.constant 0 : index
    %get3A_129 = arith.constant 0 : index
    %get3A_130 = vector.load %arg9[%get3A_128, %get3A_129] : memref<8x1xf32, #tpu.memory_space<vmem>>, vector<8x1xf32>
    %dot_general3A_131 = arith.constant dense<0.000000e+00> : vector<16x1xf32>
    %dot_general3A_132 = tpu.matmul %select_n3A_127, %get3A_130, %dot_general3A_131 {dimension_numbers = #tpu.dot_dimension_numbers<[1], [0], [0], [1], [0, 0, 1, 1], [], []>, transpose_lhs_hint = false} : vector<16x8xf32>, vector<8x1xf32>, vector<16x1xf32> -> vector<16x1xf32>
    %get3A_133 = arith.constant 0 : index
    %get3A_134 = arith.constant 0 : index
    %get3A_135 = vector.load %arg10[%get3A_133, %get3A_134] : memref<1x1xf32, #tpu.memory_space<vmem>>, vector<1x1xf32>
    %add3A_136 = vector.broadcast %get3A_135 : vector<1x1xf32> to vector<16x1xf32>
    %add3A_137 = arith.addf %dot_general3A_132, %add3A_136 : vector<16x1xf32>
    %swap3A = arith.constant 0 : index
    %swap3A_138 = arith.constant 0 : index
    %swap3A_139 = vector.load %arg11[%swap3A, %swap3A_138] : memref<16x1xf32, #tpu.memory_space<vmem>>, vector<16x1xf32>
    tpu.vector_store %arg11[%swap3A, %swap3A_138], %add3A_137 {strides = array<i32>} : memref<16x1xf32, #tpu.memory_space<vmem>>, vector<16x1xf32>,
    return
  }
}

</mosaic_0001>

<sc_bundles>
// kernel: kernel.17.cloned.1.call-start
scs
__scs_entry_jumppad:
0x0: {  	(pc) =	sbr.rel $0x88, $3  }
0x1: {  	(tag) =	ssettag $0x0;
	lr =	simm.s32 $0x1  }
0x2: {  	[smem:$0x3F8E] =	sst lr;
	_ =	strace $0xD0000000  }
0x3: {  	_ = 	snop  }
0x4: {  	_ = 	snop  }
0x5: {  	_ = 	snop  }
0x6: {  	_ = 	snop  }
0x7: {  	_ = 	snop  }
__scs_overlays_trampoline_lowered:
0x8: {  	[smem:$0x3F9D] =	sst s0  }
0x9: {  	[smem:$0x3F9E] =	sst s1  }
0xa: {  	[smem:$0x3F9F] =	sst s2  }
0xb: {  	[smem:$0x3FA0] =	sst s3  }
0xc: {  	[smem:$0x3FA1] =	sst s4  }
0xd: {  	[smem:$0x3FA2] =	sst s5  }
0xe: {  	[smem:$0x3FA3] =	sst s6  }
0xf: {  	[smem:$0x3FA4] =	sst s7  }
0x10: {  	[smem:$0x3FA5] =	sst s8  }
0x11: {  	[smem:$0x3FA6] =	sst s9;
	s0 =	simm.s32 @!p0 $0x0  }
0x12: {  	s1 =	sld [smem:$0x3F8C];
	s0 =	simm.s32 @p0 $0x1  }
0x13: {  	[smem:$0x3FA7] =	sst s0;
	s0 =	simm.s32 @!p1 $0x0  }
0x14: {  	s2 =	sld [smem:$0x3F8B];
	s0 =	simm.s32 @p1 $0x1  }
0x15: {  	[smem:$0x3FA8] =	sst s0;
	s0 =	simm.s32 @!p2 $0x0  }
0x16: {  	s3 =	sld [smem:$0x3FDB];
	s0 =	simm.s32 @p2 $0x1  }
0x17: {  	s4 =	simm.s32 $0x1BF5;
	[smem:$0x3FAA] =	sst s0  }
0x18: {  	s0 =	sld [smem:$0x3F8D];
	_ =	swait.ge [sflag:s4], $0x0  }
0x19: {  	s7 =	sld [smem:$0x3F8E]  }
0x1a: {  	s8 =	sadd.s32 $0xFFFFE003, lr  }
0x1b: {  	s9 =	sadd.s32 $0xFFFFFEF7, lr;
	s5 =	simm.s32 $0xFFFFFFFF;
	p2 =	slt.u32 s8, $0xFFFFF086  }
0x1c: {  	p1 =	slt.u32 s9, $0xF7A;
	s5 =	simm.s32 @!p2 $0x0  }
0x1d: {  	s5 =	simm.s32 @p1 $0x1;
	p0 =	seq.s32 s7, s2  }
0x1e: {  	s7 =	smul.u32 @!p0 $0xF7A, s2;
	p2 =	seq.s32 @!p0 s5, $0x0  }
0x1f: {  	s9 =	smul.u32 $0xF7A, s1;
	s8 =	simm.s32 @!p0 $0x1BF5;
	p2 =	por !p2, p0  }
0x20: {  	[sflag:s8] =	ssyncset.s32 @!p0 $0xFFFFF086;
	s6 =	sadd.s32 @!p0 s3, s7;
	s7 =	simm.s32 @!p0 $0x108  }
0x21: {  	s3 =	sadd.s32 s3, s9;
	s6 =	sadd.s32 @!p0 $0x88, s6;
	s7 =	simm.s32 @p2 $0x1082  }
0x22: {  	[simem:s7], [sflag:s8] =	dma.local @!p0 [hbm:s6], $0xF7A  }
0x23: {  	s9 =	sor.u32 $0xD0000000, s2;
	s6 =	simm.s32 $0x108;
	_ =	swait.ge @!p0 [sflag:s8], $0x0  }
0x24: {  	s3 =	sadd.s32 $0x88, s3;
	s6 =	simm.s32 @!p1 $0x1082;
	[sflag:s4] =	ssyncset.s32 $0xFFFFF086  }
0x25: {  	[simem:s6], [sflag:s4] =	dma.local [hbm:s3], $0xF7A  }
0x26: {  	[smem:$0x3F8E] =	sst s1;
	(tag) =	ssettag s2;
	_ =	strace s9  }
0x27: {  	s1 =	sld [smem:$0x3F9E]  }
0x28: {  	s2 =	sld [smem:$0x3F9F]  }
0x29: {  	s4 =	sld [smem:$0x3FA1]  }
0x2a: {  	p0 =	seq.s32 s5, $0x0;
	s5 =	sld [smem:$0x3FA2]  }
0x2b: {  	s6 =	sld [smem:$0x3FA3]  }
0x2c: {  	s7 =	sld [smem:$0x3FA4]  }
0x2d: {  	s3 =	simm.s32 $0x108;
	s8 =	sld [smem:$0x3FA5]  }
0x2e: {  	s3 =	simm.s32 @!p0 $0x1082;
	s9 =	sld [smem:$0x3FA6]  }
0x2f: {  	lr =	sadd.s32 s0, s3;
	s0 =	sld [smem:$0x3F9D]  }
0x30: {  	s3 =	sld [smem:$0x3FA0]  }
0x31: {  	[smem:$0x3FA9] =	sst s10  }
0x32: {  	s10 =	sld [smem:$0x3FA7];
	_ =	sdelay $0x3  }
0x33: {  	p0 =	seq.s32 s10, $0x1;
	s10 =	sld [smem:$0x3FA9];
	_ =	sdelay $0x3  }
0x34: {  	[smem:$0x3FA9] =	sst s10  }
0x35: {  	s10 =	sld [smem:$0x3FA8];
	_ =	sdelay $0x3  }
0x36: {  	p1 =	seq.s32 s10, $0x1;
	s10 =	sld [smem:$0x3FA9];
	_ =	sdelay $0x3  }
0x37: {  	[smem:$0x3FA9] =	sst s10  }
0x38: {  	s10 =	sld [smem:$0x3FAA]  }
0x39: {  	_ = 	snop;
	(pc) =	sbr.ind lr, $3  }
0x3a: {  	_ = 	snop  }
0x3b: {  	_ = 	snop  }
0x3c: {  	p2 =	seq.s32 s10, $0x1;
	s10 =	sld [smem:$0x3FA9]  }
0x3d: {  	_ =	shalt  }
0x3e: {  	_ =	shalt  }
0x3f: {  	_ =	shalt  }
0x40: {  	_ =	shalt  }
0x41: {  	_ =	shalt  }
0x42: {  	_ =	shalt  }
0x43: {  	_ =	shalt  }
0x44: {  	_ =	shalt  }
0x45: {  	_ =	shalt  }
0x46: {  	_ =	shalt  }
0x47: {  	_ =	shalt  }
0x48: {  	_ =	shalt  }
0x49: {  	_ =	shalt  }
0x4a: {  	_ =	shalt  }
0x4b: {  	_ =	shalt  }
0x4c: {  	_ =	shalt  }
0x4d: {  	_ =	shalt  }
0x4e: {  	_ =	shalt  }
0x4f: {  	_ =	shalt  }
0x50: {  	_ =	shalt  }
0x51: {  	_ =	shalt  }
0x52: {  	_ =	shalt  }
0x53: {  	_ =	shalt  }
0x54: {  	_ =	shalt  }
0x55: {  	_ =	shalt  }
0x56: {  	_ =	shalt  }
0x57: {  	_ =	shalt  }
0x58: {  	_ =	shalt  }
0x59: {  	_ =	shalt  }
0x5a: {  	_ =	shalt  }
0x5b: {  	_ =	shalt  }
0x5c: {  	_ =	shalt  }
0x5d: {  	_ =	shalt  }
0x5e: {  	_ =	shalt  }
0x5f: {  	_ =	shalt  }
0x60: {  	_ =	shalt  }
0x61: {  	_ =	shalt  }
0x62: {  	_ =	shalt  }
0x63: {  	_ =	shalt  }
0x64: {  	_ =	shalt  }
0x65: {  	_ =	shalt  }
0x66: {  	_ =	shalt  }
0x67: {  	_ =	shalt  }
0x68: {  	_ =	shalt  }
0x69: {  	_ =	shalt  }
0x6a: {  	_ =	shalt  }
0x6b: {  	_ =	shalt  }
0x6c: {  	_ =	shalt  }
0x6d: {  	_ =	shalt  }
0x6e: {  	_ =	shalt  }
0x6f: {  	_ =	shalt  }
0x70: {  	_ =	shalt  }
0x71: {  	_ =	shalt  }
0x72: {  	_ =	shalt  }
0x73: {  	_ =	shalt  }
0x74: {  	_ =	shalt  }
0x75: {  	_ =	shalt  }
0x76: {  	_ =	shalt  }
0x77: {  	_ =	shalt  }
0x78: {  	_ =	shalt  }
0x79: {  	_ =	shalt  }
0x7a: {  	_ =	shalt  }
0x7b: {  	_ =	shalt  }
0x7c: {  	_ =	shalt  }
0x7d: {  	_ =	shalt  }
0x7e: {  	_ =	shalt  }
0x7f: {  	_ =	shalt  }
0x80: {  	_ =	shalt  }
0x81: {  	_ =	shalt  }
0x82: {  	_ =	shalt  }
0x83: {  	_ =	shalt  }
0x84: {  	_ =	shalt  }
0x85: {  	_ =	shalt  }
0x86: {  	_ =	shalt  }
0x87: {  	_ =	shalt  }
.Lfunc_end0:
.L_simem_size_0:
called_computation_lowered:
.L_overlay_start_0:
0x88: {  	s2 =	sld [smem:$0x3FD9]  }
0x89: {  	s3 =	sld [smem:$0x3FFE];
	_ =	sdelay $0x1  }
0x8a: {  	s1 =	srdreg.scid  }
0x8b: {  	s0 =	sand.u32 $0x1, s1  }
0x8c: {  	s16 =	sshll.u32 s0, $0xA;
	s2 =	sadd.s32 s3, s2  }
0x8d: {  	s2 =	sadd.s32 s2, s16  }
0x8e: {  	[smem:$0x3FB5] =	sst s2  }
0x8f: {  	_ = 	snop  }
0x90: {  	(tm) =	ssettm $0x1  }
0x91: {  	s17 =	sld [smem:$0x3FFB];
	_ =	sdelay $0x3  }
0x92: {  	_ =	strace s17  }
0x93: {  	s2 =	sld [smem:$0x3FFC];
	_ =	sdelay $0x3  }
0x94: {  	_ =	strace s2  }
0x95: {  	s2 =	sld [smem:$0x3FFD];
	_ =	sdelay $0x3  }
0x96: {  	_ =	strace s2  }
0x97: {  	_ =	strace $0x8FFFFFFF  }
0x98: {  	s18 =	sld [smem:$0x3FDB];
	_ =	sdelay $0x1  }
0x99: {  	s19 =	simm.s32 $_scs_section_size  }
0x9a: {  	s4 =	simm.s32 $_size__tile_overlayer_lowered;
	s5 =	simm.s32 $_tile_overlayer_lowered  }
0x9b: {  	s22 =	simm.s32 $0x1BFF;
	s21 =	sshll.u32 s5, $0x1;
	s2 =	sadd.s32 s19, s18  }
0x9c: {  	s6 =	simm.s32 $0x0;
	s20 =	sshll.u32 s4, $0x1;
	s4 =	sadd.s32 s21, s2  }
0x9d: {  	[timem:s6], [sflag:s22] =	dma.local [hbm:s4], s20  }
0x9e: {  	_ =	swait.ge [sflag:s22], s20  }
0x9f: {  	s3 =	ssub.s32 $0x0, s20;
	[sflag:s22] =	ssyncset.done $0x0  }
0xa0: {  	[sflag:s22] =	ssyncadd.s32 s3;
	_ =	sdelay $0x1  }
0xa1: {  	s23 =	simm.s32 $0x1B8B  }
0xa2: {  	_ =	swait.ge [sflag:s23], $0x1  }
0xa3: {  	[sflag:s23] =	ssyncset.done $0x0  }
0xa4: {  	s25 =	simm.s32 $0x1B8E;
	s24 =	sld [smem:$0x3FFE];
	[sflag:s23] =	ssyncadd.s32 $0xFFFFFFFF  }
0xa5: {  	s26 =	simm.s32 $execute0_lowered;
	[smem:$0x3FD2] =	sst s25  }
0xa6: {  	s4 =	sshll.u32 s26, $0x1;
	_ =	strace $0x80000046;
	[dreg:$0x1] =	wrdreg $0xFFFFFFFF  }
0xa7: {  	s28 =	simm.s32 $_size_execute0_lowered;
	s2 =	sadd.s32 s2, s4;
	[dreg:$0x0] =	wrdreg $0x0  }
0xa8: {  	s4 =	sshll.u32 s28, $0x1;
	[dreg:$0x2] =	wrdreg s2  }
0xa9: {  	[dreg:$0x3] =	wrdreg s4  }
0xaa: {  	[dreg:$0x4] =	wrdreg $0xC0  }
0xab: {  	_ =	task [dreg:s6], $0x5FFFF  }
0xac: {  	[dreg:$0x1] =	wrdreg $0xFFFFFFFF  }
0xad: {  	[dreg:$0x0] =	wrdreg $0x60  }
0xae: {  	[dreg:$0x2] =	wrdreg s24  }
0xaf: {  	[dreg:$0x3] =	wrdreg $0x5A000  }
0xb0: {  	[dreg:$0x4] =	wrdreg $0x81800  }
0xb1: {  	[dreg:$0x5] =	wrdreg $0x9  }
0xb2: {  	_ =	task.clear_ibuf [dreg:s6], $0x6FFFF;
	_ =	strace $0x90000046  }
0xb3: {  	s29 =	simm.s32 $0x9;
	_ =	strace $0x80000048  }
0xb4: {  	_ =	swait.ge [sflag:s29], $0x1  }
0xb5: {  	[sflag:s29] =	ssyncadd.s32 $0xFFFFFFFF  }
0xb6: {  	_ =	strace $0x90000048  }
0xb7: {  	_ =	sfence  }
0xb8: {  	s30 =	sld [smem:$0x0];
	_ =	sdelay $0x2  }
0xb9: {  	s31 =	sshll.u32 s1, $0xD;
	s1 =	sshrl.u32 s1, $0x2  }
0xba: {  	s3 =	sand.u32 $0x4000, s31;
	s1 =	sadd.s32 s1, s30  }
0xbb: {  	s0 =	sor.u32 s3, s0;
	s1 =	sshll.u32 s1, $0x11  }
0xbc: {  	s0 =	sor.u32 s1, s0  }
0xbd: {  	s0 =	sadd.s32 $0x8F2B, s0  }
0xbe: {  	[sflag:s0] =	ssyncadd.remote.s32 $0x1  }
0xbf: {  	_ =	sfence.sel $0xFFFF  }
0xc0: {  	[dreg:$0x0] =	wrdreg $0xFFFFFFFF;
	(pc) =	sbr.abs _section_cstart, $3  }
0xc1: {  	[dreg:$0x1] =	wrdreg $0xFFFFFFFF  }
0xc2: {  	_ =	task.clear_ibuf [dreg:s6], $0x2FFFF;
	_ =	strace $0x9FFFFFFF  }
0xc3: {  	(tm) =	ssettm $0x7FFFFFFF  }
tec
execute0_lowered:
.L_overlay_start_1:
0x0: {  	(tag) =	ssettag $0x1  }
0x1: {  	s7 =	rddreg [dreg:$0x0]  }
0x2: {  	s2 =	rddreg [dreg:$0x1]  }
0x3: {  	s0 =	srdreg.scid;
	s3 =	rddreg [dreg:$0x2]  }
0x4: {  	s4 =	simm.s32 $0x0;
	s16 =	simm.s32 $0x5200;
	s17 =	simm.s32 $0x2900  }
0x5: {  	s18 =	simm.s32 $0x80;
	s6 =	sand.u32 $0x1, s0;
	s0 =	stileid.u32  }
0x6: {  	s19 =	simm.s32 $0x0;
	[smem:$0x7FF] =	sst s4;
	s8 =	smul.u32 $0x2780, s0  }
0x7: {  	s1 =	sshll.u32 s6, $0x4;
	s9 =	smul.u32 $0x4F000, s6;
	s11 =	ssub.s32 $0x2, s6  }
0x8: {  	s6 =	sadd.s32 $0x1A000, s7;
	s31 =	sshll.u32 s0, $0x6;
	s1 =	sor.u32 s0, s1  }
0x9: {  	s12 =	sshrl.u32 s11, $0x1;
	s5 =	smul.u32 $0x520, s1;
	s1 =	rddreg [dreg:$0x3]  }
0xa: {  	_ =	strace $0x80000047;
	s9 =	sadd.s32 s8, s9;
	s12 =	ssub.s32 s11, s12  }
0xb: {  	s14 =	sadd.s32 s8, s2;
	s15 =	sadd.s32 s8, s3;
	s9 =	sshrl.u32 s9, $0x3  }
0xc: {  	s12 =	smax.u32 s12, $0x1;
	s15 =	sshrl.u32 s15, $0x3;
	s10 =	sadd.s32 s5, s7  }
0xd: {  	s5 =	sadd.s32 $0x1A600, s7;
	s13 =	sadd.s32 s9, s7;
	s7 =	sor.u32 $0x1C01, s31  }
0xe: {  	s8 =	sadd.s32 $0xFC00, s10;
	s9 =	sadd.s32 $0x5800, s10;
	s10 =	sadd.s32 $0x1A800, s13  }
0xf: {  	s11 =	sadd.s32 $0x1F700, s13;
	s13 =	sshrl.u32 s14, $0x3;
	s14 =	simm.s32 $0x1  }
.LBB2_1:
0x10: {  	[spmem:s13], [sflag:s7] =	dma.local [hbm:s6], $0x4F0  }
0x11: {  	_ =	swait.ge [sflag:s14], $0x4F0  }
0x12: {  	[sflag:s14] =	ssyncset.done $0x0  }
0x13: {  	[sflag:s14] =	ssyncadd.s32 $0xFFFFFB10  }
0x14: {  	[spmem:s15], [sflag:s7] =	dma.local [hbm:s6], $0x4F0  }
0x15: {  	_ =	swait.ge [sflag:s14], $0x4F0  }
0x16: {  	[sflag:s14] =	ssyncset.done $0x0  }
0x17: {  	[sflag:s14] =	ssyncadd.s32 $0xFFFFFB10  }
0x18: {  	[tilespmem:s16], [sflag:$0x1] =	stream.linear.gather [hbm4b:s5+s4], $0x800, $0x38;
	[tilespmem:$0xA900] =	vst v63  }
0x19: {  	_ =	swait.ge [sflag:s14], $0x800  }
0x1a: {  	[sflag:s14] =	ssyncset.done $0x0  }
0x1b: {  	[sflag:s14] =	ssyncadd.s32 $0xFFFFF800  }
0x1c: {  	[tilespmem:s4], [sflag:$0x1] =	stream.linear.gather [hbm4b:s8+s4], $0x2900, $0x38;
	[tilespmem:$0xA900] =	vst v63  }
0x1d: {  	_ =	swait.ge [sflag:s14], $0x2900  }
0x1e: {  	[sflag:s14] =	ssyncset.done $0x0  }
0x1f: {  	[sflag:s14] =	ssyncadd.s32 $0xFFFFD700  }
0x20: {  	[tilespmem:s17], [sflag:$0x1] =	stream.linear.gather [hbm4b:s9+s4], $0x2900, $0x38;
	[tilespmem:$0xA900] =	vst v63  }
0x21: {  	_ =	swait.ge [sflag:s14], $0x2900  }
0x22: {  	[sflag:s14] =	ssyncset.done $0x0  }
0x23: {  	[sflag:s14] =	ssyncadd.s32 $0xFFFFD700  }
0x24: {  	s20 =	simm.s32 $0x0;
	[bflag:$0x0] =	sbarrier.arrive $0xFFFF  }
0x25: {  	[spmem:s2] =	stream.indirect.scatter.add.f32 [tilespmem:s16], [sflag:$0x1], $0x10, s20, s18, $0xb8;
	[tilespmem:$0xA900] =	vst v63  }
0x26: {  	_ =	swait.ge [sflag:s14], $0x800  }
0x27: {  	[sflag:s14] =	ssyncset.done $0x0  }
0x28: {  	s31 =	simm.s32 $0x2900;
	[sflag:s14] =	ssyncadd.s32 $0xFFFFF800  }
0x29: {  	[spmem:s3] =	stream.indirect.scatter.add.f32 [tilespmem:s16], [sflag:$0x1], $0x10, s31, s18, $0xb8;
	[tilespmem:$0xA900] =	vst v63  }
0x2a: {  	_ =	swait.ge [sflag:s14], $0x800  }
0x2b: {  	s21 =	simm.s32 $0x400;
	s20 =	simm.s32 $0x200;
	[sflag:s14] =	ssyncset.done $0x0  }
.LBB2_2:
0x2c: {  	s22 =	sshra.s32 s20, $0x2  }
0x2d: {  	[sflag:s14] =	ssyncadd.s32 $0xFFFFF800;
	s20 =	smov.u32 s21;
	s23 =	sadd.s32 $0x200, s21  }
0x2e: {  	[spmem:s2] =	stream.indirect.scatter.add.f32 [tilespmem:s16], [sflag:$0x1], $0x10, s22, s18, $0xb8;
	[tilespmem:$0xA900] =	vst v63  }
0x2f: {  	p0 =	sne.s32 s21, $0xA200;
	_ =	swait.ge [sflag:s14], $0x800  }
.Ltmp0:
0x30: {  	[sflag:s14] =	ssyncset.done $0x0;
	(pc) =	sbr.rel @p0 .LBB2_2-.Ltmp0, $4  }
0x31: {  	s21 =	sadd.s32 $0x2900, s22;
	[sflag:s14] =	ssyncadd.s32 $0xFFFFF800  }
0x32: {  	[spmem:s3] =	stream.indirect.scatter.add.f32 [tilespmem:s16], [sflag:$0x1], $0x10, s21, s18, $0xb8;
	[tilespmem:$0xA900] =	vst v63  }
0x33: {  	_ =	swait.ge [sflag:s14], $0x800  }
0x34: {  	s21 =	smov.u32 s23;
	[sflag:s14] =	ssyncset.done $0x0  }
0x35: {  	s20 =	sshra.s32 s20, $0x2;
	[sflag:s14] =	ssyncadd.s32 $0xFFFFF800  }
0x36: {  	[spmem:s2] =	stream.indirect.scatter.add.f32 [tilespmem:s16], [sflag:$0x1], $0x10, s20, s18, $0xb8;
	[tilespmem:$0xA900] =	vst v63  }
0x37: {  	_ =	swait.ge [sflag:s14], $0x800  }
0x38: {  	[sflag:s14] =	ssyncset.done $0x0  }
0x39: {  	s20 =	sadd.s32 $0x2900, s20;
	[sflag:s14] =	ssyncadd.s32 $0xFFFFF800  }
0x3a: {  	[spmem:s3] =	stream.indirect.scatter.add.f32 [tilespmem:s16], [sflag:$0x1], $0x10, s20, s18, $0xb8;
	[tilespmem:$0xA900] =	vst v63  }
0x3b: {  	_ =	swait.ge [sflag:s14], $0x800  }
0x3c: {  	[sflag:s14] =	ssyncset.done $0x0  }
0x3d: {  	[sflag:s14] =	ssyncadd.s32 $0xFFFFF800  }
0x3e: {  	[bflag:$0x0] =	sbarrier.arrive $0xFFFF  }
0x3f: {  	[hbm:s10], [sflag:s7] =	dma.local [spmem:s13], $0x4F0  }
0x40: {  	s19 =	sadd.s32 $0x1, s19;
	_ =	swait.ge [sflag:s14], $0x4F0  }
0x41: {  	p0 =	sne.s32 s19, s12;
	[sflag:s14] =	ssyncset.done $0x0  }
.Ltmp1:
0x42: {  	[sflag:s14] =	ssyncadd.s32 $0xFFFFFB10;
	(pc) =	sbr.rel @p0 .LBB2_1-.Ltmp1, $4  }
0x43: {  	[hbm:s11], [sflag:s7] =	dma.local [spmem:s15], $0x4F0  }
0x44: {  	_ =	swait.ge [sflag:s14], $0x4F0  }
0x45: {  	[sflag:s14] =	ssyncset.done $0x0  }
0x46: {  	[sflag:s14] =	ssyncadd.s32 $0xFFFFFB10  }
0x47: {  	_ =	sfence.sel $0x180000  }
0x48: {  	[bflag:$0x0] =	sbarrier.arrive $0xFFFF  }
0x49: {  	p0 =	sne.s32 s0, $0x0;
	_ =	strace $0x90000047  }
0x4a: {  	s0 =	sadd.s32 @!p0 $0x100000, s1;
	[bflag:$0x2] =	sbarrier.arrive $0xFFFF  }
0x4b: {  	[sflag:s0] =	ssyncadd.tile.s32 @!p0 $0x1;
	_ =	shalt  }
.Lfunc_end2:
_tile_overlayer_lowered:
.L_overlay_start_2:
0x4c: {  	(tag) =	ssettag $0x2  }
0x4d: {  	s0 =	rddreg [dreg:$0x0];
	s2 =	stileid.u32  }
0x4e: {  	s1 =	rddreg [dreg:$0x1];
	p0 =	sne.s32 s2, $0x0  }
0x4f: {  	s3 =	rddreg [dreg:$0x2];
	[bflag:$0x3] =	sbarrier.arrive $0xFFFF;
	s2 =	simm.s32 @!p0 $0x1C01  }
0x50: {  	[timem:s3], [sflag:s2] =	dma.local @!p0 [hbm:s0], s1  }
0x51: {  	s0 =	simm.s32 @!p0 $0x1  }
0x52: {  	_ =	swait.ge @!p0 [sflag:s0], s1  }
0x53: {  	s1 =	ssub.s32 @!p0 $0x0, s1;
	[sflag:s0] =	ssyncset.done @!p0 $0x0  }
0x54: {  	[sflag:s0] =	ssyncadd.s32 @!p0 s1  }
0x55: {  	[bflag:$0x3] =	sbarrier.arrive $0xFFFF  }
0x56: {  	_ =	shalt  }

// kernel: kernel.20.cloned.1.call-start
scs
__scs_entry_jumppad:
0x0: {  	(pc) =	sbr.rel $0x88, $3  }
0x1: {  	(tag) =	ssettag $0x0;
	lr =	simm.s32 $0x1  }
0x2: {  	[smem:$0x3F8E] =	sst lr;
	_ =	strace $0xD0000000  }
0x3: {  	_ = 	snop  }
0x4: {  	_ = 	snop  }
0x5: {  	_ = 	snop  }
0x6: {  	_ = 	snop  }
0x7: {  	_ = 	snop  }
__scs_overlays_trampoline_lowered:
0x8: {  	[smem:$0x3F9D] =	sst s0  }
0x9: {  	[smem:$0x3F9E] =	sst s1  }
0xa: {  	[smem:$0x3F9F] =	sst s2  }
0xb: {  	[smem:$0x3FA0] =	sst s3  }
0xc: {  	[smem:$0x3FA1] =	sst s4  }
0xd: {  	[smem:$0x3FA2] =	sst s5  }
0xe: {  	[smem:$0x3FA3] =	sst s6  }
0xf: {  	[smem:$0x3FA4] =	sst s7  }
0x10: {  	[smem:$0x3FA5] =	sst s8  }
0x11: {  	[smem:$0x3FA6] =	sst s9;
	s0 =	simm.s32 @!p0 $0x0  }
0x12: {  	s1 =	sld [smem:$0x3F8C];
	s0 =	simm.s32 @p0 $0x1  }
0x13: {  	[smem:$0x3FA7] =	sst s0;
	s0 =	simm.s32 @!p1 $0x0  }
0x14: {  	s2 =	sld [smem:$0x3F8B];
	s0 =	simm.s32 @p1 $0x1  }
0x15: {  	[smem:$0x3FA8] =	sst s0;
	s0 =	simm.s32 @!p2 $0x0  }
0x16: {  	s3 =	sld [smem:$0x3FDB];
	s0 =	simm.s32 @p2 $0x1  }
0x17: {  	s4 =	simm.s32 $0x1BF5;
	[smem:$0x3FAA] =	sst s0  }
0x18: {  	s0 =	sld [smem:$0x3F8D];
	_ =	swait.ge [sflag:s4], $0x0  }
0x19: {  	s7 =	sld [smem:$0x3F8E]  }
0x1a: {  	s8 =	sadd.s32 $0xFFFFE003, lr  }
0x1b: {  	s9 =	sadd.s32 $0xFFFFFEF7, lr;
	s5 =	simm.s32 $0xFFFFFFFF;
	p2 =	slt.u32 s8, $0xFFFFF086  }
0x1c: {  	p1 =	slt.u32 s9, $0xF7A;
	s5 =	simm.s32 @!p2 $0x0  }
0x1d: {  	s5 =	simm.s32 @p1 $0x1;
	p0 =	seq.s32 s7, s2  }
0x1e: {  	s7 =	smul.u32 @!p0 $0xF7A, s2;
	p2 =	seq.s32 @!p0 s5, $0x0  }
0x1f: {  	s9 =	smul.u32 $0xF7A, s1;
	s8 =	simm.s32 @!p0 $0x1BF5;
	p2 =	por !p2, p0  }
0x20: {  	[sflag:s8] =	ssyncset.s32 @!p0 $0xFFFFF086;
	s6 =	sadd.s32 @!p0 s3, s7;
	s7 =	simm.s32 @!p0 $0x108  }
0x21: {  	s3 =	sadd.s32 s3, s9;
	s6 =	sadd.s32 @!p0 $0x88, s6;
	s7 =	simm.s32 @p2 $0x1082  }
0x22: {  	[simem:s7], [sflag:s8] =	dma.local @!p0 [hbm:s6], $0xF7A  }
0x23: {  	s9 =	sor.u32 $0xD0000000, s2;
	s6 =	simm.s32 $0x108;
	_ =	swait.ge @!p0 [sflag:s8], $0x0  }
0x24: {  	s3 =	sadd.s32 $0x88, s3;
	s6 =	simm.s32 @!p1 $0x1082;
	[sflag:s4] =	ssyncset.s32 $0xFFFFF086  }
0x25: {  	[simem:s6], [sflag:s4] =	dma.local [hbm:s3], $0xF7A  }
0x26: {  	[smem:$0x3F8E] =	sst s1;
	(tag) =	ssettag s2;
	_ =	strace s9  }
0x27: {  	s1 =	sld [smem:$0x3F9E]  }
0x28: {  	s2 =	sld [smem:$0x3F9F]  }
0x29: {  	s4 =	sld [smem:$0x3FA1]  }
0x2a: {  	p0 =	seq.s32 s5, $0x0;
	s5 =	sld [smem:$0x3FA2]  }
0x2b: {  	s6 =	sld [smem:$0x3FA3]  }
0x2c: {  	s7 =	sld [smem:$0x3FA4]  }
0x2d: {  	s3 =	simm.s32 $0x108;
	s8 =	sld [smem:$0x3FA5]  }
0x2e: {  	s3 =	simm.s32 @!p0 $0x1082;
	s9 =	sld [smem:$0x3FA6]  }
0x2f: {  	lr =	sadd.s32 s0, s3;
	s0 =	sld [smem:$0x3F9D]  }
0x30: {  	s3 =	sld [smem:$0x3FA0]  }
0x31: {  	[smem:$0x3FA9] =	sst s10  }
0x32: {  	s10 =	sld [smem:$0x3FA7];
	_ =	sdelay $0x3  }
0x33: {  	p0 =	seq.s32 s10, $0x1;
	s10 =	sld [smem:$0x3FA9];
	_ =	sdelay $0x3  }
0x34: {  	[smem:$0x3FA9] =	sst s10  }
0x35: {  	s10 =	sld [smem:$0x3FA8];
	_ =	sdelay $0x3  }
0x36: {  	p1 =	seq.s32 s10, $0x1;
	s10 =	sld [smem:$0x3FA9];
	_ =	sdelay $0x3  }
0x37: {  	[smem:$0x3FA9] =	sst s10  }
0x38: {  	s10 =	sld [smem:$0x3FAA]  }
0x39: {  	_ = 	snop;
	(pc) =	sbr.ind lr, $3  }
0x3a: {  	_ = 	snop  }
0x3b: {  	_ = 	snop  }
0x3c: {  	p2 =	seq.s32 s10, $0x1;
	s10 =	sld [smem:$0x3FA9]  }
0x3d: {  	_ =	shalt  }
0x3e: {  	_ =	shalt  }
0x3f: {  	_ =	shalt  }
0x40: {  	_ =	shalt  }
0x41: {  	_ =	shalt  }
0x42: {  	_ =	shalt  }
0x43: {  	_ =	shalt  }
0x44: {  	_ =	shalt  }
0x45: {  	_ =	shalt  }
0x46: {  	_ =	shalt  }
0x47: {  	_ =	shalt  }
0x48: {  	_ =	shalt  }
0x49: {  	_ =	shalt  }
0x4a: {  	_ =	shalt  }
0x4b: {  	_ =	shalt  }
0x4c: {  	_ =	shalt  }
0x4d: {  	_ =	shalt  }
0x4e: {  	_ =	shalt  }
0x4f: {  	_ =	shalt  }
0x50: {  	_ =	shalt  }
0x51: {  	_ =	shalt  }
0x52: {  	_ =	shalt  }
0x53: {  	_ =	shalt  }
0x54: {  	_ =	shalt  }
0x55: {  	_ =	shalt  }
0x56: {  	_ =	shalt  }
0x57: {  	_ =	shalt  }
0x58: {  	_ =	shalt  }
0x59: {  	_ =	shalt  }
0x5a: {  	_ =	shalt  }
0x5b: {  	_ =	shalt  }
0x5c: {  	_ =	shalt  }
0x5d: {  	_ =	shalt  }
0x5e: {  	_ =	shalt  }
0x5f: {  	_ =	shalt  }
0x60: {  	_ =	shalt  }
0x61: {  	_ =	shalt  }
0x62: {  	_ =	shalt  }
0x63: {  	_ =	shalt  }
0x64: {  	_ =	shalt  }
0x65: {  	_ =	shalt  }
0x66: {  	_ =	shalt  }
0x67: {  	_ =	shalt  }
0x68: {  	_ =	shalt  }
0x69: {  	_ =	shalt  }
0x6a: {  	_ =	shalt  }
0x6b: {  	_ =	shalt  }
0x6c: {  	_ =	shalt  }
0x6d: {  	_ =	shalt  }
0x6e: {  	_ =	shalt  }
0x6f: {  	_ =	shalt  }
0x70: {  	_ =	shalt  }
0x71: {  	_ =	shalt  }
0x72: {  	_ =	shalt  }
0x73: {  	_ =	shalt  }
0x74: {  	_ =	shalt  }
0x75: {  	_ =	shalt  }
0x76: {  	_ =	shalt  }
0x77: {  	_ =	shalt  }
0x78: {  	_ =	shalt  }
0x79: {  	_ =	shalt  }
0x7a: {  	_ =	shalt  }
0x7b: {  	_ =	shalt  }
0x7c: {  	_ =	shalt  }
0x7d: {  	_ =	shalt  }
0x7e: {  	_ =	shalt  }
0x7f: {  	_ =	shalt  }
0x80: {  	_ =	shalt  }
0x81: {  	_ =	shalt  }
0x82: {  	_ =	shalt  }
0x83: {  	_ =	shalt  }
0x84: {  	_ =	shalt  }
0x85: {  	_ =	shalt  }
0x86: {  	_ =	shalt  }
0x87: {  	_ =	shalt  }
.Lfunc_end0:
.L_simem_size_0:
called_computation.1_lowered:
.L_overlay_start_0:
0x88: {  	s2 =	sld [smem:$0x3FD9]  }
0x89: {  	s3 =	sld [smem:$0x3FFE];
	_ =	sdelay $0x1  }
0x8a: {  	s1 =	srdreg.scid  }
0x8b: {  	s0 =	sand.u32 $0x1, s1  }
0x8c: {  	s16 =	sshll.u32 s0, $0xA;
	s2 =	sadd.s32 s3, s2  }
0x8d: {  	s2 =	sadd.s32 s2, s16  }
0x8e: {  	[smem:$0x3FB5] =	sst s2  }
0x8f: {  	_ = 	snop  }
0x90: {  	(tm) =	ssettm $0x1  }
0x91: {  	s17 =	sld [smem:$0x3FFB];
	_ =	sdelay $0x3  }
0x92: {  	_ =	strace s17  }
0x93: {  	s2 =	sld [smem:$0x3FFC];
	_ =	sdelay $0x3  }
0x94: {  	_ =	strace s2  }
0x95: {  	s2 =	sld [smem:$0x3FFD];
	_ =	sdelay $0x3  }
0x96: {  	_ =	strace s2  }
0x97: {  	_ =	strace $0x8FFFFFFF  }
0x98: {  	s18 =	sld [smem:$0x3FDB];
	_ =	sdelay $0x1  }
0x99: {  	s19 =	simm.s32 $_scs_section_size  }
0x9a: {  	s4 =	simm.s32 $_size__tile_overlayer_lowered;
	s5 =	simm.s32 $_tile_overlayer_lowered  }
0x9b: {  	s22 =	simm.s32 $0x1BFF;
	s21 =	sshll.u32 s5, $0x1;
	s2 =	sadd.s32 s19, s18  }
0x9c: {  	s6 =	simm.s32 $0x0;
	s20 =	sshll.u32 s4, $0x1;
	s4 =	sadd.s32 s21, s2  }
0x9d: {  	[timem:s6], [sflag:s22] =	dma.local [hbm:s4], s20  }
0x9e: {  	_ =	swait.ge [sflag:s22], s20  }
0x9f: {  	s3 =	ssub.s32 $0x0, s20;
	[sflag:s22] =	ssyncset.done $0x0  }
0xa0: {  	[sflag:s22] =	ssyncadd.s32 s3;
	_ =	sdelay $0x1  }
0xa1: {  	s23 =	simm.s32 $0x1B8B  }
0xa2: {  	_ =	swait.ge [sflag:s23], $0x1  }
0xa3: {  	[sflag:s23] =	ssyncset.done $0x0  }
0xa4: {  	s25 =	simm.s32 $0x1B8E;
	s24 =	sld [smem:$0x3FFE];
	[sflag:s23] =	ssyncadd.s32 $0xFFFFFFFF  }
0xa5: {  	s26 =	simm.s32 $execute0_lowered;
	[smem:$0x3FD2] =	sst s25  }
0xa6: {  	s4 =	sshll.u32 s26, $0x1;
	_ =	strace $0x80000049;
	[dreg:$0x1] =	wrdreg $0xFFFFFFFF  }
0xa7: {  	s28 =	simm.s32 $_size_execute0_lowered;
	s2 =	sadd.s32 s2, s4;
	[dreg:$0x0] =	wrdreg $0x0  }
0xa8: {  	s4 =	sshll.u32 s28, $0x1;
	[dreg:$0x2] =	wrdreg s2  }
0xa9: {  	[dreg:$0x3] =	wrdreg s4  }
0xaa: {  	[dreg:$0x4] =	wrdreg $0xC0  }
0xab: {  	_ =	task [dreg:s6], $0x5FFFF  }
0xac: {  	[dreg:$0x1] =	wrdreg $0xFFFFFFFF  }
0xad: {  	[dreg:$0x0] =	wrdreg $0x60  }
0xae: {  	[dreg:$0x2] =	wrdreg s24  }
0xaf: {  	[dreg:$0x3] =	wrdreg $0x92000  }
0xb0: {  	[dreg:$0x4] =	wrdreg $0x9  }
0xb1: {  	_ =	task.clear_ibuf [dreg:s6], $0x5FFFF;
	_ =	strace $0x90000049  }
0xb2: {  	s29 =	simm.s32 $0x9;
	_ =	strace $0x8000004B  }
0xb3: {  	_ =	swait.ge [sflag:s29], $0x1  }
0xb4: {  	[sflag:s29] =	ssyncadd.s32 $0xFFFFFFFF  }
0xb5: {  	_ =	strace $0x9000004B  }
0xb6: {  	_ =	sfence  }
0xb7: {  	s30 =	sld [smem:$0x0];
	_ =	sdelay $0x2  }
0xb8: {  	s31 =	sshll.u32 s1, $0xD;
	s1 =	sshrl.u32 s1, $0x2  }
0xb9: {  	s3 =	sand.u32 $0x4000, s31;
	s1 =	sadd.s32 s1, s30  }
0xba: {  	s0 =	sor.u32 s3, s0;
	s1 =	sshll.u32 s1, $0x11  }
0xbb: {  	s0 =	sor.u32 s1, s0  }
0xbc: {  	s0 =	sadd.s32 $0x8F2B, s0  }
0xbd: {  	[sflag:s0] =	ssyncadd.remote.s32 $0x1  }
0xbe: {  	_ =	sfence.sel $0xFFFF  }
0xbf: {  	[dreg:$0x0] =	wrdreg $0xFFFFFFFF;
	(pc) =	sbr.abs _section_cstart, $3  }
0xc0: {  	[dreg:$0x1] =	wrdreg $0xFFFFFFFF  }
0xc1: {  	_ =	task.clear_ibuf [dreg:s6], $0x2FFFF;
	_ =	strace $0x9FFFFFFF  }
0xc2: {  	(tm) =	ssettm $0x7FFFFFFF  }
0xc3: {  	_ =	shalt  }
tec
execute0_lowered:
.L_overlay_start_1:
0x0: {  	(tag) =	ssettag $0x1  }
0x1: {  	s6 =	rddreg [dreg:$0x0]  }
0x2: {  	s0 =	srdreg.scid;
	s2 =	rddreg [dreg:$0x1]  }
0x3: {  	s3 =	simm.s32 $0x0;
	s14 =	simm.s32 $0x80;
	s15 =	simm.s32 $0x5200  }
0x4: {  	s16 =	simm.s32 $0x7200;
	s17 =	simm.s32 $0x1;
	s18 =	simm.s32 $0x2  }
0x5: {  	s19 =	simm.s32 $0x0;
	s5 =	sand.u32 $0x1, s0;
	s0 =	stileid.u32  }
0x6: {  	[smem:$0x7FF] =	sst s3;
	s4 =	sadd.s32 $0x1A000, s6;
	s8 =	smul.u32 $0x9E00, s0  }
0x7: {  	s1 =	sshll.u32 s5, $0x4;
	s9 =	smul.u32 $0x9E000, s5;
	s30 =	ssub.s32 $0x2, s5  }
0x8: {  	s5 =	sadd.s32 $0x2DC00, s6;
	s31 =	sshll.u32 s0, $0x6;
	s1 =	sor.u32 s0, s1  }
0x9: {  	s11 =	sshrl.u32 s30, $0x1;
	s7 =	smul.u32 $0x520, s1;
	s1 =	rddreg [dreg:$0x2]  }
0xa: {  	_ =	strace $0x8000004A;
	s29 =	sadd.s32 s8, s9;
	s11 =	ssub.s32 s30, s11  }
0xb: {  	s13 =	sadd.s32 s8, s2;
	s10 =	sadd.s32 s7, s6;
	s7 =	sshrl.u32 s29, $0x3  }
0xc: {  	s12 =	sadd.s32 s7, s6;
	s6 =	sor.u32 $0x1C03, s31;
	s7 =	sadd.s32 $0xFC00, s10  }
0xd: {  	s8 =	sadd.s32 $0x5800, s10;
	s10 =	smax.u32 s11, $0x1;
	s11 =	sshrl.u32 s13, $0x3  }
0xe: {  	s13 =	simm.s32 $0x2900;
	s9 =	sadd.s32 $0x2F000, s12;
	s12 =	simm.s32 $0x3  }
.LBB2_1:
0xf: {  	[spmem:s11], [sflag:s6] =	dma.local [hbm:s5], $0x13C0  }
0x10: {  	_ =	swait.ge [sflag:s12], $0x13C0  }
0x11: {  	[sflag:s12] =	ssyncset.done $0x0  }
0x12: {  	[sflag:s12] =	ssyncadd.s32 $0xFFFFEC40  }
0x13: {  	[tilespmem:s3], [sflag:$0x3] =	stream.linear.gather [hbm4b:s7+s3], $0x2900, $0x38;
	[tilespmem:$0x13000] =	vst v63  }
0x14: {  	_ =	swait.ge [sflag:s12], $0x2900  }
0x15: {  	[sflag:s12] =	ssyncset.done $0x0  }
0x16: {  	[sflag:s12] =	ssyncadd.s32 $0xFFFFD700  }
0x17: {  	[tilespmem:s13], [sflag:$0x3] =	stream.linear.gather [hbm4b:s8+s3], $0x2900, $0x38;
	[tilespmem:$0x13000] =	vst v63  }
0x18: {  	_ =	swait.ge [sflag:s12], $0x2900  }
0x19: {  	[sflag:s12] =	ssyncset.done $0x0  }
0x1a: {  	[sflag:s12] =	ssyncadd.s32 $0xFFFFD700  }
0x1b: {  	[bflag:$0x0] =	sbarrier.arrive $0xFFFF  }
0x1c: {  	[tilespmem:s15], [sflag:$0x1] =	stream.indirect.gather [hbm4b:s4+s14], $0x40, s3, s14, $0xb8;
	[tilespmem:$0x13000] =	vst v63  }
0x1d: {  	_ = 	snop  }
0x1e: {  	[tilespmem:s16], [sflag:$0x2] =	stream.indirect.gather [hbm4b:s4+s14], $0x40, s14, s14, $0xb8;
	[tilespmem:$0x13000] =	vst v63  }
0x1f: {  	_ =	swait.ge [sflag:s17], $0x2000  }
0x20: {  	[sflag:s17] =	ssyncset.done $0x0  }
0x21: {  	s20 =	simm.s32 $0x2900;
	[sflag:s17] =	ssyncadd.s32 $0xFFFFE000  }
0x22: {  	[spmem:s2] =	stream.indirect.scatter.add.f32 [tilespmem:s15], [sflag:$0x3], $0x40, s20, s14, $0xb8;
	[tilespmem:$0x13000] =	vst v63  }
0x23: {  	_ =	swait.ge [sflag:s12], $0x2000  }
0x24: {  	[sflag:s12] =	ssyncset.done $0x0  }
0x25: {  	s30 =	simm.s32 $0x100;
	[sflag:s12] =	ssyncadd.s32 $0xFFFFE000  }
0x26: {  	[tilespmem:s15], [sflag:$0x1] =	stream.indirect.gather [hbm4b:s4+s14], $0x40, s30, s14, $0xb8;
	[tilespmem:$0x13000] =	vst v63  }
0x27: {  	_ =	swait.ge [sflag:s18], $0x2000  }
0x28: {  	[sflag:s18] =	ssyncset.done $0x0  }
0x29: {  	s31 =	simm.s32 $0x2980;
	[sflag:s18] =	ssyncadd.s32 $0xFFFFE000  }
0x2a: {  	[spmem:s2] =	stream.indirect.scatter.add.f32 [tilespmem:s16], [sflag:$0x3], $0x40, s31, s14, $0xb8;
	[tilespmem:$0x13000] =	vst v63  }
0x2b: {  	_ =	swait.ge [sflag:s12], $0x2000  }
0x2c: {  	[sflag:s12] =	ssyncset.done $0x0  }
0x2d: {  	s21 =	simm.s32 $0x180;
	s20 =	simm.s32 $0x400;
	[sflag:s12] =	ssyncadd.s32 $0xFFFFE000  }
.LBB2_2:
0x2e: {  	[tilespmem:s16], [sflag:$0x2] =	stream.indirect.gather [hbm4b:s4+s14], $0x40, s21, s14, $0xb8;
	[tilespmem:$0x13000] =	vst v63  }
0x2f: {  	s21 =	smov.u32 s20  }
0x30: {  	p0 =	sne.s32 s20, $0x9C00;
	s20 =	sadd.s32 $0x400, s20;
	_ =	swait.ge [sflag:s17], $0x2000  }
0x31: {  	s21 =	sshra.s32 s21, $0x2;
	[sflag:s17] =	ssyncset.done $0x0  }
0x32: {  	s22 =	sadd.s32 $0x2900, s21;
	[sflag:s17] =	ssyncadd.s32 $0xFFFFE000  }
0x33: {  	[spmem:s2] =	stream.indirect.scatter.add.f32 [tilespmem:s15], [sflag:$0x3], $0x40, s22, s14, $0xb8;
	[tilespmem:$0x13000] =	vst v63  }
0x34: {  	_ =	swait.ge [sflag:s12], $0x2000  }
0x35: {  	[sflag:s12] =	ssyncset.done $0x0  }
0x36: {  	s22 =	sadd.s32 $0x100, s21;
	[sflag:s12] =	ssyncadd.s32 $0xFFFFE000  }
0x37: {  	[tilespmem:s15], [sflag:$0x1] =	stream.indirect.gather [hbm4b:s4+s14], $0x40, s22, s14, $0xb8;
	[tilespmem:$0x13000] =	vst v63  }
0x38: {  	_ =	swait.ge [sflag:s18], $0x2000  }
0x39: {  	[sflag:s18] =	ssyncset.done $0x0  }
.Ltmp0:
0x3a: {  	s22 =	sadd.s32 $0x2980, s21;
	[sflag:s18] =	ssyncadd.s32 $0xFFFFE000;
	(pc) =	sbr.rel @p0 .LBB2_2-.Ltmp0, $4  }
0x3b: {  	[spmem:s2] =	stream.indirect.scatter.add.f32 [tilespmem:s16], [sflag:$0x3], $0x40, s22, s14, $0xb8;
	[tilespmem:$0x13000] =	vst v63  }
0x3c: {  	_ =	swait.ge [sflag:s12], $0x2000  }
0x3d: {  	[sflag:s12] =	ssyncset.done $0x0  }
0x3e: {  	s21 =	sadd.s32 $0x180, s21;
	[sflag:s12] =	ssyncadd.s32 $0xFFFFE000  }
0x3f: {  	[tilespmem:s16], [sflag:$0x2] =	stream.indirect.gather [hbm4b:s4+s14], $0x40, s21, s14, $0xb8;
	[tilespmem:$0x13000] =	vst v63  }
0x40: {  	_ =	swait.ge [sflag:s17], $0x2000  }
0x41: {  	[sflag:s17] =	ssyncset.done $0x0  }
0x42: {  	[sflag:s17] =	ssyncadd.s32 $0xFFFFE000  }
0x43: {  	_ =	swait.ge [sflag:s18], $0x2000  }
0x44: {  	s19 =	sadd.s32 $0x1, s19;
	[sflag:s18] =	ssyncset.done $0x0  }
0x45: {  	p0 =	sne.s32 s19, s10;
	[sflag:s18] =	ssyncadd.s32 $0xFFFFE000  }
.Ltmp1:
0x46: {  	[bflag:$0x0] =	sbarrier.arrive $0xFFFF;
	(pc) =	sbr.rel @p0 .LBB2_1-.Ltmp1, $4  }
0x47: {  	[hbm:s9], [sflag:s6] =	dma.local [spmem:s11], $0x13C0  }
0x48: {  	_ =	swait.ge [sflag:s12], $0x13C0  }
0x49: {  	[sflag:s12] =	ssyncset.done $0x0  }
0x4a: {  	[sflag:s12] =	ssyncadd.s32 $0xFFFFEC40  }
0x4b: {  	_ =	sfence.sel $0x180000  }
0x4c: {  	[bflag:$0x0] =	sbarrier.arrive $0xFFFF  }
0x4d: {  	p0 =	sne.s32 s0, $0x0;
	_ =	strace $0x9000004A  }
0x4e: {  	s0 =	sadd.s32 @!p0 $0x100000, s1;
	[bflag:$0x2] =	sbarrier.arrive $0xFFFF  }
0x4f: {  	[sflag:s0] =	ssyncadd.tile.s32 @!p0 $0x1;
	_ =	shalt  }
.Lfunc_end2:
_tile_overlayer_lowered:
.L_overlay_start_2:
0x50: {  	(tag) =	ssettag $0x2  }
0x51: {  	s0 =	rddreg [dreg:$0x0];
	s2 =	stileid.u32  }
0x52: {  	s1 =	rddreg [dreg:$0x1];
	p0 =	sne.s32 s2, $0x0  }
0x53: {  	s3 =	rddreg [dreg:$0x2];
	[bflag:$0x3] =	sbarrier.arrive $0xFFFF;
	s2 =	simm.s32 @!p0 $0x1C03  }
0x54: {  	[timem:s3], [sflag:s2] =	dma.local @!p0 [hbm:s0], s1  }
0x55: {  	s0 =	simm.s32 @!p0 $0x3  }
0x56: {  	_ =	swait.ge @!p0 [sflag:s0], s1  }
0x57: {  	s1 =	ssub.s32 @!p0 $0x0, s1;
	[sflag:s0] =	ssyncset.done @!p0 $0x0  }
0x58: {  	[sflag:s0] =	ssyncadd.s32 @!p0 s1  }
0x59: {  	[bflag:$0x3] =	sbarrier.arrive $0xFFFF  }
0x5a: {  	_ =	shalt  }

// kernel: kernel.23.cloned.1.call-start
scs
__scs_entry_jumppad:
0x0: {  	(pc) =	sbr.rel $0x88, $3  }
0x1: {  	(tag) =	ssettag $0x0;
	lr =	simm.s32 $0x1  }
0x2: {  	[smem:$0x3F8E] =	sst lr;
	_ =	strace $0xD0000000  }
0x3: {  	_ = 	snop  }
0x4: {  	_ = 	snop  }
0x5: {  	_ = 	snop  }
0x6: {  	_ = 	snop  }
0x7: {  	_ = 	snop  }
__scs_overlays_trampoline_lowered:
0x8: {  	[smem:$0x3F9D] =	sst s0  }
0x9: {  	[smem:$0x3F9E] =	sst s1  }
0xa: {  	[smem:$0x3F9F] =	sst s2  }
0xb: {  	[smem:$0x3FA0] =	sst s3  }
0xc: {  	[smem:$0x3FA1] =	sst s4  }
0xd: {  	[smem:$0x3FA2] =	sst s5  }
0xe: {  	[smem:$0x3FA3] =	sst s6  }
0xf: {  	[smem:$0x3FA4] =	sst s7  }
0x10: {  	[smem:$0x3FA5] =	sst s8  }
0x11: {  	[smem:$0x3FA6] =	sst s9;
	s0 =	simm.s32 @!p0 $0x0  }
0x12: {  	s1 =	sld [smem:$0x3F8C];
	s0 =	simm.s32 @p0 $0x1  }
0x13: {  	[smem:$0x3FA7] =	sst s0;
	s0 =	simm.s32 @!p1 $0x0  }
0x14: {  	s2 =	sld [smem:$0x3F8B];
	s0 =	simm.s32 @p1 $0x1  }
0x15: {  	[smem:$0x3FA8] =	sst s0;
	s0 =	simm.s32 @!p2 $0x0  }
0x16: {  	s3 =	sld [smem:$0x3FDB];
	s0 =	simm.s32 @p2 $0x1  }
0x17: {  	s4 =	simm.s32 $0x1BF5;
	[smem:$0x3FAA] =	sst s0  }
0x18: {  	s0 =	sld [smem:$0x3F8D];
	_ =	swait.ge [sflag:s4], $0x0  }
0x19: {  	s7 =	sld [smem:$0x3F8E]  }
0x1a: {  	s8 =	sadd.s32 $0xFFFFE003, lr  }
0x1b: {  	s9 =	sadd.s32 $0xFFFFFEF7, lr;
	s5 =	simm.s32 $0xFFFFFFFF;
	p2 =	slt.u32 s8, $0xFFFFF086  }
0x1c: {  	p1 =	slt.u32 s9, $0xF7A;
	s5 =	simm.s32 @!p2 $0x0  }
0x1d: {  	s5 =	simm.s32 @p1 $0x1;
	p0 =	seq.s32 s7, s2  }
0x1e: {  	s7 =	smul.u32 @!p0 $0xF7A, s2;
	p2 =	seq.s32 @!p0 s5, $0x0  }
0x1f: {  	s9 =	smul.u32 $0xF7A, s1;
	s8 =	simm.s32 @!p0 $0x1BF5;
	p2 =	por !p2, p0  }
0x20: {  	[sflag:s8] =	ssyncset.s32 @!p0 $0xFFFFF086;
	s6 =	sadd.s32 @!p0 s3, s7;
	s7 =	simm.s32 @!p0 $0x108  }
0x21: {  	s3 =	sadd.s32 s3, s9;
	s6 =	sadd.s32 @!p0 $0x88, s6;
	s7 =	simm.s32 @p2 $0x1082  }
0x22: {  	[simem:s7], [sflag:s8] =	dma.local @!p0 [hbm:s6], $0xF7A  }
0x23: {  	s9 =	sor.u32 $0xD0000000, s2;
	s6 =	simm.s32 $0x108;
	_ =	swait.ge @!p0 [sflag:s8], $0x0  }
0x24: {  	s3 =	sadd.s32 $0x88, s3;
	s6 =	simm.s32 @!p1 $0x1082;
	[sflag:s4] =	ssyncset.s32 $0xFFFFF086  }
0x25: {  	[simem:s6], [sflag:s4] =	dma.local [hbm:s3], $0xF7A  }
0x26: {  	[smem:$0x3F8E] =	sst s1;
	(tag) =	ssettag s2;
	_ =	strace s9  }
0x27: {  	s1 =	sld [smem:$0x3F9E]  }
0x28: {  	s2 =	sld [smem:$0x3F9F]  }
0x29: {  	s4 =	sld [smem:$0x3FA1]  }
0x2a: {  	p0 =	seq.s32 s5, $0x0;
	s5 =	sld [smem:$0x3FA2]  }
0x2b: {  	s6 =	sld [smem:$0x3FA3]  }
0x2c: {  	s7 =	sld [smem:$0x3FA4]  }
0x2d: {  	s3 =	simm.s32 $0x108;
	s8 =	sld [smem:$0x3FA5]  }
0x2e: {  	s3 =	simm.s32 @!p0 $0x1082;
	s9 =	sld [smem:$0x3FA6]  }
0x2f: {  	lr =	sadd.s32 s0, s3;
	s0 =	sld [smem:$0x3F9D]  }
0x30: {  	s3 =	sld [smem:$0x3FA0]  }
0x31: {  	[smem:$0x3FA9] =	sst s10  }
0x32: {  	s10 =	sld [smem:$0x3FA7];
	_ =	sdelay $0x3  }
0x33: {  	p0 =	seq.s32 s10, $0x1;
	s10 =	sld [smem:$0x3FA9];
	_ =	sdelay $0x3  }
0x34: {  	[smem:$0x3FA9] =	sst s10  }
0x35: {  	s10 =	sld [smem:$0x3FA8];
	_ =	sdelay $0x3  }
0x36: {  	p1 =	seq.s32 s10, $0x1;
	s10 =	sld [smem:$0x3FA9];
	_ =	sdelay $0x3  }
0x37: {  	[smem:$0x3FA9] =	sst s10  }
0x38: {  	s10 =	sld [smem:$0x3FAA]  }
0x39: {  	_ = 	snop;
	(pc) =	sbr.ind lr, $3  }
0x3a: {  	_ = 	snop  }
0x3b: {  	_ = 	snop  }
0x3c: {  	p2 =	seq.s32 s10, $0x1;
	s10 =	sld [smem:$0x3FA9]  }
0x3d: {  	_ =	shalt  }
0x3e: {  	_ =	shalt  }
0x3f: {  	_ =	shalt  }
0x40: {  	_ =	shalt  }
0x41: {  	_ =	shalt  }
0x42: {  	_ =	shalt  }
0x43: {  	_ =	shalt  }
0x44: {  	_ =	shalt  }
0x45: {  	_ =	shalt  }
0x46: {  	_ =	shalt  }
0x47: {  	_ =	shalt  }
0x48: {  	_ =	shalt  }
0x49: {  	_ =	shalt  }
0x4a: {  	_ =	shalt  }
0x4b: {  	_ =	shalt  }
0x4c: {  	_ =	shalt  }
0x4d: {  	_ =	shalt  }
0x4e: {  	_ =	shalt  }
0x4f: {  	_ =	shalt  }
0x50: {  	_ =	shalt  }
0x51: {  	_ =	shalt  }
0x52: {  	_ =	shalt  }
0x53: {  	_ =	shalt  }
0x54: {  	_ =	shalt  }
0x55: {  	_ =	shalt  }
0x56: {  	_ =	shalt  }
0x57: {  	_ =	shalt  }
0x58: {  	_ =	shalt  }
0x59: {  	_ =	shalt  }
0x5a: {  	_ =	shalt  }
0x5b: {  	_ =	shalt  }
0x5c: {  	_ =	shalt  }
0x5d: {  	_ =	shalt  }
0x5e: {  	_ =	shalt  }
0x5f: {  	_ =	shalt  }
0x60: {  	_ =	shalt  }
0x61: {  	_ =	shalt  }
0x62: {  	_ =	shalt  }
0x63: {  	_ =	shalt  }
0x64: {  	_ =	shalt  }
0x65: {  	_ =	shalt  }
0x66: {  	_ =	shalt  }
0x67: {  	_ =	shalt  }
0x68: {  	_ =	shalt  }
0x69: {  	_ =	shalt  }
0x6a: {  	_ =	shalt  }
0x6b: {  	_ =	shalt  }
0x6c: {  	_ =	shalt  }
0x6d: {  	_ =	shalt  }
0x6e: {  	_ =	shalt  }
0x6f: {  	_ =	shalt  }
0x70: {  	_ =	shalt  }
0x71: {  	_ =	shalt  }
0x72: {  	_ =	shalt  }
0x73: {  	_ =	shalt  }
0x74: {  	_ =	shalt  }
0x75: {  	_ =	shalt  }
0x76: {  	_ =	shalt  }
0x77: {  	_ =	shalt  }
0x78: {  	_ =	shalt  }
0x79: {  	_ =	shalt  }
0x7a: {  	_ =	shalt  }
0x7b: {  	_ =	shalt  }
0x7c: {  	_ =	shalt  }
0x7d: {  	_ =	shalt  }
0x7e: {  	_ =	shalt  }
0x7f: {  	_ =	shalt  }
0x80: {  	_ =	shalt  }
0x81: {  	_ =	shalt  }
0x82: {  	_ =	shalt  }
0x83: {  	_ =	shalt  }
0x84: {  	_ =	shalt  }
0x85: {  	_ =	shalt  }
0x86: {  	_ =	shalt  }
0x87: {  	_ =	shalt  }
.Lfunc_end0:
.L_simem_size_0:
called_computation.2_lowered:
.L_overlay_start_0:
0x88: {  	s2 =	sld [smem:$0x3FD9]  }
0x89: {  	s3 =	sld [smem:$0x3FFE];
	_ =	sdelay $0x1  }
0x8a: {  	s1 =	srdreg.scid  }
0x8b: {  	s0 =	sand.u32 $0x1, s1  }
0x8c: {  	s16 =	sshll.u32 s0, $0xA;
	s2 =	sadd.s32 s3, s2  }
0x8d: {  	s2 =	sadd.s32 s2, s16  }
0x8e: {  	[smem:$0x3FB5] =	sst s2  }
0x8f: {  	_ = 	snop  }
0x90: {  	(tm) =	ssettm $0x1  }
0x91: {  	s17 =	sld [smem:$0x3FFB];
	_ =	sdelay $0x3  }
0x92: {  	_ =	strace s17  }
0x93: {  	s2 =	sld [smem:$0x3FFC];
	_ =	sdelay $0x3  }
0x94: {  	_ =	strace s2  }
0x95: {  	s2 =	sld [smem:$0x3FFD];
	_ =	sdelay $0x3  }
0x96: {  	_ =	strace s2  }
0x97: {  	_ =	strace $0x8FFFFFFF  }
0x98: {  	s18 =	sld [smem:$0x3FDB];
	_ =	sdelay $0x1  }
0x99: {  	s19 =	simm.s32 $_scs_section_size  }
0x9a: {  	s4 =	simm.s32 $_size__tile_overlayer_lowered;
	s5 =	simm.s32 $_tile_overlayer_lowered  }
0x9b: {  	s22 =	simm.s32 $0x1BFF;
	s21 =	sshll.u32 s5, $0x1;
	s2 =	sadd.s32 s19, s18  }
0x9c: {  	s6 =	simm.s32 $0x0;
	s20 =	sshll.u32 s4, $0x1;
	s4 =	sadd.s32 s21, s2  }
0x9d: {  	[timem:s6], [sflag:s22] =	dma.local [hbm:s4], s20  }
0x9e: {  	_ =	swait.ge [sflag:s22], s20  }
0x9f: {  	s3 =	ssub.s32 $0x0, s20;
	[sflag:s22] =	ssyncset.done $0x0  }
0xa0: {  	[sflag:s22] =	ssyncadd.s32 s3;
	_ =	sdelay $0x1  }
0xa1: {  	s23 =	simm.s32 $0x1B8B  }
0xa2: {  	_ =	swait.ge [sflag:s23], $0x1  }
0xa3: {  	[sflag:s23] =	ssyncset.done $0x0  }
0xa4: {  	s25 =	simm.s32 $0x1B8E;
	s24 =	sld [smem:$0x3FFE];
	[sflag:s23] =	ssyncadd.s32 $0xFFFFFFFF  }
0xa5: {  	s26 =	simm.s32 $execute0_lowered;
	[smem:$0x3FD2] =	sst s25  }
0xa6: {  	s4 =	sshll.u32 s26, $0x1;
	_ =	strace $0x8000004C;
	[dreg:$0x1] =	wrdreg $0xFFFFFFFF  }
0xa7: {  	s28 =	simm.s32 $_size_execute0_lowered;
	s2 =	sadd.s32 s2, s4;
	[dreg:$0x0] =	wrdreg $0x0  }
0xa8: {  	s4 =	sshll.u32 s28, $0x1;
	[dreg:$0x2] =	wrdreg s2  }
0xa9: {  	[dreg:$0x3] =	wrdreg s4  }
0xaa: {  	[dreg:$0x4] =	wrdreg $0xC0  }
0xab: {  	_ =	task [dreg:s6], $0x5FFFF  }
0xac: {  	[dreg:$0x1] =	wrdreg $0xFFFFFFFF  }
0xad: {  	[dreg:$0x0] =	wrdreg $0x60  }
0xae: {  	[dreg:$0x2] =	wrdreg s24  }
0xaf: {  	[dreg:$0x3] =	wrdreg $0x92000  }
0xb0: {  	[dreg:$0x4] =	wrdreg $0x9  }
0xb1: {  	_ =	task.clear_ibuf [dreg:s6], $0x5FFFF;
	_ =	strace $0x9000004C  }
0xb2: {  	s29 =	simm.s32 $0x9;
	_ =	strace $0x8000004E  }
0xb3: {  	_ =	swait.ge [sflag:s29], $0x1  }
0xb4: {  	[sflag:s29] =	ssyncadd.s32 $0xFFFFFFFF  }
0xb5: {  	_ =	strace $0x9000004E  }
0xb6: {  	_ =	sfence  }
0xb7: {  	s30 =	sld [smem:$0x0];
	_ =	sdelay $0x2  }
0xb8: {  	s31 =	sshll.u32 s1, $0xD;
	s1 =	sshrl.u32 s1, $0x2  }
0xb9: {  	s3 =	sand.u32 $0x4000, s31;
	s1 =	sadd.s32 s1, s30  }
0xba: {  	s0 =	sor.u32 s3, s0;
	s1 =	sshll.u32 s1, $0x11  }
0xbb: {  	s0 =	sor.u32 s1, s0  }
0xbc: {  	s0 =	sadd.s32 $0x8F2B, s0  }
0xbd: {  	[sflag:s0] =	ssyncadd.remote.s32 $0x1  }
0xbe: {  	_ =	sfence.sel $0xFFFF  }
0xbf: {  	[dreg:$0x0] =	wrdreg $0xFFFFFFFF;
	(pc) =	sbr.abs _section_cstart, $3  }
0xc0: {  	[dreg:$0x1] =	wrdreg $0xFFFFFFFF  }
0xc1: {  	_ =	task.clear_ibuf [dreg:s6], $0x2FFFF;
	_ =	strace $0x9FFFFFFF  }
0xc2: {  	(tm) =	ssettm $0x7FFFFFFF  }
0xc3: {  	_ =	shalt  }
tec
execute0_lowered:
.L_overlay_start_1:
0x0: {  	(tag) =	ssettag $0x1  }
0x1: {  	s6 =	rddreg [dreg:$0x0]  }
0x2: {  	s0 =	srdreg.scid;
	s2 =	rddreg [dreg:$0x1]  }
0x3: {  	s3 =	simm.s32 $0x0;
	s14 =	simm.s32 $0x80;
	s15 =	simm.s32 $0x5200  }
0x4: {  	s16 =	simm.s32 $0x7200;
	s17 =	simm.s32 $0x1;
	s18 =	simm.s32 $0x2  }
0x5: {  	s19 =	simm.s32 $0x0;
	s5 =	sand.u32 $0x1, s0;
	s0 =	stileid.u32  }
0x6: {  	[smem:$0x7FF] =	sst s3;
	s4 =	sadd.s32 $0x1A000, s6;
	s8 =	smul.u32 $0x9E00, s0  }
0x7: {  	s1 =	sshll.u32 s5, $0x4;
	s9 =	smul.u32 $0x9E000, s5;
	s30 =	ssub.s32 $0x2, s5  }
0x8: {  	s5 =	sadd.s32 $0x2DC00, s6;
	s31 =	sshll.u32 s0, $0x6;
	s1 =	sor.u32 s0, s1  }
0x9: {  	s11 =	sshrl.u32 s30, $0x1;
	s7 =	smul.u32 $0x520, s1;
	s1 =	rddreg [dreg:$0x2]  }
0xa: {  	_ =	strace $0x8000004D;
	s29 =	sadd.s32 s8, s9;
	s11 =	ssub.s32 s30, s11  }
0xb: {  	s13 =	sadd.s32 s8, s2;
	s10 =	sadd.s32 s7, s6;
	s7 =	sshrl.u32 s29, $0x3  }
0xc: {  	s12 =	sadd.s32 s7, s6;
	s6 =	sor.u32 $0x1C03, s31;
	s7 =	sadd.s32 $0xFC00, s10  }
0xd: {  	s8 =	sadd.s32 $0x5800, s10;
	s10 =	smax.u32 s11, $0x1;
	s11 =	sshrl.u32 s13, $0x3  }
0xe: {  	s13 =	simm.s32 $0x2900;
	s9 =	sadd.s32 $0x56800, s12;
	s12 =	simm.s32 $0x3  }
.LBB2_1:
0xf: {  	[spmem:s11], [sflag:s6] =	dma.local [hbm:s5], $0x13C0  }
0x10: {  	_ =	swait.ge [sflag:s12], $0x13C0  }
0x11: {  	[sflag:s12] =	ssyncset.done $0x0  }
0x12: {  	[sflag:s12] =	ssyncadd.s32 $0xFFFFEC40  }
0x13: {  	[tilespmem:s3], [sflag:$0x3] =	stream.linear.gather [hbm4b:s7+s3], $0x2900, $0x38;
	[tilespmem:$0x13000] =	vst v63  }
0x14: {  	_ =	swait.ge [sflag:s12], $0x2900  }
0x15: {  	[sflag:s12] =	ssyncset.done $0x0  }
0x16: {  	[sflag:s12] =	ssyncadd.s32 $0xFFFFD700  }
0x17: {  	[tilespmem:s13], [sflag:$0x3] =	stream.linear.gather [hbm4b:s8+s3], $0x2900, $0x38;
	[tilespmem:$0x13000] =	vst v63  }
0x18: {  	_ =	swait.ge [sflag:s12], $0x2900  }
0x19: {  	[sflag:s12] =	ssyncset.done $0x0  }
0x1a: {  	[sflag:s12] =	ssyncadd.s32 $0xFFFFD700  }
0x1b: {  	[bflag:$0x0] =	sbarrier.arrive $0xFFFF  }
0x1c: {  	[tilespmem:s15], [sflag:$0x1] =	stream.indirect.gather [hbm4b:s4+s14], $0x40, s3, s14, $0xb8;
	[tilespmem:$0x13000] =	vst v63  }
0x1d: {  	_ = 	snop  }
0x1e: {  	[tilespmem:s16], [sflag:$0x2] =	stream.indirect.gather [hbm4b:s4+s14], $0x40, s14, s14, $0xb8;
	[tilespmem:$0x13000] =	vst v63  }
0x1f: {  	_ =	swait.ge [sflag:s17], $0x2000  }
0x20: {  	[sflag:s17] =	ssyncset.done $0x0  }
0x21: {  	s20 =	simm.s32 $0x2900;
	[sflag:s17] =	ssyncadd.s32 $0xFFFFE000  }
0x22: {  	[spmem:s2] =	stream.indirect.scatter.add.f32 [tilespmem:s15], [sflag:$0x3], $0x40, s20, s14, $0xb8;
	[tilespmem:$0x13000] =	vst v63  }
0x23: {  	_ =	swait.ge [sflag:s12], $0x2000  }
0x24: {  	[sflag:s12] =	ssyncset.done $0x0  }
0x25: {  	s30 =	simm.s32 $0x100;
	[sflag:s12] =	ssyncadd.s32 $0xFFFFE000  }
0x26: {  	[tilespmem:s15], [sflag:$0x1] =	stream.indirect.gather [hbm4b:s4+s14], $0x40, s30, s14, $0xb8;
	[tilespmem:$0x13000] =	vst v63  }
0x27: {  	_ =	swait.ge [sflag:s18], $0x2000  }
0x28: {  	[sflag:s18] =	ssyncset.done $0x0  }
0x29: {  	s31 =	simm.s32 $0x2980;
	[sflag:s18] =	ssyncadd.s32 $0xFFFFE000  }
0x2a: {  	[spmem:s2] =	stream.indirect.scatter.add.f32 [tilespmem:s16], [sflag:$0x3], $0x40, s31, s14, $0xb8;
	[tilespmem:$0x13000] =	vst v63  }
0x2b: {  	_ =	swait.ge [sflag:s12], $0x2000  }
0x2c: {  	[sflag:s12] =	ssyncset.done $0x0  }
0x2d: {  	s21 =	simm.s32 $0x180;
	s20 =	simm.s32 $0x400;
	[sflag:s12] =	ssyncadd.s32 $0xFFFFE000  }
.LBB2_2:
0x2e: {  	[tilespmem:s16], [sflag:$0x2] =	stream.indirect.gather [hbm4b:s4+s14], $0x40, s21, s14, $0xb8;
	[tilespmem:$0x13000] =	vst v63  }
0x2f: {  	s21 =	smov.u32 s20  }
0x30: {  	p0 =	sne.s32 s20, $0x9C00;
	s20 =	sadd.s32 $0x400, s20;
	_ =	swait.ge [sflag:s17], $0x2000  }
0x31: {  	s21 =	sshra.s32 s21, $0x2;
	[sflag:s17] =	ssyncset.done $0x0  }
0x32: {  	s22 =	sadd.s32 $0x2900, s21;
	[sflag:s17] =	ssyncadd.s32 $0xFFFFE000  }
0x33: {  	[spmem:s2] =	stream.indirect.scatter.add.f32 [tilespmem:s15], [sflag:$0x3], $0x40, s22, s14, $0xb8;
	[tilespmem:$0x13000] =	vst v63  }
0x34: {  	_ =	swait.ge [sflag:s12], $0x2000  }
0x35: {  	[sflag:s12] =	ssyncset.done $0x0  }
0x36: {  	s22 =	sadd.s32 $0x100, s21;
	[sflag:s12] =	ssyncadd.s32 $0xFFFFE000  }
0x37: {  	[tilespmem:s15], [sflag:$0x1] =	stream.indirect.gather [hbm4b:s4+s14], $0x40, s22, s14, $0xb8;
	[tilespmem:$0x13000] =	vst v63  }
0x38: {  	_ =	swait.ge [sflag:s18], $0x2000  }
0x39: {  	[sflag:s18] =	ssyncset.done $0x0  }
.Ltmp0:
0x3a: {  	s22 =	sadd.s32 $0x2980, s21;
	[sflag:s18] =	ssyncadd.s32 $0xFFFFE000;
	(pc) =	sbr.rel @p0 .LBB2_2-.Ltmp0, $4  }
0x3b: {  	[spmem:s2] =	stream.indirect.scatter.add.f32 [tilespmem:s16], [sflag:$0x3], $0x40, s22, s14, $0xb8;
	[tilespmem:$0x13000] =	vst v63  }
0x3c: {  	_ =	swait.ge [sflag:s12], $0x2000  }
0x3d: {  	[sflag:s12] =	ssyncset.done $0x0  }
0x3e: {  	s21 =	sadd.s32 $0x180, s21;
	[sflag:s12] =	ssyncadd.s32 $0xFFFFE000  }
0x3f: {  	[tilespmem:s16], [sflag:$0x2] =	stream.indirect.gather [hbm4b:s4+s14], $0x40, s21, s14, $0xb8;
	[tilespmem:$0x13000] =	vst v63  }
0x40: {  	_ =	swait.ge [sflag:s17], $0x2000  }
0x41: {  	[sflag:s17] =	ssyncset.done $0x0  }
0x42: {  	[sflag:s17] =	ssyncadd.s32 $0xFFFFE000  }
0x43: {  	_ =	swait.ge [sflag:s18], $0x2000  }
0x44: {  	s19 =	sadd.s32 $0x1, s19;
	[sflag:s18] =	ssyncset.done $0x0  }
0x45: {  	p0 =	sne.s32 s19, s10;
	[sflag:s18] =	ssyncadd.s32 $0xFFFFE000  }
.Ltmp1:
0x46: {  	[bflag:$0x0] =	sbarrier.arrive $0xFFFF;
	(pc) =	sbr.rel @p0 .LBB2_1-.Ltmp1, $4  }
0x47: {  	[hbm:s9], [sflag:s6] =	dma.local [spmem:s11], $0x13C0  }
0x48: {  	_ =	swait.ge [sflag:s12], $0x13C0  }
0x49: {  	[sflag:s12] =	ssyncset.done $0x0  }
0x4a: {  	[sflag:s12] =	ssyncadd.s32 $0xFFFFEC40  }
0x4b: {  	_ =	sfence.sel $0x180000  }
0x4c: {  	[bflag:$0x0] =	sbarrier.arrive $0xFFFF  }
0x4d: {  	p0 =	sne.s32 s0, $0x0;
	_ =	strace $0x9000004D  }
0x4e: {  	s0 =	sadd.s32 @!p0 $0x100000, s1;
	[bflag:$0x2] =	sbarrier.arrive $0xFFFF  }
0x4f: {  	[sflag:s0] =	ssyncadd.tile.s32 @!p0 $0x1;
	_ =	shalt  }
.Lfunc_end2:
_tile_overlayer_lowered:
.L_overlay_start_2:
0x50: {  	(tag) =	ssettag $0x2  }
0x51: {  	s0 =	rddreg [dreg:$0x0];
	s2 =	stileid.u32  }
0x52: {  	s1 =	rddreg [dreg:$0x1];
	p0 =	sne.s32 s2, $0x0  }
0x53: {  	s3 =	rddreg [dreg:$0x2];
	[bflag:$0x3] =	sbarrier.arrive $0xFFFF;
	s2 =	simm.s32 @!p0 $0x1C03  }
0x54: {  	[timem:s3], [sflag:s2] =	dma.local @!p0 [hbm:s0], s1  }
0x55: {  	s0 =	simm.s32 @!p0 $0x3  }
0x56: {  	_ =	swait.ge @!p0 [sflag:s0], s1  }
0x57: {  	s1 =	ssub.s32 @!p0 $0x0, s1;
	[sflag:s0] =	ssyncset.done @!p0 $0x0  }
0x58: {  	[sflag:s0] =	ssyncadd.s32 @!p0 s1  }
0x59: {  	[bflag:$0x3] =	sbarrier.arrive $0xFFFF  }
0x5a: {  	_ =	shalt  }

// kernel: kernel.26.cloned.1.call-start
scs
__scs_entry_jumppad:
0x0: {  	(pc) =	sbr.rel $0x88, $3  }
0x1: {  	(tag) =	ssettag $0x0;
	lr =	simm.s32 $0x1  }
0x2: {  	[smem:$0x3F8E] =	sst lr;
	_ =	strace $0xD0000000  }
0x3: {  	_ = 	snop  }
0x4: {  	_ = 	snop  }
0x5: {  	_ = 	snop  }
0x6: {  	_ = 	snop  }
0x7: {  	_ = 	snop  }
__scs_overlays_trampoline_lowered:
0x8: {  	[smem:$0x3F9D] =	sst s0  }
0x9: {  	[smem:$0x3F9E] =	sst s1  }
0xa: {  	[smem:$0x3F9F] =	sst s2  }
0xb: {  	[smem:$0x3FA0] =	sst s3  }
0xc: {  	[smem:$0x3FA1] =	sst s4  }
0xd: {  	[smem:$0x3FA2] =	sst s5  }
0xe: {  	[smem:$0x3FA3] =	sst s6  }
0xf: {  	[smem:$0x3FA4] =	sst s7  }
0x10: {  	[smem:$0x3FA5] =	sst s8  }
0x11: {  	[smem:$0x3FA6] =	sst s9;
	s0 =	simm.s32 @!p0 $0x0  }
0x12: {  	s1 =	sld [smem:$0x3F8C];
	s0 =	simm.s32 @p0 $0x1  }
0x13: {  	[smem:$0x3FA7] =	sst s0;
	s0 =	simm.s32 @!p1 $0x0  }
0x14: {  	s2 =	sld [smem:$0x3F8B];
	s0 =	simm.s32 @p1 $0x1  }
0x15: {  	[smem:$0x3FA8] =	sst s0;
	s0 =	simm.s32 @!p2 $0x0  }
0x16: {  	s3 =	sld [smem:$0x3FDB];
	s0 =	simm.s32 @p2 $0x1  }
0x17: {  	s4 =	simm.s32 $0x1BF5;
	[smem:$0x3FAA] =	sst s0  }
0x18: {  	s0 =	sld [smem:$0x3F8D];
	_ =	swait.ge [sflag:s4], $0x0  }
0x19: {  	s7 =	sld [smem:$0x3F8E]  }
0x1a: {  	s8 =	sadd.s32 $0xFFFFE003, lr  }
0x1b: {  	s9 =	sadd.s32 $0xFFFFFEF7, lr;
	s5 =	simm.s32 $0xFFFFFFFF;
	p2 =	slt.u32 s8, $0xFFFFF086  }
0x1c: {  	p1 =	slt.u32 s9, $0xF7A;
	s5 =	simm.s32 @!p2 $0x0  }
0x1d: {  	s5 =	simm.s32 @p1 $0x1;
	p0 =	seq.s32 s7, s2  }
0x1e: {  	s7 =	smul.u32 @!p0 $0xF7A, s2;
	p2 =	seq.s32 @!p0 s5, $0x0  }
0x1f: {  	s9 =	smul.u32 $0xF7A, s1;
	s8 =	simm.s32 @!p0 $0x1BF5;
	p2 =	por !p2, p0  }
0x20: {  	[sflag:s8] =	ssyncset.s32 @!p0 $0xFFFFF086;
	s6 =	sadd.s32 @!p0 s3, s7;
	s7 =	simm.s32 @!p0 $0x108  }
0x21: {  	s3 =	sadd.s32 s3, s9;
	s6 =	sadd.s32 @!p0 $0x88, s6;
	s7 =	simm.s32 @p2 $0x1082  }
0x22: {  	[simem:s7], [sflag:s8] =	dma.local @!p0 [hbm:s6], $0xF7A  }
0x23: {  	s9 =	sor.u32 $0xD0000000, s2;
	s6 =	simm.s32 $0x108;
	_ =	swait.ge @!p0 [sflag:s8], $0x0  }
0x24: {  	s3 =	sadd.s32 $0x88, s3;
	s6 =	simm.s32 @!p1 $0x1082;
	[sflag:s4] =	ssyncset.s32 $0xFFFFF086  }
0x25: {  	[simem:s6], [sflag:s4] =	dma.local [hbm:s3], $0xF7A  }
0x26: {  	[smem:$0x3F8E] =	sst s1;
	(tag) =	ssettag s2;
	_ =	strace s9  }
0x27: {  	s1 =	sld [smem:$0x3F9E]  }
0x28: {  	s2 =	sld [smem:$0x3F9F]  }
0x29: {  	s4 =	sld [smem:$0x3FA1]  }
0x2a: {  	p0 =	seq.s32 s5, $0x0;
	s5 =	sld [smem:$0x3FA2]  }
0x2b: {  	s6 =	sld [smem:$0x3FA3]  }
0x2c: {  	s7 =	sld [smem:$0x3FA4]  }
0x2d: {  	s3 =	simm.s32 $0x108;
	s8 =	sld [smem:$0x3FA5]  }
0x2e: {  	s3 =	simm.s32 @!p0 $0x1082;
	s9 =	sld [smem:$0x3FA6]  }
0x2f: {  	lr =	sadd.s32 s0, s3;
	s0 =	sld [smem:$0x3F9D]  }
0x30: {  	s3 =	sld [smem:$0x3FA0]  }
0x31: {  	[smem:$0x3FA9] =	sst s10  }
0x32: {  	s10 =	sld [smem:$0x3FA7];
	_ =	sdelay $0x3  }
0x33: {  	p0 =	seq.s32 s10, $0x1;
	s10 =	sld [smem:$0x3FA9];
	_ =	sdelay $0x3  }
0x34: {  	[smem:$0x3FA9] =	sst s10  }
0x35: {  	s10 =	sld [smem:$0x3FA8];
	_ =	sdelay $0x3  }
0x36: {  	p1 =	seq.s32 s10, $0x1;
	s10 =	sld [smem:$0x3FA9];
	_ =	sdelay $0x3  }
0x37: {  	[smem:$0x3FA9] =	sst s10  }
0x38: {  	s10 =	sld [smem:$0x3FAA]  }
0x39: {  	_ = 	snop;
	(pc) =	sbr.ind lr, $3  }
0x3a: {  	_ = 	snop  }
0x3b: {  	_ = 	snop  }
0x3c: {  	p2 =	seq.s32 s10, $0x1;
	s10 =	sld [smem:$0x3FA9]  }
0x3d: {  	_ =	shalt  }
0x3e: {  	_ =	shalt  }
0x3f: {  	_ =	shalt  }
0x40: {  	_ =	shalt  }
0x41: {  	_ =	shalt  }
0x42: {  	_ =	shalt  }
0x43: {  	_ =	shalt  }
0x44: {  	_ =	shalt  }
0x45: {  	_ =	shalt  }
0x46: {  	_ =	shalt  }
0x47: {  	_ =	shalt  }
0x48: {  	_ =	shalt  }
0x49: {  	_ =	shalt  }
0x4a: {  	_ =	shalt  }
0x4b: {  	_ =	shalt  }
0x4c: {  	_ =	shalt  }
0x4d: {  	_ =	shalt  }
0x4e: {  	_ =	shalt  }
0x4f: {  	_ =	shalt  }
0x50: {  	_ =	shalt  }
0x51: {  	_ =	shalt  }
0x52: {  	_ =	shalt  }
0x53: {  	_ =	shalt  }
0x54: {  	_ =	shalt  }
0x55: {  	_ =	shalt  }
0x56: {  	_ =	shalt  }
0x57: {  	_ =	shalt  }
0x58: {  	_ =	shalt  }
0x59: {  	_ =	shalt  }
0x5a: {  	_ =	shalt  }
0x5b: {  	_ =	shalt  }
0x5c: {  	_ =	shalt  }
0x5d: {  	_ =	shalt  }
0x5e: {  	_ =	shalt  }
0x5f: {  	_ =	shalt  }
0x60: {  	_ =	shalt  }
0x61: {  	_ =	shalt  }
0x62: {  	_ =	shalt  }
0x63: {  	_ =	shalt  }
0x64: {  	_ =	shalt  }
0x65: {  	_ =	shalt  }
0x66: {  	_ =	shalt  }
0x67: {  	_ =	shalt  }
0x68: {  	_ =	shalt  }
0x69: {  	_ =	shalt  }
0x6a: {  	_ =	shalt  }
0x6b: {  	_ =	shalt  }
0x6c: {  	_ =	shalt  }
0x6d: {  	_ =	shalt  }
0x6e: {  	_ =	shalt  }
0x6f: {  	_ =	shalt  }
0x70: {  	_ =	shalt  }
0x71: {  	_ =	shalt  }
0x72: {  	_ =	shalt  }
0x73: {  	_ =	shalt  }
0x74: {  	_ =	shalt  }
0x75: {  	_ =	shalt  }
0x76: {  	_ =	shalt  }
0x77: {  	_ =	shalt  }
0x78: {  	_ =	shalt  }
0x79: {  	_ =	shalt  }
0x7a: {  	_ =	shalt  }
0x7b: {  	_ =	shalt  }
0x7c: {  	_ =	shalt  }
0x7d: {  	_ =	shalt  }
0x7e: {  	_ =	shalt  }
0x7f: {  	_ =	shalt  }
0x80: {  	_ =	shalt  }
0x81: {  	_ =	shalt  }
0x82: {  	_ =	shalt  }
0x83: {  	_ =	shalt  }
0x84: {  	_ =	shalt  }
0x85: {  	_ =	shalt  }
0x86: {  	_ =	shalt  }
0x87: {  	_ =	shalt  }
.Lfunc_end0:
.L_simem_size_0:
called_computation.3_lowered:
.L_overlay_start_0:
0x88: {  	s2 =	sld [smem:$0x3FD9]  }
0x89: {  	s3 =	sld [smem:$0x3FFE];
	_ =	sdelay $0x1  }
0x8a: {  	s1 =	srdreg.scid  }
0x8b: {  	s0 =	sand.u32 $0x1, s1  }
0x8c: {  	s16 =	sshll.u32 s0, $0xA;
	s2 =	sadd.s32 s3, s2  }
0x8d: {  	s2 =	sadd.s32 s2, s16  }
0x8e: {  	[smem:$0x3FB5] =	sst s2  }
0x8f: {  	_ = 	snop  }
0x90: {  	(tm) =	ssettm $0x1  }
0x91: {  	s17 =	sld [smem:$0x3FFB];
	_ =	sdelay $0x3  }
0x92: {  	_ =	strace s17  }
0x93: {  	s2 =	sld [smem:$0x3FFC];
	_ =	sdelay $0x3  }
0x94: {  	_ =	strace s2  }
0x95: {  	s2 =	sld [smem:$0x3FFD];
	_ =	sdelay $0x3  }
0x96: {  	_ =	strace s2  }
0x97: {  	_ =	strace $0x8FFFFFFF  }
0x98: {  	s18 =	sld [smem:$0x3FDB];
	_ =	sdelay $0x1  }
0x99: {  	s19 =	simm.s32 $_scs_section_size  }
0x9a: {  	s4 =	simm.s32 $_size__tile_overlayer_lowered;
	s5 =	simm.s32 $_tile_overlayer_lowered  }
0x9b: {  	s22 =	simm.s32 $0x1BFF;
	s21 =	sshll.u32 s5, $0x1;
	s2 =	sadd.s32 s19, s18  }
0x9c: {  	s6 =	simm.s32 $0x0;
	s20 =	sshll.u32 s4, $0x1;
	s4 =	sadd.s32 s21, s2  }
0x9d: {  	[timem:s6], [sflag:s22] =	dma.local [hbm:s4], s20  }
0x9e: {  	_ =	swait.ge [sflag:s22], s20  }
0x9f: {  	s3 =	ssub.s32 $0x0, s20;
	[sflag:s22] =	ssyncset.done $0x0  }
0xa0: {  	[sflag:s22] =	ssyncadd.s32 s3;
	_ =	sdelay $0x1  }
0xa1: {  	s23 =	simm.s32 $0x1B8B  }
0xa2: {  	_ =	swait.ge [sflag:s23], $0x1  }
0xa3: {  	[sflag:s23] =	ssyncset.done $0x0  }
0xa4: {  	s25 =	simm.s32 $0x1B8E;
	s24 =	sld [smem:$0x3FFE];
	[sflag:s23] =	ssyncadd.s32 $0xFFFFFFFF  }
0xa5: {  	s26 =	simm.s32 $execute0_lowered;
	[smem:$0x3FD2] =	sst s25  }
0xa6: {  	s4 =	sshll.u32 s26, $0x1;
	_ =	strace $0x8000004F;
	[dreg:$0x1] =	wrdreg $0xFFFFFFFF  }
0xa7: {  	s28 =	simm.s32 $_size_execute0_lowered;
	s2 =	sadd.s32 s2, s4;
	[dreg:$0x0] =	wrdreg $0x0  }
0xa8: {  	s4 =	sshll.u32 s28, $0x1;
	[dreg:$0x2] =	wrdreg s2  }
0xa9: {  	[dreg:$0x3] =	wrdreg s4  }
0xaa: {  	[dreg:$0x4] =	wrdreg $0xC0  }
0xab: {  	_ =	task [dreg:s6], $0x5FFFF  }
0xac: {  	[dreg:$0x1] =	wrdreg $0xFFFFFFFF  }
0xad: {  	[dreg:$0x0] =	wrdreg $0x60  }
0xae: {  	[dreg:$0x2] =	wrdreg s24  }
0xaf: {  	[dreg:$0x3] =	wrdreg $0x92000  }
0xb0: {  	[dreg:$0x4] =	wrdreg $0x9  }
0xb1: {  	_ =	task.clear_ibuf [dreg:s6], $0x5FFFF;
	_ =	strace $0x9000004F  }
0xb2: {  	s29 =	simm.s32 $0x9;
	_ =	strace $0x80000051  }
0xb3: {  	_ =	swait.ge [sflag:s29], $0x1  }
0xb4: {  	[sflag:s29] =	ssyncadd.s32 $0xFFFFFFFF  }
0xb5: {  	_ =	strace $0x90000051  }
0xb6: {  	_ =	sfence  }
0xb7: {  	s30 =	sld [smem:$0x0];
	_ =	sdelay $0x2  }
0xb8: {  	s31 =	sshll.u32 s1, $0xD;
	s1 =	sshrl.u32 s1, $0x2  }
0xb9: {  	s3 =	sand.u32 $0x4000, s31;
	s1 =	sadd.s32 s1, s30  }
0xba: {  	s0 =	sor.u32 s3, s0;
	s1 =	sshll.u32 s1, $0x11  }
0xbb: {  	s0 =	sor.u32 s1, s0  }
0xbc: {  	s0 =	sadd.s32 $0x8F2B, s0  }
0xbd: {  	[sflag:s0] =	ssyncadd.remote.s32 $0x1  }
0xbe: {  	_ =	sfence.sel $0xFFFF  }
0xbf: {  	[dreg:$0x0] =	wrdreg $0xFFFFFFFF;
	(pc) =	sbr.abs _section_cstart, $3  }
0xc0: {  	[dreg:$0x1] =	wrdreg $0xFFFFFFFF  }
0xc1: {  	_ =	task.clear_ibuf [dreg:s6], $0x2FFFF;
	_ =	strace $0x9FFFFFFF  }
0xc2: {  	(tm) =	ssettm $0x7FFFFFFF  }
0xc3: {  	_ =	shalt  }
tec
execute0_lowered:
.L_overlay_start_1:
0x0: {  	(tag) =	ssettag $0x1  }
0x1: {  	s6 =	rddreg [dreg:$0x0]  }
0x2: {  	s0 =	srdreg.scid;
	s2 =	rddreg [dreg:$0x1]  }
0x3: {  	s3 =	simm.s32 $0x0;
	s14 =	simm.s32 $0x80;
	s15 =	simm.s32 $0x5200  }
0x4: {  	s16 =	simm.s32 $0x7200;
	s17 =	simm.s32 $0x1;
	s18 =	simm.s32 $0x2  }
0x5: {  	s19 =	simm.s32 $0x0;
	s5 =	sand.u32 $0x1, s0;
	s0 =	stileid.u32  }
0x6: {  	[smem:$0x7FF] =	sst s3;
	s4 =	sadd.s32 $0x1A000, s6;
	s8 =	smul.u32 $0x9E00, s0  }
0x7: {  	s1 =	sshll.u32 s5, $0x4;
	s9 =	smul.u32 $0x9E000, s5;
	s30 =	ssub.s32 $0x2, s5  }
0x8: {  	s5 =	sadd.s32 $0x2DC00, s6;
	s31 =	sshll.u32 s0, $0x6;
	s1 =	sor.u32 s0, s1  }
0x9: {  	s11 =	sshrl.u32 s30, $0x1;
	s7 =	smul.u32 $0x520, s1;
	s1 =	rddreg [dreg:$0x2]  }
0xa: {  	_ =	strace $0x80000050;
	s29 =	sadd.s32 s8, s9;
	s11 =	ssub.s32 s30, s11  }
0xb: {  	s13 =	sadd.s32 s8, s2;
	s10 =	sadd.s32 s7, s6;
	s7 =	sshrl.u32 s29, $0x3  }
0xc: {  	s12 =	sadd.s32 s7, s6;
	s6 =	sor.u32 $0x1C03, s31;
	s7 =	sadd.s32 $0xFC00, s10  }
0xd: {  	s8 =	sadd.s32 $0x5800, s10;
	s10 =	smax.u32 s11, $0x1;
	s11 =	sshrl.u32 s13, $0x3  }
0xe: {  	s13 =	simm.s32 $0x2900;
	s9 =	sadd.s32 $0x56800, s12;
	s12 =	simm.s32 $0x3  }
.LBB2_1:
0xf: {  	[spmem:s11], [sflag:s6] =	dma.local [hbm:s5], $0x13C0  }
0x10: {  	_ =	swait.ge [sflag:s12], $0x13C0  }
0x11: {  	[sflag:s12] =	ssyncset.done $0x0  }
0x12: {  	[sflag:s12] =	ssyncadd.s32 $0xFFFFEC40  }
0x13: {  	[tilespmem:s3], [sflag:$0x3] =	stream.linear.gather [hbm4b:s7+s3], $0x2900, $0x38;
	[tilespmem:$0x13000] =	vst v63  }
0x14: {  	_ =	swait.ge [sflag:s12], $0x2900  }
0x15: {  	[sflag:s12] =	ssyncset.done $0x0  }
0x16: {  	[sflag:s12] =	ssyncadd.s32 $0xFFFFD700  }
0x17: {  	[tilespmem:s13], [sflag:$0x3] =	stream.linear.gather [hbm4b:s8+s3], $0x2900, $0x38;
	[tilespmem:$0x13000] =	vst v63  }
0x18: {  	_ =	swait.ge [sflag:s12], $0x2900  }
0x19: {  	[sflag:s12] =	ssyncset.done $0x0  }
0x1a: {  	[sflag:s12] =	ssyncadd.s32 $0xFFFFD700  }
0x1b: {  	[bflag:$0x0] =	sbarrier.arrive $0xFFFF  }
0x1c: {  	[tilespmem:s15], [sflag:$0x1] =	stream.indirect.gather [hbm4b:s4+s14], $0x40, s3, s14, $0xb8;
	[tilespmem:$0x13000] =	vst v63  }
0x1d: {  	_ = 	snop  }
0x1e: {  	[tilespmem:s16], [sflag:$0x2] =	stream.indirect.gather [hbm4b:s4+s14], $0x40, s14, s14, $0xb8;
	[tilespmem:$0x13000] =	vst v63  }
0x1f: {  	_ =	swait.ge [sflag:s17], $0x2000  }
0x20: {  	[sflag:s17] =	ssyncset.done $0x0  }
0x21: {  	s20 =	simm.s32 $0x2900;
	[sflag:s17] =	ssyncadd.s32 $0xFFFFE000  }
0x22: {  	[spmem:s2] =	stream.indirect.scatter.add.f32 [tilespmem:s15], [sflag:$0x3], $0x40, s20, s14, $0xb8;
	[tilespmem:$0x13000] =	vst v63  }
0x23: {  	_ =	swait.ge [sflag:s12], $0x2000  }
0x24: {  	[sflag:s12] =	ssyncset.done $0x0  }
0x25: {  	s30 =	simm.s32 $0x100;
	[sflag:s12] =	ssyncadd.s32 $0xFFFFE000  }
0x26: {  	[tilespmem:s15], [sflag:$0x1] =	stream.indirect.gather [hbm4b:s4+s14], $0x40, s30, s14, $0xb8;
	[tilespmem:$0x13000] =	vst v63  }
0x27: {  	_ =	swait.ge [sflag:s18], $0x2000  }
0x28: {  	[sflag:s18] =	ssyncset.done $0x0  }
0x29: {  	s31 =	simm.s32 $0x2980;
	[sflag:s18] =	ssyncadd.s32 $0xFFFFE000  }
0x2a: {  	[spmem:s2] =	stream.indirect.scatter.add.f32 [tilespmem:s16], [sflag:$0x3], $0x40, s31, s14, $0xb8;
	[tilespmem:$0x13000] =	vst v63  }
0x2b: {  	_ =	swait.ge [sflag:s12], $0x2000  }
0x2c: {  	[sflag:s12] =	ssyncset.done $0x0  }
0x2d: {  	s21 =	simm.s32 $0x180;
	s20 =	simm.s32 $0x400;
	[sflag:s12] =	ssyncadd.s32 $0xFFFFE000  }
.LBB2_2:
0x2e: {  	[tilespmem:s16], [sflag:$0x2] =	stream.indirect.gather [hbm4b:s4+s14], $0x40, s21, s14, $0xb8;
	[tilespmem:$0x13000] =	vst v63  }
0x2f: {  	s21 =	smov.u32 s20  }
0x30: {  	p0 =	sne.s32 s20, $0x9C00;
	s20 =	sadd.s32 $0x400, s20;
	_ =	swait.ge [sflag:s17], $0x2000  }
0x31: {  	s21 =	sshra.s32 s21, $0x2;
	[sflag:s17] =	ssyncset.done $0x0  }
0x32: {  	s22 =	sadd.s32 $0x2900, s21;
	[sflag:s17] =	ssyncadd.s32 $0xFFFFE000  }
0x33: {  	[spmem:s2] =	stream.indirect.scatter.add.f32 [tilespmem:s15], [sflag:$0x3], $0x40, s22, s14, $0xb8;
	[tilespmem:$0x13000] =	vst v63  }
0x34: {  	_ =	swait.ge [sflag:s12], $0x2000  }
0x35: {  	[sflag:s12] =	ssyncset.done $0x0  }
0x36: {  	s22 =	sadd.s32 $0x100, s21;
	[sflag:s12] =	ssyncadd.s32 $0xFFFFE000  }
0x37: {  	[tilespmem:s15], [sflag:$0x1] =	stream.indirect.gather [hbm4b:s4+s14], $0x40, s22, s14, $0xb8;
	[tilespmem:$0x13000] =	vst v63  }
0x38: {  	_ =	swait.ge [sflag:s18], $0x2000  }
0x39: {  	[sflag:s18] =	ssyncset.done $0x0  }
.Ltmp0:
0x3a: {  	s22 =	sadd.s32 $0x2980, s21;
	[sflag:s18] =	ssyncadd.s32 $0xFFFFE000;
	(pc) =	sbr.rel @p0 .LBB2_2-.Ltmp0, $4  }
0x3b: {  	[spmem:s2] =	stream.indirect.scatter.add.f32 [tilespmem:s16], [sflag:$0x3], $0x40, s22, s14, $0xb8;
	[tilespmem:$0x13000] =	vst v63  }
0x3c: {  	_ =	swait.ge [sflag:s12], $0x2000  }
0x3d: {  	[sflag:s12] =	ssyncset.done $0x0  }
0x3e: {  	s21 =	sadd.s32 $0x180, s21;
	[sflag:s12] =	ssyncadd.s32 $0xFFFFE000  }
0x3f: {  	[tilespmem:s16], [sflag:$0x2] =	stream.indirect.gather [hbm4b:s4+s14], $0x40, s21, s14, $0xb8;
	[tilespmem:$0x13000] =	vst v63  }
0x40: {  	_ =	swait.ge [sflag:s17], $0x2000  }
0x41: {  	[sflag:s17] =	ssyncset.done $0x0  }
0x42: {  	[sflag:s17] =	ssyncadd.s32 $0xFFFFE000  }
0x43: {  	_ =	swait.ge [sflag:s18], $0x2000  }
0x44: {  	s19 =	sadd.s32 $0x1, s19;
	[sflag:s18] =	ssyncset.done $0x0  }
0x45: {  	p0 =	sne.s32 s19, s10;
	[sflag:s18] =	ssyncadd.s32 $0xFFFFE000  }
.Ltmp1:
0x46: {  	[bflag:$0x0] =	sbarrier.arrive $0xFFFF;
	(pc) =	sbr.rel @p0 .LBB2_1-.Ltmp1, $4  }
0x47: {  	[hbm:s9], [sflag:s6] =	dma.local [spmem:s11], $0x13C0  }
0x48: {  	_ =	swait.ge [sflag:s12], $0x13C0  }
0x49: {  	[sflag:s12] =	ssyncset.done $0x0  }
0x4a: {  	[sflag:s12] =	ssyncadd.s32 $0xFFFFEC40  }
0x4b: {  	_ =	sfence.sel $0x180000  }
0x4c: {  	[bflag:$0x0] =	sbarrier.arrive $0xFFFF  }
0x4d: {  	p0 =	sne.s32 s0, $0x0;
	_ =	strace $0x90000050  }
0x4e: {  	s0 =	sadd.s32 @!p0 $0x100000, s1;
	[bflag:$0x2] =	sbarrier.arrive $0xFFFF  }
0x4f: {  	[sflag:s0] =	ssyncadd.tile.s32 @!p0 $0x1;
	_ =	shalt  }
.Lfunc_end2:
_tile_overlayer_lowered:
.L_overlay_start_2:
0x50: {  	(tag) =	ssettag $0x2  }
0x51: {  	s0 =	rddreg [dreg:$0x0];
	s2 =	stileid.u32  }
0x52: {  	s1 =	rddreg [dreg:$0x1];
	p0 =	sne.s32 s2, $0x0  }
0x53: {  	s3 =	rddreg [dreg:$0x2];
	[bflag:$0x3] =	sbarrier.arrive $0xFFFF;
	s2 =	simm.s32 @!p0 $0x1C03  }
0x54: {  	[timem:s3], [sflag:s2] =	dma.local @!p0 [hbm:s0], s1  }
0x55: {  	s0 =	simm.s32 @!p0 $0x3  }
0x56: {  	_ =	swait.ge @!p0 [sflag:s0], s1  }
0x57: {  	s1 =	ssub.s32 @!p0 $0x0, s1;
	[sflag:s0] =	ssyncset.done @!p0 $0x0  }
0x58: {  	[sflag:s0] =	ssyncadd.s32 @!p0 s1  }
0x59: {  	[bflag:$0x3] =	sbarrier.arrive $0xFFFF  }
0x5a: {  	_ =	shalt  }

// kernel: kernel.29.cloned.1.call-start
scs
__scs_entry_jumppad:
0x0: {  	(pc) =	sbr.rel $0x88, $3  }
0x1: {  	(tag) =	ssettag $0x0;
	lr =	simm.s32 $0x1  }
0x2: {  	[smem:$0x3F8E] =	sst lr;
	_ =	strace $0xD0000000  }
0x3: {  	_ = 	snop  }
0x4: {  	_ = 	snop  }
0x5: {  	_ = 	snop  }
0x6: {  	_ = 	snop  }
0x7: {  	_ = 	snop  }
__scs_overlays_trampoline_lowered:
0x8: {  	[smem:$0x3F9D] =	sst s0  }
0x9: {  	[smem:$0x3F9E] =	sst s1  }
0xa: {  	[smem:$0x3F9F] =	sst s2  }
0xb: {  	[smem:$0x3FA0] =	sst s3  }
0xc: {  	[smem:$0x3FA1] =	sst s4  }
0xd: {  	[smem:$0x3FA2] =	sst s5  }
0xe: {  	[smem:$0x3FA3] =	sst s6  }
0xf: {  	[smem:$0x3FA4] =	sst s7  }
0x10: {  	[smem:$0x3FA5] =	sst s8  }
0x11: {  	[smem:$0x3FA6] =	sst s9;
	s0 =	simm.s32 @!p0 $0x0  }
0x12: {  	s1 =	sld [smem:$0x3F8C];
	s0 =	simm.s32 @p0 $0x1  }
0x13: {  	[smem:$0x3FA7] =	sst s0;
	s0 =	simm.s32 @!p1 $0x0  }
0x14: {  	s2 =	sld [smem:$0x3F8B];
	s0 =	simm.s32 @p1 $0x1  }
0x15: {  	[smem:$0x3FA8] =	sst s0;
	s0 =	simm.s32 @!p2 $0x0  }
0x16: {  	s3 =	sld [smem:$0x3FDB];
	s0 =	simm.s32 @p2 $0x1  }
0x17: {  	s4 =	simm.s32 $0x1BF5;
	[smem:$0x3FAA] =	sst s0  }
0x18: {  	s0 =	sld [smem:$0x3F8D];
	_ =	swait.ge [sflag:s4], $0x0  }
0x19: {  	s7 =	sld [smem:$0x3F8E]  }
0x1a: {  	s8 =	sadd.s32 $0xFFFFE003, lr  }
0x1b: {  	s9 =	sadd.s32 $0xFFFFFEF7, lr;
	s5 =	simm.s32 $0xFFFFFFFF;
	p2 =	slt.u32 s8, $0xFFFFF086  }
0x1c: {  	p1 =	slt.u32 s9, $0xF7A;
	s5 =	simm.s32 @!p2 $0x0  }
0x1d: {  	s5 =	simm.s32 @p1 $0x1;
	p0 =	seq.s32 s7, s2  }
0x1e: {  	s7 =	smul.u32 @!p0 $0xF7A, s2;
	p2 =	seq.s32 @!p0 s5, $0x0  }
0x1f: {  	s9 =	smul.u32 $0xF7A, s1;
	s8 =	simm.s32 @!p0 $0x1BF5;
	p2 =	por !p2, p0  }
0x20: {  	[sflag:s8] =	ssyncset.s32 @!p0 $0xFFFFF086;
	s6 =	sadd.s32 @!p0 s3, s7;
	s7 =	simm.s32 @!p0 $0x108  }
0x21: {  	s3 =	sadd.s32 s3, s9;
	s6 =	sadd.s32 @!p0 $0x88, s6;
	s7 =	simm.s32 @p2 $0x1082  }
0x22: {  	[simem:s7], [sflag:s8] =	dma.local @!p0 [hbm:s6], $0xF7A  }
0x23: {  	s9 =	sor.u32 $0xD0000000, s2;
	s6 =	simm.s32 $0x108;
	_ =	swait.ge @!p0 [sflag:s8], $0x0  }
0x24: {  	s3 =	sadd.s32 $0x88, s3;
	s6 =	simm.s32 @!p1 $0x1082;
	[sflag:s4] =	ssyncset.s32 $0xFFFFF086  }
0x25: {  	[simem:s6], [sflag:s4] =	dma.local [hbm:s3], $0xF7A  }
0x26: {  	[smem:$0x3F8E] =	sst s1;
	(tag) =	ssettag s2;
	_ =	strace s9  }
0x27: {  	s1 =	sld [smem:$0x3F9E]  }
0x28: {  	s2 =	sld [smem:$0x3F9F]  }
0x29: {  	s4 =	sld [smem:$0x3FA1]  }
0x2a: {  	p0 =	seq.s32 s5, $0x0;
	s5 =	sld [smem:$0x3FA2]  }
0x2b: {  	s6 =	sld [smem:$0x3FA3]  }
0x2c: {  	s7 =	sld [smem:$0x3FA4]  }
0x2d: {  	s3 =	simm.s32 $0x108;
	s8 =	sld [smem:$0x3FA5]  }
0x2e: {  	s3 =	simm.s32 @!p0 $0x1082;
	s9 =	sld [smem:$0x3FA6]  }
0x2f: {  	lr =	sadd.s32 s0, s3;
	s0 =	sld [smem:$0x3F9D]  }
0x30: {  	s3 =	sld [smem:$0x3FA0]  }
0x31: {  	[smem:$0x3FA9] =	sst s10  }
0x32: {  	s10 =	sld [smem:$0x3FA7];
	_ =	sdelay $0x3  }
0x33: {  	p0 =	seq.s32 s10, $0x1;
	s10 =	sld [smem:$0x3FA9];
	_ =	sdelay $0x3  }
0x34: {  	[smem:$0x3FA9] =	sst s10  }
0x35: {  	s10 =	sld [smem:$0x3FA8];
	_ =	sdelay $0x3  }
0x36: {  	p1 =	seq.s32 s10, $0x1;
	s10 =	sld [smem:$0x3FA9];
	_ =	sdelay $0x3  }
0x37: {  	[smem:$0x3FA9] =	sst s10  }
0x38: {  	s10 =	sld [smem:$0x3FAA]  }
0x39: {  	_ = 	snop;
	(pc) =	sbr.ind lr, $3  }
0x3a: {  	_ = 	snop  }
0x3b: {  	_ = 	snop  }
0x3c: {  	p2 =	seq.s32 s10, $0x1;
	s10 =	sld [smem:$0x3FA9]  }
0x3d: {  	_ =	shalt  }
0x3e: {  	_ =	shalt  }
0x3f: {  	_ =	shalt  }
0x40: {  	_ =	shalt  }
0x41: {  	_ =	shalt  }
0x42: {  	_ =	shalt  }
0x43: {  	_ =	shalt  }
0x44: {  	_ =	shalt  }
0x45: {  	_ =	shalt  }
0x46: {  	_ =	shalt  }
0x47: {  	_ =	shalt  }
0x48: {  	_ =	shalt  }
0x49: {  	_ =	shalt  }
0x4a: {  	_ =	shalt  }
0x4b: {  	_ =	shalt  }
0x4c: {  	_ =	shalt  }
0x4d: {  	_ =	shalt  }
0x4e: {  	_ =	shalt  }
0x4f: {  	_ =	shalt  }
0x50: {  	_ =	shalt  }
0x51: {  	_ =	shalt  }
0x52: {  	_ =	shalt  }
0x53: {  	_ =	shalt  }
0x54: {  	_ =	shalt  }
0x55: {  	_ =	shalt  }
0x56: {  	_ =	shalt  }
0x57: {  	_ =	shalt  }
0x58: {  	_ =	shalt  }
0x59: {  	_ =	shalt  }
0x5a: {  	_ =	shalt  }
0x5b: {  	_ =	shalt  }
0x5c: {  	_ =	shalt  }
0x5d: {  	_ =	shalt  }
0x5e: {  	_ =	shalt  }
0x5f: {  	_ =	shalt  }
0x60: {  	_ =	shalt  }
0x61: {  	_ =	shalt  }
0x62: {  	_ =	shalt  }
0x63: {  	_ =	shalt  }
0x64: {  	_ =	shalt  }
0x65: {  	_ =	shalt  }
0x66: {  	_ =	shalt  }
0x67: {  	_ =	shalt  }
0x68: {  	_ =	shalt  }
0x69: {  	_ =	shalt  }
0x6a: {  	_ =	shalt  }
0x6b: {  	_ =	shalt  }
0x6c: {  	_ =	shalt  }
0x6d: {  	_ =	shalt  }
0x6e: {  	_ =	shalt  }
0x6f: {  	_ =	shalt  }
0x70: {  	_ =	shalt  }
0x71: {  	_ =	shalt  }
0x72: {  	_ =	shalt  }
0x73: {  	_ =	shalt  }
0x74: {  	_ =	shalt  }
0x75: {  	_ =	shalt  }
0x76: {  	_ =	shalt  }
0x77: {  	_ =	shalt  }
0x78: {  	_ =	shalt  }
0x79: {  	_ =	shalt  }
0x7a: {  	_ =	shalt  }
0x7b: {  	_ =	shalt  }
0x7c: {  	_ =	shalt  }
0x7d: {  	_ =	shalt  }
0x7e: {  	_ =	shalt  }
0x7f: {  	_ =	shalt  }
0x80: {  	_ =	shalt  }
0x81: {  	_ =	shalt  }
0x82: {  	_ =	shalt  }
0x83: {  	_ =	shalt  }
0x84: {  	_ =	shalt  }
0x85: {  	_ =	shalt  }
0x86: {  	_ =	shalt  }
0x87: {  	_ =	shalt  }
.Lfunc_end0:
.L_simem_size_0:
called_computation.4_lowered:
.L_overlay_start_0:
0x88: {  	s2 =	sld [smem:$0x3FD9]  }
0x89: {  	s3 =	sld [smem:$0x3FFE];
	_ =	sdelay $0x1  }
0x8a: {  	s1 =	srdreg.scid  }
0x8b: {  	s0 =	sand.u32 $0x1, s1  }
0x8c: {  	s16 =	sshll.u32 s0, $0xA;
	s2 =	sadd.s32 s3, s2  }
0x8d: {  	s2 =	sadd.s32 s2, s16  }
0x8e: {  	[smem:$0x3FB5] =	sst s2  }
0x8f: {  	_ = 	snop  }
0x90: {  	(tm) =	ssettm $0x1  }
0x91: {  	s17 =	sld [smem:$0x3FFB];
	_ =	sdelay $0x3  }
0x92: {  	_ =	strace s17  }
0x93: {  	s2 =	sld [smem:$0x3FFC];
	_ =	sdelay $0x3  }
0x94: {  	_ =	strace s2  }
0x95: {  	s2 =	sld [smem:$0x3FFD];
	_ =	sdelay $0x3  }
0x96: {  	_ =	strace s2  }
0x97: {  	_ =	strace $0x8FFFFFFF  }
0x98: {  	s18 =	sld [smem:$0x3FDB];
	_ =	sdelay $0x1  }
0x99: {  	s19 =	simm.s32 $_scs_section_size  }
0x9a: {  	s4 =	simm.s32 $_size__tile_overlayer_lowered;
	s5 =	simm.s32 $_tile_overlayer_lowered  }
0x9b: {  	s22 =	simm.s32 $0x1BFF;
	s21 =	sshll.u32 s5, $0x1;
	s2 =	sadd.s32 s19, s18  }
0x9c: {  	s6 =	simm.s32 $0x0;
	s20 =	sshll.u32 s4, $0x1;
	s4 =	sadd.s32 s21, s2  }
0x9d: {  	[timem:s6], [sflag:s22] =	dma.local [hbm:s4], s20  }
0x9e: {  	_ =	swait.ge [sflag:s22], s20  }
0x9f: {  	s3 =	ssub.s32 $0x0, s20;
	[sflag:s22] =	ssyncset.done $0x0  }
0xa0: {  	[sflag:s22] =	ssyncadd.s32 s3;
	_ =	sdelay $0x1  }
0xa1: {  	s23 =	simm.s32 $0x1B8B  }
0xa2: {  	_ =	swait.ge [sflag:s23], $0x1  }
0xa3: {  	[sflag:s23] =	ssyncset.done $0x0  }
0xa4: {  	s25 =	simm.s32 $0x1B8E;
	s24 =	sld [smem:$0x3FFE];
	[sflag:s23] =	ssyncadd.s32 $0xFFFFFFFF  }
0xa5: {  	s26 =	simm.s32 $execute0_lowered;
	[smem:$0x3FD2] =	sst s25  }
0xa6: {  	s4 =	sshll.u32 s26, $0x1;
	_ =	strace $0x80000052;
	[dreg:$0x1] =	wrdreg $0xFFFFFFFF  }
0xa7: {  	s28 =	simm.s32 $_size_execute0_lowered;
	s2 =	sadd.s32 s2, s4;
	[dreg:$0x0] =	wrdreg $0x0  }
0xa8: {  	s4 =	sshll.u32 s28, $0x1;
	[dreg:$0x2] =	wrdreg s2  }
0xa9: {  	[dreg:$0x3] =	wrdreg s4  }
0xaa: {  	[dreg:$0x4] =	wrdreg $0xC0  }
0xab: {  	_ =	task [dreg:s6], $0x5FFFF  }
0xac: {  	[dreg:$0x1] =	wrdreg $0xFFFFFFFF  }
0xad: {  	[dreg:$0x0] =	wrdreg $0x60  }
0xae: {  	[dreg:$0x2] =	wrdreg s24  }
0xaf: {  	[dreg:$0x3] =	wrdreg $0x92000  }
0xb0: {  	[dreg:$0x4] =	wrdreg $0x9  }
0xb1: {  	_ =	task.clear_ibuf [dreg:s6], $0x5FFFF;
	_ =	strace $0x90000052  }
0xb2: {  	s29 =	simm.s32 $0x9;
	_ =	strace $0x80000054  }
0xb3: {  	_ =	swait.ge [sflag:s29], $0x1  }
0xb4: {  	[sflag:s29] =	ssyncadd.s32 $0xFFFFFFFF  }
0xb5: {  	_ =	strace $0x90000054  }
0xb6: {  	_ =	sfence  }
0xb7: {  	s30 =	sld [smem:$0x0];
	_ =	sdelay $0x2  }
0xb8: {  	s31 =	sshll.u32 s1, $0xD;
	s1 =	sshrl.u32 s1, $0x2  }
0xb9: {  	s3 =	sand.u32 $0x4000, s31;
	s1 =	sadd.s32 s1, s30  }
0xba: {  	s0 =	sor.u32 s3, s0;
	s1 =	sshll.u32 s1, $0x11  }
0xbb: {  	s0 =	sor.u32 s1, s0  }
0xbc: {  	s0 =	sadd.s32 $0x8F2B, s0  }
0xbd: {  	[sflag:s0] =	ssyncadd.remote.s32 $0x1  }
0xbe: {  	_ =	sfence.sel $0xFFFF  }
0xbf: {  	[dreg:$0x0] =	wrdreg $0xFFFFFFFF;
	(pc) =	sbr.abs _section_cstart, $3  }
0xc0: {  	[dreg:$0x1] =	wrdreg $0xFFFFFFFF  }
0xc1: {  	_ =	task.clear_ibuf [dreg:s6], $0x2FFFF;
	_ =	strace $0x9FFFFFFF  }
0xc2: {  	(tm) =	ssettm $0x7FFFFFFF  }
0xc3: {  	_ =	shalt  }
tec
execute0_lowered:
.L_overlay_start_1:
0x0: {  	(tag) =	ssettag $0x1  }
0x1: {  	s6 =	rddreg [dreg:$0x0]  }
0x2: {  	s0 =	srdreg.scid;
	s2 =	rddreg [dreg:$0x1]  }
0x3: {  	s3 =	simm.s32 $0x0;
	s14 =	simm.s32 $0x80;
	s15 =	simm.s32 $0x5200  }
0x4: {  	s16 =	simm.s32 $0x7200;
	s17 =	simm.s32 $0x1;
	s18 =	simm.s32 $0x2  }
0x5: {  	s19 =	simm.s32 $0x0;
	s5 =	sand.u32 $0x1, s0;
	s0 =	stileid.u32  }
0x6: {  	[smem:$0x7FF] =	sst s3;
	s4 =	sadd.s32 $0x1A000, s6;
	s8 =	smul.u32 $0x9E00, s0  }
0x7: {  	s1 =	sshll.u32 s5, $0x4;
	s9 =	smul.u32 $0x9E000, s5;
	s30 =	ssub.s32 $0x2, s5  }
0x8: {  	s5 =	sadd.s32 $0x2DC00, s6;
	s31 =	sshll.u32 s0, $0x6;
	s1 =	sor.u32 s0, s1  }
0x9: {  	s11 =	sshrl.u32 s30, $0x1;
	s7 =	smul.u32 $0x520, s1;
	s1 =	rddreg [dreg:$0x2]  }
0xa: {  	_ =	strace $0x80000053;
	s29 =	sadd.s32 s8, s9;
	s11 =	ssub.s32 s30, s11  }
0xb: {  	s13 =	sadd.s32 s8, s2;
	s10 =	sadd.s32 s7, s6;
	s7 =	sshrl.u32 s29, $0x3  }
0xc: {  	s12 =	sadd.s32 s7, s6;
	s6 =	sor.u32 $0x1C03, s31;
	s7 =	sadd.s32 $0xFC00, s10  }
0xd: {  	s8 =	sadd.s32 $0x5800, s10;
	s10 =	smax.u32 s11, $0x1;
	s11 =	sshrl.u32 s13, $0x3  }
0xe: {  	s13 =	simm.s32 $0x2900;
	s9 =	sadd.s32 $0x56800, s12;
	s12 =	simm.s32 $0x3  }
.LBB2_1:
0xf: {  	[spmem:s11], [sflag:s6] =	dma.local [hbm:s5], $0x13C0  }
0x10: {  	_ =	swait.ge [sflag:s12], $0x13C0  }
0x11: {  	[sflag:s12] =	ssyncset.done $0x0  }
0x12: {  	[sflag:s12] =	ssyncadd.s32 $0xFFFFEC40  }
0x13: {  	[tilespmem:s3], [sflag:$0x3] =	stream.linear.gather [hbm4b:s7+s3], $0x2900, $0x38;
	[tilespmem:$0x13000] =	vst v63  }
0x14: {  	_ =	swait.ge [sflag:s12], $0x2900  }
0x15: {  	[sflag:s12] =	ssyncset.done $0x0  }
0x16: {  	[sflag:s12] =	ssyncadd.s32 $0xFFFFD700  }
0x17: {  	[tilespmem:s13], [sflag:$0x3] =	stream.linear.gather [hbm4b:s8+s3], $0x2900, $0x38;
	[tilespmem:$0x13000] =	vst v63  }
0x18: {  	_ =	swait.ge [sflag:s12], $0x2900  }
0x19: {  	[sflag:s12] =	ssyncset.done $0x0  }
0x1a: {  	[sflag:s12] =	ssyncadd.s32 $0xFFFFD700  }
0x1b: {  	[bflag:$0x0] =	sbarrier.arrive $0xFFFF  }
0x1c: {  	[tilespmem:s15], [sflag:$0x1] =	stream.indirect.gather [hbm4b:s4+s14], $0x40, s3, s14, $0xb8;
	[tilespmem:$0x13000] =	vst v63  }
0x1d: {  	_ = 	snop  }
0x1e: {  	[tilespmem:s16], [sflag:$0x2] =	stream.indirect.gather [hbm4b:s4+s14], $0x40, s14, s14, $0xb8;
	[tilespmem:$0x13000] =	vst v63  }
0x1f: {  	_ =	swait.ge [sflag:s17], $0x2000  }
0x20: {  	[sflag:s17] =	ssyncset.done $0x0  }
0x21: {  	s20 =	simm.s32 $0x2900;
	[sflag:s17] =	ssyncadd.s32 $0xFFFFE000  }
0x22: {  	[spmem:s2] =	stream.indirect.scatter.add.f32 [tilespmem:s15], [sflag:$0x3], $0x40, s20, s14, $0xb8;
	[tilespmem:$0x13000] =	vst v63  }
0x23: {  	_ =	swait.ge [sflag:s12], $0x2000  }
0x24: {  	[sflag:s12] =	ssyncset.done $0x0  }
0x25: {  	s30 =	simm.s32 $0x100;
	[sflag:s12] =	ssyncadd.s32 $0xFFFFE000  }
0x26: {  	[tilespmem:s15], [sflag:$0x1] =	stream.indirect.gather [hbm4b:s4+s14], $0x40, s30, s14, $0xb8;
	[tilespmem:$0x13000] =	vst v63  }
0x27: {  	_ =	swait.ge [sflag:s18], $0x2000  }
0x28: {  	[sflag:s18] =	ssyncset.done $0x0  }
0x29: {  	s31 =	simm.s32 $0x2980;
	[sflag:s18] =	ssyncadd.s32 $0xFFFFE000  }
0x2a: {  	[spmem:s2] =	stream.indirect.scatter.add.f32 [tilespmem:s16], [sflag:$0x3], $0x40, s31, s14, $0xb8;
	[tilespmem:$0x13000] =	vst v63  }
0x2b: {  	_ =	swait.ge [sflag:s12], $0x2000  }
0x2c: {  	[sflag:s12] =	ssyncset.done $0x0  }
0x2d: {  	s21 =	simm.s32 $0x180;
	s20 =	simm.s32 $0x400;
	[sflag:s12] =	ssyncadd.s32 $0xFFFFE000  }
.LBB2_2:
0x2e: {  	[tilespmem:s16], [sflag:$0x2] =	stream.indirect.gather [hbm4b:s4+s14], $0x40, s21, s14, $0xb8;
	[tilespmem:$0x13000] =	vst v63  }
0x2f: {  	s21 =	smov.u32 s20  }
0x30: {  	p0 =	sne.s32 s20, $0x9C00;
	s20 =	sadd.s32 $0x400, s20;
	_ =	swait.ge [sflag:s17], $0x2000  }
0x31: {  	s21 =	sshra.s32 s21, $0x2;
	[sflag:s17] =	ssyncset.done $0x0  }
0x32: {  	s22 =	sadd.s32 $0x2900, s21;
	[sflag:s17] =	ssyncadd.s32 $0xFFFFE000  }
0x33: {  	[spmem:s2] =	stream.indirect.scatter.add.f32 [tilespmem:s15], [sflag:$0x3], $0x40, s22, s14, $0xb8;
	[tilespmem:$0x13000] =	vst v63  }
0x34: {  	_ =	swait.ge [sflag:s12], $0x2000  }
0x35: {  	[sflag:s12] =	ssyncset.done $0x0  }
0x36: {  	s22 =	sadd.s32 $0x100, s21;
	[sflag:s12] =	ssyncadd.s32 $0xFFFFE000  }
0x37: {  	[tilespmem:s15], [sflag:$0x1] =	stream.indirect.gather [hbm4b:s4+s14], $0x40, s22, s14, $0xb8;
	[tilespmem:$0x13000] =	vst v63  }
0x38: {  	_ =	swait.ge [sflag:s18], $0x2000  }
0x39: {  	[sflag:s18] =	ssyncset.done $0x0  }
.Ltmp0:
0x3a: {  	s22 =	sadd.s32 $0x2980, s21;
	[sflag:s18] =	ssyncadd.s32 $0xFFFFE000;
	(pc) =	sbr.rel @p0 .LBB2_2-.Ltmp0, $4  }
0x3b: {  	[spmem:s2] =	stream.indirect.scatter.add.f32 [tilespmem:s16], [sflag:$0x3], $0x40, s22, s14, $0xb8;
	[tilespmem:$0x13000] =	vst v63  }
0x3c: {  	_ =	swait.ge [sflag:s12], $0x2000  }
0x3d: {  	[sflag:s12] =	ssyncset.done $0x0  }
0x3e: {  	s21 =	sadd.s32 $0x180, s21;
	[sflag:s12] =	ssyncadd.s32 $0xFFFFE000  }
0x3f: {  	[tilespmem:s16], [sflag:$0x2] =	stream.indirect.gather [hbm4b:s4+s14], $0x40, s21, s14, $0xb8;
	[tilespmem:$0x13000] =	vst v63  }
0x40: {  	_ =	swait.ge [sflag:s17], $0x2000  }
0x41: {  	[sflag:s17] =	ssyncset.done $0x0  }
0x42: {  	[sflag:s17] =	ssyncadd.s32 $0xFFFFE000  }
0x43: {  	_ =	swait.ge [sflag:s18], $0x2000  }
0x44: {  	s19 =	sadd.s32 $0x1, s19;
	[sflag:s18] =	ssyncset.done $0x0  }
0x45: {  	p0 =	sne.s32 s19, s10;
	[sflag:s18] =	ssyncadd.s32 $0xFFFFE000  }
.Ltmp1:
0x46: {  	[bflag:$0x0] =	sbarrier.arrive $0xFFFF;
	(pc) =	sbr.rel @p0 .LBB2_1-.Ltmp1, $4  }
0x47: {  	[hbm:s9], [sflag:s6] =	dma.local [spmem:s11], $0x13C0  }
0x48: {  	_ =	swait.ge [sflag:s12], $0x13C0  }
0x49: {  	[sflag:s12] =	ssyncset.done $0x0  }
0x4a: {  	[sflag:s12] =	ssyncadd.s32 $0xFFFFEC40  }
0x4b: {  	_ =	sfence.sel $0x180000  }
0x4c: {  	[bflag:$0x0] =	sbarrier.arrive $0xFFFF  }
0x4d: {  	p0 =	sne.s32 s0, $0x0;
	_ =	strace $0x90000053  }
0x4e: {  	s0 =	sadd.s32 @!p0 $0x100000, s1;
	[bflag:$0x2] =	sbarrier.arrive $0xFFFF  }
0x4f: {  	[sflag:s0] =	ssyncadd.tile.s32 @!p0 $0x1;
	_ =	shalt  }
.Lfunc_end2:
_tile_overlayer_lowered:
.L_overlay_start_2:
0x50: {  	(tag) =	ssettag $0x2  }
0x51: {  	s0 =	rddreg [dreg:$0x0];
	s2 =	stileid.u32  }
0x52: {  	s1 =	rddreg [dreg:$0x1];
	p0 =	sne.s32 s2, $0x0  }
0x53: {  	s3 =	rddreg [dreg:$0x2];
	[bflag:$0x3] =	sbarrier.arrive $0xFFFF;
	s2 =	simm.s32 @!p0 $0x1C03  }
0x54: {  	[timem:s3], [sflag:s2] =	dma.local @!p0 [hbm:s0], s1  }
0x55: {  	s0 =	simm.s32 @!p0 $0x3  }
0x56: {  	_ =	swait.ge @!p0 [sflag:s0], s1  }
0x57: {  	s1 =	ssub.s32 @!p0 $0x0, s1;
	[sflag:s0] =	ssyncset.done @!p0 $0x0  }
0x58: {  	[sflag:s0] =	ssyncadd.s32 @!p0 s1  }
0x59: {  	[bflag:$0x3] =	sbarrier.arrive $0xFFFF  }
0x5a: {  	_ =	shalt  }

// kernel: kernel.32.cloned.1.call-start
scs
__scs_entry_jumppad:
0x0: {  	(pc) =	sbr.rel $0x88, $3  }
0x1: {  	(tag) =	ssettag $0x0;
	lr =	simm.s32 $0x1  }
0x2: {  	[smem:$0x3F8E] =	sst lr;
	_ =	strace $0xD0000000  }
0x3: {  	_ = 	snop  }
0x4: {  	_ = 	snop  }
0x5: {  	_ = 	snop  }
0x6: {  	_ = 	snop  }
0x7: {  	_ = 	snop  }
__scs_overlays_trampoline_lowered:
0x8: {  	[smem:$0x3F9D] =	sst s0  }
0x9: {  	[smem:$0x3F9E] =	sst s1  }
0xa: {  	[smem:$0x3F9F] =	sst s2  }
0xb: {  	[smem:$0x3FA0] =	sst s3  }
0xc: {  	[smem:$0x3FA1] =	sst s4  }
0xd: {  	[smem:$0x3FA2] =	sst s5  }
0xe: {  	[smem:$0x3FA3] =	sst s6  }
0xf: {  	[smem:$0x3FA4] =	sst s7  }
0x10: {  	[smem:$0x3FA5] =	sst s8  }
0x11: {  	[smem:$0x3FA6] =	sst s9;
	s0 =	simm.s32 @!p0 $0x0  }
0x12: {  	s1 =	sld [smem:$0x3F8C];
	s0 =	simm.s32 @p0 $0x1  }
0x13: {  	[smem:$0x3FA7] =	sst s0;
	s0 =	simm.s32 @!p1 $0x0  }
0x14: {  	s2 =	sld [smem:$0x3F8B];
	s0 =	simm.s32 @p1 $0x1  }
0x15: {  	[smem:$0x3FA8] =	sst s0;
	s0 =	simm.s32 @!p2 $0x0  }
0x16: {  	s3 =	sld [smem:$0x3FDB];
	s0 =	simm.s32 @p2 $0x1  }
0x17: {  	s4 =	simm.s32 $0x1BF5;
	[smem:$0x3FAA] =	sst s0  }
0x18: {  	s0 =	sld [smem:$0x3F8D];
	_ =	swait.ge [sflag:s4], $0x0  }
0x19: {  	s7 =	sld [smem:$0x3F8E]  }
0x1a: {  	s8 =	sadd.s32 $0xFFFFE003, lr  }
0x1b: {  	s9 =	sadd.s32 $0xFFFFFEF7, lr;
	s5 =	simm.s32 $0xFFFFFFFF;
	p2 =	slt.u32 s8, $0xFFFFF086  }
0x1c: {  	p1 =	slt.u32 s9, $0xF7A;
	s5 =	simm.s32 @!p2 $0x0  }
0x1d: {  	s5 =	simm.s32 @p1 $0x1;
	p0 =	seq.s32 s7, s2  }
0x1e: {  	s7 =	smul.u32 @!p0 $0xF7A, s2;
	p2 =	seq.s32 @!p0 s5, $0x0  }
0x1f: {  	s9 =	smul.u32 $0xF7A, s1;
	s8 =	simm.s32 @!p0 $0x1BF5;
	p2 =	por !p2, p0  }
0x20: {  	[sflag:s8] =	ssyncset.s32 @!p0 $0xFFFFF086;
	s6 =	sadd.s32 @!p0 s3, s7;
	s7 =	simm.s32 @!p0 $0x108  }
0x21: {  	s3 =	sadd.s32 s3, s9;
	s6 =	sadd.s32 @!p0 $0x88, s6;
	s7 =	simm.s32 @p2 $0x1082  }
0x22: {  	[simem:s7], [sflag:s8] =	dma.local @!p0 [hbm:s6], $0xF7A  }
0x23: {  	s9 =	sor.u32 $0xD0000000, s2;
	s6 =	simm.s32 $0x108;
	_ =	swait.ge @!p0 [sflag:s8], $0x0  }
0x24: {  	s3 =	sadd.s32 $0x88, s3;
	s6 =	simm.s32 @!p1 $0x1082;
	[sflag:s4] =	ssyncset.s32 $0xFFFFF086  }
0x25: {  	[simem:s6], [sflag:s4] =	dma.local [hbm:s3], $0xF7A  }
0x26: {  	[smem:$0x3F8E] =	sst s1;
	(tag) =	ssettag s2;
	_ =	strace s9  }
0x27: {  	s1 =	sld [smem:$0x3F9E]  }
0x28: {  	s2 =	sld [smem:$0x3F9F]  }
0x29: {  	s4 =	sld [smem:$0x3FA1]  }
0x2a: {  	p0 =	seq.s32 s5, $0x0;
	s5 =	sld [smem:$0x3FA2]  }
0x2b: {  	s6 =	sld [smem:$0x3FA3]  }
0x2c: {  	s7 =	sld [smem:$0x3FA4]  }
0x2d: {  	s3 =	simm.s32 $0x108;
	s8 =	sld [smem:$0x3FA5]  }
0x2e: {  	s3 =	simm.s32 @!p0 $0x1082;
	s9 =	sld [smem:$0x3FA6]  }
0x2f: {  	lr =	sadd.s32 s0, s3;
	s0 =	sld [smem:$0x3F9D]  }
0x30: {  	s3 =	sld [smem:$0x3FA0]  }
0x31: {  	[smem:$0x3FA9] =	sst s10  }
0x32: {  	s10 =	sld [smem:$0x3FA7];
	_ =	sdelay $0x3  }
0x33: {  	p0 =	seq.s32 s10, $0x1;
	s10 =	sld [smem:$0x3FA9];
	_ =	sdelay $0x3  }
0x34: {  	[smem:$0x3FA9] =	sst s10  }
0x35: {  	s10 =	sld [smem:$0x3FA8];
	_ =	sdelay $0x3  }
0x36: {  	p1 =	seq.s32 s10, $0x1;
	s10 =	sld [smem:$0x3FA9];
	_ =	sdelay $0x3  }
0x37: {  	[smem:$0x3FA9] =	sst s10  }
0x38: {  	s10 =	sld [smem:$0x3FAA]  }
0x39: {  	_ = 	snop;
	(pc) =	sbr.ind lr, $3  }
0x3a: {  	_ = 	snop  }
0x3b: {  	_ = 	snop  }
0x3c: {  	p2 =	seq.s32 s10, $0x1;
	s10 =	sld [smem:$0x3FA9]  }
0x3d: {  	_ =	shalt  }
0x3e: {  	_ =	shalt  }
0x3f: {  	_ =	shalt  }
0x40: {  	_ =	shalt  }
0x41: {  	_ =	shalt  }
0x42: {  	_ =	shalt  }
0x43: {  	_ =	shalt  }
0x44: {  	_ =	shalt  }
0x45: {  	_ =	shalt  }
0x46: {  	_ =	shalt  }
0x47: {  	_ =	shalt  }
0x48: {  	_ =	shalt  }
0x49: {  	_ =	shalt  }
0x4a: {  	_ =	shalt  }
0x4b: {  	_ =	shalt  }
0x4c: {  	_ =	shalt  }
0x4d: {  	_ =	shalt  }
0x4e: {  	_ =	shalt  }
0x4f: {  	_ =	shalt  }
0x50: {  	_ =	shalt  }
0x51: {  	_ =	shalt  }
0x52: {  	_ =	shalt  }
0x53: {  	_ =	shalt  }
0x54: {  	_ =	shalt  }
0x55: {  	_ =	shalt  }
0x56: {  	_ =	shalt  }
0x57: {  	_ =	shalt  }
0x58: {  	_ =	shalt  }
0x59: {  	_ =	shalt  }
0x5a: {  	_ =	shalt  }
0x5b: {  	_ =	shalt  }
0x5c: {  	_ =	shalt  }
0x5d: {  	_ =	shalt  }
0x5e: {  	_ =	shalt  }
0x5f: {  	_ =	shalt  }
0x60: {  	_ =	shalt  }
0x61: {  	_ =	shalt  }
0x62: {  	_ =	shalt  }
0x63: {  	_ =	shalt  }
0x64: {  	_ =	shalt  }
0x65: {  	_ =	shalt  }
0x66: {  	_ =	shalt  }
0x67: {  	_ =	shalt  }
0x68: {  	_ =	shalt  }
0x69: {  	_ =	shalt  }
0x6a: {  	_ =	shalt  }
0x6b: {  	_ =	shalt  }
0x6c: {  	_ =	shalt  }
0x6d: {  	_ =	shalt  }
0x6e: {  	_ =	shalt  }
0x6f: {  	_ =	shalt  }
0x70: {  	_ =	shalt  }
0x71: {  	_ =	shalt  }
0x72: {  	_ =	shalt  }
0x73: {  	_ =	shalt  }
0x74: {  	_ =	shalt  }
0x75: {  	_ =	shalt  }
0x76: {  	_ =	shalt  }
0x77: {  	_ =	shalt  }
0x78: {  	_ =	shalt  }
0x79: {  	_ =	shalt  }
0x7a: {  	_ =	shalt  }
0x7b: {  	_ =	shalt  }
0x7c: {  	_ =	shalt  }
0x7d: {  	_ =	shalt  }
0x7e: {  	_ =	shalt  }
0x7f: {  	_ =	shalt  }
0x80: {  	_ =	shalt  }
0x81: {  	_ =	shalt  }
0x82: {  	_ =	shalt  }
0x83: {  	_ =	shalt  }
0x84: {  	_ =	shalt  }
0x85: {  	_ =	shalt  }
0x86: {  	_ =	shalt  }
0x87: {  	_ =	shalt  }
.Lfunc_end0:
.L_simem_size_0:
called_computation.5_lowered:
.L_overlay_start_0:
0x88: {  	s2 =	sld [smem:$0x3FD9]  }
0x89: {  	s3 =	sld [smem:$0x3FFE];
	_ =	sdelay $0x1  }
0x8a: {  	s1 =	srdreg.scid  }
0x8b: {  	s0 =	sand.u32 $0x1, s1  }
0x8c: {  	s16 =	sshll.u32 s0, $0xA;
	s2 =	sadd.s32 s3, s2  }
0x8d: {  	s2 =	sadd.s32 s2, s16  }
0x8e: {  	[smem:$0x3FB5] =	sst s2  }
0x8f: {  	_ = 	snop  }
0x90: {  	(tm) =	ssettm $0x1  }
0x91: {  	s17 =	sld [smem:$0x3FFB];
	_ =	sdelay $0x3  }
0x92: {  	_ =	strace s17  }
0x93: {  	s2 =	sld [smem:$0x3FFC];
	_ =	sdelay $0x3  }
0x94: {  	_ =	strace s2  }
0x95: {  	s2 =	sld [smem:$0x3FFD];
	_ =	sdelay $0x3  }
0x96: {  	_ =	strace s2  }
0x97: {  	_ =	strace $0x8FFFFFFF  }
0x98: {  	s18 =	sld [smem:$0x3FDB];
	_ =	sdelay $0x1  }
0x99: {  	s19 =	simm.s32 $_scs_section_size  }
0x9a: {  	s4 =	simm.s32 $_size__tile_overlayer_lowered;
	s5 =	simm.s32 $_tile_overlayer_lowered  }
0x9b: {  	s22 =	simm.s32 $0x1BFF;
	s21 =	sshll.u32 s5, $0x1;
	s2 =	sadd.s32 s19, s18  }
0x9c: {  	s6 =	simm.s32 $0x0;
	s20 =	sshll.u32 s4, $0x1;
	s4 =	sadd.s32 s21, s2  }
0x9d: {  	[timem:s6], [sflag:s22] =	dma.local [hbm:s4], s20  }
0x9e: {  	_ =	swait.ge [sflag:s22], s20  }
0x9f: {  	s3 =	ssub.s32 $0x0, s20;
	[sflag:s22] =	ssyncset.done $0x0  }
0xa0: {  	[sflag:s22] =	ssyncadd.s32 s3;
	_ =	sdelay $0x1  }
0xa1: {  	s23 =	simm.s32 $0x1B8B  }
0xa2: {  	_ =	swait.ge [sflag:s23], $0x1  }
0xa3: {  	[sflag:s23] =	ssyncset.done $0x0  }
0xa4: {  	s25 =	simm.s32 $0x1B8E;
	s24 =	sld [smem:$0x3FFE];
	[sflag:s23] =	ssyncadd.s32 $0xFFFFFFFF  }
0xa5: {  	s26 =	simm.s32 $execute0_lowered;
	[smem:$0x3FD2] =	sst s25  }
0xa6: {  	s4 =	sshll.u32 s26, $0x1;
	_ =	strace $0x80000055;
	[dreg:$0x1] =	wrdreg $0xFFFFFFFF  }
0xa7: {  	s28 =	simm.s32 $_size_execute0_lowered;
	s2 =	sadd.s32 s2, s4;
	[dreg:$0x0] =	wrdreg $0x0  }
0xa8: {  	s4 =	sshll.u32 s28, $0x1;
	[dreg:$0x2] =	wrdreg s2  }
0xa9: {  	[dreg:$0x3] =	wrdreg s4  }
0xaa: {  	[dreg:$0x4] =	wrdreg $0xC0  }
0xab: {  	_ =	task [dreg:s6], $0x5FFFF  }
0xac: {  	[dreg:$0x1] =	wrdreg $0xFFFFFFFF  }
0xad: {  	[dreg:$0x0] =	wrdreg $0x60  }
0xae: {  	[dreg:$0x2] =	wrdreg s24  }
0xaf: {  	[dreg:$0x3] =	wrdreg $0x92000  }
0xb0: {  	[dreg:$0x4] =	wrdreg $0x9  }
0xb1: {  	_ =	task.clear_ibuf [dreg:s6], $0x5FFFF;
	_ =	strace $0x90000055  }
0xb2: {  	s29 =	simm.s32 $0x9;
	_ =	strace $0x80000057  }
0xb3: {  	_ =	swait.ge [sflag:s29], $0x1  }
0xb4: {  	[sflag:s29] =	ssyncadd.s32 $0xFFFFFFFF  }
0xb5: {  	_ =	strace $0x90000057  }
0xb6: {  	_ =	sfence  }
0xb7: {  	s30 =	sld [smem:$0x0];
	_ =	sdelay $0x2  }
0xb8: {  	s31 =	sshll.u32 s1, $0xD;
	s1 =	sshrl.u32 s1, $0x2  }
0xb9: {  	s3 =	sand.u32 $0x4000, s31;
	s1 =	sadd.s32 s1, s30  }
0xba: {  	s0 =	sor.u32 s3, s0;
	s1 =	sshll.u32 s1, $0x11  }
0xbb: {  	s0 =	sor.u32 s1, s0  }
0xbc: {  	s0 =	sadd.s32 $0x8F2B, s0  }
0xbd: {  	[sflag:s0] =	ssyncadd.remote.s32 $0x1  }
0xbe: {  	_ =	sfence.sel $0xFFFF  }
0xbf: {  	[dreg:$0x0] =	wrdreg $0xFFFFFFFF;
	(pc) =	sbr.abs _section_cstart, $3  }
0xc0: {  	[dreg:$0x1] =	wrdreg $0xFFFFFFFF  }
0xc1: {  	_ =	task.clear_ibuf [dreg:s6], $0x2FFFF;
	_ =	strace $0x9FFFFFFF  }
0xc2: {  	(tm) =	ssettm $0x7FFFFFFF  }
0xc3: {  	_ =	shalt  }
tec
execute0_lowered:
.L_overlay_start_1:
0x0: {  	(tag) =	ssettag $0x1  }
0x1: {  	s6 =	rddreg [dreg:$0x0]  }
0x2: {  	s0 =	srdreg.scid;
	s2 =	rddreg [dreg:$0x1]  }
0x3: {  	s3 =	simm.s32 $0x0;
	s14 =	simm.s32 $0x80;
	s15 =	simm.s32 $0x5200  }
0x4: {  	s16 =	simm.s32 $0x7200;
	s17 =	simm.s32 $0x1;
	s18 =	simm.s32 $0x2  }
0x5: {  	s19 =	simm.s32 $0x0;
	s5 =	sand.u32 $0x1, s0;
	s0 =	stileid.u32  }
0x6: {  	[smem:$0x7FF] =	sst s3;
	s4 =	sadd.s32 $0x1A000, s6;
	s8 =	smul.u32 $0x9E00, s0  }
0x7: {  	s1 =	sshll.u32 s5, $0x4;
	s9 =	smul.u32 $0x9E000, s5;
	s30 =	ssub.s32 $0x2, s5  }
0x8: {  	s5 =	sadd.s32 $0x2DC00, s6;
	s31 =	sshll.u32 s0, $0x6;
	s1 =	sor.u32 s0, s1  }
0x9: {  	s11 =	sshrl.u32 s30, $0x1;
	s7 =	smul.u32 $0x520, s1;
	s1 =	rddreg [dreg:$0x2]  }
0xa: {  	_ =	strace $0x80000056;
	s29 =	sadd.s32 s8, s9;
	s11 =	ssub.s32 s30, s11  }
0xb: {  	s13 =	sadd.s32 s8, s2;
	s10 =	sadd.s32 s7, s6;
	s7 =	sshrl.u32 s29, $0x3  }
0xc: {  	s12 =	sadd.s32 s7, s6;
	s6 =	sor.u32 $0x1C03, s31;
	s7 =	sadd.s32 $0xFC00, s10  }
0xd: {  	s8 =	sadd.s32 $0x5800, s10;
	s10 =	smax.u32 s11, $0x1;
	s11 =	sshrl.u32 s13, $0x3  }
0xe: {  	s13 =	simm.s32 $0x2900;
	s9 =	sadd.s32 $0x56800, s12;
	s12 =	simm.s32 $0x3  }
.LBB2_1:
0xf: {  	[spmem:s11], [sflag:s6] =	dma.local [hbm:s5], $0x13C0  }
0x10: {  	_ =	swait.ge [sflag:s12], $0x13C0  }
0x11: {  	[sflag:s12] =	ssyncset.done $0x0  }
0x12: {  	[sflag:s12] =	ssyncadd.s32 $0xFFFFEC40  }
0x13: {  	[tilespmem:s3], [sflag:$0x3] =	stream.linear.gather [hbm4b:s7+s3], $0x2900, $0x38;
	[tilespmem:$0x13000] =	vst v63  }
0x14: {  	_ =	swait.ge [sflag:s12], $0x2900  }
0x15: {  	[sflag:s12] =	ssyncset.done $0x0  }
0x16: {  	[sflag:s12] =	ssyncadd.s32 $0xFFFFD700  }
0x17: {  	[tilespmem:s13], [sflag:$0x3] =	stream.linear.gather [hbm4b:s8+s3], $0x2900, $0x38;
	[tilespmem:$0x13000] =	vst v63  }
0x18: {  	_ =	swait.ge [sflag:s12], $0x2900  }
0x19: {  	[sflag:s12] =	ssyncset.done $0x0  }
0x1a: {  	[sflag:s12] =	ssyncadd.s32 $0xFFFFD700  }
0x1b: {  	[bflag:$0x0] =	sbarrier.arrive $0xFFFF  }
0x1c: {  	[tilespmem:s15], [sflag:$0x1] =	stream.indirect.gather [hbm4b:s4+s14], $0x40, s3, s14, $0xb8;
	[tilespmem:$0x13000] =	vst v63  }
0x1d: {  	_ = 	snop  }
0x1e: {  	[tilespmem:s16], [sflag:$0x2] =	stream.indirect.gather [hbm4b:s4+s14], $0x40, s14, s14, $0xb8;
	[tilespmem:$0x13000] =	vst v63  }
0x1f: {  	_ =	swait.ge [sflag:s17], $0x2000  }
0x20: {  	[sflag:s17] =	ssyncset.done $0x0  }
0x21: {  	s20 =	simm.s32 $0x2900;
	[sflag:s17] =	ssyncadd.s32 $0xFFFFE000  }
0x22: {  	[spmem:s2] =	stream.indirect.scatter.add.f32 [tilespmem:s15], [sflag:$0x3], $0x40, s20, s14, $0xb8;
	[tilespmem:$0x13000] =	vst v63  }
0x23: {  	_ =	swait.ge [sflag:s12], $0x2000  }
0x24: {  	[sflag:s12] =	ssyncset.done $0x0  }
0x25: {  	s30 =	simm.s32 $0x100;
	[sflag:s12] =	ssyncadd.s32 $0xFFFFE000  }
0x26: {  	[tilespmem:s15], [sflag:$0x1] =	stream.indirect.gather [hbm4b:s4+s14], $0x40, s30, s14, $0xb8;
	[tilespmem:$0x13000] =	vst v63  }
0x27: {  	_ =	swait.ge [sflag:s18], $0x2000  }
0x28: {  	[sflag:s18] =	ssyncset.done $0x0  }
0x29: {  	s31 =	simm.s32 $0x2980;
	[sflag:s18] =	ssyncadd.s32 $0xFFFFE000  }
0x2a: {  	[spmem:s2] =	stream.indirect.scatter.add.f32 [tilespmem:s16], [sflag:$0x3], $0x40, s31, s14, $0xb8;
	[tilespmem:$0x13000] =	vst v63  }
0x2b: {  	_ =	swait.ge [sflag:s12], $0x2000  }
0x2c: {  	[sflag:s12] =	ssyncset.done $0x0  }
0x2d: {  	s21 =	simm.s32 $0x180;
	s20 =	simm.s32 $0x400;
	[sflag:s12] =	ssyncadd.s32 $0xFFFFE000  }
.LBB2_2:
0x2e: {  	[tilespmem:s16], [sflag:$0x2] =	stream.indirect.gather [hbm4b:s4+s14], $0x40, s21, s14, $0xb8;
	[tilespmem:$0x13000] =	vst v63  }
0x2f: {  	s21 =	smov.u32 s20  }
0x30: {  	p0 =	sne.s32 s20, $0x9C00;
	s20 =	sadd.s32 $0x400, s20;
	_ =	swait.ge [sflag:s17], $0x2000  }
0x31: {  	s21 =	sshra.s32 s21, $0x2;
	[sflag:s17] =	ssyncset.done $0x0  }
0x32: {  	s22 =	sadd.s32 $0x2900, s21;
	[sflag:s17] =	ssyncadd.s32 $0xFFFFE000  }
0x33: {  	[spmem:s2] =	stream.indirect.scatter.add.f32 [tilespmem:s15], [sflag:$0x3], $0x40, s22, s14, $0xb8;
	[tilespmem:$0x13000] =	vst v63  }
0x34: {  	_ =	swait.ge [sflag:s12], $0x2000  }
0x35: {  	[sflag:s12] =	ssyncset.done $0x0  }
0x36: {  	s22 =	sadd.s32 $0x100, s21;
	[sflag:s12] =	ssyncadd.s32 $0xFFFFE000  }
0x37: {  	[tilespmem:s15], [sflag:$0x1] =	stream.indirect.gather [hbm4b:s4+s14], $0x40, s22, s14, $0xb8;
	[tilespmem:$0x13000] =	vst v63  }
0x38: {  	_ =	swait.ge [sflag:s18], $0x2000  }
0x39: {  	[sflag:s18] =	ssyncset.done $0x0  }
.Ltmp0:
0x3a: {  	s22 =	sadd.s32 $0x2980, s21;
	[sflag:s18] =	ssyncadd.s32 $0xFFFFE000;
	(pc) =	sbr.rel @p0 .LBB2_2-.Ltmp0, $4  }
0x3b: {  	[spmem:s2] =	stream.indirect.scatter.add.f32 [tilespmem:s16], [sflag:$0x3], $0x40, s22, s14, $0xb8;
	[tilespmem:$0x13000] =	vst v63  }
0x3c: {  	_ =	swait.ge [sflag:s12], $0x2000  }
0x3d: {  	[sflag:s12] =	ssyncset.done $0x0  }
0x3e: {  	s21 =	sadd.s32 $0x180, s21;
	[sflag:s12] =	ssyncadd.s32 $0xFFFFE000  }
0x3f: {  	[tilespmem:s16], [sflag:$0x2] =	stream.indirect.gather [hbm4b:s4+s14], $0x40, s21, s14, $0xb8;
	[tilespmem:$0x13000] =	vst v63  }
0x40: {  	_ =	swait.ge [sflag:s17], $0x2000  }
0x41: {  	[sflag:s17] =	ssyncset.done $0x0  }
0x42: {  	[sflag:s17] =	ssyncadd.s32 $0xFFFFE000  }
0x43: {  	_ =	swait.ge [sflag:s18], $0x2000  }
0x44: {  	s19 =	sadd.s32 $0x1, s19;
	[sflag:s18] =	ssyncset.done $0x0  }
0x45: {  	p0 =	sne.s32 s19, s10;
	[sflag:s18] =	ssyncadd.s32 $0xFFFFE000  }
.Ltmp1:
0x46: {  	[bflag:$0x0] =	sbarrier.arrive $0xFFFF;
	(pc) =	sbr.rel @p0 .LBB2_1-.Ltmp1, $4  }
0x47: {  	[hbm:s9], [sflag:s6] =	dma.local [spmem:s11], $0x13C0  }
0x48: {  	_ =	swait.ge [sflag:s12], $0x13C0  }
0x49: {  	[sflag:s12] =	ssyncset.done $0x0  }
0x4a: {  	[sflag:s12] =	ssyncadd.s32 $0xFFFFEC40  }
0x4b: {  	_ =	sfence.sel $0x180000  }
0x4c: {  	[bflag:$0x0] =	sbarrier.arrive $0xFFFF  }
0x4d: {  	p0 =	sne.s32 s0, $0x0;
	_ =	strace $0x90000056  }
0x4e: {  	s0 =	sadd.s32 @!p0 $0x100000, s1;
	[bflag:$0x2] =	sbarrier.arrive $0xFFFF  }
0x4f: {  	[sflag:s0] =	ssyncadd.tile.s32 @!p0 $0x1;
	_ =	shalt  }
.Lfunc_end2:
_tile_overlayer_lowered:
.L_overlay_start_2:
0x50: {  	(tag) =	ssettag $0x2  }
0x51: {  	s0 =	rddreg [dreg:$0x0];
	s2 =	stileid.u32  }
0x52: {  	s1 =	rddreg [dreg:$0x1];
	p0 =	sne.s32 s2, $0x0  }
0x53: {  	s3 =	rddreg [dreg:$0x2];
	[bflag:$0x3] =	sbarrier.arrive $0xFFFF;
	s2 =	simm.s32 @!p0 $0x1C03  }
0x54: {  	[timem:s3], [sflag:s2] =	dma.local @!p0 [hbm:s0], s1  }
0x55: {  	s0 =	simm.s32 @!p0 $0x3  }
0x56: {  	_ =	swait.ge @!p0 [sflag:s0], s1  }
0x57: {  	s1 =	ssub.s32 @!p0 $0x0, s1;
	[sflag:s0] =	ssyncset.done @!p0 $0x0  }
0x58: {  	[sflag:s0] =	ssyncadd.s32 @!p0 s1  }
0x59: {  	[bflag:$0x3] =	sbarrier.arrive $0xFFFF  }
0x5a: {  	_ =	shalt  }

// kernel: kernel.35.cloned.1.call-start
scs
__scs_entry_jumppad:
0x0: {  	(pc) =	sbr.rel $0x88, $3  }
0x1: {  	(tag) =	ssettag $0x0;
	lr =	simm.s32 $0x1  }
0x2: {  	[smem:$0x3F8E] =	sst lr;
	_ =	strace $0xD0000000  }
0x3: {  	_ = 	snop  }
0x4: {  	_ = 	snop  }
0x5: {  	_ = 	snop  }
0x6: {  	_ = 	snop  }
0x7: {  	_ = 	snop  }
__scs_overlays_trampoline_lowered:
0x8: {  	[smem:$0x3F9D] =	sst s0  }
0x9: {  	[smem:$0x3F9E] =	sst s1  }
0xa: {  	[smem:$0x3F9F] =	sst s2  }
0xb: {  	[smem:$0x3FA0] =	sst s3  }
0xc: {  	[smem:$0x3FA1] =	sst s4  }
0xd: {  	[smem:$0x3FA2] =	sst s5  }
0xe: {  	[smem:$0x3FA3] =	sst s6  }
0xf: {  	[smem:$0x3FA4] =	sst s7  }
0x10: {  	[smem:$0x3FA5] =	sst s8  }
0x11: {  	[smem:$0x3FA6] =	sst s9;
	s0 =	simm.s32 @!p0 $0x0  }
0x12: {  	s1 =	sld [smem:$0x3F8C];
	s0 =	simm.s32 @p0 $0x1  }
0x13: {  	[smem:$0x3FA7] =	sst s0;
	s0 =	simm.s32 @!p1 $0x0  }
0x14: {  	s2 =	sld [smem:$0x3F8B];
	s0 =	simm.s32 @p1 $0x1  }
0x15: {  	[smem:$0x3FA8] =	sst s0;
	s0 =	simm.s32 @!p2 $0x0  }
0x16: {  	s3 =	sld [smem:$0x3FDB];
	s0 =	simm.s32 @p2 $0x1  }
0x17: {  	s4 =	simm.s32 $0x1BF5;
	[smem:$0x3FAA] =	sst s0  }
0x18: {  	s0 =	sld [smem:$0x3F8D];
	_ =	swait.ge [sflag:s4], $0x0  }
0x19: {  	s7 =	sld [smem:$0x3F8E]  }
0x1a: {  	s8 =	sadd.s32 $0xFFFFE003, lr  }
0x1b: {  	s9 =	sadd.s32 $0xFFFFFEF7, lr;
	s5 =	simm.s32 $0xFFFFFFFF;
	p2 =	slt.u32 s8, $0xFFFFF086  }
0x1c: {  	p1 =	slt.u32 s9, $0xF7A;
	s5 =	simm.s32 @!p2 $0x0  }
0x1d: {  	s5 =	simm.s32 @p1 $0x1;
	p0 =	seq.s32 s7, s2  }
0x1e: {  	s7 =	smul.u32 @!p0 $0xF7A, s2;
	p2 =	seq.s32 @!p0 s5, $0x0  }
0x1f: {  	s9 =	smul.u32 $0xF7A, s1;
	s8 =	simm.s32 @!p0 $0x1BF5;
	p2 =	por !p2, p0  }
0x20: {  	[sflag:s8] =	ssyncset.s32 @!p0 $0xFFFFF086;
	s6 =	sadd.s32 @!p0 s3, s7;
	s7 =	simm.s32 @!p0 $0x108  }
0x21: {  	s3 =	sadd.s32 s3, s9;
	s6 =	sadd.s32 @!p0 $0x88, s6;
	s7 =	simm.s32 @p2 $0x1082  }
0x22: {  	[simem:s7], [sflag:s8] =	dma.local @!p0 [hbm:s6], $0xF7A  }
0x23: {  	s9 =	sor.u32 $0xD0000000, s2;
	s6 =	simm.s32 $0x108;
	_ =	swait.ge @!p0 [sflag:s8], $0x0  }
0x24: {  	s3 =	sadd.s32 $0x88, s3;
	s6 =	simm.s32 @!p1 $0x1082;
	[sflag:s4] =	ssyncset.s32 $0xFFFFF086  }
0x25: {  	[simem:s6], [sflag:s4] =	dma.local [hbm:s3], $0xF7A  }
0x26: {  	[smem:$0x3F8E] =	sst s1;
	(tag) =	ssettag s2;
	_ =	strace s9  }
0x27: {  	s1 =	sld [smem:$0x3F9E]  }
0x28: {  	s2 =	sld [smem:$0x3F9F]  }
0x29: {  	s4 =	sld [smem:$0x3FA1]  }
0x2a: {  	p0 =	seq.s32 s5, $0x0;
	s5 =	sld [smem:$0x3FA2]  }
0x2b: {  	s6 =	sld [smem:$0x3FA3]  }
0x2c: {  	s7 =	sld [smem:$0x3FA4]  }
0x2d: {  	s3 =	simm.s32 $0x108;
	s8 =	sld [smem:$0x3FA5]  }
0x2e: {  	s3 =	simm.s32 @!p0 $0x1082;
	s9 =	sld [smem:$0x3FA6]  }
0x2f: {  	lr =	sadd.s32 s0, s3;
	s0 =	sld [smem:$0x3F9D]  }
0x30: {  	s3 =	sld [smem:$0x3FA0]  }
0x31: {  	[smem:$0x3FA9] =	sst s10  }
0x32: {  	s10 =	sld [smem:$0x3FA7];
	_ =	sdelay $0x3  }
0x33: {  	p0 =	seq.s32 s10, $0x1;
	s10 =	sld [smem:$0x3FA9];
	_ =	sdelay $0x3  }
0x34: {  	[smem:$0x3FA9] =	sst s10  }
0x35: {  	s10 =	sld [smem:$0x3FA8];
	_ =	sdelay $0x3  }
0x36: {  	p1 =	seq.s32 s10, $0x1;
	s10 =	sld [smem:$0x3FA9];
	_ =	sdelay $0x3  }
0x37: {  	[smem:$0x3FA9] =	sst s10  }
0x38: {  	s10 =	sld [smem:$0x3FAA]  }
0x39: {  	_ = 	snop;
	(pc) =	sbr.ind lr, $3  }
0x3a: {  	_ = 	snop  }
0x3b: {  	_ = 	snop  }
0x3c: {  	p2 =	seq.s32 s10, $0x1;
	s10 =	sld [smem:$0x3FA9]  }
0x3d: {  	_ =	shalt  }
0x3e: {  	_ =	shalt  }
0x3f: {  	_ =	shalt  }
0x40: {  	_ =	shalt  }
0x41: {  	_ =	shalt  }
0x42: {  	_ =	shalt  }
0x43: {  	_ =	shalt  }
0x44: {  	_ =	shalt  }
0x45: {  	_ =	shalt  }
0x46: {  	_ =	shalt  }
0x47: {  	_ =	shalt  }
0x48: {  	_ =	shalt  }
0x49: {  	_ =	shalt  }
0x4a: {  	_ =	shalt  }
0x4b: {  	_ =	shalt  }
0x4c: {  	_ =	shalt  }
0x4d: {  	_ =	shalt  }
0x4e: {  	_ =	shalt  }
0x4f: {  	_ =	shalt  }
0x50: {  	_ =	shalt  }
0x51: {  	_ =	shalt  }
0x52: {  	_ =	shalt  }
0x53: {  	_ =	shalt  }
0x54: {  	_ =	shalt  }
0x55: {  	_ =	shalt  }
0x56: {  	_ =	shalt  }
0x57: {  	_ =	shalt  }
0x58: {  	_ =	shalt  }
0x59: {  	_ =	shalt  }
0x5a: {  	_ =	shalt  }
0x5b: {  	_ =	shalt  }
0x5c: {  	_ =	shalt  }
0x5d: {  	_ =	shalt  }
0x5e: {  	_ =	shalt  }
0x5f: {  	_ =	shalt  }
0x60: {  	_ =	shalt  }
0x61: {  	_ =	shalt  }
0x62: {  	_ =	shalt  }
0x63: {  	_ =	shalt  }
0x64: {  	_ =	shalt  }
0x65: {  	_ =	shalt  }
0x66: {  	_ =	shalt  }
0x67: {  	_ =	shalt  }
0x68: {  	_ =	shalt  }
0x69: {  	_ =	shalt  }
0x6a: {  	_ =	shalt  }
0x6b: {  	_ =	shalt  }
0x6c: {  	_ =	shalt  }
0x6d: {  	_ =	shalt  }
0x6e: {  	_ =	shalt  }
0x6f: {  	_ =	shalt  }
0x70: {  	_ =	shalt  }
0x71: {  	_ =	shalt  }
0x72: {  	_ =	shalt  }
0x73: {  	_ =	shalt  }
0x74: {  	_ =	shalt  }
0x75: {  	_ =	shalt  }
0x76: {  	_ =	shalt  }
0x77: {  	_ =	shalt  }
0x78: {  	_ =	shalt  }
0x79: {  	_ =	shalt  }
0x7a: {  	_ =	shalt  }
0x7b: {  	_ =	shalt  }
0x7c: {  	_ =	shalt  }
0x7d: {  	_ =	shalt  }
0x7e: {  	_ =	shalt  }
0x7f: {  	_ =	shalt  }
0x80: {  	_ =	shalt  }
0x81: {  	_ =	shalt  }
0x82: {  	_ =	shalt  }
0x83: {  	_ =	shalt  }
0x84: {  	_ =	shalt  }
0x85: {  	_ =	shalt  }
0x86: {  	_ =	shalt  }
0x87: {  	_ =	shalt  }
.Lfunc_end0:
.L_simem_size_0:
called_computation.6_lowered:
.L_overlay_start_0:
0x88: {  	s2 =	sld [smem:$0x3FD9]  }
0x89: {  	s3 =	sld [smem:$0x3FFE];
	_ =	sdelay $0x1  }
0x8a: {  	s1 =	srdreg.scid  }
0x8b: {  	s0 =	sand.u32 $0x1, s1  }
0x8c: {  	s16 =	sshll.u32 s0, $0xA;
	s2 =	sadd.s32 s3, s2  }
0x8d: {  	s2 =	sadd.s32 s2, s16  }
0x8e: {  	[smem:$0x3FB5] =	sst s2  }
0x8f: {  	_ = 	snop  }
0x90: {  	(tm) =	ssettm $0x1  }
0x91: {  	s17 =	sld [smem:$0x3FFB];
	_ =	sdelay $0x3  }
0x92: {  	_ =	strace s17  }
0x93: {  	s2 =	sld [smem:$0x3FFC];
	_ =	sdelay $0x3  }
0x94: {  	_ =	strace s2  }
0x95: {  	s2 =	sld [smem:$0x3FFD];
	_ =	sdelay $0x3  }
0x96: {  	_ =	strace s2  }
0x97: {  	_ =	strace $0x8FFFFFFF  }
0x98: {  	s18 =	sld [smem:$0x3FDB];
	_ =	sdelay $0x1  }
0x99: {  	s19 =	simm.s32 $_scs_section_size  }
0x9a: {  	s4 =	simm.s32 $_size__tile_overlayer_lowered;
	s5 =	simm.s32 $_tile_overlayer_lowered  }
0x9b: {  	s22 =	simm.s32 $0x1BFF;
	s21 =	sshll.u32 s5, $0x1;
	s2 =	sadd.s32 s19, s18  }
0x9c: {  	s6 =	simm.s32 $0x0;
	s20 =	sshll.u32 s4, $0x1;
	s4 =	sadd.s32 s21, s2  }
0x9d: {  	[timem:s6], [sflag:s22] =	dma.local [hbm:s4], s20  }
0x9e: {  	_ =	swait.ge [sflag:s22], s20  }
0x9f: {  	s3 =	ssub.s32 $0x0, s20;
	[sflag:s22] =	ssyncset.done $0x0  }
0xa0: {  	[sflag:s22] =	ssyncadd.s32 s3;
	_ =	sdelay $0x1  }
0xa1: {  	s23 =	simm.s32 $0x1B8B  }
0xa2: {  	_ =	swait.ge [sflag:s23], $0x1  }
0xa3: {  	[sflag:s23] =	ssyncset.done $0x0  }
0xa4: {  	s25 =	simm.s32 $0x1B8E;
	s24 =	sld [smem:$0x3FFE];
	[sflag:s23] =	ssyncadd.s32 $0xFFFFFFFF  }
0xa5: {  	s26 =	simm.s32 $execute0_lowered;
	[smem:$0x3FD2] =	sst s25  }
0xa6: {  	s4 =	sshll.u32 s26, $0x1;
	_ =	strace $0x80000058;
	[dreg:$0x1] =	wrdreg $0xFFFFFFFF  }
0xa7: {  	s28 =	simm.s32 $_size_execute0_lowered;
	s2 =	sadd.s32 s2, s4;
	[dreg:$0x0] =	wrdreg $0x0  }
0xa8: {  	s4 =	sshll.u32 s28, $0x1;
	[dreg:$0x2] =	wrdreg s2  }
0xa9: {  	[dreg:$0x3] =	wrdreg s4  }
0xaa: {  	[dreg:$0x4] =	wrdreg $0xC0  }
0xab: {  	_ =	task [dreg:s6], $0x5FFFF  }
0xac: {  	[dreg:$0x1] =	wrdreg $0xFFFFFFFF  }
0xad: {  	[dreg:$0x0] =	wrdreg $0x60  }
0xae: {  	[dreg:$0x2] =	wrdreg s24  }
0xaf: {  	[dreg:$0x3] =	wrdreg $0x92000  }
0xb0: {  	[dreg:$0x4] =	wrdreg $0x9  }
0xb1: {  	_ =	task.clear_ibuf [dreg:s6], $0x5FFFF;
	_ =	strace $0x90000058  }
0xb2: {  	s29 =	simm.s32 $0x9;
	_ =	strace $0x8000005A  }
0xb3: {  	_ =	swait.ge [sflag:s29], $0x1  }
0xb4: {  	[sflag:s29] =	ssyncadd.s32 $0xFFFFFFFF  }
0xb5: {  	_ =	strace $0x9000005A  }
0xb6: {  	_ =	sfence  }
0xb7: {  	s30 =	sld [smem:$0x0];
	_ =	sdelay $0x2  }
0xb8: {  	s31 =	sshll.u32 s1, $0xD;
	s1 =	sshrl.u32 s1, $0x2  }
0xb9: {  	s3 =	sand.u32 $0x4000, s31;
	s1 =	sadd.s32 s1, s30  }
0xba: {  	s0 =	sor.u32 s3, s0;
	s1 =	sshll.u32 s1, $0x11  }
0xbb: {  	s0 =	sor.u32 s1, s0  }
0xbc: {  	s0 =	sadd.s32 $0x8F2B, s0  }
0xbd: {  	[sflag:s0] =	ssyncadd.remote.s32 $0x1  }
0xbe: {  	_ =	sfence.sel $0xFFFF  }
0xbf: {  	[dreg:$0x0] =	wrdreg $0xFFFFFFFF;
	(pc) =	sbr.abs _section_cstart, $3  }
0xc0: {  	[dreg:$0x1] =	wrdreg $0xFFFFFFFF  }
0xc1: {  	_ =	task.clear_ibuf [dreg:s6], $0x2FFFF;
	_ =	strace $0x9FFFFFFF  }
0xc2: {  	(tm) =	ssettm $0x7FFFFFFF  }
0xc3: {  	_ =	shalt  }
tec
execute0_lowered:
.L_overlay_start_1:
0x0: {  	(tag) =	ssettag $0x1  }
0x1: {  	s6 =	rddreg [dreg:$0x0]  }
0x2: {  	s0 =	srdreg.scid;
	s2 =	rddreg [dreg:$0x1]  }
0x3: {  	s3 =	simm.s32 $0x0;
	s14 =	simm.s32 $0x80;
	s15 =	simm.s32 $0x5200  }
0x4: {  	s16 =	simm.s32 $0x7200;
	s17 =	simm.s32 $0x1;
	s18 =	simm.s32 $0x2  }
0x5: {  	s19 =	simm.s32 $0x0;
	s5 =	sand.u32 $0x1, s0;
	s0 =	stileid.u32  }
0x6: {  	[smem:$0x7FF] =	sst s3;
	s4 =	sadd.s32 $0x1A000, s6;
	s8 =	smul.u32 $0x9E00, s0  }
0x7: {  	s1 =	sshll.u32 s5, $0x4;
	s9 =	smul.u32 $0x9E000, s5;
	s30 =	ssub.s32 $0x2, s5  }
0x8: {  	s5 =	sadd.s32 $0x2DC00, s6;
	s31 =	sshll.u32 s0, $0x6;
	s1 =	sor.u32 s0, s1  }
0x9: {  	s11 =	sshrl.u32 s30, $0x1;
	s7 =	smul.u32 $0x520, s1;
	s1 =	rddreg [dreg:$0x2]  }
0xa: {  	_ =	strace $0x80000059;
	s29 =	sadd.s32 s8, s9;
	s11 =	ssub.s32 s30, s11  }
0xb: {  	s13 =	sadd.s32 s8, s2;
	s10 =	sadd.s32 s7, s6;
	s7 =	sshrl.u32 s29, $0x3  }
0xc: {  	s12 =	sadd.s32 s7, s6;
	s6 =	sor.u32 $0x1C03, s31;
	s7 =	sadd.s32 $0xFC00, s10  }
0xd: {  	s8 =	sadd.s32 $0x5800, s10;
	s10 =	smax.u32 s11, $0x1;
	s11 =	sshrl.u32 s13, $0x3  }
0xe: {  	s13 =	simm.s32 $0x2900;
	s9 =	sadd.s32 $0x2F000, s12;
	s12 =	simm.s32 $0x3  }
.LBB2_1:
0xf: {  	[spmem:s11], [sflag:s6] =	dma.local [hbm:s5], $0x13C0  }
0x10: {  	_ =	swait.ge [sflag:s12], $0x13C0  }
0x11: {  	[sflag:s12] =	ssyncset.done $0x0  }
0x12: {  	[sflag:s12] =	ssyncadd.s32 $0xFFFFEC40  }
0x13: {  	[tilespmem:s3], [sflag:$0x3] =	stream.linear.gather [hbm4b:s7+s3], $0x2900, $0x38;
	[tilespmem:$0x13000] =	vst v63  }
0x14: {  	_ =	swait.ge [sflag:s12], $0x2900  }
0x15: {  	[sflag:s12] =	ssyncset.done $0x0  }
0x16: {  	[sflag:s12] =	ssyncadd.s32 $0xFFFFD700  }
0x17: {  	[tilespmem:s13], [sflag:$0x3] =	stream.linear.gather [hbm4b:s8+s3], $0x2900, $0x38;
	[tilespmem:$0x13000] =	vst v63  }
0x18: {  	_ =	swait.ge [sflag:s12], $0x2900  }
0x19: {  	[sflag:s12] =	ssyncset.done $0x0  }
0x1a: {  	[sflag:s12] =	ssyncadd.s32 $0xFFFFD700  }
0x1b: {  	[bflag:$0x0] =	sbarrier.arrive $0xFFFF  }
0x1c: {  	[tilespmem:s15], [sflag:$0x1] =	stream.indirect.gather [hbm4b:s4+s14], $0x40, s3, s14, $0xb8;
	[tilespmem:$0x13000] =	vst v63  }
0x1d: {  	_ = 	snop  }
0x1e: {  	[tilespmem:s16], [sflag:$0x2] =	stream.indirect.gather [hbm4b:s4+s14], $0x40, s14, s14, $0xb8;
	[tilespmem:$0x13000] =	vst v63  }
0x1f: {  	_ =	swait.ge [sflag:s17], $0x2000  }
0x20: {  	[sflag:s17] =	ssyncset.done $0x0  }
0x21: {  	s20 =	simm.s32 $0x2900;
	[sflag:s17] =	ssyncadd.s32 $0xFFFFE000  }
0x22: {  	[spmem:s2] =	stream.indirect.scatter.add.f32 [tilespmem:s15], [sflag:$0x3], $0x40, s20, s14, $0xb8;
	[tilespmem:$0x13000] =	vst v63  }
0x23: {  	_ =	swait.ge [sflag:s12], $0x2000  }
0x24: {  	[sflag:s12] =	ssyncset.done $0x0  }
0x25: {  	s30 =	simm.s32 $0x100;
	[sflag:s12] =	ssyncadd.s32 $0xFFFFE000  }
0x26: {  	[tilespmem:s15], [sflag:$0x1] =	stream.indirect.gather [hbm4b:s4+s14], $0x40, s30, s14, $0xb8;
	[tilespmem:$0x13000] =	vst v63  }
0x27: {  	_ =	swait.ge [sflag:s18], $0x2000  }
0x28: {  	[sflag:s18] =	ssyncset.done $0x0  }
0x29: {  	s31 =	simm.s32 $0x2980;
	[sflag:s18] =	ssyncadd.s32 $0xFFFFE000  }
0x2a: {  	[spmem:s2] =	stream.indirect.scatter.add.f32 [tilespmem:s16], [sflag:$0x3], $0x40, s31, s14, $0xb8;
	[tilespmem:$0x13000] =	vst v63  }
0x2b: {  	_ =	swait.ge [sflag:s12], $0x2000  }
0x2c: {  	[sflag:s12] =	ssyncset.done $0x0  }
0x2d: {  	s21 =	simm.s32 $0x180;
	s20 =	simm.s32 $0x400;
	[sflag:s12] =	ssyncadd.s32 $0xFFFFE000  }
.LBB2_2:
0x2e: {  	[tilespmem:s16], [sflag:$0x2] =	stream.indirect.gather [hbm4b:s4+s14], $0x40, s21, s14, $0xb8;
	[tilespmem:$0x13000] =	vst v63  }
0x2f: {  	s21 =	smov.u32 s20  }
0x30: {  	p0 =	sne.s32 s20, $0x9C00;
	s20 =	sadd.s32 $0x400, s20;
	_ =	swait.ge [sflag:s17], $0x2000  }
0x31: {  	s21 =	sshra.s32 s21, $0x2;
	[sflag:s17] =	ssyncset.done $0x0  }
0x32: {  	s22 =	sadd.s32 $0x2900, s21;
	[sflag:s17] =	ssyncadd.s32 $0xFFFFE000  }
0x33: {  	[spmem:s2] =	stream.indirect.scatter.add.f32 [tilespmem:s15], [sflag:$0x3], $0x40, s22, s14, $0xb8;
	[tilespmem:$0x13000] =	vst v63  }
0x34: {  	_ =	swait.ge [sflag:s12], $0x2000  }
0x35: {  	[sflag:s12] =	ssyncset.done $0x0  }
0x36: {  	s22 =	sadd.s32 $0x100, s21;
	[sflag:s12] =	ssyncadd.s32 $0xFFFFE000  }
0x37: {  	[tilespmem:s15], [sflag:$0x1] =	stream.indirect.gather [hbm4b:s4+s14], $0x40, s22, s14, $0xb8;
	[tilespmem:$0x13000] =	vst v63  }
0x38: {  	_ =	swait.ge [sflag:s18], $0x2000  }
0x39: {  	[sflag:s18] =	ssyncset.done $0x0  }
.Ltmp0:
0x3a: {  	s22 =	sadd.s32 $0x2980, s21;
	[sflag:s18] =	ssyncadd.s32 $0xFFFFE000;
	(pc) =	sbr.rel @p0 .LBB2_2-.Ltmp0, $4  }
0x3b: {  	[spmem:s2] =	stream.indirect.scatter.add.f32 [tilespmem:s16], [sflag:$0x3], $0x40, s22, s14, $0xb8;
	[tilespmem:$0x13000] =	vst v63  }
0x3c: {  	_ =	swait.ge [sflag:s12], $0x2000  }
0x3d: {  	[sflag:s12] =	ssyncset.done $0x0  }
0x3e: {  	s21 =	sadd.s32 $0x180, s21;
	[sflag:s12] =	ssyncadd.s32 $0xFFFFE000  }
0x3f: {  	[tilespmem:s16], [sflag:$0x2] =	stream.indirect.gather [hbm4b:s4+s14], $0x40, s21, s14, $0xb8;
	[tilespmem:$0x13000] =	vst v63  }
0x40: {  	_ =	swait.ge [sflag:s17], $0x2000  }
0x41: {  	[sflag:s17] =	ssyncset.done $0x0  }
0x42: {  	[sflag:s17] =	ssyncadd.s32 $0xFFFFE000  }
0x43: {  	_ =	swait.ge [sflag:s18], $0x2000  }
0x44: {  	s19 =	sadd.s32 $0x1, s19;
	[sflag:s18] =	ssyncset.done $0x0  }
0x45: {  	p0 =	sne.s32 s19, s10;
	[sflag:s18] =	ssyncadd.s32 $0xFFFFE000  }
.Ltmp1:
0x46: {  	[bflag:$0x0] =	sbarrier.arrive $0xFFFF;
	(pc) =	sbr.rel @p0 .LBB2_1-.Ltmp1, $4  }
0x47: {  	[hbm:s9], [sflag:s6] =	dma.local [spmem:s11], $0x13C0  }
0x48: {  	_ =	swait.ge [sflag:s12], $0x13C0  }
0x49: {  	[sflag:s12] =	ssyncset.done $0x0  }
0x4a: {  	[sflag:s12] =	ssyncadd.s32 $0xFFFFEC40  }
0x4b: {  	_ =	sfence.sel $0x180000  }
0x4c: {  	[bflag:$0x0] =	sbarrier.arrive $0xFFFF  }
0x4d: {  	p0 =	sne.s32 s0, $0x0;
	_ =	strace $0x90000059  }
0x4e: {  	s0 =	sadd.s32 @!p0 $0x100000, s1;
	[bflag:$0x2] =	sbarrier.arrive $0xFFFF  }
0x4f: {  	[sflag:s0] =	ssyncadd.tile.s32 @!p0 $0x1;
	_ =	shalt  }
.Lfunc_end2:
_tile_overlayer_lowered:
.L_overlay_start_2:
0x50: {  	(tag) =	ssettag $0x2  }
0x51: {  	s0 =	rddreg [dreg:$0x0];
	s2 =	stileid.u32  }
0x52: {  	s1 =	rddreg [dreg:$0x1];
	p0 =	sne.s32 s2, $0x0  }
0x53: {  	s3 =	rddreg [dreg:$0x2];
	[bflag:$0x3] =	sbarrier.arrive $0xFFFF;
	s2 =	simm.s32 @!p0 $0x1C03  }
0x54: {  	[timem:s3], [sflag:s2] =	dma.local @!p0 [hbm:s0], s1  }
0x55: {  	s0 =	simm.s32 @!p0 $0x3  }
0x56: {  	_ =	swait.ge @!p0 [sflag:s0], s1  }
0x57: {  	s1 =	ssub.s32 @!p0 $0x0, s1;
	[sflag:s0] =	ssyncset.done @!p0 $0x0  }
0x58: {  	[sflag:s0] =	ssyncadd.s32 @!p0 s1  }
0x59: {  	[bflag:$0x3] =	sbarrier.arrive $0xFFFF  }
0x5a: {  	_ =	shalt  }

</sc_bundles>
